<compile_context>
chip_gen: v7x
topology: tpu7x:2x2x1
jax: 0.10.2.dev20260603
libtpu: 0.0.44.dev20260713+nightly
codegen_flags: <defaults>
</compile_context>

<pallas_src>
import functools

import jax
import jax.numpy as jnp
import numpy as np
from jax import lax
from jax.experimental import pallas as pl
from jax.experimental.pallas import tpu as pltpu
from jax.experimental.pallas import tpu_sc as plsc

N = 100000
E = 1600000
NP = 100352
RPT = NP // 16
EP = 1605632
EROWS = EP // 128
KB = 28
B1 = EROWS // 32
B2 = EROWS // 16
BIAS = float(np.log(np.e - 1.0))
BN = 2048
GRID = NP // BN

_f32 = jnp.float32


def _zero_rows(zbuf, cols, dtype):
    def zrow(i, carry):
        zbuf[i, :] = jnp.zeros((cols,), dtype)
        return carry
    lax.fori_loop(0, 128, zrow, 0)


def _zero_acc_slice(acc, zbuf, base):
    def zcopy(k, carry):
        pltpu.sync_copy(zbuf, acc.at[pl.ds(base + k * 128, 128)])
        return carry
    lax.fori_loop(0, RPT // 128, zcopy, 0)


NGRP = 4
NG = KB // NGRP


def _edge_sweep(table, src_ids, dst_ids, acc, srcv, dstv, rows2, semg, sems,
                blk0, n_outer):
    def fire_gathers(bank, base):
        for k in range(NGRP):
            pltpu.async_copy(table.at[srcv.at[base + k]], rows2.at[bank, k],
                             semg)

    def drain_gathers(bank, base):
        for k in range(NGRP):
            pltpu.make_async_copy(table.at[srcv.at[base + k]],
                                  rows2.at[bank, k], semg).wait()

    def fire_scatters(bank, base):
        for k in range(NGRP):
            pltpu.async_copy(rows2.at[bank, k], acc.at[dstv.at[base + k]],
                             sems, add=True)

    def drain_scatters(bank, base):
        for k in range(NGRP):
            pltpu.make_async_copy(rows2.at[bank, k],
                                  acc.at[dstv.at[base + k]], sems).wait()

    def outer(ko, carry):
        r0 = blk0 + ko * KB
        pltpu.sync_copy(src_ids.at[pl.ds(r0, KB)], srcv)
        pltpu.sync_copy(dst_ids.at[pl.ds(r0, KB)], dstv)
        fire_gathers(0, 0)

        def grp(g, c2):
            bank = lax.rem(g, 2)
            base = g * NGRP
            drain_gathers(bank, base)
            fire_gathers(1 - bank, base + NGRP)
            fire_scatters(bank, base)
            drain_scatters(bank, base)
            return c2
        lax.fori_loop(0, NG - 1, grp, 0)
        last = (NG - 1) * NGRP
        lastbank = (NG - 1) % 2
        drain_gathers(lastbank, last)
        fire_scatters(lastbank, last)
        drain_scatters(lastbank, last)
        return carry
    lax.fori_loop(0, n_outer, outer, 0)


def _sc_layer1_body(xpad, src2d, dst2d, pout, acc, srcv, dstv, rows2, zbuf,
                    semg, sems):
    cid = lax.axis_index("c")
    sid = lax.axis_index("s")
    wid = sid * 2 + cid
    base = sid * RPT
    _zero_rows(zbuf, 16, _f32)
    _zero_acc_slice(acc, zbuf, base)
    plsc.subcore_barrier()
    _edge_sweep(xpad, src2d, dst2d, acc, srcv, dstv, rows2, semg, sems,
                wid * B1, B1 // KB)
    plsc.subcore_barrier()
    pltpu.sync_copy(acc.at[pl.ds(base, RPT)],
                    pout.at[pl.ds(cid * NP + base, RPT)])


def _sc_layer2_body(h2flat, src4, dst2d, aggout, acc, srcv, dstv, rows2, zbuf,
                    semg, sems):
    cid = lax.axis_index("c")
    sid = lax.axis_index("s")
    base = sid * RPT
    _zero_rows(zbuf, 16, _f32)

    def chunk_body(p, carry):
        c = cid * 2 + p
        _zero_acc_slice(acc, zbuf, base)
        plsc.subcore_barrier()
        _edge_sweep(h2flat, src4.at[c], dst2d, acc, srcv, dstv, rows2,
                    semg, sems, sid * B2, B2 // KB)
        plsc.subcore_barrier()
        pltpu.sync_copy(acc.at[pl.ds(base, RPT)],
                        aggout.at[pl.ds(c * NP + base, RPT)])
        plsc.subcore_barrier()
        return carry
    lax.fori_loop(0, 2, chunk_body, 0)


@functools.cache
def _get_sc_kernels():
    mesh = plsc.VectorSubcoreMesh(core_axis_name="c", subcore_axis_name="s",
                                  num_cores=2, num_subcores=16)
    scratch = [
        pltpu.VMEM_SHARED((NP, 16), _f32),
        pltpu.VMEM((KB, 128), jnp.int32),
        pltpu.VMEM((KB, 128), jnp.int32),
        pltpu.VMEM((2, NGRP, 128, 16), _f32),
        pltpu.VMEM((128, 16), _f32),
        pltpu.SemaphoreType.DMA,
        pltpu.SemaphoreType.DMA,
    ]
    params = pltpu.CompilerParams(use_tc_tiling_on_sc=False)
    sc1 = pl.kernel(
        _sc_layer1_body,
        out_type=jax.ShapeDtypeStruct((2 * NP, 16), _f32),
        mesh=mesh,
        scratch_types=scratch,
        compiler_params=params,
    )
    sc2 = pl.kernel(
        _sc_layer2_body,
        out_type=jax.ShapeDtypeStruct((4 * NP, 16), _f32),
        mesh=mesh,
        scratch_types=scratch,
        compiler_params=params,
    )
    return sc1, sc2


EB = 128


def _tc_prep_body(ei_ref, src_ref, dst_ref, src4_ref):
    i = pl.program_id(0)
    rows = lax.broadcasted_iota(jnp.int32, (EB, 128), 0) + i * EB
    valid = rows < (E // 128)
    s = jnp.where(valid, ei_ref[0], 0)
    dst_ref[...] = jnp.where(valid, ei_ref[1], N)
    src_ref[...] = s
    for c in range(4):
        src4_ref[c] = s + c * NP


def _tc_l1_body(p_ref, x_ref, kwa_ref, kwb_ref, bias_ref, o_ref):
    p = p_ref[0] + p_ref[1]
    h2 = jnp.tanh(jnp.dot(p, kwa_ref[...], preferred_element_type=_f32)
                  + jnp.dot(x_ref[...], kwb_ref[...],
                            preferred_element_type=_f32)
                  + bias_ref[...])
    for c in range(4):
        o_ref[c] = jnp.concatenate(
            [h2[:, 64 * k + 16 * c:64 * k + 16 * (c + 1)] for k in range(8)],
            axis=1)


def _tc_l2_body(a_ref, h_ref, kwr2_ref, kwo2_ref, kw2_ref, bias2_ref,
                b2t_ref, loc_ref, scale_ref, accs):
    i = pl.program_id(0)
    a_cat = jnp.concatenate([a_ref[c] for c in range(4)], axis=1)
    h_cat = jnp.concatenate([h_ref[c] for c in range(4)], axis=1)
    h3 = jnp.tanh(jnp.dot(a_cat, kwr2_ref[...], preferred_element_type=_f32)
                  + jnp.dot(h_cat, kwo2_ref[...],
                            preferred_element_type=_f32)
                  + bias2_ref[...])
    t = jnp.tanh(jnp.dot(h3, kw2_ref[...], preferred_element_type=_f32)
                 + b2t_ref[...])
    rows = (8 * lax.broadcasted_iota(jnp.int32, (BN // 8, 128), 0)
            + lax.div(lax.broadcasted_iota(jnp.int32, (BN // 8, 128), 1), 16)
            + i * BN)
    t = jnp.where(rows < N, t, 0.0)
    ps128 = jnp.sum(t, axis=0, keepdims=True)
    ps = sum(ps128[:, 16 * k:16 * (k + 1)] for k in range(8))

    @pl.when(i == 0)
    def _init():
        accs[...] = jnp.zeros_like(accs)

    accs[...] += ps

    @pl.when(i == GRID - 1)
    def _fini():
        pooled = accs[...] / _f32(N)
        loc_ref[...] = pooled[:, :8]
        sraw = pooled[:, 8:] + _f32(BIAS)
        sp = jnp.log1p(jnp.exp(sraw))
        scale_ref[...] = jnp.maximum(sp, _f32(1e-4))


_tc_prep = pl.pallas_call(
    _tc_prep_body,
    grid=(EROWS // EB,),
    in_specs=[pl.BlockSpec((2, EB, 128), lambda i: (0, i, 0))],
    out_specs=[
        pl.BlockSpec((EB, 128), lambda i: (i, 0)),
        pl.BlockSpec((EB, 128), lambda i: (i, 0)),
        pl.BlockSpec((4, EB, 128), lambda i: (0, i, 0)),
    ],
    out_shape=[
        jax.ShapeDtypeStruct((EROWS, 128), jnp.int32),
        jax.ShapeDtypeStruct((EROWS, 128), jnp.int32),
        jax.ShapeDtypeStruct((4, EROWS, 128), jnp.int32),
    ],
)

_tc_l1 = pl.pallas_call(
    _tc_l1_body,
    grid=(GRID,),
    in_specs=[
        pl.BlockSpec((2, BN // 8, 128), lambda i: (0, i, 0)),
        pl.BlockSpec((BN // 8, 128), lambda i: (i, 0)),
        pl.BlockSpec((128, 512), lambda i: (0, 0)),
        pl.BlockSpec((128, 512), lambda i: (0, 0)),
        pl.BlockSpec((1, 512), lambda i: (0, 0)),
    ],
    out_specs=pl.BlockSpec((4, BN // 8, 128), lambda i: (0, i, 0)),
    out_shape=jax.ShapeDtypeStruct((4, NP // 8, 128), _f32),
)

_tc_l2 = pl.pallas_call(
    _tc_l2_body,
    grid=(GRID,),
    in_specs=[
        pl.BlockSpec((4, BN // 8, 128), lambda i: (0, i, 0)),
        pl.BlockSpec((4, BN // 8, 128), lambda i: (0, i, 0)),
        pl.BlockSpec((512, 512), lambda i: (0, 0)),
        pl.BlockSpec((512, 512), lambda i: (0, 0)),
        pl.BlockSpec((512, 128), lambda i: (0, 0)),
        pl.BlockSpec((1, 512), lambda i: (0, 0)),
        pl.BlockSpec((1, 128), lambda i: (0, 0)),
    ],
    out_specs=[
        pl.BlockSpec((1, 8), lambda i: (0, 0)),
        pl.BlockSpec((1, 8), lambda i: (0, 0)),
    ],
    out_shape=[
        jax.ShapeDtypeStruct((1, 8), _f32),
        jax.ShapeDtypeStruct((1, 8), _f32),
    ],
    scratch_shapes=[pltpu.VMEM((1, 16), _f32)],
)


def kernel(x, W1, b1, Wr1, br1, Wo1, Wr2, br2, Wo2, W2, b2, edge_index):
    ei3 = edge_index.astype(jnp.int32).reshape(2, E // 128, 128)
    src2d, dst2d, src4 = _tc_prep(ei3)

    xp_in = jnp.pad(x, ((0, NP - N), (0, 0)))
    xpk = jnp.concatenate(
        [xp_in, jnp.ones((NP, 1), _f32), jnp.zeros((NP, 4), _f32)],
        axis=1).reshape(NP // 8, 128)
    xpad = xpk.reshape(NP, 16)

    eye8 = jnp.eye(8, dtype=_f32)
    w1pad = jnp.concatenate(
        [W1, b1[None, :], jnp.zeros((4, 64), _f32)], axis=0)
    wa = w1pad @ Wr1
    wb = w1pad @ Wo1
    kwa = jnp.einsum("kK,im->kiKm", eye8, wa).reshape(128, 512)
    kwb = jnp.einsum("kK,im->kiKm", eye8, wb).reshape(128, 512)
    bias1 = jnp.tile(br1[None, :], (1, 8))
    kwr2 = jnp.einsum("kK,cij->ckiKj", eye8,
                      Wr2.reshape(4, 16, 64)).reshape(512, 512)
    kwo2 = jnp.einsum("kK,cij->ckiKj", eye8,
                      Wo2.reshape(4, 16, 64)).reshape(512, 512)
    kw2 = jnp.einsum("kK,jm->kjKm", eye8, W2).reshape(512, 128)
    bias2 = jnp.tile(br2[None, :], (1, 8))
    b2t = jnp.tile(b2[None, :], (1, 8))

    _sc_layer1, _sc_layer2 = _get_sc_kernels()
    pflat = _sc_layer1(xpad, src2d, dst2d)
    p2 = pflat.reshape(2, NP // 8, 128)
    h2pk = _tc_l1(p2, xpk, kwa, kwb, bias1)
    aggflat = _sc_layer2(h2pk.reshape(4 * NP, 16), src4, dst2d)
    agg = aggflat.reshape(4, NP // 8, 128)
    loc2, scale2 = _tc_l2(agg, h2pk, kwr2, kwo2, kw2, bias2, b2t)
    return loc2.reshape(8), scale2.reshape(8)

# --- scband reference (transcript-rebuilt; emitter-appended) ---
"""Pipeline reference for scband-torso-left-right-actor-17781164605718 (READ-ONLY COPY).

The authoritative reference and input builder live on the scoring server;
editing this copy changes nothing except your own understanding.
"""

import jax, jax.numpy as jnp
import numpy as np

N = 100000
E = 1600000
BIAS = float(np.log(np.e - 1.0))


def setup_inputs(seed: int = 0) -> dict:
    key = jax.random.key(seed)
    ks = [jax.random.fold_in(key, i) for i in range(12)]
    return {
        "x": jax.random.normal(ks[0], (N, 11), dtype=jnp.float32),
        "W1": jax.random.normal(ks[1], (11, 64), dtype=jnp.float32) * 0.1,
        "b1": jnp.zeros((64,), dtype=jnp.float32),
        "Wr1": jax.random.normal(ks[2], (64, 64), dtype=jnp.float32) * 0.1,
        "br1": jnp.zeros((64,), dtype=jnp.float32),
        "Wo1": jax.random.normal(ks[3], (64, 64), dtype=jnp.float32) * 0.1,
        "Wr2": jax.random.normal(ks[4], (64, 64), dtype=jnp.float32) * 0.1,
        "br2": jnp.zeros((64,), dtype=jnp.float32),
        "Wo2": jax.random.normal(ks[5], (64, 64), dtype=jnp.float32) * 0.1,
        "W2": jax.random.normal(ks[6], (64, 16), dtype=jnp.float32) * 0.1,
        "b2": jnp.zeros((16,), dtype=jnp.float32),
        "edge_index": jax.random.randint(ks[7], (2, E), 0, N, dtype=jnp.int32),
    }


def reference(x, W1, b1, Wr1, br1, Wo1, Wr2, br2, Wo2, W2, b2, edge_index):
    src = edge_index[0]
    dst = edge_index[1]
    # Linear(11, 64)
    h = x @ W1 + b1
    # GraphConv(64, 64): out = lin_rel(sum_{j->i} x_j) + lin_root(x); then Tanh
    agg = jax.ops.segment_sum(h[src], dst, num_segments=N)
    h = jnp.tanh(agg @ Wr1 + br1 + h @ Wo1)
    # GraphConv(64, 64) + Tanh
    agg = jax.ops.segment_sum(h[src], dst, num_segments=N)
    h = jnp.tanh(agg @ Wr2 + br2 + h @ Wo2)
    # Linear(64, 16) + Tanh
    h = jnp.tanh(h @ W2 + b2)
    # global_mean_pool over a single graph (batch vector of zeros)
    pooled = jnp.mean(h, axis=0, keepdims=True)  # [1, 16]
    # NormalParamExtractor: split last dim, scale = biased_softplus_1.0
    loc, scale_raw = jnp.split(pooled, 2, axis=-1)
    scale = jnp.maximum(jax.nn.softplus(scale_raw + BIAS), 1e-4)
    # single-Data path: loc.t().squeeze(-1), scale.t().squeeze(-1)
    loc = jnp.squeeze(loc.T, axis=-1)
    scale = jnp.squeeze(scale.T, axis=-1)
    return (loc, scale)

if __name__ == "__main__":
    import jax
    _d = setup_inputs()
    print(jax.jit(kernel)(*tuple(_d.values())))

</pallas_src>

<mosaic_0001>
#map = affine_map<(d0, d1) -> (0, 0)>
module attributes {stable_mosaic.version = 14 : i64} {
  func.func @_sc_layer1_body(%arg0: i32, %arg1: i32, %arg2: memref<100352x16xf32, #tpu.memory_space<hbm>>, %arg3: memref<12544x128xi32, #tpu.memory_space<hbm>>, %arg4: memref<12544x128xi32, #tpu.memory_space<hbm>>, %arg5: memref<200704x16xf32, #tpu.memory_space<hbm>>, %arg6: memref<100352x16xf32, #tpu.memory_space<vmem_shared>>, %arg7: memref<28x128xi32, #tpu.memory_space<vmem>>, %arg8: memref<28x128xi32, #tpu.memory_space<vmem>>, %arg9: memref<2x4x128x16xf32, #tpu.memory_space<vmem>>, %arg10: memref<128x16xf32, #tpu.memory_space<vmem>>, %arg11: memref<!tpu.dma_semaphore, #tpu.memory_space<semaphore_mem>>, %arg12: memref<!tpu.dma_semaphore, #tpu.memory_space<semaphore_mem>>) attributes {dimension_semantics = [#tpu.dimension_semantics<core_parallel>, #tpu.dimension_semantics<subcore_parallel>], iteration_bounds = array<i64: 2, 16>, scalar_prefetch = 0 : i64, scratch_operands = 7 : i64, tpu.core_type = #tpu.core_type<sc_vector_subcore>, window_params = [{transform_indices = #map}, {transform_indices = #map}, {transform_indices = #map}, {transform_indices = #map}]} {
    %mul3A = arith.constant 2 : i32
    %mul3A_0 = arith.muli %arg1, %mul3A : i32
    %add3A = arith.addi %mul3A_0, %arg0 : i32
    %mul3A_1 = arith.constant 6272 : i32
    %mul3A_2 = arith.muli %arg1, %mul3A_1 : i32
    %scan3A = arith.constant 0 : i32
    %scan3A_3 = arith.constant 0 : i32
    %scan3A_4 = arith.constant 128 : i32
    %scan3A_5 = arith.addi %scan3A_3, %scan3A_4 : i32
    %scan3A_6 = arith.constant 1 : i32
    scf.for %scan3A_26 = %scan3A_3 to %scan3A_5 step %scan3A_6  : i32 {
      %broadcast_in_dim3A = arith.constant 0.000000e+00 : f32
      %broadcast_in_dim3A_27 = vector.broadcast %broadcast_in_dim3A : f32 to vector<16xf32>
      %swap3A = arith.index_cast %scan3A_26 : i32 to index
      %swap3A_28 = arith.constant 0 : index
      %swap3A_29 = tpu.vector_load %arg10[%swap3A, %swap3A_28] {strides = array<i32>} : memref<128x16xf32, #tpu.memory_space<vmem>>, vector<1x16xf32>,
      %swap3A_30 = vector.shape_cast %swap3A_29 : vector<1x16xf32> to vector<16xf32>
      %swap3A_31 = vector.shape_cast %broadcast_in_dim3A_27 : vector<16xf32> to vector<1x16xf32>
      tpu.vector_store %arg10[%swap3A, %swap3A_28], %swap3A_31 {strides = array<i32>} : memref<128x16xf32, #tpu.memory_space<vmem>>, vector<1x16xf32>,
    }
    %scan3A_7 = arith.constant 128 : i32
    %scan3A_8 = arith.constant 0 : i32
    %scan3A_9 = arith.constant 0 : i32
    %scan3A_10 = arith.constant 49 : i32
    %scan3A_11 = arith.addi %scan3A_9, %scan3A_10 : i32
    %scan3A_12 = arith.constant 1 : i32
    scf.for %scan3A_26 = %scan3A_9 to %scan3A_11 step %scan3A_12  : i32 {
      %mul3A_27 = arith.constant 128 : i32
      %mul3A_28 = arith.muli %scan3A_26, %mul3A_27 : i32
      %add3A_29 = arith.addi %mul3A_2, %mul3A_28 : i32
      "tpu.region"() ({
        %run_scoped3A = tpu.sem_alloc : memref<!tpu.dma_semaphore, #tpu.memory_space<semaphore_mem>>
        %dma_start3A = arith.constant 0 : i32
        %dma_start3A_30 = tpu.memref_slice %arg6[%add3A_29, %dma_start3A] : memref<100352x16xf32, #tpu.memory_space<vmem_shared>> -> memref<128x16xf32, #tpu.memory_space<vmem_shared>>
        %dma_start3A_31 = arith.constant 0 : i32
        %dma_start3A_32 = tpu.memref_slice %arg6[%add3A_29, %dma_start3A_31] : memref<100352x16xf32, #tpu.memory_space<vmem_shared>> -> memref<128x16xf32, #tpu.memory_space<vmem_shared>>
        tpu.enqueue_dma source(%arg10 : memref<128x16xf32, #tpu.memory_space<vmem>>) target(%dma_start3A_32 : memref<128x16xf32, #tpu.memory_space<vmem_shared>>) target_semaphore(%run_scoped3A : memref<!tpu.dma_semaphore, #tpu.memory_space<semaphore_mem>>)
        %dma_wait3A = arith.constant 0 : i32
        %dma_wait3A_33 = tpu.memref_slice %arg6[%add3A_29, %dma_wait3A] : memref<100352x16xf32, #tpu.memory_space<vmem_shared>> -> memref<128x16xf32, #tpu.memory_space<vmem_shared>>
        %dma_wait3A_34 = arith.constant 0 : i32
        %dma_wait3A_35 = tpu.memref_slice %arg6[%add3A_29, %dma_wait3A_34] : memref<100352x16xf32, #tpu.memory_space<vmem_shared>> -> memref<128x16xf32, #tpu.memory_space<vmem_shared>>
        tpu.wait_dma2 semaphore(%run_scoped3A : memref<!tpu.dma_semaphore, #tpu.memory_space<semaphore_mem>>) src(%arg10 : memref<128x16xf32, #tpu.memory_space<vmem>>) dst(%dma_wait3A_35 : memref<128x16xf32, #tpu.memory_space<vmem_shared>>)
        tpu.yield
      }) : () -> ()
    }
    %scan3A_13 = arith.constant 49 : i32
    %barrier3A = arith.constant 0 : index
    tpu.barrier barrier_id(%barrier3A)
    %mul3A_14 = arith.constant 392 : i32
    %mul3A_15 = arith.muli %add3A, %mul3A_14 : i32
    %scan3A_16 = arith.constant 0 : i32
    %scan3A_17 = arith.constant 0 : i32
    %scan3A_18 = arith.constant 14 : i32
    %scan3A_19 = arith.addi %scan3A_17, %scan3A_18 : i32
    %scan3A_20 = arith.constant 1 : i32
    scf.for %scan3A_26 = %scan3A_17 to %scan3A_19 step %scan3A_20  : i32 {
      %mul3A_27 = arith.constant 28 : i32
      %mul3A_28 = arith.muli %scan3A_26, %mul3A_27 : i32
      %add3A_29 = arith.addi %mul3A_15, %mul3A_28 : i32
      "tpu.region"() ({
        %run_scoped3A = tpu.sem_alloc : memref<!tpu.dma_semaphore, #tpu.memory_space<semaphore_mem>>
        %dma_start3A_242 = arith.constant 0 : i32
        %dma_start3A_243 = tpu.memref_slice %arg3[%add3A_29, %dma_start3A_242] : memref<12544x128xi32, #tpu.memory_space<hbm>> -> memref<28x128xi32, #tpu.memory_space<hbm>>
        %dma_start3A_244 = arith.constant 0 : i32
        %dma_start3A_245 = tpu.memref_slice %arg3[%add3A_29, %dma_start3A_244] : memref<12544x128xi32, #tpu.memory_space<hbm>> -> memref<28x128xi32, #tpu.memory_space<hbm>>
        tpu.enqueue_dma source(%dma_start3A_245 : memref<28x128xi32, #tpu.memory_space<hbm>>) target(%arg7 : memref<28x128xi32, #tpu.memory_space<vmem>>) target_semaphore(%run_scoped3A : memref<!tpu.dma_semaphore, #tpu.memory_space<semaphore_mem>>)
        %dma_wait3A_246 = arith.constant 0 : i32
        %dma_wait3A_247 = tpu.memref_slice %arg3[%add3A_29, %dma_wait3A_246] : memref<12544x128xi32, #tpu.memory_space<hbm>> -> memref<28x128xi32, #tpu.memory_space<hbm>>
        %dma_wait3A_248 = arith.constant 0 : i32
        %dma_wait3A_249 = tpu.memref_slice %arg3[%add3A_29, %dma_wait3A_248] : memref<12544x128xi32, #tpu.memory_space<hbm>> -> memref<28x128xi32, #tpu.memory_space<hbm>>
        tpu.wait_dma2 semaphore(%run_scoped3A : memref<!tpu.dma_semaphore, #tpu.memory_space<semaphore_mem>>) src(%dma_wait3A_249 : memref<28x128xi32, #tpu.memory_space<hbm>>) dst(%arg7 : memref<28x128xi32, #tpu.memory_space<vmem>>)
        tpu.yield
      }) : () -> ()
      "tpu.region"() ({
        %run_scoped3A = tpu.sem_alloc : memref<!tpu.dma_semaphore, #tpu.memory_space<semaphore_mem>>
        %dma_start3A_242 = arith.constant 0 : i32
        %dma_start3A_243 = tpu.memref_slice %arg4[%add3A_29, %dma_start3A_242] : memref<12544x128xi32, #tpu.memory_space<hbm>> -> memref<28x128xi32, #tpu.memory_space<hbm>>
        %dma_start3A_244 = arith.constant 0 : i32
        %dma_start3A_245 = tpu.memref_slice %arg4[%add3A_29, %dma_start3A_244] : memref<12544x128xi32, #tpu.memory_space<hbm>> -> memref<28x128xi32, #tpu.memory_space<hbm>>
        tpu.enqueue_dma source(%dma_start3A_245 : memref<28x128xi32, #tpu.memory_space<hbm>>) target(%arg8 : memref<28x128xi32, #tpu.memory_space<vmem>>) target_semaphore(%run_scoped3A : memref<!tpu.dma_semaphore, #tpu.memory_space<semaphore_mem>>)
        %dma_wait3A_246 = arith.constant 0 : i32
        %dma_wait3A_247 = tpu.memref_slice %arg4[%add3A_29, %dma_wait3A_246] : memref<12544x128xi32, #tpu.memory_space<hbm>> -> memref<28x128xi32, #tpu.memory_space<hbm>>
        %dma_wait3A_248 = arith.constant 0 : i32
        %dma_wait3A_249 = tpu.memref_slice %arg4[%add3A_29, %dma_wait3A_248] : memref<12544x128xi32, #tpu.memory_space<hbm>> -> memref<28x128xi32, #tpu.memory_space<hbm>>
        tpu.wait_dma2 semaphore(%run_scoped3A : memref<!tpu.dma_semaphore, #tpu.memory_space<semaphore_mem>>) src(%dma_wait3A_249 : memref<28x128xi32, #tpu.memory_space<hbm>>) dst(%arg8 : memref<28x128xi32, #tpu.memory_space<vmem>>)
        tpu.yield
      }) : () -> ()
      %dma_start3A = arith.constant 0 : i32
      %dma_start3A_30 = arith.constant 0 : i32
      %dma_start3A_31 = arith.constant 0 : i32
      %dma_start3A_32 = arith.constant 0 : i32
      %dma_start3A_33 = arith.constant 0 : i32
      %dma_start3A_34 = tpu.memref_slice %arg9[%dma_start3A_30, %dma_start3A_31, %dma_start3A_32, %dma_start3A_33] : memref<2x4x128x16xf32, #tpu.memory_space<vmem>> -> memref<1x1x128x16xf32, #tpu.memory_space<vmem>>
      %dma_start3A_35 = tpu.memref_squeeze %dma_start3A_34 : memref<1x1x128x16xf32, #tpu.memory_space<vmem>> -> memref<128x16xf32, #tpu.memory_space<vmem>>
      %dma_start3A_36 = arith.constant 0 : i32
      %dma_start3A_37 = tpu.memref_slice %arg7[%dma_start3A, %dma_start3A_36] : memref<28x128xi32, #tpu.memory_space<vmem>> -> memref<1x128xi32, #tpu.memory_space<vmem>>
      %dma_start3A_38 = tpu.memref_squeeze %dma_start3A_37 : memref<1x128xi32, #tpu.memory_space<vmem>> -> memref<128xi32, #tpu.memory_space<vmem>>
      %dma_start3A_39 = arith.constant 0 : i32
      %dma_start3A_40 = arith.constant 0 : i32
      %dma_start3A_41 = tpu.memref_slice %arg2[%dma_start3A_39, %dma_start3A_40] : memref<100352x16xf32, #tpu.memory_space<hbm>> -> memref<100352x16xf32, #tpu.memory_space<hbm>>
      tpu.enqueue_indirect_dma source(%dma_start3A_41 : memref<100352x16xf32, #tpu.memory_space<hbm>>) target(%dma_start3A_35 : memref<128x16xf32, #tpu.memory_space<vmem>>) offsets(%dma_start3A_38 : memref<128xi32, #tpu.memory_space<vmem>>) semaphore(%arg11 : memref<!tpu.dma_semaphore, #tpu.memory_space<semaphore_mem>>)
      %dma_start3A_42 = arith.constant 1 : i32
      %dma_start3A_43 = arith.constant 0 : i32
      %dma_start3A_44 = arith.constant 1 : i32
      %dma_start3A_45 = arith.constant 0 : i32
      %dma_start3A_46 = arith.constant 0 : i32
      %dma_start3A_47 = tpu.memref_slice %arg9[%dma_start3A_43, %dma_start3A_44, %dma_start3A_45, %dma_start3A_46] : memref<2x4x128x16xf32, #tpu.memory_space<vmem>> -> memref<1x1x128x16xf32, #tpu.memory_space<vmem>>
      %dma_start3A_48 = tpu.memref_squeeze %dma_start3A_47 : memref<1x1x128x16xf32, #tpu.memory_space<vmem>> -> memref<128x16xf32, #tpu.memory_space<vmem>>
      %dma_start3A_49 = arith.constant 0 : i32
      %dma_start3A_50 = tpu.memref_slice %arg7[%dma_start3A_42, %dma_start3A_49] : memref<28x128xi32, #tpu.memory_space<vmem>> -> memref<1x128xi32, #tpu.memory_space<vmem>>
      %dma_start3A_51 = tpu.memref_squeeze %dma_start3A_50 : memref<1x128xi32, #tpu.memory_space<vmem>> -> memref<128xi32, #tpu.memory_space<vmem>>
      %dma_start3A_52 = arith.constant 0 : i32
      %dma_start3A_53 = arith.constant 0 : i32
      %dma_start3A_54 = tpu.memref_slice %arg2[%dma_start3A_52, %dma_start3A_53] : memref<100352x16xf32, #tpu.memory_space<hbm>> -> memref<100352x16xf32, #tpu.memory_space<hbm>>
      tpu.enqueue_indirect_dma source(%dma_start3A_54 : memref<100352x16xf32, #tpu.memory_space<hbm>>) target(%dma_start3A_48 : memref<128x16xf32, #tpu.memory_space<vmem>>) offsets(%dma_start3A_51 : memref<128xi32, #tpu.memory_space<vmem>>) semaphore(%arg11 : memref<!tpu.dma_semaphore, #tpu.memory_space<semaphore_mem>>)
      %dma_start3A_55 = arith.constant 2 : i32
      %dma_start3A_56 = arith.constant 0 : i32
      %dma_start3A_57 = arith.constant 2 : i32
      %dma_start3A_58 = arith.constant 0 : i32
      %dma_start3A_59 = arith.constant 0 : i32
      %dma_start3A_60 = tpu.memref_slice %arg9[%dma_start3A_56, %dma_start3A_57, %dma_start3A_58, %dma_start3A_59] : memref<2x4x128x16xf32, #tpu.memory_space<vmem>> -> memref<1x1x128x16xf32, #tpu.memory_space<vmem>>
      %dma_start3A_61 = tpu.memref_squeeze %dma_start3A_60 : memref<1x1x128x16xf32, #tpu.memory_space<vmem>> -> memref<128x16xf32, #tpu.memory_space<vmem>>
      %dma_start3A_62 = arith.constant 0 : i32
      %dma_start3A_63 = tpu.memref_slice %arg7[%dma_start3A_55, %dma_start3A_62] : memref<28x128xi32, #tpu.memory_space<vmem>> -> memref<1x128xi32, #tpu.memory_space<vmem>>
      %dma_start3A_64 = tpu.memref_squeeze %dma_start3A_63 : memref<1x128xi32, #tpu.memory_space<vmem>> -> memref<128xi32, #tpu.memory_space<vmem>>
      %dma_start3A_65 = arith.constant 0 : i32
      %dma_start3A_66 = arith.constant 0 : i32
      %dma_start3A_67 = tpu.memref_slice %arg2[%dma_start3A_65, %dma_start3A_66] : memref<100352x16xf32, #tpu.memory_space<hbm>> -> memref<100352x16xf32, #tpu.memory_space<hbm>>
      tpu.enqueue_indirect_dma source(%dma_start3A_67 : memref<100352x16xf32, #tpu.memory_space<hbm>>) target(%dma_start3A_61 : memref<128x16xf32, #tpu.memory_space<vmem>>) offsets(%dma_start3A_64 : memref<128xi32, #tpu.memory_space<vmem>>) semaphore(%arg11 : memref<!tpu.dma_semaphore, #tpu.memory_space<semaphore_mem>>)
      %dma_start3A_68 = arith.constant 3 : i32
      %dma_start3A_69 = arith.constant 0 : i32
      %dma_start3A_70 = arith.constant 3 : i32
      %dma_start3A_71 = arith.constant 0 : i32
      %dma_start3A_72 = arith.constant 0 : i32
      %dma_start3A_73 = tpu.memref_slice %arg9[%dma_start3A_69, %dma_start3A_70, %dma_start3A_71, %dma_start3A_72] : memref<2x4x128x16xf32, #tpu.memory_space<vmem>> -> memref<1x1x128x16xf32, #tpu.memory_space<vmem>>
      %dma_start3A_74 = tpu.memref_squeeze %dma_start3A_73 : memref<1x1x128x16xf32, #tpu.memory_space<vmem>> -> memref<128x16xf32, #tpu.memory_space<vmem>>
      %dma_start3A_75 = arith.constant 0 : i32
      %dma_start3A_76 = tpu.memref_slice %arg7[%dma_start3A_68, %dma_start3A_75] : memref<28x128xi32, #tpu.memory_space<vmem>> -> memref<1x128xi32, #tpu.memory_space<vmem>>
      %dma_start3A_77 = tpu.memref_squeeze %dma_start3A_76 : memref<1x128xi32, #tpu.memory_space<vmem>> -> memref<128xi32, #tpu.memory_space<vmem>>
      %dma_start3A_78 = arith.constant 0 : i32
      %dma_start3A_79 = arith.constant 0 : i32
      %dma_start3A_80 = tpu.memref_slice %arg2[%dma_start3A_78, %dma_start3A_79] : memref<100352x16xf32, #tpu.memory_space<hbm>> -> memref<100352x16xf32, #tpu.memory_space<hbm>>
      tpu.enqueue_indirect_dma source(%dma_start3A_80 : memref<100352x16xf32, #tpu.memory_space<hbm>>) target(%dma_start3A_74 : memref<128x16xf32, #tpu.memory_space<vmem>>) offsets(%dma_start3A_77 : memref<128xi32, #tpu.memory_space<vmem>>) semaphore(%arg11 : memref<!tpu.dma_semaphore, #tpu.memory_space<semaphore_mem>>)
      %scan3A_81 = arith.constant 0 : i32
      %scan3A_82 = arith.constant 0 : i32
      %scan3A_83 = arith.constant 6 : i32
      %scan3A_84 = arith.addi %scan3A_82, %scan3A_83 : i32
      %scan3A_85 = arith.constant 1 : i32
      scf.for %scan3A_242 = %scan3A_82 to %scan3A_84 step %scan3A_85  : i32 {
        %rem3A = arith.constant 2 : i32
        %rem3A_243 = arith.remsi %scan3A_242, %rem3A : i32
        %mul3A_244 = arith.constant 4 : i32
        %mul3A_245 = arith.muli %scan3A_242, %mul3A_244 : i32
        %add3A_246 = arith.constant 0 : i32
        %add3A_247 = arith.addi %mul3A_245, %add3A_246 : i32
        %dma_wait3A_248 = arith.constant 0 : i32
        %dma_wait3A_249 = arith.constant 0 : i32
        %dma_wait3A_250 = arith.constant 0 : i32
        %dma_wait3A_251 = tpu.memref_slice %arg9[%rem3A_243, %dma_wait3A_248, %dma_wait3A_249, %dma_wait3A_250] : memref<2x4x128x16xf32, #tpu.memory_space<vmem>> -> memref<1x1x128x16xf32, #tpu.memory_space<vmem>>
        %dma_wait3A_252 = tpu.memref_squeeze %dma_wait3A_251 : memref<1x1x128x16xf32, #tpu.memory_space<vmem>> -> memref<128x16xf32, #tpu.memory_space<vmem>>
        %dma_wait3A_253 = arith.constant 0 : i32
        %dma_wait3A_254 = tpu.memref_slice %arg7[%add3A_247, %dma_wait3A_253] : memref<28x128xi32, #tpu.memory_space<vmem>> -> memref<1x128xi32, #tpu.memory_space<vmem>>
        %dma_wait3A_255 = tpu.memref_squeeze %dma_wait3A_254 : memref<1x128xi32, #tpu.memory_space<vmem>> -> memref<128xi32, #tpu.memory_space<vmem>>
        %dma_wait3A_256 = arith.constant 0 : i32
        %dma_wait3A_257 = arith.constant 0 : i32
        %dma_wait3A_258 = tpu.memref_slice %arg2[%dma_wait3A_256, %dma_wait3A_257] : memref<100352x16xf32, #tpu.memory_space<hbm>> -> memref<100352x16xf32, #tpu.memory_space<hbm>>
        tpu.wait_indirect_dma semaphore(%arg11 : memref<!tpu.dma_semaphore, #tpu.memory_space<semaphore_mem>>) src(%dma_wait3A_258 : memref<100352x16xf32, #tpu.memory_space<hbm>>) dst(%dma_wait3A_252 : memref<128x16xf32, #tpu.memory_space<vmem>>)
        %add3A_259 = arith.constant 1 : i32
        %add3A_260 = arith.addi %mul3A_245, %add3A_259 : i32
        %dma_wait3A_261 = arith.constant 1 : i32
        %dma_wait3A_262 = arith.constant 0 : i32
        %dma_wait3A_263 = arith.constant 0 : i32
        %dma_wait3A_264 = tpu.memref_slice %arg9[%rem3A_243, %dma_wait3A_261, %dma_wait3A_262, %dma_wait3A_263] : memref<2x4x128x16xf32, #tpu.memory_space<vmem>> -> memref<1x1x128x16xf32, #tpu.memory_space<vmem>>
        %dma_wait3A_265 = tpu.memref_squeeze %dma_wait3A_264 : memref<1x1x128x16xf32, #tpu.memory_space<vmem>> -> memref<128x16xf32, #tpu.memory_space<vmem>>
        %dma_wait3A_266 = arith.constant 0 : i32
        %dma_wait3A_267 = tpu.memref_slice %arg7[%add3A_260, %dma_wait3A_266] : memref<28x128xi32, #tpu.memory_space<vmem>> -> memref<1x128xi32, #tpu.memory_space<vmem>>
        %dma_wait3A_268 = tpu.memref_squeeze %dma_wait3A_267 : memref<1x128xi32, #tpu.memory_space<vmem>> -> memref<128xi32, #tpu.memory_space<vmem>>
        %dma_wait3A_269 = arith.constant 0 : i32
        %dma_wait3A_270 = arith.constant 0 : i32
        %dma_wait3A_271 = tpu.memref_slice %arg2[%dma_wait3A_269, %dma_wait3A_270] : memref<100352x16xf32, #tpu.memory_space<hbm>> -> memref<100352x16xf32, #tpu.memory_space<hbm>>
        tpu.wait_indirect_dma semaphore(%arg11 : memref<!tpu.dma_semaphore, #tpu.memory_space<semaphore_mem>>) src(%dma_wait3A_271 : memref<100352x16xf32, #tpu.memory_space<hbm>>) dst(%dma_wait3A_265 : memref<128x16xf32, #tpu.memory_space<vmem>>)
        %add3A_272 = arith.constant 2 : i32
        %add3A_273 = arith.addi %mul3A_245, %add3A_272 : i32
        %dma_wait3A_274 = arith.constant 2 : i32
        %dma_wait3A_275 = arith.constant 0 : i32
        %dma_wait3A_276 = arith.constant 0 : i32
        %dma_wait3A_277 = tpu.memref_slice %arg9[%rem3A_243, %dma_wait3A_274, %dma_wait3A_275, %dma_wait3A_276] : memref<2x4x128x16xf32, #tpu.memory_space<vmem>> -> memref<1x1x128x16xf32, #tpu.memory_space<vmem>>
        %dma_wait3A_278 = tpu.memref_squeeze %dma_wait3A_277 : memref<1x1x128x16xf32, #tpu.memory_space<vmem>> -> memref<128x16xf32, #tpu.memory_space<vmem>>
        %dma_wait3A_279 = arith.constant 0 : i32
        %dma_wait3A_280 = tpu.memref_slice %arg7[%add3A_273, %dma_wait3A_279] : memref<28x128xi32, #tpu.memory_space<vmem>> -> memref<1x128xi32, #tpu.memory_space<vmem>>
        %dma_wait3A_281 = tpu.memref_squeeze %dma_wait3A_280 : memref<1x128xi32, #tpu.memory_space<vmem>> -> memref<128xi32, #tpu.memory_space<vmem>>
        %dma_wait3A_282 = arith.constant 0 : i32
        %dma_wait3A_283 = arith.constant 0 : i32
        %dma_wait3A_284 = tpu.memref_slice %arg2[%dma_wait3A_282, %dma_wait3A_283] : memref<100352x16xf32, #tpu.memory_space<hbm>> -> memref<100352x16xf32, #tpu.memory_space<hbm>>
        tpu.wait_indirect_dma semaphore(%arg11 : memref<!tpu.dma_semaphore, #tpu.memory_space<semaphore_mem>>) src(%dma_wait3A_284 : memref<100352x16xf32, #tpu.memory_space<hbm>>) dst(%dma_wait3A_278 : memref<128x16xf32, #tpu.memory_space<vmem>>)
        %add3A_285 = arith.constant 3 : i32
        %add3A_286 = arith.addi %mul3A_245, %add3A_285 : i32
        %dma_wait3A_287 = arith.constant 3 : i32
        %dma_wait3A_288 = arith.constant 0 : i32
        %dma_wait3A_289 = arith.constant 0 : i32
        %dma_wait3A_290 = tpu.memref_slice %arg9[%rem3A_243, %dma_wait3A_287, %dma_wait3A_288, %dma_wait3A_289] : memref<2x4x128x16xf32, #tpu.memory_space<vmem>> -> memref<1x1x128x16xf32, #tpu.memory_space<vmem>>
        %dma_wait3A_291 = tpu.memref_squeeze %dma_wait3A_290 : memref<1x1x128x16xf32, #tpu.memory_space<vmem>> -> memref<128x16xf32, #tpu.memory_space<vmem>>
        %dma_wait3A_292 = arith.constant 0 : i32
        %dma_wait3A_293 = tpu.memref_slice %arg7[%add3A_286, %dma_wait3A_292] : memref<28x128xi32, #tpu.memory_space<vmem>> -> memref<1x128xi32, #tpu.memory_space<vmem>>
        %dma_wait3A_294 = tpu.memref_squeeze %dma_wait3A_293 : memref<1x128xi32, #tpu.memory_space<vmem>> -> memref<128xi32, #tpu.memory_space<vmem>>
        %dma_wait3A_295 = arith.constant 0 : i32
        %dma_wait3A_296 = arith.constant 0 : i32
        %dma_wait3A_297 = tpu.memref_slice %arg2[%dma_wait3A_295, %dma_wait3A_296] : memref<100352x16xf32, #tpu.memory_space<hbm>> -> memref<100352x16xf32, #tpu.memory_space<hbm>>
        tpu.wait_indirect_dma semaphore(%arg11 : memref<!tpu.dma_semaphore, #tpu.memory_space<semaphore_mem>>) src(%dma_wait3A_297 : memref<100352x16xf32, #tpu.memory_space<hbm>>) dst(%dma_wait3A_291 : memref<128x16xf32, #tpu.memory_space<vmem>>)
        %sub3A = arith.constant 1 : i32
        %sub3A_298 = arith.subi %sub3A, %rem3A_243 : i32
        %add3A_299 = arith.constant 4 : i32
        %add3A_300 = arith.addi %mul3A_245, %add3A_299 : i32
        %add3A_301 = arith.constant 0 : i32
        %add3A_302 = arith.addi %add3A_300, %add3A_301 : i32
        %dma_start3A_303 = arith.constant 0 : i32
        %dma_start3A_304 = arith.constant 0 : i32
        %dma_start3A_305 = arith.constant 0 : i32
        %dma_start3A_306 = tpu.memref_slice %arg9[%sub3A_298, %dma_start3A_303, %dma_start3A_304, %dma_start3A_305] : memref<2x4x128x16xf32, #tpu.memory_space<vmem>> -> memref<1x1x128x16xf32, #tpu.memory_space<vmem>>
        %dma_start3A_307 = tpu.memref_squeeze %dma_start3A_306 : memref<1x1x128x16xf32, #tpu.memory_space<vmem>> -> memref<128x16xf32, #tpu.memory_space<vmem>>
        %dma_start3A_308 = arith.constant 0 : i32
        %dma_start3A_309 = tpu.memref_slice %arg7[%add3A_302, %dma_start3A_308] : memref<28x128xi32, #tpu.memory_space<vmem>> -> memref<1x128xi32, #tpu.memory_space<vmem>>
        %dma_start3A_310 = tpu.memref_squeeze %dma_start3A_309 : memref<1x128xi32, #tpu.memory_space<vmem>> -> memref<128xi32, #tpu.memory_space<vmem>>
        %dma_start3A_311 = arith.constant 0 : i32
        %dma_start3A_312 = arith.constant 0 : i32
        %dma_start3A_313 = tpu.memref_slice %arg2[%dma_start3A_311, %dma_start3A_312] : memref<100352x16xf32, #tpu.memory_space<hbm>> -> memref<100352x16xf32, #tpu.memory_space<hbm>>
        tpu.enqueue_indirect_dma source(%dma_start3A_313 : memref<100352x16xf32, #tpu.memory_space<hbm>>) target(%dma_start3A_307 : memref<128x16xf32, #tpu.memory_space<vmem>>) offsets(%dma_start3A_310 : memref<128xi32, #tpu.memory_space<vmem>>) semaphore(%arg11 : memref<!tpu.dma_semaphore, #tpu.memory_space<semaphore_mem>>)
        %add3A_314 = arith.constant 1 : i32
        %add3A_315 = arith.addi %add3A_300, %add3A_314 : i32
        %dma_start3A_316 = arith.constant 1 : i32
        %dma_start3A_317 = arith.constant 0 : i32
        %dma_start3A_318 = arith.constant 0 : i32
        %dma_start3A_319 = tpu.memref_slice %arg9[%sub3A_298, %dma_start3A_316, %dma_start3A_317, %dma_start3A_318] : memref<2x4x128x16xf32, #tpu.memory_space<vmem>> -> memref<1x1x128x16xf32, #tpu.memory_space<vmem>>
        %dma_start3A_320 = tpu.memref_squeeze %dma_start3A_319 : memref<1x1x128x16xf32, #tpu.memory_space<vmem>> -> memref<128x16xf32, #tpu.memory_space<vmem>>
        %dma_start3A_321 = arith.constant 0 : i32
        %dma_start3A_322 = tpu.memref_slice %arg7[%add3A_315, %dma_start3A_321] : memref<28x128xi32, #tpu.memory_space<vmem>> -> memref<1x128xi32, #tpu.memory_space<vmem>>
        %dma_start3A_323 = tpu.memref_squeeze %dma_start3A_322 : memref<1x128xi32, #tpu.memory_space<vmem>> -> memref<128xi32, #tpu.memory_space<vmem>>
        %dma_start3A_324 = arith.constant 0 : i32
        %dma_start3A_325 = arith.constant 0 : i32
        %dma_start3A_326 = tpu.memref_slice %arg2[%dma_start3A_324, %dma_start3A_325] : memref<100352x16xf32, #tpu.memory_space<hbm>> -> memref<100352x16xf32, #tpu.memory_space<hbm>>
        tpu.enqueue_indirect_dma source(%dma_start3A_326 : memref<100352x16xf32, #tpu.memory_space<hbm>>) target(%dma_start3A_320 : memref<128x16xf32, #tpu.memory_space<vmem>>) offsets(%dma_start3A_323 : memref<128xi32, #tpu.memory_space<vmem>>) semaphore(%arg11 : memref<!tpu.dma_semaphore, #tpu.memory_space<semaphore_mem>>)
        %add3A_327 = arith.constant 2 : i32
        %add3A_328 = arith.addi %add3A_300, %add3A_327 : i32
        %dma_start3A_329 = arith.constant 2 : i32
        %dma_start3A_330 = arith.constant 0 : i32
        %dma_start3A_331 = arith.constant 0 : i32
        %dma_start3A_332 = tpu.memref_slice %arg9[%sub3A_298, %dma_start3A_329, %dma_start3A_330, %dma_start3A_331] : memref<2x4x128x16xf32, #tpu.memory_space<vmem>> -> memref<1x1x128x16xf32, #tpu.memory_space<vmem>>
        %dma_start3A_333 = tpu.memref_squeeze %dma_start3A_332 : memref<1x1x128x16xf32, #tpu.memory_space<vmem>> -> memref<128x16xf32, #tpu.memory_space<vmem>>
        %dma_start3A_334 = arith.constant 0 : i32
        %dma_start3A_335 = tpu.memref_slice %arg7[%add3A_328, %dma_start3A_334] : memref<28x128xi32, #tpu.memory_space<vmem>> -> memref<1x128xi32, #tpu.memory_space<vmem>>
        %dma_start3A_336 = tpu.memref_squeeze %dma_start3A_335 : memref<1x128xi32, #tpu.memory_space<vmem>> -> memref<128xi32, #tpu.memory_space<vmem>>
        %dma_start3A_337 = arith.constant 0 : i32
        %dma_start3A_338 = arith.constant 0 : i32
        %dma_start3A_339 = tpu.memref_slice %arg2[%dma_start3A_337, %dma_start3A_338] : memref<100352x16xf32, #tpu.memory_space<hbm>> -> memref<100352x16xf32, #tpu.memory_space<hbm>>
        tpu.enqueue_indirect_dma source(%dma_start3A_339 : memref<100352x16xf32, #tpu.memory_space<hbm>>) target(%dma_start3A_333 : memref<128x16xf32, #tpu.memory_space<vmem>>) offsets(%dma_start3A_336 : memref<128xi32, #tpu.memory_space<vmem>>) semaphore(%arg11 : memref<!tpu.dma_semaphore, #tpu.memory_space<semaphore_mem>>)
        %add3A_340 = arith.constant 3 : i32
        %add3A_341 = arith.addi %add3A_300, %add3A_340 : i32
        %dma_start3A_342 = arith.constant 3 : i32
        %dma_start3A_343 = arith.constant 0 : i32
        %dma_start3A_344 = arith.constant 0 : i32
        %dma_start3A_345 = tpu.memref_slice %arg9[%sub3A_298, %dma_start3A_342, %dma_start3A_343, %dma_start3A_344] : memref<2x4x128x16xf32, #tpu.memory_space<vmem>> -> memref<1x1x128x16xf32, #tpu.memory_space<vmem>>
        %dma_start3A_346 = tpu.memref_squeeze %dma_start3A_345 : memref<1x1x128x16xf32, #tpu.memory_space<vmem>> -> memref<128x16xf32, #tpu.memory_space<vmem>>
        %dma_start3A_347 = arith.constant 0 : i32
        %dma_start3A_348 = tpu.memref_slice %arg7[%add3A_341, %dma_start3A_347] : memref<28x128xi32, #tpu.memory_space<vmem>> -> memref<1x128xi32, #tpu.memory_space<vmem>>
        %dma_start3A_349 = tpu.memref_squeeze %dma_start3A_348 : memref<1x128xi32, #tpu.memory_space<vmem>> -> memref<128xi32, #tpu.memory_space<vmem>>
        %dma_start3A_350 = arith.constant 0 : i32
        %dma_start3A_351 = arith.constant 0 : i32
        %dma_start3A_352 = tpu.memref_slice %arg2[%dma_start3A_350, %dma_start3A_351] : memref<100352x16xf32, #tpu.memory_space<hbm>> -> memref<100352x16xf32, #tpu.memory_space<hbm>>
        tpu.enqueue_indirect_dma source(%dma_start3A_352 : memref<100352x16xf32, #tpu.memory_space<hbm>>) target(%dma_start3A_346 : memref<128x16xf32, #tpu.memory_space<vmem>>) offsets(%dma_start3A_349 : memref<128xi32, #tpu.memory_space<vmem>>) semaphore(%arg11 : memref<!tpu.dma_semaphore, #tpu.memory_space<semaphore_mem>>)
        %add3A_353 = arith.constant 0 : i32
        %add3A_354 = arith.addi %mul3A_245, %add3A_353 : i32
        %dma_start3A_355 = arith.constant 0 : i32
        %dma_start3A_356 = arith.constant 0 : i32
        %dma_start3A_357 = arith.constant 0 : i32
        %dma_start3A_358 = tpu.memref_slice %arg9[%rem3A_243, %dma_start3A_355, %dma_start3A_356, %dma_start3A_357] : memref<2x4x128x16xf32, #tpu.memory_space<vmem>> -> memref<1x1x128x16xf32, #tpu.memory_space<vmem>>
        %dma_start3A_359 = tpu.memref_squeeze %dma_start3A_358 : memref<1x1x128x16xf32, #tpu.memory_space<vmem>> -> memref<128x16xf32, #tpu.memory_space<vmem>>
        %dma_start3A_360 = arith.constant 0 : i32
        %dma_start3A_361 = tpu.memref_slice %arg8[%add3A_354, %dma_start3A_360] : memref<28x128xi32, #tpu.memory_space<vmem>> -> memref<1x128xi32, #tpu.memory_space<vmem>>
        %dma_start3A_362 = tpu.memref_squeeze %dma_start3A_361 : memref<1x128xi32, #tpu.memory_space<vmem>> -> memref<128xi32, #tpu.memory_space<vmem>>
        %dma_start3A_363 = arith.constant 0 : i32
        %dma_start3A_364 = arith.constant 0 : i32
        %dma_start3A_365 = tpu.memref_slice %arg6[%dma_start3A_363, %dma_start3A_364] : memref<100352x16xf32, #tpu.memory_space<vmem_shared>> -> memref<100352x16xf32, #tpu.memory_space<vmem_shared>>
        tpu.enqueue_indirect_dma source(%dma_start3A_359 : memref<128x16xf32, #tpu.memory_space<vmem>>) target(%dma_start3A_365 : memref<100352x16xf32, #tpu.memory_space<vmem_shared>>) offsets(%dma_start3A_362 : memref<128xi32, #tpu.memory_space<vmem>>) semaphore(%arg12 : memref<!tpu.dma_semaphore, #tpu.memory_space<semaphore_mem>>) {add = true}
        %add3A_366 = arith.constant 1 : i32
        %add3A_367 = arith.addi %mul3A_245, %add3A_366 : i32
        %dma_start3A_368 = arith.constant 1 : i32
        %dma_start3A_369 = arith.constant 0 : i32
        %dma_start3A_370 = arith.constant 0 : i32
        %dma_start3A_371 = tpu.memref_slice %arg9[%rem3A_243, %dma_start3A_368, %dma_start3A_369, %dma_start3A_370] : memref<2x4x128x16xf32, #tpu.memory_space<vmem>> -> memref<1x1x128x16xf32, #tpu.memory_space<vmem>>
        %dma_start3A_372 = tpu.memref_squeeze %dma_start3A_371 : memref<1x1x128x16xf32, #tpu.memory_space<vmem>> -> memref<128x16xf32, #tpu.memory_space<vmem>>
        %dma_start3A_373 = arith.constant 0 : i32
        %dma_start3A_374 = tpu.memref_slice %arg8[%add3A_367, %dma_start3A_373] : memref<28x128xi32, #tpu.memory_space<vmem>> -> memref<1x128xi32, #tpu.memory_space<vmem>>
        %dma_start3A_375 = tpu.memref_squeeze %dma_start3A_374 : memref<1x128xi32, #tpu.memory_space<vmem>> -> memref<128xi32, #tpu.memory_space<vmem>>
        %dma_start3A_376 = arith.constant 0 : i32
        %dma_start3A_377 = arith.constant 0 : i32
        %dma_start3A_378 = tpu.memref_slice %arg6[%dma_start3A_376, %dma_start3A_377] : memref<100352x16xf32, #tpu.memory_space<vmem_shared>> -> memref<100352x16xf32, #tpu.memory_space<vmem_shared>>
        tpu.enqueue_indirect_dma source(%dma_start3A_372 : memref<128x16xf32, #tpu.memory_space<vmem>>) target(%dma_start3A_378 : memref<100352x16xf32, #tpu.memory_space<vmem_shared>>) offsets(%dma_start3A_375 : memref<128xi32, #tpu.memory_space<vmem>>) semaphore(%arg12 : memref<!tpu.dma_semaphore, #tpu.memory_space<semaphore_mem>>) {add = true}
        %add3A_379 = arith.constant 2 : i32
        %add3A_380 = arith.addi %mul3A_245, %add3A_379 : i32
        %dma_start3A_381 = arith.constant 2 : i32
        %dma_start3A_382 = arith.constant 0 : i32
        %dma_start3A_383 = arith.constant 0 : i32
        %dma_start3A_384 = tpu.memref_slice %arg9[%rem3A_243, %dma_start3A_381, %dma_start3A_382, %dma_start3A_383] : memref<2x4x128x16xf32, #tpu.memory_space<vmem>> -> memref<1x1x128x16xf32, #tpu.memory_space<vmem>>
        %dma_start3A_385 = tpu.memref_squeeze %dma_start3A_384 : memref<1x1x128x16xf32, #tpu.memory_space<vmem>> -> memref<128x16xf32, #tpu.memory_space<vmem>>
        %dma_start3A_386 = arith.constant 0 : i32
        %dma_start3A_387 = tpu.memref_slice %arg8[%add3A_380, %dma_start3A_386] : memref<28x128xi32, #tpu.memory_space<vmem>> -> memref<1x128xi32, #tpu.memory_space<vmem>>
        %dma_start3A_388 = tpu.memref_squeeze %dma_start3A_387 : memref<1x128xi32, #tpu.memory_space<vmem>> -> memref<128xi32, #tpu.memory_space<vmem>>
        %dma_start3A_389 = arith.constant 0 : i32
        %dma_start3A_390 = arith.constant 0 : i32
        %dma_start3A_391 = tpu.memref_slice %arg6[%dma_start3A_389, %dma_start3A_390] : memref<100352x16xf32, #tpu.memory_space<vmem_shared>> -> memref<100352x16xf32, #tpu.memory_space<vmem_shared>>
        tpu.enqueue_indirect_dma source(%dma_start3A_385 : memref<128x16xf32, #tpu.memory_space<vmem>>) target(%dma_start3A_391 : memref<100352x16xf32, #tpu.memory_space<vmem_shared>>) offsets(%dma_start3A_388 : memref<128xi32, #tpu.memory_space<vmem>>) semaphore(%arg12 : memref<!tpu.dma_semaphore, #tpu.memory_space<semaphore_mem>>) {add = true}
        %add3A_392 = arith.constant 3 : i32
        %add3A_393 = arith.addi %mul3A_245, %add3A_392 : i32
        %dma_start3A_394 = arith.constant 3 : i32
        %dma_start3A_395 = arith.constant 0 : i32
        %dma_start3A_396 = arith.constant 0 : i32
        %dma_start3A_397 = tpu.memref_slice %arg9[%rem3A_243, %dma_start3A_394, %dma_start3A_395, %dma_start3A_396] : memref<2x4x128x16xf32, #tpu.memory_space<vmem>> -> memref<1x1x128x16xf32, #tpu.memory_space<vmem>>
        %dma_start3A_398 = tpu.memref_squeeze %dma_start3A_397 : memref<1x1x128x16xf32, #tpu.memory_space<vmem>> -> memref<128x16xf32, #tpu.memory_space<vmem>>
        %dma_start3A_399 = arith.constant 0 : i32
        %dma_start3A_400 = tpu.memref_slice %arg8[%add3A_393, %dma_start3A_399] : memref<28x128xi32, #tpu.memory_space<vmem>> -> memref<1x128xi32, #tpu.memory_space<vmem>>
        %dma_start3A_401 = tpu.memref_squeeze %dma_start3A_400 : memref<1x128xi32, #tpu.memory_space<vmem>> -> memref<128xi32, #tpu.memory_space<vmem>>
        %dma_start3A_402 = arith.constant 0 : i32
        %dma_start3A_403 = arith.constant 0 : i32
        %dma_start3A_404 = tpu.memref_slice %arg6[%dma_start3A_402, %dma_start3A_403] : memref<100352x16xf32, #tpu.memory_space<vmem_shared>> -> memref<100352x16xf32, #tpu.memory_space<vmem_shared>>
        tpu.enqueue_indirect_dma source(%dma_start3A_398 : memref<128x16xf32, #tpu.memory_space<vmem>>) target(%dma_start3A_404 : memref<100352x16xf32, #tpu.memory_space<vmem_shared>>) offsets(%dma_start3A_401 : memref<128xi32, #tpu.memory_space<vmem>>) semaphore(%arg12 : memref<!tpu.dma_semaphore, #tpu.memory_space<semaphore_mem>>) {add = true}
        %add3A_405 = arith.constant 0 : i32
        %add3A_406 = arith.addi %mul3A_245, %add3A_405 : i32
        %dma_wait3A_407 = arith.constant 0 : i32
        %dma_wait3A_408 = arith.constant 0 : i32
        %dma_wait3A_409 = arith.constant 0 : i32
        %dma_wait3A_410 = tpu.memref_slice %arg9[%rem3A_243, %dma_wait3A_407, %dma_wait3A_408, %dma_wait3A_409] : memref<2x4x128x16xf32, #tpu.memory_space<vmem>> -> memref<1x1x128x16xf32, #tpu.memory_space<vmem>>
        %dma_wait3A_411 = tpu.memref_squeeze %dma_wait3A_410 : memref<1x1x128x16xf32, #tpu.memory_space<vmem>> -> memref<128x16xf32, #tpu.memory_space<vmem>>
        %dma_wait3A_412 = arith.constant 0 : i32
        %dma_wait3A_413 = tpu.memref_slice %arg8[%add3A_406, %dma_wait3A_412] : memref<28x128xi32, #tpu.memory_space<vmem>> -> memref<1x128xi32, #tpu.memory_space<vmem>>
        %dma_wait3A_414 = tpu.memref_squeeze %dma_wait3A_413 : memref<1x128xi32, #tpu.memory_space<vmem>> -> memref<128xi32, #tpu.memory_space<vmem>>
        %dma_wait3A_415 = arith.constant 0 : i32
        %dma_wait3A_416 = arith.constant 0 : i32
        %dma_wait3A_417 = tpu.memref_slice %arg6[%dma_wait3A_415, %dma_wait3A_416] : memref<100352x16xf32, #tpu.memory_space<vmem_shared>> -> memref<100352x16xf32, #tpu.memory_space<vmem_shared>>
        tpu.wait_indirect_dma semaphore(%arg12 : memref<!tpu.dma_semaphore, #tpu.memory_space<semaphore_mem>>) src(%dma_wait3A_411 : memref<128x16xf32, #tpu.memory_space<vmem>>) dst(%dma_wait3A_417 : memref<100352x16xf32, #tpu.memory_space<vmem_shared>>)
        %add3A_418 = arith.constant 1 : i32
        %add3A_419 = arith.addi %mul3A_245, %add3A_418 : i32
        %dma_wait3A_420 = arith.constant 1 : i32
        %dma_wait3A_421 = arith.constant 0 : i32
        %dma_wait3A_422 = arith.constant 0 : i32
        %dma_wait3A_423 = tpu.memref_slice %arg9[%rem3A_243, %dma_wait3A_420, %dma_wait3A_421, %dma_wait3A_422] : memref<2x4x128x16xf32, #tpu.memory_space<vmem>> -> memref<1x1x128x16xf32, #tpu.memory_space<vmem>>
        %dma_wait3A_424 = tpu.memref_squeeze %dma_wait3A_423 : memref<1x1x128x16xf32, #tpu.memory_space<vmem>> -> memref<128x16xf32, #tpu.memory_space<vmem>>
        %dma_wait3A_425 = arith.constant 0 : i32
        %dma_wait3A_426 = tpu.memref_slice %arg8[%add3A_419, %dma_wait3A_425] : memref<28x128xi32, #tpu.memory_space<vmem>> -> memref<1x128xi32, #tpu.memory_space<vmem>>
        %dma_wait3A_427 = tpu.memref_squeeze %dma_wait3A_426 : memref<1x128xi32, #tpu.memory_space<vmem>> -> memref<128xi32, #tpu.memory_space<vmem>>
        %dma_wait3A_428 = arith.constant 0 : i32
        %dma_wait3A_429 = arith.constant 0 : i32
        %dma_wait3A_430 = tpu.memref_slice %arg6[%dma_wait3A_428, %dma_wait3A_429] : memref<100352x16xf32, #tpu.memory_space<vmem_shared>> -> memref<100352x16xf32, #tpu.memory_space<vmem_shared>>
        tpu.wait_indirect_dma semaphore(%arg12 : memref<!tpu.dma_semaphore, #tpu.memory_space<semaphore_mem>>) src(%dma_wait3A_424 : memref<128x16xf32, #tpu.memory_space<vmem>>) dst(%dma_wait3A_430 : memref<100352x16xf32, #tpu.memory_space<vmem_shared>>)
        %add3A_431 = arith.constant 2 : i32
        %add3A_432 = arith.addi %mul3A_245, %add3A_431 : i32
        %dma_wait3A_433 = arith.constant 2 : i32
        %dma_wait3A_434 = arith.constant 0 : i32
        %dma_wait3A_435 = arith.constant 0 : i32
        %dma_wait3A_436 = tpu.memref_slice %arg9[%rem3A_243, %dma_wait3A_433, %dma_wait3A_434, %dma_wait3A_435] : memref<2x4x128x16xf32, #tpu.memory_space<vmem>> -> memref<1x1x128x16xf32, #tpu.memory_space<vmem>>
        %dma_wait3A_437 = tpu.memref_squeeze %dma_wait3A_436 : memref<1x1x128x16xf32, #tpu.memory_space<vmem>> -> memref<128x16xf32, #tpu.memory_space<vmem>>
        %dma_wait3A_438 = arith.constant 0 : i32
        %dma_wait3A_439 = tpu.memref_slice %arg8[%add3A_432, %dma_wait3A_438] : memref<28x128xi32, #tpu.memory_space<vmem>> -> memref<1x128xi32, #tpu.memory_space<vmem>>
        %dma_wait3A_440 = tpu.memref_squeeze %dma_wait3A_439 : memref<1x128xi32, #tpu.memory_space<vmem>> -> memref<128xi32, #tpu.memory_space<vmem>>
        %dma_wait3A_441 = arith.constant 0 : i32
        %dma_wait3A_442 = arith.constant 0 : i32
        %dma_wait3A_443 = tpu.memref_slice %arg6[%dma_wait3A_441, %dma_wait3A_442] : memref<100352x16xf32, #tpu.memory_space<vmem_shared>> -> memref<100352x16xf32, #tpu.memory_space<vmem_shared>>
        tpu.wait_indirect_dma semaphore(%arg12 : memref<!tpu.dma_semaphore, #tpu.memory_space<semaphore_mem>>) src(%dma_wait3A_437 : memref<128x16xf32, #tpu.memory_space<vmem>>) dst(%dma_wait3A_443 : memref<100352x16xf32, #tpu.memory_space<vmem_shared>>)
        %add3A_444 = arith.constant 3 : i32
        %add3A_445 = arith.addi %mul3A_245, %add3A_444 : i32
        %dma_wait3A_446 = arith.constant 3 : i32
        %dma_wait3A_447 = arith.constant 0 : i32
        %dma_wait3A_448 = arith.constant 0 : i32
        %dma_wait3A_449 = tpu.memref_slice %arg9[%rem3A_243, %dma_wait3A_446, %dma_wait3A_447, %dma_wait3A_448] : memref<2x4x128x16xf32, #tpu.memory_space<vmem>> -> memref<1x1x128x16xf32, #tpu.memory_space<vmem>>
        %dma_wait3A_450 = tpu.memref_squeeze %dma_wait3A_449 : memref<1x1x128x16xf32, #tpu.memory_space<vmem>> -> memref<128x16xf32, #tpu.memory_space<vmem>>
        %dma_wait3A_451 = arith.constant 0 : i32
        %dma_wait3A_452 = tpu.memref_slice %arg8[%add3A_445, %dma_wait3A_451] : memref<28x128xi32, #tpu.memory_space<vmem>> -> memref<1x128xi32, #tpu.memory_space<vmem>>
        %dma_wait3A_453 = tpu.memref_squeeze %dma_wait3A_452 : memref<1x128xi32, #tpu.memory_space<vmem>> -> memref<128xi32, #tpu.memory_space<vmem>>
        %dma_wait3A_454 = arith.constant 0 : i32
        %dma_wait3A_455 = arith.constant 0 : i32
        %dma_wait3A_456 = tpu.memref_slice %arg6[%dma_wait3A_454, %dma_wait3A_455] : memref<100352x16xf32, #tpu.memory_space<vmem_shared>> -> memref<100352x16xf32, #tpu.memory_space<vmem_shared>>
        tpu.wait_indirect_dma semaphore(%arg12 : memref<!tpu.dma_semaphore, #tpu.memory_space<semaphore_mem>>) src(%dma_wait3A_450 : memref<128x16xf32, #tpu.memory_space<vmem>>) dst(%dma_wait3A_456 : memref<100352x16xf32, #tpu.memory_space<vmem_shared>>)
      }
      %scan3A_86 = arith.constant 6 : i32
      %dma_wait3A = arith.constant 24 : i32
      %dma_wait3A_87 = arith.constant 0 : i32
      %dma_wait3A_88 = arith.constant 0 : i32
      %dma_wait3A_89 = arith.constant 0 : i32
      %dma_wait3A_90 = arith.constant 0 : i32
      %dma_wait3A_91 = tpu.memref_slice %arg9[%dma_wait3A_87, %dma_wait3A_88, %dma_wait3A_89, %dma_wait3A_90] : memref<2x4x128x16xf32, #tpu.memory_space<vmem>> -> memref<1x1x128x16xf32, #tpu.memory_space<vmem>>
      %dma_wait3A_92 = tpu.memref_squeeze %dma_wait3A_91 : memref<1x1x128x16xf32, #tpu.memory_space<vmem>> -> memref<128x16xf32, #tpu.memory_space<vmem>>
      %dma_wait3A_93 = arith.constant 0 : i32
      %dma_wait3A_94 = tpu.memref_slice %arg7[%dma_wait3A, %dma_wait3A_93] : memref<28x128xi32, #tpu.memory_space<vmem>> -> memref<1x128xi32, #tpu.memory_space<vmem>>
      %dma_wait3A_95 = tpu.memref_squeeze %dma_wait3A_94 : memref<1x128xi32, #tpu.memory_space<vmem>> -> memref<128xi32, #tpu.memory_space<vmem>>
      %dma_wait3A_96 = arith.constant 0 : i32
      %dma_wait3A_97 = arith.constant 0 : i32
      %dma_wait3A_98 = tpu.memref_slice %arg2[%dma_wait3A_96, %dma_wait3A_97] : memref<100352x16xf32, #tpu.memory_space<hbm>> -> memref<100352x16xf32, #tpu.memory_space<hbm>>
      tpu.wait_indirect_dma semaphore(%arg11 : memref<!tpu.dma_semaphore, #tpu.memory_space<semaphore_mem>>) src(%dma_wait3A_98 : memref<100352x16xf32, #tpu.memory_space<hbm>>) dst(%dma_wait3A_92 : memref<128x16xf32, #tpu.memory_space<vmem>>)
      %dma_wait3A_99 = arith.constant 25 : i32
      %dma_wait3A_100 = arith.constant 0 : i32
      %dma_wait3A_101 = arith.constant 1 : i32
      %dma_wait3A_102 = arith.constant 0 : i32
      %dma_wait3A_103 = arith.constant 0 : i32
      %dma_wait3A_104 = tpu.memref_slice %arg9[%dma_wait3A_100, %dma_wait3A_101, %dma_wait3A_102, %dma_wait3A_103] : memref<2x4x128x16xf32, #tpu.memory_space<vmem>> -> memref<1x1x128x16xf32, #tpu.memory_space<vmem>>
      %dma_wait3A_105 = tpu.memref_squeeze %dma_wait3A_104 : memref<1x1x128x16xf32, #tpu.memory_space<vmem>> -> memref<128x16xf32, #tpu.memory_space<vmem>>
      %dma_wait3A_106 = arith.constant 0 : i32
      %dma_wait3A_107 = tpu.memref_slice %arg7[%dma_wait3A_99, %dma_wait3A_106] : memref<28x128xi32, #tpu.memory_space<vmem>> -> memref<1x128xi32, #tpu.memory_space<vmem>>
      %dma_wait3A_108 = tpu.memref_squeeze %dma_wait3A_107 : memref<1x128xi32, #tpu.memory_space<vmem>> -> memref<128xi32, #tpu.memory_space<vmem>>
      %dma_wait3A_109 = arith.constant 0 : i32
      %dma_wait3A_110 = arith.constant 0 : i32
      %dma_wait3A_111 = tpu.memref_slice %arg2[%dma_wait3A_109, %dma_wait3A_110] : memref<100352x16xf32, #tpu.memory_space<hbm>> -> memref<100352x16xf32, #tpu.memory_space<hbm>>
      tpu.wait_indirect_dma semaphore(%arg11 : memref<!tpu.dma_semaphore, #tpu.memory_space<semaphore_mem>>) src(%dma_wait3A_111 : memref<100352x16xf32, #tpu.memory_space<hbm>>) dst(%dma_wait3A_105 : memref<128x16xf32, #tpu.memory_space<vmem>>)
      %dma_wait3A_112 = arith.constant 26 : i32
      %dma_wait3A_113 = arith.constant 0 : i32
      %dma_wait3A_114 = arith.constant 2 : i32
      %dma_wait3A_115 = arith.constant 0 : i32
      %dma_wait3A_116 = arith.constant 0 : i32
      %dma_wait3A_117 = tpu.memref_slice %arg9[%dma_wait3A_113, %dma_wait3A_114, %dma_wait3A_115, %dma_wait3A_116] : memref<2x4x128x16xf32, #tpu.memory_space<vmem>> -> memref<1x1x128x16xf32, #tpu.memory_space<vmem>>
      %dma_wait3A_118 = tpu.memref_squeeze %dma_wait3A_117 : memref<1x1x128x16xf32, #tpu.memory_space<vmem>> -> memref<128x16xf32, #tpu.memory_space<vmem>>
      %dma_wait3A_119 = arith.constant 0 : i32
      %dma_wait3A_120 = tpu.memref_slice %arg7[%dma_wait3A_112, %dma_wait3A_119] : memref<28x128xi32, #tpu.memory_space<vmem>> -> memref<1x128xi32, #tpu.memory_space<vmem>>
      %dma_wait3A_121 = tpu.memref_squeeze %dma_wait3A_120 : memref<1x128xi32, #tpu.memory_space<vmem>> -> memref<128xi32, #tpu.memory_space<vmem>>
      %dma_wait3A_122 = arith.constant 0 : i32
      %dma_wait3A_123 = arith.constant 0 : i32
      %dma_wait3A_124 = tpu.memref_slice %arg2[%dma_wait3A_122, %dma_wait3A_123] : memref<100352x16xf32, #tpu.memory_space<hbm>> -> memref<100352x16xf32, #tpu.memory_space<hbm>>
      tpu.wait_indirect_dma semaphore(%arg11 : memref<!tpu.dma_semaphore, #tpu.memory_space<semaphore_mem>>) src(%dma_wait3A_124 : memref<100352x16xf32, #tpu.memory_space<hbm>>) dst(%dma_wait3A_118 : memref<128x16xf32, #tpu.memory_space<vmem>>)
      %dma_wait3A_125 = arith.constant 27 : i32
      %dma_wait3A_126 = arith.constant 0 : i32
      %dma_wait3A_127 = arith.constant 3 : i32
      %dma_wait3A_128 = arith.constant 0 : i32
      %dma_wait3A_129 = arith.constant 0 : i32
      %dma_wait3A_130 = tpu.memref_slice %arg9[%dma_wait3A_126, %dma_wait3A_127, %dma_wait3A_128, %dma_wait3A_129] : memref<2x4x128x16xf32, #tpu.memory_space<vmem>> -> memref<1x1x128x16xf32, #tpu.memory_space<vmem>>
      %dma_wait3A_131 = tpu.memref_squeeze %dma_wait3A_130 : memref<1x1x128x16xf32, #tpu.memory_space<vmem>> -> memref<128x16xf32, #tpu.memory_space<vmem>>
      %dma_wait3A_132 = arith.constant 0 : i32
      %dma_wait3A_133 = tpu.memref_slice %arg7[%dma_wait3A_125, %dma_wait3A_132] : memref<28x128xi32, #tpu.memory_space<vmem>> -> memref<1x128xi32, #tpu.memory_space<vmem>>
      %dma_wait3A_134 = tpu.memref_squeeze %dma_wait3A_133 : memref<1x128xi32, #tpu.memory_space<vmem>> -> memref<128xi32, #tpu.memory_space<vmem>>
      %dma_wait3A_135 = arith.constant 0 : i32
      %dma_wait3A_136 = arith.constant 0 : i32
      %dma_wait3A_137 = tpu.memref_slice %arg2[%dma_wait3A_135, %dma_wait3A_136] : memref<100352x16xf32, #tpu.memory_space<hbm>> -> memref<100352x16xf32, #tpu.memory_space<hbm>>
      tpu.wait_indirect_dma semaphore(%arg11 : memref<!tpu.dma_semaphore, #tpu.memory_space<semaphore_mem>>) src(%dma_wait3A_137 : memref<100352x16xf32, #tpu.memory_space<hbm>>) dst(%dma_wait3A_131 : memref<128x16xf32, #tpu.memory_space<vmem>>)
      %dma_start3A_138 = arith.constant 0 : i32
      %dma_start3A_139 = arith.constant 0 : i32
      %dma_start3A_140 = arith.constant 24 : i32
      %dma_start3A_141 = arith.constant 0 : i32
      %dma_start3A_142 = arith.constant 0 : i32
      %dma_start3A_143 = tpu.memref_slice %arg9[%dma_start3A_138, %dma_start3A_139, %dma_start3A_141, %dma_start3A_142] : memref<2x4x128x16xf32, #tpu.memory_space<vmem>> -> memref<1x1x128x16xf32, #tpu.memory_space<vmem>>
      %dma_start3A_144 = tpu.memref_squeeze %dma_start3A_143 : memref<1x1x128x16xf32, #tpu.memory_space<vmem>> -> memref<128x16xf32, #tpu.memory_space<vmem>>
      %dma_start3A_145 = arith.constant 0 : i32
      %dma_start3A_146 = tpu.memref_slice %arg8[%dma_start3A_140, %dma_start3A_145] : memref<28x128xi32, #tpu.memory_space<vmem>> -> memref<1x128xi32, #tpu.memory_space<vmem>>
      %dma_start3A_147 = tpu.memref_squeeze %dma_start3A_146 : memref<1x128xi32, #tpu.memory_space<vmem>> -> memref<128xi32, #tpu.memory_space<vmem>>
      %dma_start3A_148 = arith.constant 0 : i32
      %dma_start3A_149 = arith.constant 0 : i32
      %dma_start3A_150 = tpu.memref_slice %arg6[%dma_start3A_148, %dma_start3A_149] : memref<100352x16xf32, #tpu.memory_space<vmem_shared>> -> memref<100352x16xf32, #tpu.memory_space<vmem_shared>>
      tpu.enqueue_indirect_dma source(%dma_start3A_144 : memref<128x16xf32, #tpu.memory_space<vmem>>) target(%dma_start3A_150 : memref<100352x16xf32, #tpu.memory_space<vmem_shared>>) offsets(%dma_start3A_147 : memref<128xi32, #tpu.memory_space<vmem>>) semaphore(%arg12 : memref<!tpu.dma_semaphore, #tpu.memory_space<semaphore_mem>>) {add = true}
      %dma_start3A_151 = arith.constant 0 : i32
      %dma_start3A_152 = arith.constant 1 : i32
      %dma_start3A_153 = arith.constant 25 : i32
      %dma_start3A_154 = arith.constant 0 : i32
      %dma_start3A_155 = arith.constant 0 : i32
      %dma_start3A_156 = tpu.memref_slice %arg9[%dma_start3A_151, %dma_start3A_152, %dma_start3A_154, %dma_start3A_155] : memref<2x4x128x16xf32, #tpu.memory_space<vmem>> -> memref<1x1x128x16xf32, #tpu.memory_space<vmem>>
      %dma_start3A_157 = tpu.memref_squeeze %dma_start3A_156 : memref<1x1x128x16xf32, #tpu.memory_space<vmem>> -> memref<128x16xf32, #tpu.memory_space<vmem>>
      %dma_start3A_158 = arith.constant 0 : i32
      %dma_start3A_159 = tpu.memref_slice %arg8[%dma_start3A_153, %dma_start3A_158] : memref<28x128xi32, #tpu.memory_space<vmem>> -> memref<1x128xi32, #tpu.memory_space<vmem>>
      %dma_start3A_160 = tpu.memref_squeeze %dma_start3A_159 : memref<1x128xi32, #tpu.memory_space<vmem>> -> memref<128xi32, #tpu.memory_space<vmem>>
      %dma_start3A_161 = arith.constant 0 : i32
      %dma_start3A_162 = arith.constant 0 : i32
      %dma_start3A_163 = tpu.memref_slice %arg6[%dma_start3A_161, %dma_start3A_162] : memref<100352x16xf32, #tpu.memory_space<vmem_shared>> -> memref<100352x16xf32, #tpu.memory_space<vmem_shared>>
      tpu.enqueue_indirect_dma source(%dma_start3A_157 : memref<128x16xf32, #tpu.memory_space<vmem>>) target(%dma_start3A_163 : memref<100352x16xf32, #tpu.memory_space<vmem_shared>>) offsets(%dma_start3A_160 : memref<128xi32, #tpu.memory_space<vmem>>) semaphore(%arg12 : memref<!tpu.dma_semaphore, #tpu.memory_space<semaphore_mem>>) {add = true}
      %dma_start3A_164 = arith.constant 0 : i32
      %dma_start3A_165 = arith.constant 2 : i32
      %dma_start3A_166 = arith.constant 26 : i32
      %dma_start3A_167 = arith.constant 0 : i32
      %dma_start3A_168 = arith.constant 0 : i32
      %dma_start3A_169 = tpu.memref_slice %arg9[%dma_start3A_164, %dma_start3A_165, %dma_start3A_167, %dma_start3A_168] : memref<2x4x128x16xf32, #tpu.memory_space<vmem>> -> memref<1x1x128x16xf32, #tpu.memory_space<vmem>>
      %dma_start3A_170 = tpu.memref_squeeze %dma_start3A_169 : memref<1x1x128x16xf32, #tpu.memory_space<vmem>> -> memref<128x16xf32, #tpu.memory_space<vmem>>
      %dma_start3A_171 = arith.constant 0 : i32
      %dma_start3A_172 = tpu.memref_slice %arg8[%dma_start3A_166, %dma_start3A_171] : memref<28x128xi32, #tpu.memory_space<vmem>> -> memref<1x128xi32, #tpu.memory_space<vmem>>
      %dma_start3A_173 = tpu.memref_squeeze %dma_start3A_172 : memref<1x128xi32, #tpu.memory_space<vmem>> -> memref<128xi32, #tpu.memory_space<vmem>>
      %dma_start3A_174 = arith.constant 0 : i32
      %dma_start3A_175 = arith.constant 0 : i32
      %dma_start3A_176 = tpu.memref_slice %arg6[%dma_start3A_174, %dma_start3A_175] : memref<100352x16xf32, #tpu.memory_space<vmem_shared>> -> memref<100352x16xf32, #tpu.memory_space<vmem_shared>>
      tpu.enqueue_indirect_dma source(%dma_start3A_170 : memref<128x16xf32, #tpu.memory_space<vmem>>) target(%dma_start3A_176 : memref<100352x16xf32, #tpu.memory_space<vmem_shared>>) offsets(%dma_start3A_173 : memref<128xi32, #tpu.memory_space<vmem>>) semaphore(%arg12 : memref<!tpu.dma_semaphore, #tpu.memory_space<semaphore_mem>>) {add = true}
      %dma_start3A_177 = arith.constant 0 : i32
      %dma_start3A_178 = arith.constant 3 : i32
      %dma_start3A_179 = arith.constant 27 : i32
      %dma_start3A_180 = arith.constant 0 : i32
      %dma_start3A_181 = arith.constant 0 : i32
      %dma_start3A_182 = tpu.memref_slice %arg9[%dma_start3A_177, %dma_start3A_178, %dma_start3A_180, %dma_start3A_181] : memref<2x4x128x16xf32, #tpu.memory_space<vmem>> -> memref<1x1x128x16xf32, #tpu.memory_space<vmem>>
      %dma_start3A_183 = tpu.memref_squeeze %dma_start3A_182 : memref<1x1x128x16xf32, #tpu.memory_space<vmem>> -> memref<128x16xf32, #tpu.memory_space<vmem>>
      %dma_start3A_184 = arith.constant 0 : i32
      %dma_start3A_185 = tpu.memref_slice %arg8[%dma_start3A_179, %dma_start3A_184] : memref<28x128xi32, #tpu.memory_space<vmem>> -> memref<1x128xi32, #tpu.memory_space<vmem>>
      %dma_start3A_186 = tpu.memref_squeeze %dma_start3A_185 : memref<1x128xi32, #tpu.memory_space<vmem>> -> memref<128xi32, #tpu.memory_space<vmem>>
      %dma_start3A_187 = arith.constant 0 : i32
      %dma_start3A_188 = arith.constant 0 : i32
      %dma_start3A_189 = tpu.memref_slice %arg6[%dma_start3A_187, %dma_start3A_188] : memref<100352x16xf32, #tpu.memory_space<vmem_shared>> -> memref<100352x16xf32, #tpu.memory_space<vmem_shared>>
      tpu.enqueue_indirect_dma source(%dma_start3A_183 : memref<128x16xf32, #tpu.memory_space<vmem>>) target(%dma_start3A_189 : memref<100352x16xf32, #tpu.memory_space<vmem_shared>>) offsets(%dma_start3A_186 : memref<128xi32, #tpu.memory_space<vmem>>) semaphore(%arg12 : memref<!tpu.dma_semaphore, #tpu.memory_space<semaphore_mem>>) {add = true}
      %dma_wait3A_190 = arith.constant 0 : i32
      %dma_wait3A_191 = arith.constant 0 : i32
      %dma_wait3A_192 = arith.constant 24 : i32
      %dma_wait3A_193 = arith.constant 0 : i32
      %dma_wait3A_194 = arith.constant 0 : i32
      %dma_wait3A_195 = tpu.memref_slice %arg9[%dma_wait3A_190, %dma_wait3A_191, %dma_wait3A_193, %dma_wait3A_194] : memref<2x4x128x16xf32, #tpu.memory_space<vmem>> -> memref<1x1x128x16xf32, #tpu.memory_space<vmem>>
      %dma_wait3A_196 = tpu.memref_squeeze %dma_wait3A_195 : memref<1x1x128x16xf32, #tpu.memory_space<vmem>> -> memref<128x16xf32, #tpu.memory_space<vmem>>
      %dma_wait3A_197 = arith.constant 0 : i32
      %dma_wait3A_198 = tpu.memref_slice %arg8[%dma_wait3A_192, %dma_wait3A_197] : memref<28x128xi32, #tpu.memory_space<vmem>> -> memref<1x128xi32, #tpu.memory_space<vmem>>
      %dma_wait3A_199 = tpu.memref_squeeze %dma_wait3A_198 : memref<1x128xi32, #tpu.memory_space<vmem>> -> memref<128xi32, #tpu.memory_space<vmem>>
      %dma_wait3A_200 = arith.constant 0 : i32
      %dma_wait3A_201 = arith.constant 0 : i32
      %dma_wait3A_202 = tpu.memref_slice %arg6[%dma_wait3A_200, %dma_wait3A_201] : memref<100352x16xf32, #tpu.memory_space<vmem_shared>> -> memref<100352x16xf32, #tpu.memory_space<vmem_shared>>
      tpu.wait_indirect_dma semaphore(%arg12 : memref<!tpu.dma_semaphore, #tpu.memory_space<semaphore_mem>>) src(%dma_wait3A_196 : memref<128x16xf32, #tpu.memory_space<vmem>>) dst(%dma_wait3A_202 : memref<100352x16xf32, #tpu.memory_space<vmem_shared>>)
      %dma_wait3A_203 = arith.constant 0 : i32
      %dma_wait3A_204 = arith.constant 1 : i32
      %dma_wait3A_205 = arith.constant 25 : i32
      %dma_wait3A_206 = arith.constant 0 : i32
      %dma_wait3A_207 = arith.constant 0 : i32
      %dma_wait3A_208 = tpu.memref_slice %arg9[%dma_wait3A_203, %dma_wait3A_204, %dma_wait3A_206, %dma_wait3A_207] : memref<2x4x128x16xf32, #tpu.memory_space<vmem>> -> memref<1x1x128x16xf32, #tpu.memory_space<vmem>>
      %dma_wait3A_209 = tpu.memref_squeeze %dma_wait3A_208 : memref<1x1x128x16xf32, #tpu.memory_space<vmem>> -> memref<128x16xf32, #tpu.memory_space<vmem>>
      %dma_wait3A_210 = arith.constant 0 : i32
      %dma_wait3A_211 = tpu.memref_slice %arg8[%dma_wait3A_205, %dma_wait3A_210] : memref<28x128xi32, #tpu.memory_space<vmem>> -> memref<1x128xi32, #tpu.memory_space<vmem>>
      %dma_wait3A_212 = tpu.memref_squeeze %dma_wait3A_211 : memref<1x128xi32, #tpu.memory_space<vmem>> -> memref<128xi32, #tpu.memory_space<vmem>>
      %dma_wait3A_213 = arith.constant 0 : i32
      %dma_wait3A_214 = arith.constant 0 : i32
      %dma_wait3A_215 = tpu.memref_slice %arg6[%dma_wait3A_213, %dma_wait3A_214] : memref<100352x16xf32, #tpu.memory_space<vmem_shared>> -> memref<100352x16xf32, #tpu.memory_space<vmem_shared>>
      tpu.wait_indirect_dma semaphore(%arg12 : memref<!tpu.dma_semaphore, #tpu.memory_space<semaphore_mem>>) src(%dma_wait3A_209 : memref<128x16xf32, #tpu.memory_space<vmem>>) dst(%dma_wait3A_215 : memref<100352x16xf32, #tpu.memory_space<vmem_shared>>)
      %dma_wait3A_216 = arith.constant 0 : i32
      %dma_wait3A_217 = arith.constant 2 : i32
      %dma_wait3A_218 = arith.constant 26 : i32
      %dma_wait3A_219 = arith.constant 0 : i32
      %dma_wait3A_220 = arith.constant 0 : i32
      %dma_wait3A_221 = tpu.memref_slice %arg9[%dma_wait3A_216, %dma_wait3A_217, %dma_wait3A_219, %dma_wait3A_220] : memref<2x4x128x16xf32, #tpu.memory_space<vmem>> -> memref<1x1x128x16xf32, #tpu.memory_space<vmem>>
      %dma_wait3A_222 = tpu.memref_squeeze %dma_wait3A_221 : memref<1x1x128x16xf32, #tpu.memory_space<vmem>> -> memref<128x16xf32, #tpu.memory_space<vmem>>
      %dma_wait3A_223 = arith.constant 0 : i32
      %dma_wait3A_224 = tpu.memref_slice %arg8[%dma_wait3A_218, %dma_wait3A_223] : memref<28x128xi32, #tpu.memory_space<vmem>> -> memref<1x128xi32, #tpu.memory_space<vmem>>
      %dma_wait3A_225 = tpu.memref_squeeze %dma_wait3A_224 : memref<1x128xi32, #tpu.memory_space<vmem>> -> memref<128xi32, #tpu.memory_space<vmem>>
      %dma_wait3A_226 = arith.constant 0 : i32
      %dma_wait3A_227 = arith.constant 0 : i32
      %dma_wait3A_228 = tpu.memref_slice %arg6[%dma_wait3A_226, %dma_wait3A_227] : memref<100352x16xf32, #tpu.memory_space<vmem_shared>> -> memref<100352x16xf32, #tpu.memory_space<vmem_shared>>
      tpu.wait_indirect_dma semaphore(%arg12 : memref<!tpu.dma_semaphore, #tpu.memory_space<semaphore_mem>>) src(%dma_wait3A_222 : memref<128x16xf32, #tpu.memory_space<vmem>>) dst(%dma_wait3A_228 : memref<100352x16xf32, #tpu.memory_space<vmem_shared>>)
      %dma_wait3A_229 = arith.constant 0 : i32
      %dma_wait3A_230 = arith.constant 3 : i32
      %dma_wait3A_231 = arith.constant 27 : i32
      %dma_wait3A_232 = arith.constant 0 : i32
      %dma_wait3A_233 = arith.constant 0 : i32
      %dma_wait3A_234 = tpu.memref_slice %arg9[%dma_wait3A_229, %dma_wait3A_230, %dma_wait3A_232, %dma_wait3A_233] : memref<2x4x128x16xf32, #tpu.memory_space<vmem>> -> memref<1x1x128x16xf32, #tpu.memory_space<vmem>>
      %dma_wait3A_235 = tpu.memref_squeeze %dma_wait3A_234 : memref<1x1x128x16xf32, #tpu.memory_space<vmem>> -> memref<128x16xf32, #tpu.memory_space<vmem>>
      %dma_wait3A_236 = arith.constant 0 : i32
      %dma_wait3A_237 = tpu.memref_slice %arg8[%dma_wait3A_231, %dma_wait3A_236] : memref<28x128xi32, #tpu.memory_space<vmem>> -> memref<1x128xi32, #tpu.memory_space<vmem>>
      %dma_wait3A_238 = tpu.memref_squeeze %dma_wait3A_237 : memref<1x128xi32, #tpu.memory_space<vmem>> -> memref<128xi32, #tpu.memory_space<vmem>>
      %dma_wait3A_239 = arith.constant 0 : i32
      %dma_wait3A_240 = arith.constant 0 : i32
      %dma_wait3A_241 = tpu.memref_slice %arg6[%dma_wait3A_239, %dma_wait3A_240] : memref<100352x16xf32, #tpu.memory_space<vmem_shared>> -> memref<100352x16xf32, #tpu.memory_space<vmem_shared>>
      tpu.wait_indirect_dma semaphore(%arg12 : memref<!tpu.dma_semaphore, #tpu.memory_space<semaphore_mem>>) src(%dma_wait3A_235 : memref<128x16xf32, #tpu.memory_space<vmem>>) dst(%dma_wait3A_241 : memref<100352x16xf32, #tpu.memory_space<vmem_shared>>)
    }
    %scan3A_21 = arith.constant 14 : i32
    %barrier3A_22 = arith.constant 0 : index
    tpu.barrier barrier_id(%barrier3A_22)
    %mul3A_23 = arith.constant 100352 : i32
    %mul3A_24 = arith.muli %arg0, %mul3A_23 : i32
    %add3A_25 = arith.addi %mul3A_24, %mul3A_2 : i32
    "tpu.region"() ({
      %run_scoped3A = tpu.sem_alloc : memref<!tpu.dma_semaphore, #tpu.memory_space<semaphore_mem>>
      %dma_start3A = arith.constant 0 : i32
      %dma_start3A_26 = tpu.memref_slice %arg5[%add3A_25, %dma_start3A] : memref<200704x16xf32, #tpu.memory_space<hbm>> -> memref<6272x16xf32, #tpu.memory_space<hbm>>
      %dma_start3A_27 = arith.constant 0 : i32
      %dma_start3A_28 = tpu.memref_slice %arg6[%mul3A_2, %dma_start3A_27] : memref<100352x16xf32, #tpu.memory_space<vmem_shared>> -> memref<6272x16xf32, #tpu.memory_space<vmem_shared>>
      tpu.enqueue_dma source(%dma_start3A_28 : memref<6272x16xf32, #tpu.memory_space<vmem_shared>>) target(%dma_start3A_26 : memref<6272x16xf32, #tpu.memory_space<hbm>>) target_semaphore(%run_scoped3A : memref<!tpu.dma_semaphore, #tpu.memory_space<semaphore_mem>>)
      %dma_wait3A = arith.constant 0 : i32
      %dma_wait3A_29 = tpu.memref_slice %arg5[%add3A_25, %dma_wait3A] : memref<200704x16xf32, #tpu.memory_space<hbm>> -> memref<6272x16xf32, #tpu.memory_space<hbm>>
      %dma_wait3A_30 = arith.constant 0 : i32
      %dma_wait3A_31 = tpu.memref_slice %arg6[%mul3A_2, %dma_wait3A_30] : memref<100352x16xf32, #tpu.memory_space<vmem_shared>> -> memref<6272x16xf32, #tpu.memory_space<vmem_shared>>
      tpu.wait_dma2 semaphore(%run_scoped3A : memref<!tpu.dma_semaphore, #tpu.memory_space<semaphore_mem>>) src(%dma_wait3A_31 : memref<6272x16xf32, #tpu.memory_space<vmem_shared>>) dst(%dma_wait3A_29 : memref<6272x16xf32, #tpu.memory_space<hbm>>)
      tpu.yield
    }) : () -> ()
    return
  }
}

#map = affine_map<(d0, d1) -> (0, 0)>
#map1 = affine_map<(d0, d1) -> (0, 0, 0)>
module attributes {stable_mosaic.version = 14 : i64} {
  func.func @_sc_layer2_body(%arg0: i32, %arg1: i32, %arg2: memref<401408x16xf32, #tpu.memory_space<hbm>>, %arg3: memref<4x12544x128xi32, #tpu.memory_space<hbm>>, %arg4: memref<12544x128xi32, #tpu.memory_space<hbm>>, %arg5: memref<401408x16xf32, #tpu.memory_space<hbm>>, %arg6: memref<100352x16xf32, #tpu.memory_space<vmem_shared>>, %arg7: memref<28x128xi32, #tpu.memory_space<vmem>>, %arg8: memref<28x128xi32, #tpu.memory_space<vmem>>, %arg9: memref<2x4x128x16xf32, #tpu.memory_space<vmem>>, %arg10: memref<128x16xf32, #tpu.memory_space<vmem>>, %arg11: memref<!tpu.dma_semaphore, #tpu.memory_space<semaphore_mem>>, %arg12: memref<!tpu.dma_semaphore, #tpu.memory_space<semaphore_mem>>) attributes {dimension_semantics = [#tpu.dimension_semantics<core_parallel>, #tpu.dimension_semantics<subcore_parallel>], iteration_bounds = array<i64: 2, 16>, scalar_prefetch = 0 : i64, scratch_operands = 7 : i64, tpu.core_type = #tpu.core_type<sc_vector_subcore>, window_params = [{transform_indices = #map}, {transform_indices = #map1}, {transform_indices = #map}, {transform_indices = #map}]} {
    %mul3A = arith.constant 6272 : i32
    %mul3A_0 = arith.muli %arg1, %mul3A : i32
    %scan3A = arith.constant 0 : i32
    %scan3A_1 = arith.constant 0 : i32
    %scan3A_2 = arith.constant 128 : i32
    %scan3A_3 = arith.addi %scan3A_1, %scan3A_2 : i32
    %scan3A_4 = arith.constant 1 : i32
    scf.for %scan3A_12 = %scan3A_1 to %scan3A_3 step %scan3A_4  : i32 {
      %broadcast_in_dim3A = arith.constant 0.000000e+00 : f32
      %broadcast_in_dim3A_13 = vector.broadcast %broadcast_in_dim3A : f32 to vector<16xf32>
      %swap3A = arith.index_cast %scan3A_12 : i32 to index
      %swap3A_14 = arith.constant 0 : index
      %swap3A_15 = tpu.vector_load %arg10[%swap3A, %swap3A_14] {strides = array<i32>} : memref<128x16xf32, #tpu.memory_space<vmem>>, vector<1x16xf32>,
      %swap3A_16 = vector.shape_cast %swap3A_15 : vector<1x16xf32> to vector<16xf32>
      %swap3A_17 = vector.shape_cast %broadcast_in_dim3A_13 : vector<16xf32> to vector<1x16xf32>
      tpu.vector_store %arg10[%swap3A, %swap3A_14], %swap3A_17 {strides = array<i32>} : memref<128x16xf32, #tpu.memory_space<vmem>>, vector<1x16xf32>,
    }
    %scan3A_5 = arith.constant 128 : i32
    %scan3A_6 = arith.constant 0 : i32
    %scan3A_7 = arith.constant 0 : i32
    %scan3A_8 = arith.constant 2 : i32
    %scan3A_9 = arith.addi %scan3A_7, %scan3A_8 : i32
    %scan3A_10 = arith.constant 1 : i32
    scf.for %scan3A_12 = %scan3A_7 to %scan3A_9 step %scan3A_10  : i32 {
      %mul3A_13 = arith.constant 2 : i32
      %mul3A_14 = arith.muli %arg0, %mul3A_13 : i32
      %add3A = arith.addi %mul3A_14, %scan3A_12 : i32
      %scan3A_15 = arith.constant 0 : i32
      %scan3A_16 = arith.constant 0 : i32
      %scan3A_17 = arith.constant 49 : i32
      %scan3A_18 = arith.addi %scan3A_16, %scan3A_17 : i32
      %scan3A_19 = arith.constant 1 : i32
      scf.for %scan3A_34 = %scan3A_16 to %scan3A_18 step %scan3A_19  : i32 {
        %mul3A_35 = arith.constant 128 : i32
        %mul3A_36 = arith.muli %scan3A_34, %mul3A_35 : i32
        %add3A_37 = arith.addi %mul3A_0, %mul3A_36 : i32
        "tpu.region"() ({
          %run_scoped3A = tpu.sem_alloc : memref<!tpu.dma_semaphore, #tpu.memory_space<semaphore_mem>>
          %dma_start3A = arith.constant 0 : i32
          %dma_start3A_38 = tpu.memref_slice %arg6[%add3A_37, %dma_start3A] : memref<100352x16xf32, #tpu.memory_space<vmem_shared>> -> memref<128x16xf32, #tpu.memory_space<vmem_shared>>
          %dma_start3A_39 = arith.constant 0 : i32
          %dma_start3A_40 = tpu.memref_slice %arg6[%add3A_37, %dma_start3A_39] : memref<100352x16xf32, #tpu.memory_space<vmem_shared>> -> memref<128x16xf32, #tpu.memory_space<vmem_shared>>
          tpu.enqueue_dma source(%arg10 : memref<128x16xf32, #tpu.memory_space<vmem>>) target(%dma_start3A_40 : memref<128x16xf32, #tpu.memory_space<vmem_shared>>) target_semaphore(%run_scoped3A : memref<!tpu.dma_semaphore, #tpu.memory_space<semaphore_mem>>)
          %dma_wait3A = arith.constant 0 : i32
          %dma_wait3A_41 = tpu.memref_slice %arg6[%add3A_37, %dma_wait3A] : memref<100352x16xf32, #tpu.memory_space<vmem_shared>> -> memref<128x16xf32, #tpu.memory_space<vmem_shared>>
          %dma_wait3A_42 = arith.constant 0 : i32
          %dma_wait3A_43 = tpu.memref_slice %arg6[%add3A_37, %dma_wait3A_42] : memref<100352x16xf32, #tpu.memory_space<vmem_shared>> -> memref<128x16xf32, #tpu.memory_space<vmem_shared>>
          tpu.wait_dma2 semaphore(%run_scoped3A : memref<!tpu.dma_semaphore, #tpu.memory_space<semaphore_mem>>) src(%arg10 : memref<128x16xf32, #tpu.memory_space<vmem>>) dst(%dma_wait3A_43 : memref<128x16xf32, #tpu.memory_space<vmem_shared>>)
          tpu.yield
        }) : () -> ()
      }
      %scan3A_20 = arith.constant 49 : i32
      %barrier3A = arith.constant 0 : index
      tpu.barrier barrier_id(%barrier3A)
      %mul3A_21 = arith.constant 784 : i32
      %mul3A_22 = arith.muli %arg1, %mul3A_21 : i32
      %scan3A_23 = arith.constant 0 : i32
      %scan3A_24 = arith.constant 0 : i32
      %scan3A_25 = arith.constant 28 : i32
      %scan3A_26 = arith.addi %scan3A_24, %scan3A_25 : i32
      %scan3A_27 = arith.constant 1 : i32
      scf.for %scan3A_34 = %scan3A_24 to %scan3A_26 step %scan3A_27  : i32 {
        %mul3A_35 = arith.constant 28 : i32
        %mul3A_36 = arith.muli %scan3A_34, %mul3A_35 : i32
        %add3A_37 = arith.addi %mul3A_22, %mul3A_36 : i32
        "tpu.region"() ({
          %run_scoped3A = tpu.sem_alloc : memref<!tpu.dma_semaphore, #tpu.memory_space<semaphore_mem>>
          %dma_start3A_250 = arith.constant 0 : i32
          %dma_start3A_251 = arith.constant 0 : i32
          %dma_start3A_252 = tpu.memref_slice %arg3[%add3A, %dma_start3A_250, %dma_start3A_251] : memref<4x12544x128xi32, #tpu.memory_space<hbm>> -> memref<1x12544x128xi32, #tpu.memory_space<hbm>>
          %dma_start3A_253 = tpu.memref_squeeze %dma_start3A_252 : memref<1x12544x128xi32, #tpu.memory_space<hbm>> -> memref<12544x128xi32, #tpu.memory_space<hbm>>
          %dma_start3A_254 = arith.constant 0 : i32
          %dma_start3A_255 = tpu.memref_slice %dma_start3A_253[%add3A_37, %dma_start3A_254] : memref<12544x128xi32, #tpu.memory_space<hbm>> -> memref<28x128xi32, #tpu.memory_space<hbm>>
          %dma_start3A_256 = arith.constant 0 : i32
          %dma_start3A_257 = arith.constant 0 : i32
          %dma_start3A_258 = tpu.memref_slice %arg3[%add3A, %dma_start3A_256, %dma_start3A_257] : memref<4x12544x128xi32, #tpu.memory_space<hbm>> -> memref<1x12544x128xi32, #tpu.memory_space<hbm>>
          %dma_start3A_259 = tpu.memref_squeeze %dma_start3A_258 : memref<1x12544x128xi32, #tpu.memory_space<hbm>> -> memref<12544x128xi32, #tpu.memory_space<hbm>>
          %dma_start3A_260 = arith.constant 0 : i32
          %dma_start3A_261 = tpu.memref_slice %dma_start3A_259[%add3A_37, %dma_start3A_260] : memref<12544x128xi32, #tpu.memory_space<hbm>> -> memref<28x128xi32, #tpu.memory_space<hbm>>
          tpu.enqueue_dma source(%dma_start3A_261 : memref<28x128xi32, #tpu.memory_space<hbm>>) target(%arg7 : memref<28x128xi32, #tpu.memory_space<vmem>>) target_semaphore(%run_scoped3A : memref<!tpu.dma_semaphore, #tpu.memory_space<semaphore_mem>>)
          %dma_wait3A_262 = arith.constant 0 : i32
          %dma_wait3A_263 = arith.constant 0 : i32
          %dma_wait3A_264 = tpu.memref_slice %arg3[%add3A, %dma_wait3A_262, %dma_wait3A_263] : memref<4x12544x128xi32, #tpu.memory_space<hbm>> -> memref<1x12544x128xi32, #tpu.memory_space<hbm>>
          %dma_wait3A_265 = tpu.memref_squeeze %dma_wait3A_264 : memref<1x12544x128xi32, #tpu.memory_space<hbm>> -> memref<12544x128xi32, #tpu.memory_space<hbm>>
          %dma_wait3A_266 = arith.constant 0 : i32
          %dma_wait3A_267 = tpu.memref_slice %dma_wait3A_265[%add3A_37, %dma_wait3A_266] : memref<12544x128xi32, #tpu.memory_space<hbm>> -> memref<28x128xi32, #tpu.memory_space<hbm>>
          %dma_wait3A_268 = arith.constant 0 : i32
          %dma_wait3A_269 = arith.constant 0 : i32
          %dma_wait3A_270 = tpu.memref_slice %arg3[%add3A, %dma_wait3A_268, %dma_wait3A_269] : memref<4x12544x128xi32, #tpu.memory_space<hbm>> -> memref<1x12544x128xi32, #tpu.memory_space<hbm>>
          %dma_wait3A_271 = tpu.memref_squeeze %dma_wait3A_270 : memref<1x12544x128xi32, #tpu.memory_space<hbm>> -> memref<12544x128xi32, #tpu.memory_space<hbm>>
          %dma_wait3A_272 = arith.constant 0 : i32
          %dma_wait3A_273 = tpu.memref_slice %dma_wait3A_271[%add3A_37, %dma_wait3A_272] : memref<12544x128xi32, #tpu.memory_space<hbm>> -> memref<28x128xi32, #tpu.memory_space<hbm>>
          tpu.wait_dma2 semaphore(%run_scoped3A : memref<!tpu.dma_semaphore, #tpu.memory_space<semaphore_mem>>) src(%dma_wait3A_273 : memref<28x128xi32, #tpu.memory_space<hbm>>) dst(%arg7 : memref<28x128xi32, #tpu.memory_space<vmem>>)
          tpu.yield
        }) : () -> ()
        "tpu.region"() ({
          %run_scoped3A = tpu.sem_alloc : memref<!tpu.dma_semaphore, #tpu.memory_space<semaphore_mem>>
          %dma_start3A_250 = arith.constant 0 : i32
          %dma_start3A_251 = tpu.memref_slice %arg4[%add3A_37, %dma_start3A_250] : memref<12544x128xi32, #tpu.memory_space<hbm>> -> memref<28x128xi32, #tpu.memory_space<hbm>>
          %dma_start3A_252 = arith.constant 0 : i32
          %dma_start3A_253 = tpu.memref_slice %arg4[%add3A_37, %dma_start3A_252] : memref<12544x128xi32, #tpu.memory_space<hbm>> -> memref<28x128xi32, #tpu.memory_space<hbm>>
          tpu.enqueue_dma source(%dma_start3A_253 : memref<28x128xi32, #tpu.memory_space<hbm>>) target(%arg8 : memref<28x128xi32, #tpu.memory_space<vmem>>) target_semaphore(%run_scoped3A : memref<!tpu.dma_semaphore, #tpu.memory_space<semaphore_mem>>)
          %dma_wait3A_254 = arith.constant 0 : i32
          %dma_wait3A_255 = tpu.memref_slice %arg4[%add3A_37, %dma_wait3A_254] : memref<12544x128xi32, #tpu.memory_space<hbm>> -> memref<28x128xi32, #tpu.memory_space<hbm>>
          %dma_wait3A_256 = arith.constant 0 : i32
          %dma_wait3A_257 = tpu.memref_slice %arg4[%add3A_37, %dma_wait3A_256] : memref<12544x128xi32, #tpu.memory_space<hbm>> -> memref<28x128xi32, #tpu.memory_space<hbm>>
          tpu.wait_dma2 semaphore(%run_scoped3A : memref<!tpu.dma_semaphore, #tpu.memory_space<semaphore_mem>>) src(%dma_wait3A_257 : memref<28x128xi32, #tpu.memory_space<hbm>>) dst(%arg8 : memref<28x128xi32, #tpu.memory_space<vmem>>)
          tpu.yield
        }) : () -> ()
        %dma_start3A = arith.constant 0 : i32
        %dma_start3A_38 = arith.constant 0 : i32
        %dma_start3A_39 = arith.constant 0 : i32
        %dma_start3A_40 = arith.constant 0 : i32
        %dma_start3A_41 = arith.constant 0 : i32
        %dma_start3A_42 = tpu.memref_slice %arg9[%dma_start3A_38, %dma_start3A_39, %dma_start3A_40, %dma_start3A_41] : memref<2x4x128x16xf32, #tpu.memory_space<vmem>> -> memref<1x1x128x16xf32, #tpu.memory_space<vmem>>
        %dma_start3A_43 = tpu.memref_squeeze %dma_start3A_42 : memref<1x1x128x16xf32, #tpu.memory_space<vmem>> -> memref<128x16xf32, #tpu.memory_space<vmem>>
        %dma_start3A_44 = arith.constant 0 : i32
        %dma_start3A_45 = tpu.memref_slice %arg7[%dma_start3A, %dma_start3A_44] : memref<28x128xi32, #tpu.memory_space<vmem>> -> memref<1x128xi32, #tpu.memory_space<vmem>>
        %dma_start3A_46 = tpu.memref_squeeze %dma_start3A_45 : memref<1x128xi32, #tpu.memory_space<vmem>> -> memref<128xi32, #tpu.memory_space<vmem>>
        %dma_start3A_47 = arith.constant 0 : i32
        %dma_start3A_48 = arith.constant 0 : i32
        %dma_start3A_49 = tpu.memref_slice %arg2[%dma_start3A_47, %dma_start3A_48] : memref<401408x16xf32, #tpu.memory_space<hbm>> -> memref<401408x16xf32, #tpu.memory_space<hbm>>
        tpu.enqueue_indirect_dma source(%dma_start3A_49 : memref<401408x16xf32, #tpu.memory_space<hbm>>) target(%dma_start3A_43 : memref<128x16xf32, #tpu.memory_space<vmem>>) offsets(%dma_start3A_46 : memref<128xi32, #tpu.memory_space<vmem>>) semaphore(%arg11 : memref<!tpu.dma_semaphore, #tpu.memory_space<semaphore_mem>>)
        %dma_start3A_50 = arith.constant 1 : i32
        %dma_start3A_51 = arith.constant 0 : i32
        %dma_start3A_52 = arith.constant 1 : i32
        %dma_start3A_53 = arith.constant 0 : i32
        %dma_start3A_54 = arith.constant 0 : i32
        %dma_start3A_55 = tpu.memref_slice %arg9[%dma_start3A_51, %dma_start3A_52, %dma_start3A_53, %dma_start3A_54] : memref<2x4x128x16xf32, #tpu.memory_space<vmem>> -> memref<1x1x128x16xf32, #tpu.memory_space<vmem>>
        %dma_start3A_56 = tpu.memref_squeeze %dma_start3A_55 : memref<1x1x128x16xf32, #tpu.memory_space<vmem>> -> memref<128x16xf32, #tpu.memory_space<vmem>>
        %dma_start3A_57 = arith.constant 0 : i32
        %dma_start3A_58 = tpu.memref_slice %arg7[%dma_start3A_50, %dma_start3A_57] : memref<28x128xi32, #tpu.memory_space<vmem>> -> memref<1x128xi32, #tpu.memory_space<vmem>>
        %dma_start3A_59 = tpu.memref_squeeze %dma_start3A_58 : memref<1x128xi32, #tpu.memory_space<vmem>> -> memref<128xi32, #tpu.memory_space<vmem>>
        %dma_start3A_60 = arith.constant 0 : i32
        %dma_start3A_61 = arith.constant 0 : i32
        %dma_start3A_62 = tpu.memref_slice %arg2[%dma_start3A_60, %dma_start3A_61] : memref<401408x16xf32, #tpu.memory_space<hbm>> -> memref<401408x16xf32, #tpu.memory_space<hbm>>
        tpu.enqueue_indirect_dma source(%dma_start3A_62 : memref<401408x16xf32, #tpu.memory_space<hbm>>) target(%dma_start3A_56 : memref<128x16xf32, #tpu.memory_space<vmem>>) offsets(%dma_start3A_59 : memref<128xi32, #tpu.memory_space<vmem>>) semaphore(%arg11 : memref<!tpu.dma_semaphore, #tpu.memory_space<semaphore_mem>>)
        %dma_start3A_63 = arith.constant 2 : i32
        %dma_start3A_64 = arith.constant 0 : i32
        %dma_start3A_65 = arith.constant 2 : i32
        %dma_start3A_66 = arith.constant 0 : i32
        %dma_start3A_67 = arith.constant 0 : i32
        %dma_start3A_68 = tpu.memref_slice %arg9[%dma_start3A_64, %dma_start3A_65, %dma_start3A_66, %dma_start3A_67] : memref<2x4x128x16xf32, #tpu.memory_space<vmem>> -> memref<1x1x128x16xf32, #tpu.memory_space<vmem>>
        %dma_start3A_69 = tpu.memref_squeeze %dma_start3A_68 : memref<1x1x128x16xf32, #tpu.memory_space<vmem>> -> memref<128x16xf32, #tpu.memory_space<vmem>>
        %dma_start3A_70 = arith.constant 0 : i32
        %dma_start3A_71 = tpu.memref_slice %arg7[%dma_start3A_63, %dma_start3A_70] : memref<28x128xi32, #tpu.memory_space<vmem>> -> memref<1x128xi32, #tpu.memory_space<vmem>>
        %dma_start3A_72 = tpu.memref_squeeze %dma_start3A_71 : memref<1x128xi32, #tpu.memory_space<vmem>> -> memref<128xi32, #tpu.memory_space<vmem>>
        %dma_start3A_73 = arith.constant 0 : i32
        %dma_start3A_74 = arith.constant 0 : i32
        %dma_start3A_75 = tpu.memref_slice %arg2[%dma_start3A_73, %dma_start3A_74] : memref<401408x16xf32, #tpu.memory_space<hbm>> -> memref<401408x16xf32, #tpu.memory_space<hbm>>
        tpu.enqueue_indirect_dma source(%dma_start3A_75 : memref<401408x16xf32, #tpu.memory_space<hbm>>) target(%dma_start3A_69 : memref<128x16xf32, #tpu.memory_space<vmem>>) offsets(%dma_start3A_72 : memref<128xi32, #tpu.memory_space<vmem>>) semaphore(%arg11 : memref<!tpu.dma_semaphore, #tpu.memory_space<semaphore_mem>>)
        %dma_start3A_76 = arith.constant 3 : i32
        %dma_start3A_77 = arith.constant 0 : i32
        %dma_start3A_78 = arith.constant 3 : i32
        %dma_start3A_79 = arith.constant 0 : i32
        %dma_start3A_80 = arith.constant 0 : i32
        %dma_start3A_81 = tpu.memref_slice %arg9[%dma_start3A_77, %dma_start3A_78, %dma_start3A_79, %dma_start3A_80] : memref<2x4x128x16xf32, #tpu.memory_space<vmem>> -> memref<1x1x128x16xf32, #tpu.memory_space<vmem>>
        %dma_start3A_82 = tpu.memref_squeeze %dma_start3A_81 : memref<1x1x128x16xf32, #tpu.memory_space<vmem>> -> memref<128x16xf32, #tpu.memory_space<vmem>>
        %dma_start3A_83 = arith.constant 0 : i32
        %dma_start3A_84 = tpu.memref_slice %arg7[%dma_start3A_76, %dma_start3A_83] : memref<28x128xi32, #tpu.memory_space<vmem>> -> memref<1x128xi32, #tpu.memory_space<vmem>>
        %dma_start3A_85 = tpu.memref_squeeze %dma_start3A_84 : memref<1x128xi32, #tpu.memory_space<vmem>> -> memref<128xi32, #tpu.memory_space<vmem>>
        %dma_start3A_86 = arith.constant 0 : i32
        %dma_start3A_87 = arith.constant 0 : i32
        %dma_start3A_88 = tpu.memref_slice %arg2[%dma_start3A_86, %dma_start3A_87] : memref<401408x16xf32, #tpu.memory_space<hbm>> -> memref<401408x16xf32, #tpu.memory_space<hbm>>
        tpu.enqueue_indirect_dma source(%dma_start3A_88 : memref<401408x16xf32, #tpu.memory_space<hbm>>) target(%dma_start3A_82 : memref<128x16xf32, #tpu.memory_space<vmem>>) offsets(%dma_start3A_85 : memref<128xi32, #tpu.memory_space<vmem>>) semaphore(%arg11 : memref<!tpu.dma_semaphore, #tpu.memory_space<semaphore_mem>>)
        %scan3A_89 = arith.constant 0 : i32
        %scan3A_90 = arith.constant 0 : i32
        %scan3A_91 = arith.constant 6 : i32
        %scan3A_92 = arith.addi %scan3A_90, %scan3A_91 : i32
        %scan3A_93 = arith.constant 1 : i32
        scf.for %scan3A_250 = %scan3A_90 to %scan3A_92 step %scan3A_93  : i32 {
          %rem3A = arith.constant 2 : i32
          %rem3A_251 = arith.remsi %scan3A_250, %rem3A : i32
          %mul3A_252 = arith.constant 4 : i32
          %mul3A_253 = arith.muli %scan3A_250, %mul3A_252 : i32
          %add3A_254 = arith.constant 0 : i32
          %add3A_255 = arith.addi %mul3A_253, %add3A_254 : i32
          %dma_wait3A_256 = arith.constant 0 : i32
          %dma_wait3A_257 = arith.constant 0 : i32
          %dma_wait3A_258 = arith.constant 0 : i32
          %dma_wait3A_259 = tpu.memref_slice %arg9[%rem3A_251, %dma_wait3A_256, %dma_wait3A_257, %dma_wait3A_258] : memref<2x4x128x16xf32, #tpu.memory_space<vmem>> -> memref<1x1x128x16xf32, #tpu.memory_space<vmem>>
          %dma_wait3A_260 = tpu.memref_squeeze %dma_wait3A_259 : memref<1x1x128x16xf32, #tpu.memory_space<vmem>> -> memref<128x16xf32, #tpu.memory_space<vmem>>
          %dma_wait3A_261 = arith.constant 0 : i32
          %dma_wait3A_262 = tpu.memref_slice %arg7[%add3A_255, %dma_wait3A_261] : memref<28x128xi32, #tpu.memory_space<vmem>> -> memref<1x128xi32, #tpu.memory_space<vmem>>
          %dma_wait3A_263 = tpu.memref_squeeze %dma_wait3A_262 : memref<1x128xi32, #tpu.memory_space<vmem>> -> memref<128xi32, #tpu.memory_space<vmem>>
          %dma_wait3A_264 = arith.constant 0 : i32
          %dma_wait3A_265 = arith.constant 0 : i32
          %dma_wait3A_266 = tpu.memref_slice %arg2[%dma_wait3A_264, %dma_wait3A_265] : memref<401408x16xf32, #tpu.memory_space<hbm>> -> memref<401408x16xf32, #tpu.memory_space<hbm>>
          tpu.wait_indirect_dma semaphore(%arg11 : memref<!tpu.dma_semaphore, #tpu.memory_space<semaphore_mem>>) src(%dma_wait3A_266 : memref<401408x16xf32, #tpu.memory_space<hbm>>) dst(%dma_wait3A_260 : memref<128x16xf32, #tpu.memory_space<vmem>>)
          %add3A_267 = arith.constant 1 : i32
          %add3A_268 = arith.addi %mul3A_253, %add3A_267 : i32
          %dma_wait3A_269 = arith.constant 1 : i32
          %dma_wait3A_270 = arith.constant 0 : i32
          %dma_wait3A_271 = arith.constant 0 : i32
          %dma_wait3A_272 = tpu.memref_slice %arg9[%rem3A_251, %dma_wait3A_269, %dma_wait3A_270, %dma_wait3A_271] : memref<2x4x128x16xf32, #tpu.memory_space<vmem>> -> memref<1x1x128x16xf32, #tpu.memory_space<vmem>>
          %dma_wait3A_273 = tpu.memref_squeeze %dma_wait3A_272 : memref<1x1x128x16xf32, #tpu.memory_space<vmem>> -> memref<128x16xf32, #tpu.memory_space<vmem>>
          %dma_wait3A_274 = arith.constant 0 : i32
          %dma_wait3A_275 = tpu.memref_slice %arg7[%add3A_268, %dma_wait3A_274] : memref<28x128xi32, #tpu.memory_space<vmem>> -> memref<1x128xi32, #tpu.memory_space<vmem>>
          %dma_wait3A_276 = tpu.memref_squeeze %dma_wait3A_275 : memref<1x128xi32, #tpu.memory_space<vmem>> -> memref<128xi32, #tpu.memory_space<vmem>>
          %dma_wait3A_277 = arith.constant 0 : i32
          %dma_wait3A_278 = arith.constant 0 : i32
          %dma_wait3A_279 = tpu.memref_slice %arg2[%dma_wait3A_277, %dma_wait3A_278] : memref<401408x16xf32, #tpu.memory_space<hbm>> -> memref<401408x16xf32, #tpu.memory_space<hbm>>
          tpu.wait_indirect_dma semaphore(%arg11 : memref<!tpu.dma_semaphore, #tpu.memory_space<semaphore_mem>>) src(%dma_wait3A_279 : memref<401408x16xf32, #tpu.memory_space<hbm>>) dst(%dma_wait3A_273 : memref<128x16xf32, #tpu.memory_space<vmem>>)
          %add3A_280 = arith.constant 2 : i32
          %add3A_281 = arith.addi %mul3A_253, %add3A_280 : i32
          %dma_wait3A_282 = arith.constant 2 : i32
          %dma_wait3A_283 = arith.constant 0 : i32
          %dma_wait3A_284 = arith.constant 0 : i32
          %dma_wait3A_285 = tpu.memref_slice %arg9[%rem3A_251, %dma_wait3A_282, %dma_wait3A_283, %dma_wait3A_284] : memref<2x4x128x16xf32, #tpu.memory_space<vmem>> -> memref<1x1x128x16xf32, #tpu.memory_space<vmem>>
          %dma_wait3A_286 = tpu.memref_squeeze %dma_wait3A_285 : memref<1x1x128x16xf32, #tpu.memory_space<vmem>> -> memref<128x16xf32, #tpu.memory_space<vmem>>
          %dma_wait3A_287 = arith.constant 0 : i32
          %dma_wait3A_288 = tpu.memref_slice %arg7[%add3A_281, %dma_wait3A_287] : memref<28x128xi32, #tpu.memory_space<vmem>> -> memref<1x128xi32, #tpu.memory_space<vmem>>
          %dma_wait3A_289 = tpu.memref_squeeze %dma_wait3A_288 : memref<1x128xi32, #tpu.memory_space<vmem>> -> memref<128xi32, #tpu.memory_space<vmem>>
          %dma_wait3A_290 = arith.constant 0 : i32
          %dma_wait3A_291 = arith.constant 0 : i32
          %dma_wait3A_292 = tpu.memref_slice %arg2[%dma_wait3A_290, %dma_wait3A_291] : memref<401408x16xf32, #tpu.memory_space<hbm>> -> memref<401408x16xf32, #tpu.memory_space<hbm>>
          tpu.wait_indirect_dma semaphore(%arg11 : memref<!tpu.dma_semaphore, #tpu.memory_space<semaphore_mem>>) src(%dma_wait3A_292 : memref<401408x16xf32, #tpu.memory_space<hbm>>) dst(%dma_wait3A_286 : memref<128x16xf32, #tpu.memory_space<vmem>>)
          %add3A_293 = arith.constant 3 : i32
          %add3A_294 = arith.addi %mul3A_253, %add3A_293 : i32
          %dma_wait3A_295 = arith.constant 3 : i32
          %dma_wait3A_296 = arith.constant 0 : i32
          %dma_wait3A_297 = arith.constant 0 : i32
          %dma_wait3A_298 = tpu.memref_slice %arg9[%rem3A_251, %dma_wait3A_295, %dma_wait3A_296, %dma_wait3A_297] : memref<2x4x128x16xf32, #tpu.memory_space<vmem>> -> memref<1x1x128x16xf32, #tpu.memory_space<vmem>>
          %dma_wait3A_299 = tpu.memref_squeeze %dma_wait3A_298 : memref<1x1x128x16xf32, #tpu.memory_space<vmem>> -> memref<128x16xf32, #tpu.memory_space<vmem>>
          %dma_wait3A_300 = arith.constant 0 : i32
          %dma_wait3A_301 = tpu.memref_slice %arg7[%add3A_294, %dma_wait3A_300] : memref<28x128xi32, #tpu.memory_space<vmem>> -> memref<1x128xi32, #tpu.memory_space<vmem>>
          %dma_wait3A_302 = tpu.memref_squeeze %dma_wait3A_301 : memref<1x128xi32, #tpu.memory_space<vmem>> -> memref<128xi32, #tpu.memory_space<vmem>>
          %dma_wait3A_303 = arith.constant 0 : i32
          %dma_wait3A_304 = arith.constant 0 : i32
          %dma_wait3A_305 = tpu.memref_slice %arg2[%dma_wait3A_303, %dma_wait3A_304] : memref<401408x16xf32, #tpu.memory_space<hbm>> -> memref<401408x16xf32, #tpu.memory_space<hbm>>
          tpu.wait_indirect_dma semaphore(%arg11 : memref<!tpu.dma_semaphore, #tpu.memory_space<semaphore_mem>>) src(%dma_wait3A_305 : memref<401408x16xf32, #tpu.memory_space<hbm>>) dst(%dma_wait3A_299 : memref<128x16xf32, #tpu.memory_space<vmem>>)
          %sub3A = arith.constant 1 : i32
          %sub3A_306 = arith.subi %sub3A, %rem3A_251 : i32
          %add3A_307 = arith.constant 4 : i32
          %add3A_308 = arith.addi %mul3A_253, %add3A_307 : i32
          %add3A_309 = arith.constant 0 : i32
          %add3A_310 = arith.addi %add3A_308, %add3A_309 : i32
          %dma_start3A_311 = arith.constant 0 : i32
          %dma_start3A_312 = arith.constant 0 : i32
          %dma_start3A_313 = arith.constant 0 : i32
          %dma_start3A_314 = tpu.memref_slice %arg9[%sub3A_306, %dma_start3A_311, %dma_start3A_312, %dma_start3A_313] : memref<2x4x128x16xf32, #tpu.memory_space<vmem>> -> memref<1x1x128x16xf32, #tpu.memory_space<vmem>>
          %dma_start3A_315 = tpu.memref_squeeze %dma_start3A_314 : memref<1x1x128x16xf32, #tpu.memory_space<vmem>> -> memref<128x16xf32, #tpu.memory_space<vmem>>
          %dma_start3A_316 = arith.constant 0 : i32
          %dma_start3A_317 = tpu.memref_slice %arg7[%add3A_310, %dma_start3A_316] : memref<28x128xi32, #tpu.memory_space<vmem>> -> memref<1x128xi32, #tpu.memory_space<vmem>>
          %dma_start3A_318 = tpu.memref_squeeze %dma_start3A_317 : memref<1x128xi32, #tpu.memory_space<vmem>> -> memref<128xi32, #tpu.memory_space<vmem>>
          %dma_start3A_319 = arith.constant 0 : i32
          %dma_start3A_320 = arith.constant 0 : i32
          %dma_start3A_321 = tpu.memref_slice %arg2[%dma_start3A_319, %dma_start3A_320] : memref<401408x16xf32, #tpu.memory_space<hbm>> -> memref<401408x16xf32, #tpu.memory_space<hbm>>
          tpu.enqueue_indirect_dma source(%dma_start3A_321 : memref<401408x16xf32, #tpu.memory_space<hbm>>) target(%dma_start3A_315 : memref<128x16xf32, #tpu.memory_space<vmem>>) offsets(%dma_start3A_318 : memref<128xi32, #tpu.memory_space<vmem>>) semaphore(%arg11 : memref<!tpu.dma_semaphore, #tpu.memory_space<semaphore_mem>>)
          %add3A_322 = arith.constant 1 : i32
          %add3A_323 = arith.addi %add3A_308, %add3A_322 : i32
          %dma_start3A_324 = arith.constant 1 : i32
          %dma_start3A_325 = arith.constant 0 : i32
          %dma_start3A_326 = arith.constant 0 : i32
          %dma_start3A_327 = tpu.memref_slice %arg9[%sub3A_306, %dma_start3A_324, %dma_start3A_325, %dma_start3A_326] : memref<2x4x128x16xf32, #tpu.memory_space<vmem>> -> memref<1x1x128x16xf32, #tpu.memory_space<vmem>>
          %dma_start3A_328 = tpu.memref_squeeze %dma_start3A_327 : memref<1x1x128x16xf32, #tpu.memory_space<vmem>> -> memref<128x16xf32, #tpu.memory_space<vmem>>
          %dma_start3A_329 = arith.constant 0 : i32
          %dma_start3A_330 = tpu.memref_slice %arg7[%add3A_323, %dma_start3A_329] : memref<28x128xi32, #tpu.memory_space<vmem>> -> memref<1x128xi32, #tpu.memory_space<vmem>>
          %dma_start3A_331 = tpu.memref_squeeze %dma_start3A_330 : memref<1x128xi32, #tpu.memory_space<vmem>> -> memref<128xi32, #tpu.memory_space<vmem>>
          %dma_start3A_332 = arith.constant 0 : i32
          %dma_start3A_333 = arith.constant 0 : i32
          %dma_start3A_334 = tpu.memref_slice %arg2[%dma_start3A_332, %dma_start3A_333] : memref<401408x16xf32, #tpu.memory_space<hbm>> -> memref<401408x16xf32, #tpu.memory_space<hbm>>
          tpu.enqueue_indirect_dma source(%dma_start3A_334 : memref<401408x16xf32, #tpu.memory_space<hbm>>) target(%dma_start3A_328 : memref<128x16xf32, #tpu.memory_space<vmem>>) offsets(%dma_start3A_331 : memref<128xi32, #tpu.memory_space<vmem>>) semaphore(%arg11 : memref<!tpu.dma_semaphore, #tpu.memory_space<semaphore_mem>>)
          %add3A_335 = arith.constant 2 : i32
          %add3A_336 = arith.addi %add3A_308, %add3A_335 : i32
          %dma_start3A_337 = arith.constant 2 : i32
          %dma_start3A_338 = arith.constant 0 : i32
          %dma_start3A_339 = arith.constant 0 : i32
          %dma_start3A_340 = tpu.memref_slice %arg9[%sub3A_306, %dma_start3A_337, %dma_start3A_338, %dma_start3A_339] : memref<2x4x128x16xf32, #tpu.memory_space<vmem>> -> memref<1x1x128x16xf32, #tpu.memory_space<vmem>>
          %dma_start3A_341 = tpu.memref_squeeze %dma_start3A_340 : memref<1x1x128x16xf32, #tpu.memory_space<vmem>> -> memref<128x16xf32, #tpu.memory_space<vmem>>
          %dma_start3A_342 = arith.constant 0 : i32
          %dma_start3A_343 = tpu.memref_slice %arg7[%add3A_336, %dma_start3A_342] : memref<28x128xi32, #tpu.memory_space<vmem>> -> memref<1x128xi32, #tpu.memory_space<vmem>>
          %dma_start3A_344 = tpu.memref_squeeze %dma_start3A_343 : memref<1x128xi32, #tpu.memory_space<vmem>> -> memref<128xi32, #tpu.memory_space<vmem>>
          %dma_start3A_345 = arith.constant 0 : i32
          %dma_start3A_346 = arith.constant 0 : i32
          %dma_start3A_347 = tpu.memref_slice %arg2[%dma_start3A_345, %dma_start3A_346] : memref<401408x16xf32, #tpu.memory_space<hbm>> -> memref<401408x16xf32, #tpu.memory_space<hbm>>
          tpu.enqueue_indirect_dma source(%dma_start3A_347 : memref<401408x16xf32, #tpu.memory_space<hbm>>) target(%dma_start3A_341 : memref<128x16xf32, #tpu.memory_space<vmem>>) offsets(%dma_start3A_344 : memref<128xi32, #tpu.memory_space<vmem>>) semaphore(%arg11 : memref<!tpu.dma_semaphore, #tpu.memory_space<semaphore_mem>>)
          %add3A_348 = arith.constant 3 : i32
          %add3A_349 = arith.addi %add3A_308, %add3A_348 : i32
          %dma_start3A_350 = arith.constant 3 : i32
          %dma_start3A_351 = arith.constant 0 : i32
          %dma_start3A_352 = arith.constant 0 : i32
          %dma_start3A_353 = tpu.memref_slice %arg9[%sub3A_306, %dma_start3A_350, %dma_start3A_351, %dma_start3A_352] : memref<2x4x128x16xf32, #tpu.memory_space<vmem>> -> memref<1x1x128x16xf32, #tpu.memory_space<vmem>>
          %dma_start3A_354 = tpu.memref_squeeze %dma_start3A_353 : memref<1x1x128x16xf32, #tpu.memory_space<vmem>> -> memref<128x16xf32, #tpu.memory_space<vmem>>
          %dma_start3A_355 = arith.constant 0 : i32
          %dma_start3A_356 = tpu.memref_slice %arg7[%add3A_349, %dma_start3A_355] : memref<28x128xi32, #tpu.memory_space<vmem>> -> memref<1x128xi32, #tpu.memory_space<vmem>>
          %dma_start3A_357 = tpu.memref_squeeze %dma_start3A_356 : memref<1x128xi32, #tpu.memory_space<vmem>> -> memref<128xi32, #tpu.memory_space<vmem>>
          %dma_start3A_358 = arith.constant 0 : i32
          %dma_start3A_359 = arith.constant 0 : i32
          %dma_start3A_360 = tpu.memref_slice %arg2[%dma_start3A_358, %dma_start3A_359] : memref<401408x16xf32, #tpu.memory_space<hbm>> -> memref<401408x16xf32, #tpu.memory_space<hbm>>
          tpu.enqueue_indirect_dma source(%dma_start3A_360 : memref<401408x16xf32, #tpu.memory_space<hbm>>) target(%dma_start3A_354 : memref<128x16xf32, #tpu.memory_space<vmem>>) offsets(%dma_start3A_357 : memref<128xi32, #tpu.memory_space<vmem>>) semaphore(%arg11 : memref<!tpu.dma_semaphore, #tpu.memory_space<semaphore_mem>>)
          %add3A_361 = arith.constant 0 : i32
          %add3A_362 = arith.addi %mul3A_253, %add3A_361 : i32
          %dma_start3A_363 = arith.constant 0 : i32
          %dma_start3A_364 = arith.constant 0 : i32
          %dma_start3A_365 = arith.constant 0 : i32
          %dma_start3A_366 = tpu.memref_slice %arg9[%rem3A_251, %dma_start3A_363, %dma_start3A_364, %dma_start3A_365] : memref<2x4x128x16xf32, #tpu.memory_space<vmem>> -> memref<1x1x128x16xf32, #tpu.memory_space<vmem>>
          %dma_start3A_367 = tpu.memref_squeeze %dma_start3A_366 : memref<1x1x128x16xf32, #tpu.memory_space<vmem>> -> memref<128x16xf32, #tpu.memory_space<vmem>>
          %dma_start3A_368 = arith.constant 0 : i32
          %dma_start3A_369 = tpu.memref_slice %arg8[%add3A_362, %dma_start3A_368] : memref<28x128xi32, #tpu.memory_space<vmem>> -> memref<1x128xi32, #tpu.memory_space<vmem>>
          %dma_start3A_370 = tpu.memref_squeeze %dma_start3A_369 : memref<1x128xi32, #tpu.memory_space<vmem>> -> memref<128xi32, #tpu.memory_space<vmem>>
          %dma_start3A_371 = arith.constant 0 : i32
          %dma_start3A_372 = arith.constant 0 : i32
          %dma_start3A_373 = tpu.memref_slice %arg6[%dma_start3A_371, %dma_start3A_372] : memref<100352x16xf32, #tpu.memory_space<vmem_shared>> -> memref<100352x16xf32, #tpu.memory_space<vmem_shared>>
          tpu.enqueue_indirect_dma source(%dma_start3A_367 : memref<128x16xf32, #tpu.memory_space<vmem>>) target(%dma_start3A_373 : memref<100352x16xf32, #tpu.memory_space<vmem_shared>>) offsets(%dma_start3A_370 : memref<128xi32, #tpu.memory_space<vmem>>) semaphore(%arg12 : memref<!tpu.dma_semaphore, #tpu.memory_space<semaphore_mem>>) {add = true}
          %add3A_374 = arith.constant 1 : i32
          %add3A_375 = arith.addi %mul3A_253, %add3A_374 : i32
          %dma_start3A_376 = arith.constant 1 : i32
          %dma_start3A_377 = arith.constant 0 : i32
          %dma_start3A_378 = arith.constant 0 : i32
          %dma_start3A_379 = tpu.memref_slice %arg9[%rem3A_251, %dma_start3A_376, %dma_start3A_377, %dma_start3A_378] : memref<2x4x128x16xf32, #tpu.memory_space<vmem>> -> memref<1x1x128x16xf32, #tpu.memory_space<vmem>>
          %dma_start3A_380 = tpu.memref_squeeze %dma_start3A_379 : memref<1x1x128x16xf32, #tpu.memory_space<vmem>> -> memref<128x16xf32, #tpu.memory_space<vmem>>
          %dma_start3A_381 = arith.constant 0 : i32
          %dma_start3A_382 = tpu.memref_slice %arg8[%add3A_375, %dma_start3A_381] : memref<28x128xi32, #tpu.memory_space<vmem>> -> memref<1x128xi32, #tpu.memory_space<vmem>>
          %dma_start3A_383 = tpu.memref_squeeze %dma_start3A_382 : memref<1x128xi32, #tpu.memory_space<vmem>> -> memref<128xi32, #tpu.memory_space<vmem>>
          %dma_start3A_384 = arith.constant 0 : i32
          %dma_start3A_385 = arith.constant 0 : i32
          %dma_start3A_386 = tpu.memref_slice %arg6[%dma_start3A_384, %dma_start3A_385] : memref<100352x16xf32, #tpu.memory_space<vmem_shared>> -> memref<100352x16xf32, #tpu.memory_space<vmem_shared>>
          tpu.enqueue_indirect_dma source(%dma_start3A_380 : memref<128x16xf32, #tpu.memory_space<vmem>>) target(%dma_start3A_386 : memref<100352x16xf32, #tpu.memory_space<vmem_shared>>) offsets(%dma_start3A_383 : memref<128xi32, #tpu.memory_space<vmem>>) semaphore(%arg12 : memref<!tpu.dma_semaphore, #tpu.memory_space<semaphore_mem>>) {add = true}
          %add3A_387 = arith.constant 2 : i32
          %add3A_388 = arith.addi %mul3A_253, %add3A_387 : i32
          %dma_start3A_389 = arith.constant 2 : i32
          %dma_start3A_390 = arith.constant 0 : i32
          %dma_start3A_391 = arith.constant 0 : i32
          %dma_start3A_392 = tpu.memref_slice %arg9[%rem3A_251, %dma_start3A_389, %dma_start3A_390, %dma_start3A_391] : memref<2x4x128x16xf32, #tpu.memory_space<vmem>> -> memref<1x1x128x16xf32, #tpu.memory_space<vmem>>
          %dma_start3A_393 = tpu.memref_squeeze %dma_start3A_392 : memref<1x1x128x16xf32, #tpu.memory_space<vmem>> -> memref<128x16xf32, #tpu.memory_space<vmem>>
          %dma_start3A_394 = arith.constant 0 : i32
          %dma_start3A_395 = tpu.memref_slice %arg8[%add3A_388, %dma_start3A_394] : memref<28x128xi32, #tpu.memory_space<vmem>> -> memref<1x128xi32, #tpu.memory_space<vmem>>
          %dma_start3A_396 = tpu.memref_squeeze %dma_start3A_395 : memref<1x128xi32, #tpu.memory_space<vmem>> -> memref<128xi32, #tpu.memory_space<vmem>>
          %dma_start3A_397 = arith.constant 0 : i32
          %dma_start3A_398 = arith.constant 0 : i32
          %dma_start3A_399 = tpu.memref_slice %arg6[%dma_start3A_397, %dma_start3A_398] : memref<100352x16xf32, #tpu.memory_space<vmem_shared>> -> memref<100352x16xf32, #tpu.memory_space<vmem_shared>>
          tpu.enqueue_indirect_dma source(%dma_start3A_393 : memref<128x16xf32, #tpu.memory_space<vmem>>) target(%dma_start3A_399 : memref<100352x16xf32, #tpu.memory_space<vmem_shared>>) offsets(%dma_start3A_396 : memref<128xi32, #tpu.memory_space<vmem>>) semaphore(%arg12 : memref<!tpu.dma_semaphore, #tpu.memory_space<semaphore_mem>>) {add = true}
          %add3A_400 = arith.constant 3 : i32
          %add3A_401 = arith.addi %mul3A_253, %add3A_400 : i32
          %dma_start3A_402 = arith.constant 3 : i32
          %dma_start3A_403 = arith.constant 0 : i32
          %dma_start3A_404 = arith.constant 0 : i32
          %dma_start3A_405 = tpu.memref_slice %arg9[%rem3A_251, %dma_start3A_402, %dma_start3A_403, %dma_start3A_404] : memref<2x4x128x16xf32, #tpu.memory_space<vmem>> -> memref<1x1x128x16xf32, #tpu.memory_space<vmem>>
          %dma_start3A_406 = tpu.memref_squeeze %dma_start3A_405 : memref<1x1x128x16xf32, #tpu.memory_space<vmem>> -> memref<128x16xf32, #tpu.memory_space<vmem>>
          %dma_start3A_407 = arith.constant 0 : i32
          %dma_start3A_408 = tpu.memref_slice %arg8[%add3A_401, %dma_start3A_407] : memref<28x128xi32, #tpu.memory_space<vmem>> -> memref<1x128xi32, #tpu.memory_space<vmem>>
          %dma_start3A_409 = tpu.memref_squeeze %dma_start3A_408 : memref<1x128xi32, #tpu.memory_space<vmem>> -> memref<128xi32, #tpu.memory_space<vmem>>
          %dma_start3A_410 = arith.constant 0 : i32
          %dma_start3A_411 = arith.constant 0 : i32
          %dma_start3A_412 = tpu.memref_slice %arg6[%dma_start3A_410, %dma_start3A_411] : memref<100352x16xf32, #tpu.memory_space<vmem_shared>> -> memref<100352x16xf32, #tpu.memory_space<vmem_shared>>
          tpu.enqueue_indirect_dma source(%dma_start3A_406 : memref<128x16xf32, #tpu.memory_space<vmem>>) target(%dma_start3A_412 : memref<100352x16xf32, #tpu.memory_space<vmem_shared>>) offsets(%dma_start3A_409 : memref<128xi32, #tpu.memory_space<vmem>>) semaphore(%arg12 : memref<!tpu.dma_semaphore, #tpu.memory_space<semaphore_mem>>) {add = true}
          %add3A_413 = arith.constant 0 : i32
          %add3A_414 = arith.addi %mul3A_253, %add3A_413 : i32
          %dma_wait3A_415 = arith.constant 0 : i32
          %dma_wait3A_416 = arith.constant 0 : i32
          %dma_wait3A_417 = arith.constant 0 : i32
          %dma_wait3A_418 = tpu.memref_slice %arg9[%rem3A_251, %dma_wait3A_415, %dma_wait3A_416, %dma_wait3A_417] : memref<2x4x128x16xf32, #tpu.memory_space<vmem>> -> memref<1x1x128x16xf32, #tpu.memory_space<vmem>>
          %dma_wait3A_419 = tpu.memref_squeeze %dma_wait3A_418 : memref<1x1x128x16xf32, #tpu.memory_space<vmem>> -> memref<128x16xf32, #tpu.memory_space<vmem>>
          %dma_wait3A_420 = arith.constant 0 : i32
          %dma_wait3A_421 = tpu.memref_slice %arg8[%add3A_414, %dma_wait3A_420] : memref<28x128xi32, #tpu.memory_space<vmem>> -> memref<1x128xi32, #tpu.memory_space<vmem>>
          %dma_wait3A_422 = tpu.memref_squeeze %dma_wait3A_421 : memref<1x128xi32, #tpu.memory_space<vmem>> -> memref<128xi32, #tpu.memory_space<vmem>>
          %dma_wait3A_423 = arith.constant 0 : i32
          %dma_wait3A_424 = arith.constant 0 : i32
          %dma_wait3A_425 = tpu.memref_slice %arg6[%dma_wait3A_423, %dma_wait3A_424] : memref<100352x16xf32, #tpu.memory_space<vmem_shared>> -> memref<100352x16xf32, #tpu.memory_space<vmem_shared>>
          tpu.wait_indirect_dma semaphore(%arg12 : memref<!tpu.dma_semaphore, #tpu.memory_space<semaphore_mem>>) src(%dma_wait3A_419 : memref<128x16xf32, #tpu.memory_space<vmem>>) dst(%dma_wait3A_425 : memref<100352x16xf32, #tpu.memory_space<vmem_shared>>)
          %add3A_426 = arith.constant 1 : i32
          %add3A_427 = arith.addi %mul3A_253, %add3A_426 : i32
          %dma_wait3A_428 = arith.constant 1 : i32
          %dma_wait3A_429 = arith.constant 0 : i32
          %dma_wait3A_430 = arith.constant 0 : i32
          %dma_wait3A_431 = tpu.memref_slice %arg9[%rem3A_251, %dma_wait3A_428, %dma_wait3A_429, %dma_wait3A_430] : memref<2x4x128x16xf32, #tpu.memory_space<vmem>> -> memref<1x1x128x16xf32, #tpu.memory_space<vmem>>
          %dma_wait3A_432 = tpu.memref_squeeze %dma_wait3A_431 : memref<1x1x128x16xf32, #tpu.memory_space<vmem>> -> memref<128x16xf32, #tpu.memory_space<vmem>>
          %dma_wait3A_433 = arith.constant 0 : i32
          %dma_wait3A_434 = tpu.memref_slice %arg8[%add3A_427, %dma_wait3A_433] : memref<28x128xi32, #tpu.memory_space<vmem>> -> memref<1x128xi32, #tpu.memory_space<vmem>>
          %dma_wait3A_435 = tpu.memref_squeeze %dma_wait3A_434 : memref<1x128xi32, #tpu.memory_space<vmem>> -> memref<128xi32, #tpu.memory_space<vmem>>
          %dma_wait3A_436 = arith.constant 0 : i32
          %dma_wait3A_437 = arith.constant 0 : i32
          %dma_wait3A_438 = tpu.memref_slice %arg6[%dma_wait3A_436, %dma_wait3A_437] : memref<100352x16xf32, #tpu.memory_space<vmem_shared>> -> memref<100352x16xf32, #tpu.memory_space<vmem_shared>>
          tpu.wait_indirect_dma semaphore(%arg12 : memref<!tpu.dma_semaphore, #tpu.memory_space<semaphore_mem>>) src(%dma_wait3A_432 : memref<128x16xf32, #tpu.memory_space<vmem>>) dst(%dma_wait3A_438 : memref<100352x16xf32, #tpu.memory_space<vmem_shared>>)
          %add3A_439 = arith.constant 2 : i32
          %add3A_440 = arith.addi %mul3A_253, %add3A_439 : i32
          %dma_wait3A_441 = arith.constant 2 : i32
          %dma_wait3A_442 = arith.constant 0 : i32
          %dma_wait3A_443 = arith.constant 0 : i32
          %dma_wait3A_444 = tpu.memref_slice %arg9[%rem3A_251, %dma_wait3A_441, %dma_wait3A_442, %dma_wait3A_443] : memref<2x4x128x16xf32, #tpu.memory_space<vmem>> -> memref<1x1x128x16xf32, #tpu.memory_space<vmem>>
          %dma_wait3A_445 = tpu.memref_squeeze %dma_wait3A_444 : memref<1x1x128x16xf32, #tpu.memory_space<vmem>> -> memref<128x16xf32, #tpu.memory_space<vmem>>
          %dma_wait3A_446 = arith.constant 0 : i32
          %dma_wait3A_447 = tpu.memref_slice %arg8[%add3A_440, %dma_wait3A_446] : memref<28x128xi32, #tpu.memory_space<vmem>> -> memref<1x128xi32, #tpu.memory_space<vmem>>
          %dma_wait3A_448 = tpu.memref_squeeze %dma_wait3A_447 : memref<1x128xi32, #tpu.memory_space<vmem>> -> memref<128xi32, #tpu.memory_space<vmem>>
          %dma_wait3A_449 = arith.constant 0 : i32
          %dma_wait3A_450 = arith.constant 0 : i32
          %dma_wait3A_451 = tpu.memref_slice %arg6[%dma_wait3A_449, %dma_wait3A_450] : memref<100352x16xf32, #tpu.memory_space<vmem_shared>> -> memref<100352x16xf32, #tpu.memory_space<vmem_shared>>
          tpu.wait_indirect_dma semaphore(%arg12 : memref<!tpu.dma_semaphore, #tpu.memory_space<semaphore_mem>>) src(%dma_wait3A_445 : memref<128x16xf32, #tpu.memory_space<vmem>>) dst(%dma_wait3A_451 : memref<100352x16xf32, #tpu.memory_space<vmem_shared>>)
          %add3A_452 = arith.constant 3 : i32
          %add3A_453 = arith.addi %mul3A_253, %add3A_452 : i32
          %dma_wait3A_454 = arith.constant 3 : i32
          %dma_wait3A_455 = arith.constant 0 : i32
          %dma_wait3A_456 = arith.constant 0 : i32
          %dma_wait3A_457 = tpu.memref_slice %arg9[%rem3A_251, %dma_wait3A_454, %dma_wait3A_455, %dma_wait3A_456] : memref<2x4x128x16xf32, #tpu.memory_space<vmem>> -> memref<1x1x128x16xf32, #tpu.memory_space<vmem>>
          %dma_wait3A_458 = tpu.memref_squeeze %dma_wait3A_457 : memref<1x1x128x16xf32, #tpu.memory_space<vmem>> -> memref<128x16xf32, #tpu.memory_space<vmem>>
          %dma_wait3A_459 = arith.constant 0 : i32
          %dma_wait3A_460 = tpu.memref_slice %arg8[%add3A_453, %dma_wait3A_459] : memref<28x128xi32, #tpu.memory_space<vmem>> -> memref<1x128xi32, #tpu.memory_space<vmem>>
          %dma_wait3A_461 = tpu.memref_squeeze %dma_wait3A_460 : memref<1x128xi32, #tpu.memory_space<vmem>> -> memref<128xi32, #tpu.memory_space<vmem>>
          %dma_wait3A_462 = arith.constant 0 : i32
          %dma_wait3A_463 = arith.constant 0 : i32
          %dma_wait3A_464 = tpu.memref_slice %arg6[%dma_wait3A_462, %dma_wait3A_463] : memref<100352x16xf32, #tpu.memory_space<vmem_shared>> -> memref<100352x16xf32, #tpu.memory_space<vmem_shared>>
          tpu.wait_indirect_dma semaphore(%arg12 : memref<!tpu.dma_semaphore, #tpu.memory_space<semaphore_mem>>) src(%dma_wait3A_458 : memref<128x16xf32, #tpu.memory_space<vmem>>) dst(%dma_wait3A_464 : memref<100352x16xf32, #tpu.memory_space<vmem_shared>>)
        }
        %scan3A_94 = arith.constant 6 : i32
        %dma_wait3A = arith.constant 24 : i32
        %dma_wait3A_95 = arith.constant 0 : i32
        %dma_wait3A_96 = arith.constant 0 : i32
        %dma_wait3A_97 = arith.constant 0 : i32
        %dma_wait3A_98 = arith.constant 0 : i32
        %dma_wait3A_99 = tpu.memref_slice %arg9[%dma_wait3A_95, %dma_wait3A_96, %dma_wait3A_97, %dma_wait3A_98] : memref<2x4x128x16xf32, #tpu.memory_space<vmem>> -> memref<1x1x128x16xf32, #tpu.memory_space<vmem>>
        %dma_wait3A_100 = tpu.memref_squeeze %dma_wait3A_99 : memref<1x1x128x16xf32, #tpu.memory_space<vmem>> -> memref<128x16xf32, #tpu.memory_space<vmem>>
        %dma_wait3A_101 = arith.constant 0 : i32
        %dma_wait3A_102 = tpu.memref_slice %arg7[%dma_wait3A, %dma_wait3A_101] : memref<28x128xi32, #tpu.memory_space<vmem>> -> memref<1x128xi32, #tpu.memory_space<vmem>>
        %dma_wait3A_103 = tpu.memref_squeeze %dma_wait3A_102 : memref<1x128xi32, #tpu.memory_space<vmem>> -> memref<128xi32, #tpu.memory_space<vmem>>
        %dma_wait3A_104 = arith.constant 0 : i32
        %dma_wait3A_105 = arith.constant 0 : i32
        %dma_wait3A_106 = tpu.memref_slice %arg2[%dma_wait3A_104, %dma_wait3A_105] : memref<401408x16xf32, #tpu.memory_space<hbm>> -> memref<401408x16xf32, #tpu.memory_space<hbm>>
        tpu.wait_indirect_dma semaphore(%arg11 : memref<!tpu.dma_semaphore, #tpu.memory_space<semaphore_mem>>) src(%dma_wait3A_106 : memref<401408x16xf32, #tpu.memory_space<hbm>>) dst(%dma_wait3A_100 : memref<128x16xf32, #tpu.memory_space<vmem>>)
        %dma_wait3A_107 = arith.constant 25 : i32
        %dma_wait3A_108 = arith.constant 0 : i32
        %dma_wait3A_109 = arith.constant 1 : i32
        %dma_wait3A_110 = arith.constant 0 : i32
        %dma_wait3A_111 = arith.constant 0 : i32
        %dma_wait3A_112 = tpu.memref_slice %arg9[%dma_wait3A_108, %dma_wait3A_109, %dma_wait3A_110, %dma_wait3A_111] : memref<2x4x128x16xf32, #tpu.memory_space<vmem>> -> memref<1x1x128x16xf32, #tpu.memory_space<vmem>>
        %dma_wait3A_113 = tpu.memref_squeeze %dma_wait3A_112 : memref<1x1x128x16xf32, #tpu.memory_space<vmem>> -> memref<128x16xf32, #tpu.memory_space<vmem>>
        %dma_wait3A_114 = arith.constant 0 : i32
        %dma_wait3A_115 = tpu.memref_slice %arg7[%dma_wait3A_107, %dma_wait3A_114] : memref<28x128xi32, #tpu.memory_space<vmem>> -> memref<1x128xi32, #tpu.memory_space<vmem>>
        %dma_wait3A_116 = tpu.memref_squeeze %dma_wait3A_115 : memref<1x128xi32, #tpu.memory_space<vmem>> -> memref<128xi32, #tpu.memory_space<vmem>>
        %dma_wait3A_117 = arith.constant 0 : i32
        %dma_wait3A_118 = arith.constant 0 : i32
        %dma_wait3A_119 = tpu.memref_slice %arg2[%dma_wait3A_117, %dma_wait3A_118] : memref<401408x16xf32, #tpu.memory_space<hbm>> -> memref<401408x16xf32, #tpu.memory_space<hbm>>
        tpu.wait_indirect_dma semaphore(%arg11 : memref<!tpu.dma_semaphore, #tpu.memory_space<semaphore_mem>>) src(%dma_wait3A_119 : memref<401408x16xf32, #tpu.memory_space<hbm>>) dst(%dma_wait3A_113 : memref<128x16xf32, #tpu.memory_space<vmem>>)
        %dma_wait3A_120 = arith.constant 26 : i32
        %dma_wait3A_121 = arith.constant 0 : i32
        %dma_wait3A_122 = arith.constant 2 : i32
        %dma_wait3A_123 = arith.constant 0 : i32
        %dma_wait3A_124 = arith.constant 0 : i32
        %dma_wait3A_125 = tpu.memref_slice %arg9[%dma_wait3A_121, %dma_wait3A_122, %dma_wait3A_123, %dma_wait3A_124] : memref<2x4x128x16xf32, #tpu.memory_space<vmem>> -> memref<1x1x128x16xf32, #tpu.memory_space<vmem>>
        %dma_wait3A_126 = tpu.memref_squeeze %dma_wait3A_125 : memref<1x1x128x16xf32, #tpu.memory_space<vmem>> -> memref<128x16xf32, #tpu.memory_space<vmem>>
        %dma_wait3A_127 = arith.constant 0 : i32
        %dma_wait3A_128 = tpu.memref_slice %arg7[%dma_wait3A_120, %dma_wait3A_127] : memref<28x128xi32, #tpu.memory_space<vmem>> -> memref<1x128xi32, #tpu.memory_space<vmem>>
        %dma_wait3A_129 = tpu.memref_squeeze %dma_wait3A_128 : memref<1x128xi32, #tpu.memory_space<vmem>> -> memref<128xi32, #tpu.memory_space<vmem>>
        %dma_wait3A_130 = arith.constant 0 : i32
        %dma_wait3A_131 = arith.constant 0 : i32
        %dma_wait3A_132 = tpu.memref_slice %arg2[%dma_wait3A_130, %dma_wait3A_131] : memref<401408x16xf32, #tpu.memory_space<hbm>> -> memref<401408x16xf32, #tpu.memory_space<hbm>>
        tpu.wait_indirect_dma semaphore(%arg11 : memref<!tpu.dma_semaphore, #tpu.memory_space<semaphore_mem>>) src(%dma_wait3A_132 : memref<401408x16xf32, #tpu.memory_space<hbm>>) dst(%dma_wait3A_126 : memref<128x16xf32, #tpu.memory_space<vmem>>)
        %dma_wait3A_133 = arith.constant 27 : i32
        %dma_wait3A_134 = arith.constant 0 : i32
        %dma_wait3A_135 = arith.constant 3 : i32
        %dma_wait3A_136 = arith.constant 0 : i32
        %dma_wait3A_137 = arith.constant 0 : i32
        %dma_wait3A_138 = tpu.memref_slice %arg9[%dma_wait3A_134, %dma_wait3A_135, %dma_wait3A_136, %dma_wait3A_137] : memref<2x4x128x16xf32, #tpu.memory_space<vmem>> -> memref<1x1x128x16xf32, #tpu.memory_space<vmem>>
        %dma_wait3A_139 = tpu.memref_squeeze %dma_wait3A_138 : memref<1x1x128x16xf32, #tpu.memory_space<vmem>> -> memref<128x16xf32, #tpu.memory_space<vmem>>
        %dma_wait3A_140 = arith.constant 0 : i32
        %dma_wait3A_141 = tpu.memref_slice %arg7[%dma_wait3A_133, %dma_wait3A_140] : memref<28x128xi32, #tpu.memory_space<vmem>> -> memref<1x128xi32, #tpu.memory_space<vmem>>
        %dma_wait3A_142 = tpu.memref_squeeze %dma_wait3A_141 : memref<1x128xi32, #tpu.memory_space<vmem>> -> memref<128xi32, #tpu.memory_space<vmem>>
        %dma_wait3A_143 = arith.constant 0 : i32
        %dma_wait3A_144 = arith.constant 0 : i32
        %dma_wait3A_145 = tpu.memref_slice %arg2[%dma_wait3A_143, %dma_wait3A_144] : memref<401408x16xf32, #tpu.memory_space<hbm>> -> memref<401408x16xf32, #tpu.memory_space<hbm>>
        tpu.wait_indirect_dma semaphore(%arg11 : memref<!tpu.dma_semaphore, #tpu.memory_space<semaphore_mem>>) src(%dma_wait3A_145 : memref<401408x16xf32, #tpu.memory_space<hbm>>) dst(%dma_wait3A_139 : memref<128x16xf32, #tpu.memory_space<vmem>>)
        %dma_start3A_146 = arith.constant 0 : i32
        %dma_start3A_147 = arith.constant 0 : i32
        %dma_start3A_148 = arith.constant 24 : i32
        %dma_start3A_149 = arith.constant 0 : i32
        %dma_start3A_150 = arith.constant 0 : i32
        %dma_start3A_151 = tpu.memref_slice %arg9[%dma_start3A_146, %dma_start3A_147, %dma_start3A_149, %dma_start3A_150] : memref<2x4x128x16xf32, #tpu.memory_space<vmem>> -> memref<1x1x128x16xf32, #tpu.memory_space<vmem>>
        %dma_start3A_152 = tpu.memref_squeeze %dma_start3A_151 : memref<1x1x128x16xf32, #tpu.memory_space<vmem>> -> memref<128x16xf32, #tpu.memory_space<vmem>>
        %dma_start3A_153 = arith.constant 0 : i32
        %dma_start3A_154 = tpu.memref_slice %arg8[%dma_start3A_148, %dma_start3A_153] : memref<28x128xi32, #tpu.memory_space<vmem>> -> memref<1x128xi32, #tpu.memory_space<vmem>>
        %dma_start3A_155 = tpu.memref_squeeze %dma_start3A_154 : memref<1x128xi32, #tpu.memory_space<vmem>> -> memref<128xi32, #tpu.memory_space<vmem>>
        %dma_start3A_156 = arith.constant 0 : i32
        %dma_start3A_157 = arith.constant 0 : i32
        %dma_start3A_158 = tpu.memref_slice %arg6[%dma_start3A_156, %dma_start3A_157] : memref<100352x16xf32, #tpu.memory_space<vmem_shared>> -> memref<100352x16xf32, #tpu.memory_space<vmem_shared>>
        tpu.enqueue_indirect_dma source(%dma_start3A_152 : memref<128x16xf32, #tpu.memory_space<vmem>>) target(%dma_start3A_158 : memref<100352x16xf32, #tpu.memory_space<vmem_shared>>) offsets(%dma_start3A_155 : memref<128xi32, #tpu.memory_space<vmem>>) semaphore(%arg12 : memref<!tpu.dma_semaphore, #tpu.memory_space<semaphore_mem>>) {add = true}
        %dma_start3A_159 = arith.constant 0 : i32
        %dma_start3A_160 = arith.constant 1 : i32
        %dma_start3A_161 = arith.constant 25 : i32
        %dma_start3A_162 = arith.constant 0 : i32
        %dma_start3A_163 = arith.constant 0 : i32
        %dma_start3A_164 = tpu.memref_slice %arg9[%dma_start3A_159, %dma_start3A_160, %dma_start3A_162, %dma_start3A_163] : memref<2x4x128x16xf32, #tpu.memory_space<vmem>> -> memref<1x1x128x16xf32, #tpu.memory_space<vmem>>
        %dma_start3A_165 = tpu.memref_squeeze %dma_start3A_164 : memref<1x1x128x16xf32, #tpu.memory_space<vmem>> -> memref<128x16xf32, #tpu.memory_space<vmem>>
        %dma_start3A_166 = arith.constant 0 : i32
        %dma_start3A_167 = tpu.memref_slice %arg8[%dma_start3A_161, %dma_start3A_166] : memref<28x128xi32, #tpu.memory_space<vmem>> -> memref<1x128xi32, #tpu.memory_space<vmem>>
        %dma_start3A_168 = tpu.memref_squeeze %dma_start3A_167 : memref<1x128xi32, #tpu.memory_space<vmem>> -> memref<128xi32, #tpu.memory_space<vmem>>
        %dma_start3A_169 = arith.constant 0 : i32
        %dma_start3A_170 = arith.constant 0 : i32
        %dma_start3A_171 = tpu.memref_slice %arg6[%dma_start3A_169, %dma_start3A_170] : memref<100352x16xf32, #tpu.memory_space<vmem_shared>> -> memref<100352x16xf32, #tpu.memory_space<vmem_shared>>
        tpu.enqueue_indirect_dma source(%dma_start3A_165 : memref<128x16xf32, #tpu.memory_space<vmem>>) target(%dma_start3A_171 : memref<100352x16xf32, #tpu.memory_space<vmem_shared>>) offsets(%dma_start3A_168 : memref<128xi32, #tpu.memory_space<vmem>>) semaphore(%arg12 : memref<!tpu.dma_semaphore, #tpu.memory_space<semaphore_mem>>) {add = true}
        %dma_start3A_172 = arith.constant 0 : i32
        %dma_start3A_173 = arith.constant 2 : i32
        %dma_start3A_174 = arith.constant 26 : i32
        %dma_start3A_175 = arith.constant 0 : i32
        %dma_start3A_176 = arith.constant 0 : i32
        %dma_start3A_177 = tpu.memref_slice %arg9[%dma_start3A_172, %dma_start3A_173, %dma_start3A_175, %dma_start3A_176] : memref<2x4x128x16xf32, #tpu.memory_space<vmem>> -> memref<1x1x128x16xf32, #tpu.memory_space<vmem>>
        %dma_start3A_178 = tpu.memref_squeeze %dma_start3A_177 : memref<1x1x128x16xf32, #tpu.memory_space<vmem>> -> memref<128x16xf32, #tpu.memory_space<vmem>>
        %dma_start3A_179 = arith.constant 0 : i32
        %dma_start3A_180 = tpu.memref_slice %arg8[%dma_start3A_174, %dma_start3A_179] : memref<28x128xi32, #tpu.memory_space<vmem>> -> memref<1x128xi32, #tpu.memory_space<vmem>>
        %dma_start3A_181 = tpu.memref_squeeze %dma_start3A_180 : memref<1x128xi32, #tpu.memory_space<vmem>> -> memref<128xi32, #tpu.memory_space<vmem>>
        %dma_start3A_182 = arith.constant 0 : i32
        %dma_start3A_183 = arith.constant 0 : i32
        %dma_start3A_184 = tpu.memref_slice %arg6[%dma_start3A_182, %dma_start3A_183] : memref<100352x16xf32, #tpu.memory_space<vmem_shared>> -> memref<100352x16xf32, #tpu.memory_space<vmem_shared>>
        tpu.enqueue_indirect_dma source(%dma_start3A_178 : memref<128x16xf32, #tpu.memory_space<vmem>>) target(%dma_start3A_184 : memref<100352x16xf32, #tpu.memory_space<vmem_shared>>) offsets(%dma_start3A_181 : memref<128xi32, #tpu.memory_space<vmem>>) semaphore(%arg12 : memref<!tpu.dma_semaphore, #tpu.memory_space<semaphore_mem>>) {add = true}
        %dma_start3A_185 = arith.constant 0 : i32
        %dma_start3A_186 = arith.constant 3 : i32
        %dma_start3A_187 = arith.constant 27 : i32
        %dma_start3A_188 = arith.constant 0 : i32
        %dma_start3A_189 = arith.constant 0 : i32
        %dma_start3A_190 = tpu.memref_slice %arg9[%dma_start3A_185, %dma_start3A_186, %dma_start3A_188, %dma_start3A_189] : memref<2x4x128x16xf32, #tpu.memory_space<vmem>> -> memref<1x1x128x16xf32, #tpu.memory_space<vmem>>
        %dma_start3A_191 = tpu.memref_squeeze %dma_start3A_190 : memref<1x1x128x16xf32, #tpu.memory_space<vmem>> -> memref<128x16xf32, #tpu.memory_space<vmem>>
        %dma_start3A_192 = arith.constant 0 : i32
        %dma_start3A_193 = tpu.memref_slice %arg8[%dma_start3A_187, %dma_start3A_192] : memref<28x128xi32, #tpu.memory_space<vmem>> -> memref<1x128xi32, #tpu.memory_space<vmem>>
        %dma_start3A_194 = tpu.memref_squeeze %dma_start3A_193 : memref<1x128xi32, #tpu.memory_space<vmem>> -> memref<128xi32, #tpu.memory_space<vmem>>
        %dma_start3A_195 = arith.constant 0 : i32
        %dma_start3A_196 = arith.constant 0 : i32
        %dma_start3A_197 = tpu.memref_slice %arg6[%dma_start3A_195, %dma_start3A_196] : memref<100352x16xf32, #tpu.memory_space<vmem_shared>> -> memref<100352x16xf32, #tpu.memory_space<vmem_shared>>
        tpu.enqueue_indirect_dma source(%dma_start3A_191 : memref<128x16xf32, #tpu.memory_space<vmem>>) target(%dma_start3A_197 : memref<100352x16xf32, #tpu.memory_space<vmem_shared>>) offsets(%dma_start3A_194 : memref<128xi32, #tpu.memory_space<vmem>>) semaphore(%arg12 : memref<!tpu.dma_semaphore, #tpu.memory_space<semaphore_mem>>) {add = true}
        %dma_wait3A_198 = arith.constant 0 : i32
        %dma_wait3A_199 = arith.constant 0 : i32
        %dma_wait3A_200 = arith.constant 24 : i32
        %dma_wait3A_201 = arith.constant 0 : i32
        %dma_wait3A_202 = arith.constant 0 : i32
        %dma_wait3A_203 = tpu.memref_slice %arg9[%dma_wait3A_198, %dma_wait3A_199, %dma_wait3A_201, %dma_wait3A_202] : memref<2x4x128x16xf32, #tpu.memory_space<vmem>> -> memref<1x1x128x16xf32, #tpu.memory_space<vmem>>
        %dma_wait3A_204 = tpu.memref_squeeze %dma_wait3A_203 : memref<1x1x128x16xf32, #tpu.memory_space<vmem>> -> memref<128x16xf32, #tpu.memory_space<vmem>>
        %dma_wait3A_205 = arith.constant 0 : i32
        %dma_wait3A_206 = tpu.memref_slice %arg8[%dma_wait3A_200, %dma_wait3A_205] : memref<28x128xi32, #tpu.memory_space<vmem>> -> memref<1x128xi32, #tpu.memory_space<vmem>>
        %dma_wait3A_207 = tpu.memref_squeeze %dma_wait3A_206 : memref<1x128xi32, #tpu.memory_space<vmem>> -> memref<128xi32, #tpu.memory_space<vmem>>
        %dma_wait3A_208 = arith.constant 0 : i32
        %dma_wait3A_209 = arith.constant 0 : i32
        %dma_wait3A_210 = tpu.memref_slice %arg6[%dma_wait3A_208, %dma_wait3A_209] : memref<100352x16xf32, #tpu.memory_space<vmem_shared>> -> memref<100352x16xf32, #tpu.memory_space<vmem_shared>>
        tpu.wait_indirect_dma semaphore(%arg12 : memref<!tpu.dma_semaphore, #tpu.memory_space<semaphore_mem>>) src(%dma_wait3A_204 : memref<128x16xf32, #tpu.memory_space<vmem>>) dst(%dma_wait3A_210 : memref<100352x16xf32, #tpu.memory_space<vmem_shared>>)
        %dma_wait3A_211 = arith.constant 0 : i32
        %dma_wait3A_212 = arith.constant 1 : i32
        %dma_wait3A_213 = arith.constant 25 : i32
        %dma_wait3A_214 = arith.constant 0 : i32
        %dma_wait3A_215 = arith.constant 0 : i32
        %dma_wait3A_216 = tpu.memref_slice %arg9[%dma_wait3A_211, %dma_wait3A_212, %dma_wait3A_214, %dma_wait3A_215] : memref<2x4x128x16xf32, #tpu.memory_space<vmem>> -> memref<1x1x128x16xf32, #tpu.memory_space<vmem>>
        %dma_wait3A_217 = tpu.memref_squeeze %dma_wait3A_216 : memref<1x1x128x16xf32, #tpu.memory_space<vmem>> -> memref<128x16xf32, #tpu.memory_space<vmem>>
        %dma_wait3A_218 = arith.constant 0 : i32
        %dma_wait3A_219 = tpu.memref_slice %arg8[%dma_wait3A_213, %dma_wait3A_218] : memref<28x128xi32, #tpu.memory_space<vmem>> -> memref<1x128xi32, #tpu.memory_space<vmem>>
        %dma_wait3A_220 = tpu.memref_squeeze %dma_wait3A_219 : memref<1x128xi32, #tpu.memory_space<vmem>> -> memref<128xi32, #tpu.memory_space<vmem>>
        %dma_wait3A_221 = arith.constant 0 : i32
        %dma_wait3A_222 = arith.constant 0 : i32
        %dma_wait3A_223 = tpu.memref_slice %arg6[%dma_wait3A_221, %dma_wait3A_222] : memref<100352x16xf32, #tpu.memory_space<vmem_shared>> -> memref<100352x16xf32, #tpu.memory_space<vmem_shared>>
        tpu.wait_indirect_dma semaphore(%arg12 : memref<!tpu.dma_semaphore, #tpu.memory_space<semaphore_mem>>) src(%dma_wait3A_217 : memref<128x16xf32, #tpu.memory_space<vmem>>) dst(%dma_wait3A_223 : memref<100352x16xf32, #tpu.memory_space<vmem_shared>>)
        %dma_wait3A_224 = arith.constant 0 : i32
        %dma_wait3A_225 = arith.constant 2 : i32
        %dma_wait3A_226 = arith.constant 26 : i32
        %dma_wait3A_227 = arith.constant 0 : i32
        %dma_wait3A_228 = arith.constant 0 : i32
        %dma_wait3A_229 = tpu.memref_slice %arg9[%dma_wait3A_224, %dma_wait3A_225, %dma_wait3A_227, %dma_wait3A_228] : memref<2x4x128x16xf32, #tpu.memory_space<vmem>> -> memref<1x1x128x16xf32, #tpu.memory_space<vmem>>
        %dma_wait3A_230 = tpu.memref_squeeze %dma_wait3A_229 : memref<1x1x128x16xf32, #tpu.memory_space<vmem>> -> memref<128x16xf32, #tpu.memory_space<vmem>>
        %dma_wait3A_231 = arith.constant 0 : i32
        %dma_wait3A_232 = tpu.memref_slice %arg8[%dma_wait3A_226, %dma_wait3A_231] : memref<28x128xi32, #tpu.memory_space<vmem>> -> memref<1x128xi32, #tpu.memory_space<vmem>>
        %dma_wait3A_233 = tpu.memref_squeeze %dma_wait3A_232 : memref<1x128xi32, #tpu.memory_space<vmem>> -> memref<128xi32, #tpu.memory_space<vmem>>
        %dma_wait3A_234 = arith.constant 0 : i32
        %dma_wait3A_235 = arith.constant 0 : i32
        %dma_wait3A_236 = tpu.memref_slice %arg6[%dma_wait3A_234, %dma_wait3A_235] : memref<100352x16xf32, #tpu.memory_space<vmem_shared>> -> memref<100352x16xf32, #tpu.memory_space<vmem_shared>>
        tpu.wait_indirect_dma semaphore(%arg12 : memref<!tpu.dma_semaphore, #tpu.memory_space<semaphore_mem>>) src(%dma_wait3A_230 : memref<128x16xf32, #tpu.memory_space<vmem>>) dst(%dma_wait3A_236 : memref<100352x16xf32, #tpu.memory_space<vmem_shared>>)
        %dma_wait3A_237 = arith.constant 0 : i32
        %dma_wait3A_238 = arith.constant 3 : i32
        %dma_wait3A_239 = arith.constant 27 : i32
        %dma_wait3A_240 = arith.constant 0 : i32
        %dma_wait3A_241 = arith.constant 0 : i32
        %dma_wait3A_242 = tpu.memref_slice %arg9[%dma_wait3A_237, %dma_wait3A_238, %dma_wait3A_240, %dma_wait3A_241] : memref<2x4x128x16xf32, #tpu.memory_space<vmem>> -> memref<1x1x128x16xf32, #tpu.memory_space<vmem>>
        %dma_wait3A_243 = tpu.memref_squeeze %dma_wait3A_242 : memref<1x1x128x16xf32, #tpu.memory_space<vmem>> -> memref<128x16xf32, #tpu.memory_space<vmem>>
        %dma_wait3A_244 = arith.constant 0 : i32
        %dma_wait3A_245 = tpu.memref_slice %arg8[%dma_wait3A_239, %dma_wait3A_244] : memref<28x128xi32, #tpu.memory_space<vmem>> -> memref<1x128xi32, #tpu.memory_space<vmem>>
        %dma_wait3A_246 = tpu.memref_squeeze %dma_wait3A_245 : memref<1x128xi32, #tpu.memory_space<vmem>> -> memref<128xi32, #tpu.memory_space<vmem>>
        %dma_wait3A_247 = arith.constant 0 : i32
        %dma_wait3A_248 = arith.constant 0 : i32
        %dma_wait3A_249 = tpu.memref_slice %arg6[%dma_wait3A_247, %dma_wait3A_248] : memref<100352x16xf32, #tpu.memory_space<vmem_shared>> -> memref<100352x16xf32, #tpu.memory_space<vmem_shared>>
        tpu.wait_indirect_dma semaphore(%arg12 : memref<!tpu.dma_semaphore, #tpu.memory_space<semaphore_mem>>) src(%dma_wait3A_243 : memref<128x16xf32, #tpu.memory_space<vmem>>) dst(%dma_wait3A_249 : memref<100352x16xf32, #tpu.memory_space<vmem_shared>>)
      }
      %scan3A_28 = arith.constant 28 : i32
      %barrier3A_29 = arith.constant 0 : index
      tpu.barrier barrier_id(%barrier3A_29)
      %mul3A_30 = arith.constant 100352 : i32
      %mul3A_31 = arith.muli %add3A, %mul3A_30 : i32
      %add3A_32 = arith.addi %mul3A_31, %mul3A_0 : i32
      "tpu.region"() ({
        %run_scoped3A = tpu.sem_alloc : memref<!tpu.dma_semaphore, #tpu.memory_space<semaphore_mem>>
        %dma_start3A = arith.constant 0 : i32
        %dma_start3A_34 = tpu.memref_slice %arg5[%add3A_32, %dma_start3A] : memref<401408x16xf32, #tpu.memory_space<hbm>> -> memref<6272x16xf32, #tpu.memory_space<hbm>>
        %dma_start3A_35 = arith.constant 0 : i32
        %dma_start3A_36 = tpu.memref_slice %arg6[%mul3A_0, %dma_start3A_35] : memref<100352x16xf32, #tpu.memory_space<vmem_shared>> -> memref<6272x16xf32, #tpu.memory_space<vmem_shared>>
        tpu.enqueue_dma source(%dma_start3A_36 : memref<6272x16xf32, #tpu.memory_space<vmem_shared>>) target(%dma_start3A_34 : memref<6272x16xf32, #tpu.memory_space<hbm>>) target_semaphore(%run_scoped3A : memref<!tpu.dma_semaphore, #tpu.memory_space<semaphore_mem>>)
        %dma_wait3A = arith.constant 0 : i32
        %dma_wait3A_37 = tpu.memref_slice %arg5[%add3A_32, %dma_wait3A] : memref<401408x16xf32, #tpu.memory_space<hbm>> -> memref<6272x16xf32, #tpu.memory_space<hbm>>
        %dma_wait3A_38 = arith.constant 0 : i32
        %dma_wait3A_39 = tpu.memref_slice %arg6[%mul3A_0, %dma_wait3A_38] : memref<100352x16xf32, #tpu.memory_space<vmem_shared>> -> memref<6272x16xf32, #tpu.memory_space<vmem_shared>>
        tpu.wait_dma2 semaphore(%run_scoped3A : memref<!tpu.dma_semaphore, #tpu.memory_space<semaphore_mem>>) src(%dma_wait3A_39 : memref<6272x16xf32, #tpu.memory_space<vmem_shared>>) dst(%dma_wait3A_37 : memref<6272x16xf32, #tpu.memory_space<hbm>>)
        tpu.yield
      }) : () -> ()
      %barrier3A_33 = arith.constant 0 : index
      tpu.barrier barrier_id(%barrier3A_33)
    }
    %scan3A_11 = arith.constant 2 : i32
    return
  }
}

module attributes {stable_mosaic.version = 14 : i64} {
  func.func @_tc_prep_body(%arg0: i32, %arg1: memref<2x128x128xi32, #tpu.memory_space<vmem>>, %arg2: memref<128x128xi32, #tpu.memory_space<vmem>>, %arg3: memref<128x128xi32, #tpu.memory_space<vmem>>, %arg4: memref<4x128x128xi32, #tpu.memory_space<vmem>>) attributes {dimension_semantics = [#tpu.dimension_semantics<arbitrary>], iteration_bounds = array<i64: 98>, scalar_prefetch = 0 : i64, scratch_operands = 0 : i64, tpu.core_type = #tpu.core_type<tc>, window_params = [{transform_indices = @transform_0, window_bounds = array<i64: 2, 128, 128>}, {transform_indices = @transform_1, window_bounds = array<i64: 128, 128>}, {transform_indices = @transform_2, window_bounds = array<i64: 128, 128>}, {transform_indices = @transform_3, window_bounds = array<i64: 4, 128, 128>}]} {
    %iota3A = tpu.iota {dimensions = array<i32: 0>} : vector<128x128xi32>
    %mul3A = arith.constant 128 : i32
    %mul3A_0 = arith.muli %arg0, %mul3A : i32
    %add3A = vector.broadcast %mul3A_0 : i32 to vector<128x128xi32>
    %add3A_1 = arith.addi %iota3A, %add3A : vector<128x128xi32>
    %lt3A = arith.constant 12500 : i32
    %lt3A_2 = vector.broadcast %lt3A : i32 to vector<128x128xi32>
    %lt3A_3 = arith.cmpi slt, %add3A_1, %lt3A_2 : vector<128x128xi32>
    %get3A = arith.constant 0 : index
    %get3A_4 = arith.constant 0 : index
    %get3A_5 = arith.constant 0 : index
    %get3A_6 = vector.load %arg1[%get3A, %get3A_4, %get3A_5] : memref<2x128x128xi32, #tpu.memory_space<vmem>>, vector<1x128x128xi32>
    %get3A_7 = vector.shape_cast %get3A_6 : vector<1x128x128xi32> to vector<128x128xi32>
    %jit3A = arith.constant 0 : i32
    %broadcast_in_dim3A = vector.broadcast %jit3A : i32 to vector<128x128xi32>
    %select_n3A = arith.select %lt3A_3, %get3A_7, %broadcast_in_dim3A : vector<128x128xi1>, vector<128x128xi32>
    %get3A_8 = arith.constant 1 : index
    %get3A_9 = arith.constant 0 : index
    %get3A_10 = arith.constant 0 : index
    %get3A_11 = vector.load %arg1[%get3A_8, %get3A_9, %get3A_10] : memref<2x128x128xi32, #tpu.memory_space<vmem>>, vector<1x128x128xi32>
    %get3A_12 = vector.shape_cast %get3A_11 : vector<1x128x128xi32> to vector<128x128xi32>
    %jit3A_13 = arith.constant 100000 : i32
    %broadcast_in_dim3A_14 = vector.broadcast %jit3A_13 : i32 to vector<128x128xi32>
    %select_n3A_15 = arith.select %lt3A_3, %get3A_12, %broadcast_in_dim3A_14 : vector<128x128xi1>, vector<128x128xi32>
    %swap3A = arith.constant 0 : index
    %swap3A_16 = arith.constant 0 : index
    %swap3A_17 = vector.load %arg3[%swap3A, %swap3A_16] : memref<128x128xi32, #tpu.memory_space<vmem>>, vector<128x128xi32>
    tpu.vector_store %arg3[%swap3A, %swap3A_16], %select_n3A_15 {strides = array<i32>} : memref<128x128xi32, #tpu.memory_space<vmem>>, vector<128x128xi32>,
    %swap3A_18 = arith.constant 0 : index
    %swap3A_19 = arith.constant 0 : index
    %swap3A_20 = vector.load %arg2[%swap3A_18, %swap3A_19] : memref<128x128xi32, #tpu.memory_space<vmem>>, vector<128x128xi32>
    tpu.vector_store %arg2[%swap3A_18, %swap3A_19], %select_n3A {strides = array<i32>} : memref<128x128xi32, #tpu.memory_space<vmem>>, vector<128x128xi32>,
    %add3A_21 = arith.constant 0 : i32
    %add3A_22 = vector.broadcast %add3A_21 : i32 to vector<128x128xi32>
    %add3A_23 = arith.addi %select_n3A, %add3A_22 : vector<128x128xi32>
    %swap3A_24 = arith.constant 0 : index
    %swap3A_25 = arith.constant 0 : index
    %swap3A_26 = arith.constant 0 : index
    %swap3A_27 = vector.load %arg4[%swap3A_24, %swap3A_25, %swap3A_26] : memref<4x128x128xi32, #tpu.memory_space<vmem>>, vector<1x128x128xi32>
    %swap3A_28 = vector.shape_cast %swap3A_27 : vector<1x128x128xi32> to vector<128x128xi32>
    %swap3A_29 = vector.shape_cast %add3A_23 : vector<128x128xi32> to vector<1x128x128xi32>
    tpu.vector_store %arg4[%swap3A_24, %swap3A_25, %swap3A_26], %swap3A_29 {strides = array<i32>} : memref<4x128x128xi32, #tpu.memory_space<vmem>>, vector<1x128x128xi32>,
    %add3A_30 = arith.constant 100352 : i32
    %add3A_31 = vector.broadcast %add3A_30 : i32 to vector<128x128xi32>
    %add3A_32 = arith.addi %select_n3A, %add3A_31 : vector<128x128xi32>
    %swap3A_33 = arith.constant 1 : index
    %swap3A_34 = arith.constant 0 : index
    %swap3A_35 = arith.constant 0 : index
    %swap3A_36 = vector.load %arg4[%swap3A_33, %swap3A_34, %swap3A_35] : memref<4x128x128xi32, #tpu.memory_space<vmem>>, vector<1x128x128xi32>
    %swap3A_37 = vector.shape_cast %swap3A_36 : vector<1x128x128xi32> to vector<128x128xi32>
    %swap3A_38 = vector.shape_cast %add3A_32 : vector<128x128xi32> to vector<1x128x128xi32>
    tpu.vector_store %arg4[%swap3A_33, %swap3A_34, %swap3A_35], %swap3A_38 {strides = array<i32>} : memref<4x128x128xi32, #tpu.memory_space<vmem>>, vector<1x128x128xi32>,
    %add3A_39 = arith.constant 200704 : i32
    %add3A_40 = vector.broadcast %add3A_39 : i32 to vector<128x128xi32>
    %add3A_41 = arith.addi %select_n3A, %add3A_40 : vector<128x128xi32>
    %swap3A_42 = arith.constant 2 : index
    %swap3A_43 = arith.constant 0 : index
    %swap3A_44 = arith.constant 0 : index
    %swap3A_45 = vector.load %arg4[%swap3A_42, %swap3A_43, %swap3A_44] : memref<4x128x128xi32, #tpu.memory_space<vmem>>, vector<1x128x128xi32>
    %swap3A_46 = vector.shape_cast %swap3A_45 : vector<1x128x128xi32> to vector<128x128xi32>
    %swap3A_47 = vector.shape_cast %add3A_41 : vector<128x128xi32> to vector<1x128x128xi32>
    tpu.vector_store %arg4[%swap3A_42, %swap3A_43, %swap3A_44], %swap3A_47 {strides = array<i32>} : memref<4x128x128xi32, #tpu.memory_space<vmem>>, vector<1x128x128xi32>,
    %add3A_48 = arith.constant 301056 : i32
    %add3A_49 = vector.broadcast %add3A_48 : i32 to vector<128x128xi32>
    %add3A_50 = arith.addi %select_n3A, %add3A_49 : vector<128x128xi32>
    %swap3A_51 = arith.constant 3 : index
    %swap3A_52 = arith.constant 0 : index
    %swap3A_53 = arith.constant 0 : index
    %swap3A_54 = vector.load %arg4[%swap3A_51, %swap3A_52, %swap3A_53] : memref<4x128x128xi32, #tpu.memory_space<vmem>>, vector<1x128x128xi32>
    %swap3A_55 = vector.shape_cast %swap3A_54 : vector<1x128x128xi32> to vector<128x128xi32>
    %swap3A_56 = vector.shape_cast %add3A_50 : vector<128x128xi32> to vector<1x128x128xi32>
    tpu.vector_store %arg4[%swap3A_51, %swap3A_52, %swap3A_53], %swap3A_56 {strides = array<i32>} : memref<4x128x128xi32, #tpu.memory_space<vmem>>, vector<1x128x128xi32>,
    return
  }
  func.func @transform_0(%arg0: i32) -> (i32, i32, i32) {
    %c0_i32 = arith.constant 0 : i32
    %c0_i32_0 = arith.constant 0 : i32
    %c0_i32_1 = arith.constant 0 : i32
    return %c0_i32, %arg0, %c0_i32_0 : i32, i32, i32
  }
  func.func @transform_1(%arg0: i32) -> (i32, i32) {
    %c0_i32 = arith.constant 0 : i32
    %c0_i32_0 = arith.constant 0 : i32
    return %arg0, %c0_i32 : i32, i32
  }
  func.func @transform_2(%arg0: i32) -> (i32, i32) {
    %c0_i32 = arith.constant 0 : i32
    %c0_i32_0 = arith.constant 0 : i32
    return %arg0, %c0_i32 : i32, i32
  }
  func.func @transform_3(%arg0: i32) -> (i32, i32, i32) {
    %c0_i32 = arith.constant 0 : i32
    %c0_i32_0 = arith.constant 0 : i32
    %c0_i32_1 = arith.constant 0 : i32
    return %c0_i32, %arg0, %c0_i32_0 : i32, i32, i32
  }
}

module attributes {stable_mosaic.version = 14 : i64} {
  func.func @_tc_l1_body(%arg0: i32, %arg1: memref<2x256x128xf32, #tpu.memory_space<vmem>>, %arg2: memref<256x128xf32, #tpu.memory_space<vmem>>, %arg3: memref<128x512xf32, #tpu.memory_space<vmem>>, %arg4: memref<128x512xf32, #tpu.memory_space<vmem>>, %arg5: memref<1x512xf32, #tpu.memory_space<vmem>>, %arg6: memref<4x256x128xf32, #tpu.memory_space<vmem>>) attributes {dimension_semantics = [#tpu.dimension_semantics<arbitrary>], iteration_bounds = array<i64: 49>, scalar_prefetch = 0 : i64, scratch_operands = 0 : i64, tpu.core_type = #tpu.core_type<tc>, window_params = [{transform_indices = @transform_0, window_bounds = array<i64: 2, 256, 128>}, {transform_indices = @transform_1, window_bounds = array<i64: 256, 128>}, {pipeline_mode = #tpu.pipeline_mode<synchronous>, transform_indices = @transform_2, window_bounds = array<i64: 128, 512>}, {pipeline_mode = #tpu.pipeline_mode<synchronous>, transform_indices = @transform_3, window_bounds = array<i64: 128, 512>}, {pipeline_mode = #tpu.pipeline_mode<synchronous>, transform_indices = @transform_4, window_bounds = array<i64: 1, 512>}, {transform_indices = @transform_5, window_bounds = array<i64: 4, 256, 128>}]} {
    %get3A = arith.constant 0 : index
    %get3A_0 = arith.constant 0 : index
    %get3A_1 = arith.constant 0 : index
    %get3A_2 = vector.load %arg1[%get3A, %get3A_0, %get3A_1] : memref<2x256x128xf32, #tpu.memory_space<vmem>>, vector<1x256x128xf32>
    %get3A_3 = vector.shape_cast %get3A_2 : vector<1x256x128xf32> to vector<256x128xf32>
    %get3A_4 = arith.constant 1 : index
    %get3A_5 = arith.constant 0 : index
    %get3A_6 = arith.constant 0 : index
    %get3A_7 = vector.load %arg1[%get3A_4, %get3A_5, %get3A_6] : memref<2x256x128xf32, #tpu.memory_space<vmem>>, vector<1x256x128xf32>
    %get3A_8 = vector.shape_cast %get3A_7 : vector<1x256x128xf32> to vector<256x128xf32>
    %add3A = arith.addf %get3A_3, %get3A_8 : vector<256x128xf32>
    %get3A_9 = arith.constant 0 : index
    %get3A_10 = arith.constant 0 : index
    %get3A_11 = vector.load %arg3[%get3A_9, %get3A_10] : memref<128x512xf32, #tpu.memory_space<vmem>>, vector<128x512xf32>
    %dot_general3A = arith.constant dense<0.000000e+00> : vector<256x512xf32>
    %dot_general3A_12 = tpu.matmul %add3A, %get3A_11, %dot_general3A {dimension_numbers = #tpu.dot_dimension_numbers<[1], [0], [0], [1], [0, 0, 1, 1], [], []>, transpose_lhs_hint = false} : vector<256x128xf32>, vector<128x512xf32>, vector<256x512xf32> -> vector<256x512xf32>
    %get3A_13 = arith.constant 0 : index
    %get3A_14 = arith.constant 0 : index
    %get3A_15 = vector.load %arg2[%get3A_13, %get3A_14] : memref<256x128xf32, #tpu.memory_space<vmem>>, vector<256x128xf32>
    %get3A_16 = arith.constant 0 : index
    %get3A_17 = arith.constant 0 : index
    %get3A_18 = vector.load %arg4[%get3A_16, %get3A_17] : memref<128x512xf32, #tpu.memory_space<vmem>>, vector<128x512xf32>
    %dot_general3A_19 = arith.constant dense<0.000000e+00> : vector<256x512xf32>
    %dot_general3A_20 = tpu.matmul %get3A_15, %get3A_18, %dot_general3A_19 {dimension_numbers = #tpu.dot_dimension_numbers<[1], [0], [0], [1], [0, 0, 1, 1], [], []>, transpose_lhs_hint = false} : vector<256x128xf32>, vector<128x512xf32>, vector<256x512xf32> -> vector<256x512xf32>
    %add3A_21 = arith.addf %dot_general3A_12, %dot_general3A_20 : vector<256x512xf32>
    %get3A_22 = arith.constant 0 : index
    %get3A_23 = arith.constant 0 : index
    %get3A_24 = vector.load %arg5[%get3A_22, %get3A_23] : memref<1x512xf32, #tpu.memory_space<vmem>>, vector<1x512xf32>
    %add3A_25 = vector.broadcast %get3A_24 : vector<1x512xf32> to vector<256x512xf32>
    %add3A_26 = arith.addf %add3A_21, %add3A_25 : vector<256x512xf32>
    %tanh3A = math.tanh %add3A_26 : vector<256x512xf32>
    %slice3A = vector.extract_strided_slice %tanh3A {offsets = [0, 0], sizes = [256, 16], strides = [1, 1]} : vector<256x512xf32> to vector<256x16xf32>
    %slice3A_27 = vector.extract_strided_slice %tanh3A {offsets = [0, 64], sizes = [256, 16], strides = [1, 1]} : vector<256x512xf32> to vector<256x16xf32>
    %slice3A_28 = vector.extract_strided_slice %tanh3A {offsets = [0, 128], sizes = [256, 16], strides = [1, 1]} : vector<256x512xf32> to vector<256x16xf32>
    %slice3A_29 = vector.extract_strided_slice %tanh3A {offsets = [0, 192], sizes = [256, 16], strides = [1, 1]} : vector<256x512xf32> to vector<256x16xf32>
    %slice3A_30 = vector.extract_strided_slice %tanh3A {offsets = [0, 256], sizes = [256, 16], strides = [1, 1]} : vector<256x512xf32> to vector<256x16xf32>
    %slice3A_31 = vector.extract_strided_slice %tanh3A {offsets = [0, 320], sizes = [256, 16], strides = [1, 1]} : vector<256x512xf32> to vector<256x16xf32>
    %slice3A_32 = vector.extract_strided_slice %tanh3A {offsets = [0, 384], sizes = [256, 16], strides = [1, 1]} : vector<256x512xf32> to vector<256x16xf32>
    %slice3A_33 = vector.extract_strided_slice %tanh3A {offsets = [0, 448], sizes = [256, 16], strides = [1, 1]} : vector<256x512xf32> to vector<256x16xf32>
    %concatenate3A = tpu.concatenate %slice3A, %slice3A_27, %slice3A_28, %slice3A_29, %slice3A_30, %slice3A_31, %slice3A_32, %slice3A_33 in 1 : vector<256x16xf32>, vector<256x16xf32>, vector<256x16xf32>, vector<256x16xf32>, vector<256x16xf32>, vector<256x16xf32>, vector<256x16xf32>, vector<256x16xf32> -> vector<256x128xf32>
    %swap3A = arith.constant 0 : index
    %swap3A_34 = arith.constant 0 : index
    %swap3A_35 = arith.constant 0 : index
    %swap3A_36 = vector.load %arg6[%swap3A, %swap3A_34, %swap3A_35] : memref<4x256x128xf32, #tpu.memory_space<vmem>>, vector<1x256x128xf32>
    %swap3A_37 = vector.shape_cast %swap3A_36 : vector<1x256x128xf32> to vector<256x128xf32>
    %swap3A_38 = vector.shape_cast %concatenate3A : vector<256x128xf32> to vector<1x256x128xf32>
    tpu.vector_store %arg6[%swap3A, %swap3A_34, %swap3A_35], %swap3A_38 {strides = array<i32>} : memref<4x256x128xf32, #tpu.memory_space<vmem>>, vector<1x256x128xf32>,
    %slice3A_39 = vector.extract_strided_slice %tanh3A {offsets = [0, 16], sizes = [256, 16], strides = [1, 1]} : vector<256x512xf32> to vector<256x16xf32>
    %slice3A_40 = vector.extract_strided_slice %tanh3A {offsets = [0, 80], sizes = [256, 16], strides = [1, 1]} : vector<256x512xf32> to vector<256x16xf32>
    %slice3A_41 = vector.extract_strided_slice %tanh3A {offsets = [0, 144], sizes = [256, 16], strides = [1, 1]} : vector<256x512xf32> to vector<256x16xf32>
    %slice3A_42 = vector.extract_strided_slice %tanh3A {offsets = [0, 208], sizes = [256, 16], strides = [1, 1]} : vector<256x512xf32> to vector<256x16xf32>
    %slice3A_43 = vector.extract_strided_slice %tanh3A {offsets = [0, 272], sizes = [256, 16], strides = [1, 1]} : vector<256x512xf32> to vector<256x16xf32>
    %slice3A_44 = vector.extract_strided_slice %tanh3A {offsets = [0, 336], sizes = [256, 16], strides = [1, 1]} : vector<256x512xf32> to vector<256x16xf32>
    %slice3A_45 = vector.extract_strided_slice %tanh3A {offsets = [0, 400], sizes = [256, 16], strides = [1, 1]} : vector<256x512xf32> to vector<256x16xf32>
    %slice3A_46 = vector.extract_strided_slice %tanh3A {offsets = [0, 464], sizes = [256, 16], strides = [1, 1]} : vector<256x512xf32> to vector<256x16xf32>
    %concatenate3A_47 = tpu.concatenate %slice3A_39, %slice3A_40, %slice3A_41, %slice3A_42, %slice3A_43, %slice3A_44, %slice3A_45, %slice3A_46 in 1 : vector<256x16xf32>, vector<256x16xf32>, vector<256x16xf32>, vector<256x16xf32>, vector<256x16xf32>, vector<256x16xf32>, vector<256x16xf32>, vector<256x16xf32> -> vector<256x128xf32>
    %swap3A_48 = arith.constant 1 : index
    %swap3A_49 = arith.constant 0 : index
    %swap3A_50 = arith.constant 0 : index
    %swap3A_51 = vector.load %arg6[%swap3A_48, %swap3A_49, %swap3A_50] : memref<4x256x128xf32, #tpu.memory_space<vmem>>, vector<1x256x128xf32>
    %swap3A_52 = vector.shape_cast %swap3A_51 : vector<1x256x128xf32> to vector<256x128xf32>
    %swap3A_53 = vector.shape_cast %concatenate3A_47 : vector<256x128xf32> to vector<1x256x128xf32>
    tpu.vector_store %arg6[%swap3A_48, %swap3A_49, %swap3A_50], %swap3A_53 {strides = array<i32>} : memref<4x256x128xf32, #tpu.memory_space<vmem>>, vector<1x256x128xf32>,
    %slice3A_54 = vector.extract_strided_slice %tanh3A {offsets = [0, 32], sizes = [256, 16], strides = [1, 1]} : vector<256x512xf32> to vector<256x16xf32>
    %slice3A_55 = vector.extract_strided_slice %tanh3A {offsets = [0, 96], sizes = [256, 16], strides = [1, 1]} : vector<256x512xf32> to vector<256x16xf32>
    %slice3A_56 = vector.extract_strided_slice %tanh3A {offsets = [0, 160], sizes = [256, 16], strides = [1, 1]} : vector<256x512xf32> to vector<256x16xf32>
    %slice3A_57 = vector.extract_strided_slice %tanh3A {offsets = [0, 224], sizes = [256, 16], strides = [1, 1]} : vector<256x512xf32> to vector<256x16xf32>
    %slice3A_58 = vector.extract_strided_slice %tanh3A {offsets = [0, 288], sizes = [256, 16], strides = [1, 1]} : vector<256x512xf32> to vector<256x16xf32>
    %slice3A_59 = vector.extract_strided_slice %tanh3A {offsets = [0, 352], sizes = [256, 16], strides = [1, 1]} : vector<256x512xf32> to vector<256x16xf32>
    %slice3A_60 = vector.extract_strided_slice %tanh3A {offsets = [0, 416], sizes = [256, 16], strides = [1, 1]} : vector<256x512xf32> to vector<256x16xf32>
    %slice3A_61 = vector.extract_strided_slice %tanh3A {offsets = [0, 480], sizes = [256, 16], strides = [1, 1]} : vector<256x512xf32> to vector<256x16xf32>
    %concatenate3A_62 = tpu.concatenate %slice3A_54, %slice3A_55, %slice3A_56, %slice3A_57, %slice3A_58, %slice3A_59, %slice3A_60, %slice3A_61 in 1 : vector<256x16xf32>, vector<256x16xf32>, vector<256x16xf32>, vector<256x16xf32>, vector<256x16xf32>, vector<256x16xf32>, vector<256x16xf32>, vector<256x16xf32> -> vector<256x128xf32>
    %swap3A_63 = arith.constant 2 : index
    %swap3A_64 = arith.constant 0 : index
    %swap3A_65 = arith.constant 0 : index
    %swap3A_66 = vector.load %arg6[%swap3A_63, %swap3A_64, %swap3A_65] : memref<4x256x128xf32, #tpu.memory_space<vmem>>, vector<1x256x128xf32>
    %swap3A_67 = vector.shape_cast %swap3A_66 : vector<1x256x128xf32> to vector<256x128xf32>
    %swap3A_68 = vector.shape_cast %concatenate3A_62 : vector<256x128xf32> to vector<1x256x128xf32>
    tpu.vector_store %arg6[%swap3A_63, %swap3A_64, %swap3A_65], %swap3A_68 {strides = array<i32>} : memref<4x256x128xf32, #tpu.memory_space<vmem>>, vector<1x256x128xf32>,
    %slice3A_69 = vector.extract_strided_slice %tanh3A {offsets = [0, 48], sizes = [256, 16], strides = [1, 1]} : vector<256x512xf32> to vector<256x16xf32>
    %slice3A_70 = vector.extract_strided_slice %tanh3A {offsets = [0, 112], sizes = [256, 16], strides = [1, 1]} : vector<256x512xf32> to vector<256x16xf32>
    %slice3A_71 = vector.extract_strided_slice %tanh3A {offsets = [0, 176], sizes = [256, 16], strides = [1, 1]} : vector<256x512xf32> to vector<256x16xf32>
    %slice3A_72 = vector.extract_strided_slice %tanh3A {offsets = [0, 240], sizes = [256, 16], strides = [1, 1]} : vector<256x512xf32> to vector<256x16xf32>
    %slice3A_73 = vector.extract_strided_slice %tanh3A {offsets = [0, 304], sizes = [256, 16], strides = [1, 1]} : vector<256x512xf32> to vector<256x16xf32>
    %slice3A_74 = vector.extract_strided_slice %tanh3A {offsets = [0, 368], sizes = [256, 16], strides = [1, 1]} : vector<256x512xf32> to vector<256x16xf32>
    %slice3A_75 = vector.extract_strided_slice %tanh3A {offsets = [0, 432], sizes = [256, 16], strides = [1, 1]} : vector<256x512xf32> to vector<256x16xf32>
    %slice3A_76 = vector.extract_strided_slice %tanh3A {offsets = [0, 496], sizes = [256, 16], strides = [1, 1]} : vector<256x512xf32> to vector<256x16xf32>
    %concatenate3A_77 = tpu.concatenate %slice3A_69, %slice3A_70, %slice3A_71, %slice3A_72, %slice3A_73, %slice3A_74, %slice3A_75, %slice3A_76 in 1 : vector<256x16xf32>, vector<256x16xf32>, vector<256x16xf32>, vector<256x16xf32>, vector<256x16xf32>, vector<256x16xf32>, vector<256x16xf32>, vector<256x16xf32> -> vector<256x128xf32>
    %swap3A_78 = arith.constant 3 : index
    %swap3A_79 = arith.constant 0 : index
    %swap3A_80 = arith.constant 0 : index
    %swap3A_81 = vector.load %arg6[%swap3A_78, %swap3A_79, %swap3A_80] : memref<4x256x128xf32, #tpu.memory_space<vmem>>, vector<1x256x128xf32>
    %swap3A_82 = vector.shape_cast %swap3A_81 : vector<1x256x128xf32> to vector<256x128xf32>
    %swap3A_83 = vector.shape_cast %concatenate3A_77 : vector<256x128xf32> to vector<1x256x128xf32>
    tpu.vector_store %arg6[%swap3A_78, %swap3A_79, %swap3A_80], %swap3A_83 {strides = array<i32>} : memref<4x256x128xf32, #tpu.memory_space<vmem>>, vector<1x256x128xf32>,
    return
  }
  func.func @transform_0(%arg0: i32) -> (i32, i32, i32) {
    %c0_i32 = arith.constant 0 : i32
    %c0_i32_0 = arith.constant 0 : i32
    %c0_i32_1 = arith.constant 0 : i32
    return %c0_i32, %arg0, %c0_i32_0 : i32, i32, i32
  }
  func.func @transform_1(%arg0: i32) -> (i32, i32) {
    %c0_i32 = arith.constant 0 : i32
    %c0_i32_0 = arith.constant 0 : i32
    return %arg0, %c0_i32 : i32, i32
  }
  func.func @transform_2(%arg0: i32) -> (i32, i32) {
    %c0_i32 = arith.constant 0 : i32
    %c0_i32_0 = arith.constant 0 : i32
    %c0_i32_1 = arith.constant 0 : i32
    return %c0_i32, %c0_i32_0 : i32, i32
  }
  func.func @transform_3(%arg0: i32) -> (i32, i32) {
    %c0_i32 = arith.constant 0 : i32
    %c0_i32_0 = arith.constant 0 : i32
    %c0_i32_1 = arith.constant 0 : i32
    return %c0_i32, %c0_i32_0 : i32, i32
  }
  func.func @transform_4(%arg0: i32) -> (i32, i32) {
    %c0_i32 = arith.constant 0 : i32
    %c0_i32_0 = arith.constant 0 : i32
    %c0_i32_1 = arith.constant 0 : i32
    return %c0_i32, %c0_i32_0 : i32, i32
  }
  func.func @transform_5(%arg0: i32) -> (i32, i32, i32) {
    %c0_i32 = arith.constant 0 : i32
    %c0_i32_0 = arith.constant 0 : i32
    %c0_i32_1 = arith.constant 0 : i32
    return %c0_i32, %arg0, %c0_i32_0 : i32, i32, i32
  }
}

module attributes {stable_mosaic.version = 14 : i64} {
  func.func @_tc_l2_body(%arg0: i32, %arg1: memref<4x256x128xf32, #tpu.memory_space<vmem>>, %arg2: memref<4x256x128xf32, #tpu.memory_space<vmem>>, %arg3: memref<512x512xf32, #tpu.memory_space<vmem>>, %arg4: memref<512x512xf32, #tpu.memory_space<vmem>>, %arg5: memref<512x128xf32, #tpu.memory_space<vmem>>, %arg6: memref<1x512xf32, #tpu.memory_space<vmem>>, %arg7: memref<1x128xf32, #tpu.memory_space<vmem>>, %arg8: memref<1x8xf32, #tpu.memory_space<vmem>>, %arg9: memref<1x8xf32, #tpu.memory_space<vmem>>, %arg10: memref<1x16xf32, #tpu.memory_space<vmem>>) attributes {dimension_semantics = [#tpu.dimension_semantics<arbitrary>], iteration_bounds = array<i64: 49>, scalar_prefetch = 0 : i64, scratch_operands = 1 : i64, tpu.core_type = #tpu.core_type<tc>, window_params = [{transform_indices = @transform_0, window_bounds = array<i64: 4, 256, 128>}, {transform_indices = @transform_1, window_bounds = array<i64: 4, 256, 128>}, {pipeline_mode = #tpu.pipeline_mode<synchronous>, transform_indices = @transform_2, window_bounds = array<i64: 512, 512>}, {pipeline_mode = #tpu.pipeline_mode<synchronous>, transform_indices = @transform_3, window_bounds = array<i64: 512, 512>}, {pipeline_mode = #tpu.pipeline_mode<synchronous>, transform_indices = @transform_4, window_bounds = array<i64: 512, 128>}, {pipeline_mode = #tpu.pipeline_mode<synchronous>, transform_indices = @transform_5, window_bounds = array<i64: 1, 512>}, {pipeline_mode = #tpu.pipeline_mode<synchronous>, transform_indices = @transform_6, window_bounds = array<i64: 1, 128>}, {pipeline_mode = #tpu.pipeline_mode<synchronous>, transform_indices = @transform_7, window_bounds = array<i64: 1, 8>}, {pipeline_mode = #tpu.pipeline_mode<synchronous>, transform_indices = @transform_8, window_bounds = array<i64: 1, 8>}]} {
    %get3A = arith.constant 0 : index
    %get3A_0 = arith.constant 0 : index
    %get3A_1 = arith.constant 0 : index
    %get3A_2 = vector.load %arg1[%get3A, %get3A_0, %get3A_1] : memref<4x256x128xf32, #tpu.memory_space<vmem>>, vector<1x256x128xf32>
    %get3A_3 = vector.shape_cast %get3A_2 : vector<1x256x128xf32> to vector<256x128xf32>
    %get3A_4 = arith.constant 1 : index
    %get3A_5 = arith.constant 0 : index
    %get3A_6 = arith.constant 0 : index
    %get3A_7 = vector.load %arg1[%get3A_4, %get3A_5, %get3A_6] : memref<4x256x128xf32, #tpu.memory_space<vmem>>, vector<1x256x128xf32>
    %get3A_8 = vector.shape_cast %get3A_7 : vector<1x256x128xf32> to vector<256x128xf32>
    %get3A_9 = arith.constant 2 : index
    %get3A_10 = arith.constant 0 : index
    %get3A_11 = arith.constant 0 : index
    %get3A_12 = vector.load %arg1[%get3A_9, %get3A_10, %get3A_11] : memref<4x256x128xf32, #tpu.memory_space<vmem>>, vector<1x256x128xf32>
    %get3A_13 = vector.shape_cast %get3A_12 : vector<1x256x128xf32> to vector<256x128xf32>
    %get3A_14 = arith.constant 3 : index
    %get3A_15 = arith.constant 0 : index
    %get3A_16 = arith.constant 0 : index
    %get3A_17 = vector.load %arg1[%get3A_14, %get3A_15, %get3A_16] : memref<4x256x128xf32, #tpu.memory_space<vmem>>, vector<1x256x128xf32>
    %get3A_18 = vector.shape_cast %get3A_17 : vector<1x256x128xf32> to vector<256x128xf32>
    %concatenate3A = tpu.concatenate %get3A_3, %get3A_8, %get3A_13, %get3A_18 in 1 : vector<256x128xf32>, vector<256x128xf32>, vector<256x128xf32>, vector<256x128xf32> -> vector<256x512xf32>
    %get3A_19 = arith.constant 0 : index
    %get3A_20 = arith.constant 0 : index
    %get3A_21 = arith.constant 0 : index
    %get3A_22 = vector.load %arg2[%get3A_19, %get3A_20, %get3A_21] : memref<4x256x128xf32, #tpu.memory_space<vmem>>, vector<1x256x128xf32>
    %get3A_23 = vector.shape_cast %get3A_22 : vector<1x256x128xf32> to vector<256x128xf32>
    %get3A_24 = arith.constant 1 : index
    %get3A_25 = arith.constant 0 : index
    %get3A_26 = arith.constant 0 : index
    %get3A_27 = vector.load %arg2[%get3A_24, %get3A_25, %get3A_26] : memref<4x256x128xf32, #tpu.memory_space<vmem>>, vector<1x256x128xf32>
    %get3A_28 = vector.shape_cast %get3A_27 : vector<1x256x128xf32> to vector<256x128xf32>
    %get3A_29 = arith.constant 2 : index
    %get3A_30 = arith.constant 0 : index
    %get3A_31 = arith.constant 0 : index
    %get3A_32 = vector.load %arg2[%get3A_29, %get3A_30, %get3A_31] : memref<4x256x128xf32, #tpu.memory_space<vmem>>, vector<1x256x128xf32>
    %get3A_33 = vector.shape_cast %get3A_32 : vector<1x256x128xf32> to vector<256x128xf32>
    %get3A_34 = arith.constant 3 : index
    %get3A_35 = arith.constant 0 : index
    %get3A_36 = arith.constant 0 : index
    %get3A_37 = vector.load %arg2[%get3A_34, %get3A_35, %get3A_36] : memref<4x256x128xf32, #tpu.memory_space<vmem>>, vector<1x256x128xf32>
    %get3A_38 = vector.shape_cast %get3A_37 : vector<1x256x128xf32> to vector<256x128xf32>
    %concatenate3A_39 = tpu.concatenate %get3A_23, %get3A_28, %get3A_33, %get3A_38 in 1 : vector<256x128xf32>, vector<256x128xf32>, vector<256x128xf32>, vector<256x128xf32> -> vector<256x512xf32>
    %get3A_40 = arith.constant 0 : index
    %get3A_41 = arith.constant 0 : index
    %get3A_42 = vector.load %arg3[%get3A_40, %get3A_41] : memref<512x512xf32, #tpu.memory_space<vmem>>, vector<512x512xf32>
    %dot_general3A = arith.constant dense<0.000000e+00> : vector<256x512xf32>
    %dot_general3A_43 = tpu.matmul %concatenate3A, %get3A_42, %dot_general3A {dimension_numbers = #tpu.dot_dimension_numbers<[1], [0], [0], [1], [0, 0, 1, 1], [], []>, transpose_lhs_hint = false} : vector<256x512xf32>, vector<512x512xf32>, vector<256x512xf32> -> vector<256x512xf32>
    %get3A_44 = arith.constant 0 : index
    %get3A_45 = arith.constant 0 : index
    %get3A_46 = vector.load %arg4[%get3A_44, %get3A_45] : memref<512x512xf32, #tpu.memory_space<vmem>>, vector<512x512xf32>
    %dot_general3A_47 = arith.constant dense<0.000000e+00> : vector<256x512xf32>
    %dot_general3A_48 = tpu.matmul %concatenate3A_39, %get3A_46, %dot_general3A_47 {dimension_numbers = #tpu.dot_dimension_numbers<[1], [0], [0], [1], [0, 0, 1, 1], [], []>, transpose_lhs_hint = false} : vector<256x512xf32>, vector<512x512xf32>, vector<256x512xf32> -> vector<256x512xf32>
    %add3A = arith.addf %dot_general3A_43, %dot_general3A_48 : vector<256x512xf32>
    %get3A_49 = arith.constant 0 : index
    %get3A_50 = arith.constant 0 : index
    %get3A_51 = vector.load %arg6[%get3A_49, %get3A_50] : memref<1x512xf32, #tpu.memory_space<vmem>>, vector<1x512xf32>
    %add3A_52 = vector.broadcast %get3A_51 : vector<1x512xf32> to vector<256x512xf32>
    %add3A_53 = arith.addf %add3A, %add3A_52 : vector<256x512xf32>
    %tanh3A = math.tanh %add3A_53 : vector<256x512xf32>
    %get3A_54 = arith.constant 0 : index
    %get3A_55 = arith.constant 0 : index
    %get3A_56 = vector.load %arg5[%get3A_54, %get3A_55] : memref<512x128xf32, #tpu.memory_space<vmem>>, vector<512x128xf32>
    %dot_general3A_57 = arith.constant dense<0.000000e+00> : vector<256x128xf32>
    %dot_general3A_58 = tpu.matmul %tanh3A, %get3A_56, %dot_general3A_57 {dimension_numbers = #tpu.dot_dimension_numbers<[1], [0], [0], [1], [0, 0, 1, 1], [], []>, transpose_lhs_hint = false} : vector<256x512xf32>, vector<512x128xf32>, vector<256x128xf32> -> vector<256x128xf32>
    %get3A_59 = arith.constant 0 : index
    %get3A_60 = arith.constant 0 : index
    %get3A_61 = vector.load %arg7[%get3A_59, %get3A_60] : memref<1x128xf32, #tpu.memory_space<vmem>>, vector<1x128xf32>
    %add3A_62 = vector.broadcast %get3A_61 : vector<1x128xf32> to vector<256x128xf32>
    %add3A_63 = arith.addf %dot_general3A_58, %add3A_62 : vector<256x128xf32>
    %tanh3A_64 = math.tanh %add3A_63 : vector<256x128xf32>
    %iota3A = tpu.iota {dimensions = array<i32: 0>} : vector<256x128xi32>
    %mul3A = arith.constant 8 : i32
    %mul3A_65 = vector.broadcast %mul3A : i32 to vector<256x128xi32>
    %mul3A_66 = arith.muli %mul3A_65, %iota3A : vector<256x128xi32>
    %iota3A_67 = tpu.iota {dimensions = array<i32: 1>} : vector<256x128xi32>
    %div3A = arith.constant 16 : i32
    %div3A_68 = vector.broadcast %div3A : i32 to vector<256x128xi32>
    %div3A_69 = arith.divsi %iota3A_67, %div3A_68 : vector<256x128xi32>
    %add3A_70 = arith.addi %mul3A_66, %div3A_69 : vector<256x128xi32>
    %mul3A_71 = arith.constant 2048 : i32
    %mul3A_72 = arith.muli %arg0, %mul3A_71 : i32
    %add3A_73 = vector.broadcast %mul3A_72 : i32 to vector<256x128xi32>
    %add3A_74 = arith.addi %add3A_70, %add3A_73 : vector<256x128xi32>
    %lt3A = arith.constant 100000 : i32
    %lt3A_75 = vector.broadcast %lt3A : i32 to vector<256x128xi32>
    %lt3A_76 = arith.cmpi slt, %add3A_74, %lt3A_75 : vector<256x128xi32>
    %jit3A = arith.constant 0.000000e+00 : f32
    %broadcast_in_dim3A = vector.broadcast %jit3A : f32 to vector<256x128xf32>
    %select_n3A = arith.select %lt3A_76, %tanh3A_64, %broadcast_in_dim3A : vector<256x128xi1>, vector<256x128xf32>
    %reduce_sum3A = arith.constant dense<0.000000e+00> : vector<128xf32>
    %reduce_sum3A_77 = vector.multi_reduction <add>, %select_n3A, %reduce_sum3A [0] : vector<256x128xf32> to vector<128xf32>
    %broadcast_in_dim3A_78 = vector.shape_cast %reduce_sum3A_77 : vector<128xf32> to vector<1x128xf32>
    %slice3A = vector.extract_strided_slice %broadcast_in_dim3A_78 {offsets = [0, 0], sizes = [1, 16], strides = [1, 1]} : vector<1x128xf32> to vector<1x16xf32>
    %add3A_79 = arith.constant 0.000000e+00 : f32
    %add3A_80 = vector.broadcast %add3A_79 : f32 to vector<1x16xf32>
    %add3A_81 = arith.addf %add3A_80, %slice3A : vector<1x16xf32>
    %slice3A_82 = vector.extract_strided_slice %broadcast_in_dim3A_78 {offsets = [0, 16], sizes = [1, 16], strides = [1, 1]} : vector<1x128xf32> to vector<1x16xf32>
    %add3A_83 = arith.addf %add3A_81, %slice3A_82 : vector<1x16xf32>
    %slice3A_84 = vector.extract_strided_slice %broadcast_in_dim3A_78 {offsets = [0, 32], sizes = [1, 16], strides = [1, 1]} : vector<1x128xf32> to vector<1x16xf32>
    %add3A_85 = arith.addf %add3A_83, %slice3A_84 : vector<1x16xf32>
    %slice3A_86 = vector.extract_strided_slice %broadcast_in_dim3A_78 {offsets = [0, 48], sizes = [1, 16], strides = [1, 1]} : vector<1x128xf32> to vector<1x16xf32>
    %add3A_87 = arith.addf %add3A_85, %slice3A_86 : vector<1x16xf32>
    %slice3A_88 = vector.extract_strided_slice %broadcast_in_dim3A_78 {offsets = [0, 64], sizes = [1, 16], strides = [1, 1]} : vector<1x128xf32> to vector<1x16xf32>
    %add3A_89 = arith.addf %add3A_87, %slice3A_88 : vector<1x16xf32>
    %slice3A_90 = vector.extract_strided_slice %broadcast_in_dim3A_78 {offsets = [0, 80], sizes = [1, 16], strides = [1, 1]} : vector<1x128xf32> to vector<1x16xf32>
    %add3A_91 = arith.addf %add3A_89, %slice3A_90 : vector<1x16xf32>
    %slice3A_92 = vector.extract_strided_slice %broadcast_in_dim3A_78 {offsets = [0, 96], sizes = [1, 16], strides = [1, 1]} : vector<1x128xf32> to vector<1x16xf32>
    %add3A_93 = arith.addf %add3A_91, %slice3A_92 : vector<1x16xf32>
    %slice3A_94 = vector.extract_strided_slice %broadcast_in_dim3A_78 {offsets = [0, 112], sizes = [1, 16], strides = [1, 1]} : vector<1x128xf32> to vector<1x16xf32>
    %add3A_95 = arith.addf %add3A_93, %slice3A_94 : vector<1x16xf32>
    %eq3A = arith.constant 0 : i32
    %eq3A_96 = arith.cmpi eq, %arg0, %eq3A : i32
    %convert_element_type3A = arith.extui %eq3A_96 : i1 to i32
    %cond3A = arith.constant 0 : i32
    %cond3A_97 = arith.cmpi ne, %convert_element_type3A, %cond3A : i32
    scf.if %cond3A_97 {
      %broadcast_in_dim3A_109 = arith.constant 0.000000e+00 : f32
      %broadcast_in_dim3A_110 = vector.broadcast %broadcast_in_dim3A_109 : f32 to vector<1x16xf32>
      %swap3A_111 = arith.constant 0 : index
      %swap3A_112 = arith.constant 0 : index
      %swap3A_113 = vector.load %arg10[%swap3A_111, %swap3A_112] : memref<1x16xf32, #tpu.memory_space<vmem>>, vector<1x16xf32>
      tpu.vector_store %arg10[%swap3A_111, %swap3A_112], %broadcast_in_dim3A_110 {strides = array<i32>} : memref<1x16xf32, #tpu.memory_space<vmem>>, vector<1x16xf32>,
    } else {
    }
    %get3A_98 = arith.constant 0 : index
    %get3A_99 = arith.constant 0 : index
    %get3A_100 = vector.load %arg10[%get3A_98, %get3A_99] : memref<1x16xf32, #tpu.memory_space<vmem>>, vector<1x16xf32>
    %add3A_101 = arith.addf %get3A_100, %add3A_95 : vector<1x16xf32>
    %swap3A = arith.constant 0 : index
    %swap3A_102 = arith.constant 0 : index
    %swap3A_103 = vector.load %arg10[%swap3A, %swap3A_102] : memref<1x16xf32, #tpu.memory_space<vmem>>, vector<1x16xf32>
    tpu.vector_store %arg10[%swap3A, %swap3A_102], %add3A_101 {strides = array<i32>} : memref<1x16xf32, #tpu.memory_space<vmem>>, vector<1x16xf32>,
    %eq3A_104 = arith.constant 48 : i32
    %eq3A_105 = arith.cmpi eq, %arg0, %eq3A_104 : i32
    %convert_element_type3A_106 = arith.extui %eq3A_105 : i1 to i32
    %cond3A_107 = arith.constant 0 : i32
    %cond3A_108 = arith.cmpi ne, %convert_element_type3A_106, %cond3A_107 : i32
    scf.if %cond3A_108 {
      %get3A_109 = arith.constant 0 : index
      %get3A_110 = arith.constant 0 : index
      %get3A_111 = vector.load %arg10[%get3A_109, %get3A_110] : memref<1x16xf32, #tpu.memory_space<vmem>>, vector<1x16xf32>
      %div3A_112 = arith.constant 1.000000e+05 : f32
      %div3A_113 = vector.broadcast %div3A_112 : f32 to vector<1x16xf32>
      %div3A_114 = arith.divf %get3A_111, %div3A_113 : vector<1x16xf32>
      %slice3A_115 = vector.extract_strided_slice %div3A_114 {offsets = [0, 0], sizes = [1, 8], strides = [1, 1]} : vector<1x16xf32> to vector<1x8xf32>
      %swap3A_116 = arith.constant 0 : index
      %swap3A_117 = arith.constant 0 : index
      %swap3A_118 = vector.load %arg8[%swap3A_116, %swap3A_117] : memref<1x8xf32, #tpu.memory_space<vmem>>, vector<1x8xf32>
      tpu.vector_store %arg8[%swap3A_116, %swap3A_117], %slice3A_115 {strides = array<i32>} : memref<1x8xf32, #tpu.memory_space<vmem>>, vector<1x8xf32>,
      %slice3A_119 = vector.extract_strided_slice %div3A_114 {offsets = [0, 8], sizes = [1, 8], strides = [1, 1]} : vector<1x16xf32> to vector<1x8xf32>
      %add3A_120 = arith.constant 0.541324854 : f32
      %add3A_121 = vector.broadcast %add3A_120 : f32 to vector<1x8xf32>
      %add3A_122 = arith.addf %slice3A_119, %add3A_121 : vector<1x8xf32>
      %exp3A = math.exp %add3A_122 : vector<1x8xf32>
      %log1p3A = math.log1p %exp3A : vector<1x8xf32>
      %max3A = arith.constant 9.99999974E-5 : f32
      %max3A_123 = vector.broadcast %max3A : f32 to vector<1x8xf32>
      %max3A_124 = arith.maximumf %log1p3A, %max3A_123 : vector<1x8xf32>
      %swap3A_125 = arith.constant 0 : index
      %swap3A_126 = arith.constant 0 : index
      %swap3A_127 = vector.load %arg9[%swap3A_125, %swap3A_126] : memref<1x8xf32, #tpu.memory_space<vmem>>, vector<1x8xf32>
      tpu.vector_store %arg9[%swap3A_125, %swap3A_126], %max3A_124 {strides = array<i32>} : memref<1x8xf32, #tpu.memory_space<vmem>>, vector<1x8xf32>,
    } else {
    }
    return
  }
  func.func @transform_0(%arg0: i32) -> (i32, i32, i32) {
    %c0_i32 = arith.constant 0 : i32
    %c0_i32_0 = arith.constant 0 : i32
    %c0_i32_1 = arith.constant 0 : i32
    return %c0_i32, %arg0, %c0_i32_0 : i32, i32, i32
  }
  func.func @transform_1(%arg0: i32) -> (i32, i32, i32) {
    %c0_i32 = arith.constant 0 : i32
    %c0_i32_0 = arith.constant 0 : i32
    %c0_i32_1 = arith.constant 0 : i32
    return %c0_i32, %arg0, %c0_i32_0 : i32, i32, i32
  }
  func.func @transform_2(%arg0: i32) -> (i32, i32) {
    %c0_i32 = arith.constant 0 : i32
    %c0_i32_0 = arith.constant 0 : i32
    %c0_i32_1 = arith.constant 0 : i32
    return %c0_i32, %c0_i32_0 : i32, i32
  }
  func.func @transform_3(%arg0: i32) -> (i32, i32) {
    %c0_i32 = arith.constant 0 : i32
    %c0_i32_0 = arith.constant 0 : i32
    %c0_i32_1 = arith.constant 0 : i32
    return %c0_i32, %c0_i32_0 : i32, i32
  }
  func.func @transform_4(%arg0: i32) -> (i32, i32) {
    %c0_i32 = arith.constant 0 : i32
    %c0_i32_0 = arith.constant 0 : i32
    %c0_i32_1 = arith.constant 0 : i32
    return %c0_i32, %c0_i32_0 : i32, i32
  }
  func.func @transform_5(%arg0: i32) -> (i32, i32) {
    %c0_i32 = arith.constant 0 : i32
    %c0_i32_0 = arith.constant 0 : i32
    %c0_i32_1 = arith.constant 0 : i32
    return %c0_i32, %c0_i32_0 : i32, i32
  }
  func.func @transform_6(%arg0: i32) -> (i32, i32) {
    %c0_i32 = arith.constant 0 : i32
    %c0_i32_0 = arith.constant 0 : i32
    %c0_i32_1 = arith.constant 0 : i32
    return %c0_i32, %c0_i32_0 : i32, i32
  }
  func.func @transform_7(%arg0: i32) -> (i32, i32) {
    %c0_i32 = arith.constant 0 : i32
    %c0_i32_0 = arith.constant 0 : i32
    %c0_i32_1 = arith.constant 0 : i32
    return %c0_i32, %c0_i32_0 : i32, i32
  }
  func.func @transform_8(%arg0: i32) -> (i32, i32) {
    %c0_i32 = arith.constant 0 : i32
    %c0_i32_0 = arith.constant 0 : i32
    %c0_i32_1 = arith.constant 0 : i32
    return %c0_i32, %c0_i32_0 : i32, i32
  }
}

</mosaic_0001>

<sc_bundles>
// kernel: kernel.10.cloned.1.call-start
scs
__scs_entry_jumppad:
0x0: {  	(pc) =	sbr.rel $0x88, $3  }
0x1: {  	(tag) =	ssettag $0x0;
	lr =	simm.s32 $0x1  }
0x2: {  	[smem:$0x3F95] =	sst lr;
	_ =	strace $0xD0000000  }
0x3: {  	_ = 	snop  }
0x4: {  	_ = 	snop  }
0x5: {  	_ = 	snop  }
0x6: {  	_ = 	snop  }
0x7: {  	_ = 	snop  }
__scs_overlays_trampoline_lowered:
0x8: {  	[smem:$0x3FA4] =	sst s0  }
0x9: {  	[smem:$0x3FA5] =	sst s1  }
0xa: {  	[smem:$0x3FA6] =	sst s2  }
0xb: {  	[smem:$0x3FA7] =	sst s3  }
0xc: {  	[smem:$0x3FA8] =	sst s4  }
0xd: {  	[smem:$0x3FA9] =	sst s5  }
0xe: {  	[smem:$0x3FAA] =	sst s6  }
0xf: {  	[smem:$0x3FAB] =	sst s7  }
0x10: {  	[smem:$0x3FAC] =	sst s8  }
0x11: {  	[smem:$0x3FAD] =	sst s9;
	s0 =	simm.s32 @!p0 $0x0  }
0x12: {  	s1 =	sld [smem:$0x3F93];
	s0 =	simm.s32 @p0 $0x1  }
0x13: {  	[smem:$0x3FAE] =	sst s0;
	s0 =	simm.s32 @!p1 $0x0  }
0x14: {  	s2 =	sld [smem:$0x3F92];
	s0 =	simm.s32 @p1 $0x1  }
0x15: {  	[smem:$0x3FAF] =	sst s0;
	s0 =	simm.s32 @!p2 $0x0  }
0x16: {  	s3 =	sld [smem:$0x3FDB];
	s0 =	simm.s32 @p2 $0x1  }
0x17: {  	s4 =	simm.s32 $0x1BF5;
	[smem:$0x3FB1] =	sst s0  }
0x18: {  	s0 =	sld [smem:$0x3F94];
	_ =	swait.ge [sflag:s4], $0x0  }
0x19: {  	s7 =	sld [smem:$0x3F95]  }
0x1a: {  	s8 =	sadd.s32 $0xFFFFE003, lr  }
0x1b: {  	s9 =	sadd.s32 $0xFFFFFEF7, lr;
	s5 =	simm.s32 $0xFFFFFFFF;
	p2 =	slt.u32 s8, $0xFFFFF086  }
0x1c: {  	p1 =	slt.u32 s9, $0xF7A;
	s5 =	simm.s32 @!p2 $0x0  }
0x1d: {  	s5 =	simm.s32 @p1 $0x1;
	p0 =	seq.s32 s7, s2  }
0x1e: {  	s7 =	smul.u32 @!p0 $0xF7A, s2;
	p2 =	seq.s32 @!p0 s5, $0x0  }
0x1f: {  	s9 =	smul.u32 $0xF7A, s1;
	s8 =	simm.s32 @!p0 $0x1BF5;
	p2 =	por !p2, p0  }
0x20: {  	[sflag:s8] =	ssyncset.s32 @!p0 $0xFFFFF086;
	s6 =	sadd.s32 @!p0 s3, s7;
	s7 =	simm.s32 @!p0 $0x108  }
0x21: {  	s3 =	sadd.s32 s3, s9;
	s6 =	sadd.s32 @!p0 $0x88, s6;
	s7 =	simm.s32 @p2 $0x1082  }
0x22: {  	[simem:s7], [sflag:s8] =	dma.local @!p0 [hbm:s6], $0xF7A  }
0x23: {  	s9 =	sor.u32 $0xD0000000, s2;
	s6 =	simm.s32 $0x108;
	_ =	swait.ge @!p0 [sflag:s8], $0x0  }
0x24: {  	s3 =	sadd.s32 $0x88, s3;
	s6 =	simm.s32 @!p1 $0x1082;
	[sflag:s4] =	ssyncset.s32 $0xFFFFF086  }
0x25: {  	[simem:s6], [sflag:s4] =	dma.local [hbm:s3], $0xF7A  }
0x26: {  	[smem:$0x3F95] =	sst s1;
	(tag) =	ssettag s2;
	_ =	strace s9  }
0x27: {  	s1 =	sld [smem:$0x3FA5]  }
0x28: {  	s2 =	sld [smem:$0x3FA6]  }
0x29: {  	s4 =	sld [smem:$0x3FA8]  }
0x2a: {  	p0 =	seq.s32 s5, $0x0;
	s5 =	sld [smem:$0x3FA9]  }
0x2b: {  	s6 =	sld [smem:$0x3FAA]  }
0x2c: {  	s7 =	sld [smem:$0x3FAB]  }
0x2d: {  	s3 =	simm.s32 $0x108;
	s8 =	sld [smem:$0x3FAC]  }
0x2e: {  	s3 =	simm.s32 @!p0 $0x1082;
	s9 =	sld [smem:$0x3FAD]  }
0x2f: {  	lr =	sadd.s32 s0, s3;
	s0 =	sld [smem:$0x3FA4]  }
0x30: {  	s3 =	sld [smem:$0x3FA7]  }
0x31: {  	[smem:$0x3FB0] =	sst s10  }
0x32: {  	s10 =	sld [smem:$0x3FAE];
	_ =	sdelay $0x3  }
0x33: {  	p0 =	seq.s32 s10, $0x1;
	s10 =	sld [smem:$0x3FB0];
	_ =	sdelay $0x3  }
0x34: {  	[smem:$0x3FB0] =	sst s10  }
0x35: {  	s10 =	sld [smem:$0x3FAF];
	_ =	sdelay $0x3  }
0x36: {  	p1 =	seq.s32 s10, $0x1;
	s10 =	sld [smem:$0x3FB0];
	_ =	sdelay $0x3  }
0x37: {  	[smem:$0x3FB0] =	sst s10  }
0x38: {  	s10 =	sld [smem:$0x3FB1]  }
0x39: {  	_ = 	snop;
	(pc) =	sbr.ind lr, $3  }
0x3a: {  	_ = 	snop  }
0x3b: {  	_ = 	snop  }
0x3c: {  	p2 =	seq.s32 s10, $0x1;
	s10 =	sld [smem:$0x3FB0]  }
0x3d: {  	_ =	shalt  }
0x3e: {  	_ =	shalt  }
0x3f: {  	_ =	shalt  }
0x40: {  	_ =	shalt  }
0x41: {  	_ =	shalt  }
0x42: {  	_ =	shalt  }
0x43: {  	_ =	shalt  }
0x44: {  	_ =	shalt  }
0x45: {  	_ =	shalt  }
0x46: {  	_ =	shalt  }
0x47: {  	_ =	shalt  }
0x48: {  	_ =	shalt  }
0x49: {  	_ =	shalt  }
0x4a: {  	_ =	shalt  }
0x4b: {  	_ =	shalt  }
0x4c: {  	_ =	shalt  }
0x4d: {  	_ =	shalt  }
0x4e: {  	_ =	shalt  }
0x4f: {  	_ =	shalt  }
0x50: {  	_ =	shalt  }
0x51: {  	_ =	shalt  }
0x52: {  	_ =	shalt  }
0x53: {  	_ =	shalt  }
0x54: {  	_ =	shalt  }
0x55: {  	_ =	shalt  }
0x56: {  	_ =	shalt  }
0x57: {  	_ =	shalt  }
0x58: {  	_ =	shalt  }
0x59: {  	_ =	shalt  }
0x5a: {  	_ =	shalt  }
0x5b: {  	_ =	shalt  }
0x5c: {  	_ =	shalt  }
0x5d: {  	_ =	shalt  }
0x5e: {  	_ =	shalt  }
0x5f: {  	_ =	shalt  }
0x60: {  	_ =	shalt  }
0x61: {  	_ =	shalt  }
0x62: {  	_ =	shalt  }
0x63: {  	_ =	shalt  }
0x64: {  	_ =	shalt  }
0x65: {  	_ =	shalt  }
0x66: {  	_ =	shalt  }
0x67: {  	_ =	shalt  }
0x68: {  	_ =	shalt  }
0x69: {  	_ =	shalt  }
0x6a: {  	_ =	shalt  }
0x6b: {  	_ =	shalt  }
0x6c: {  	_ =	shalt  }
0x6d: {  	_ =	shalt  }
0x6e: {  	_ =	shalt  }
0x6f: {  	_ =	shalt  }
0x70: {  	_ =	shalt  }
0x71: {  	_ =	shalt  }
0x72: {  	_ =	shalt  }
0x73: {  	_ =	shalt  }
0x74: {  	_ =	shalt  }
0x75: {  	_ =	shalt  }
0x76: {  	_ =	shalt  }
0x77: {  	_ =	shalt  }
0x78: {  	_ =	shalt  }
0x79: {  	_ =	shalt  }
0x7a: {  	_ =	shalt  }
0x7b: {  	_ =	shalt  }
0x7c: {  	_ =	shalt  }
0x7d: {  	_ =	shalt  }
0x7e: {  	_ =	shalt  }
0x7f: {  	_ =	shalt  }
0x80: {  	_ =	shalt  }
0x81: {  	_ =	shalt  }
0x82: {  	_ =	shalt  }
0x83: {  	_ =	shalt  }
0x84: {  	_ =	shalt  }
0x85: {  	_ =	shalt  }
0x86: {  	_ =	shalt  }
0x87: {  	_ =	shalt  }
.Lfunc_end0:
.L_simem_size_0:
called_computation.1_lowered:
.L_overlay_start_0:
0x88: {  	s2 =	sld [smem:$0x3FD9]  }
0x89: {  	s3 =	sld [smem:$0x3FFE];
	_ =	sdelay $0x1  }
0x8a: {  	s1 =	srdreg.scid  }
0x8b: {  	s0 =	sand.u32 $0x1, s1  }
0x8c: {  	s16 =	sshll.u32 s0, $0xA;
	s2 =	sadd.s32 s3, s2  }
0x8d: {  	s2 =	sadd.s32 s2, s16  }
0x8e: {  	[smem:$0x3FBC] =	sst s2  }
0x8f: {  	_ = 	snop  }
0x90: {  	(tm) =	ssettm $0x1  }
0x91: {  	s17 =	sld [smem:$0x3FFB];
	_ =	sdelay $0x3  }
0x92: {  	_ =	strace s17  }
0x93: {  	s2 =	sld [smem:$0x3FFC];
	_ =	sdelay $0x3  }
0x94: {  	_ =	strace s2  }
0x95: {  	s2 =	sld [smem:$0x3FFD];
	_ =	sdelay $0x3  }
0x96: {  	_ =	strace s2  }
0x97: {  	_ =	strace $0x8FFFFFFF  }
0x98: {  	s18 =	sld [smem:$0x3FDB];
	_ =	sdelay $0x1  }
0x99: {  	s19 =	simm.s32 $_scs_section_size  }
0x9a: {  	s4 =	simm.s32 $_size__tile_overlayer_lowered;
	s5 =	simm.s32 $_tile_overlayer_lowered  }
0x9b: {  	s22 =	simm.s32 $0x1BFF;
	s21 =	sshll.u32 s5, $0x1;
	s2 =	sadd.s32 s19, s18  }
0x9c: {  	s6 =	simm.s32 $0x0;
	s20 =	sshll.u32 s4, $0x1;
	s4 =	sadd.s32 s21, s2  }
0x9d: {  	[timem:s6], [sflag:s22] =	dma.local [hbm:s4], s20  }
0x9e: {  	_ =	swait.ge [sflag:s22], s20  }
0x9f: {  	s3 =	ssub.s32 $0x0, s20;
	[sflag:s22] =	ssyncset.done $0x0  }
0xa0: {  	[sflag:s22] =	ssyncadd.s32 s3;
	_ =	sdelay $0x1  }
0xa1: {  	s23 =	simm.s32 $0x1B8B  }
0xa2: {  	_ =	swait.ge [sflag:s23], $0x1  }
0xa3: {  	[sflag:s23] =	ssyncset.done $0x0  }
0xa4: {  	s25 =	simm.s32 $0x1B8E;
	s24 =	sld [smem:$0x3FFE];
	[sflag:s23] =	ssyncadd.s32 $0xFFFFFFFF  }
0xa5: {  	s26 =	simm.s32 $execute0_lowered;
	[smem:$0x3FD2] =	sst s25  }
0xa6: {  	s4 =	sshll.u32 s26, $0x1;
	_ =	strace $0x80000049;
	[dreg:$0x1] =	wrdreg $0xFFFFFFFF  }
0xa7: {  	s28 =	simm.s32 $_size_execute0_lowered;
	s2 =	sadd.s32 s2, s4;
	[dreg:$0x0] =	wrdreg $0x0  }
0xa8: {  	s4 =	sshll.u32 s28, $0x1;
	[dreg:$0x2] =	wrdreg s2  }
0xa9: {  	[dreg:$0x3] =	wrdreg s4  }
0xaa: {  	[dreg:$0x4] =	wrdreg $0xC0  }
0xab: {  	_ =	task [dreg:s6], $0x5FFFF  }
0xac: {  	[dreg:$0x1] =	wrdreg $0xFFFFFFFF  }
0xad: {  	[dreg:$0x0] =	wrdreg $0x60  }
0xae: {  	[dreg:$0x2] =	wrdreg s24  }
0xaf: {  	[dreg:$0x3] =	wrdreg $0x0  }
0xb0: {  	[dreg:$0x4] =	wrdreg $0x9  }
0xb1: {  	_ =	task.clear_ibuf [dreg:s6], $0x5FFFF;
	_ =	strace $0x90000049  }
0xb2: {  	s29 =	simm.s32 $0x9;
	_ =	strace $0x8000004B  }
0xb3: {  	_ =	swait.ge [sflag:s29], $0x1  }
0xb4: {  	[sflag:s29] =	ssyncadd.s32 $0xFFFFFFFF  }
0xb5: {  	_ =	strace $0x9000004B  }
0xb6: {  	_ =	sfence  }
0xb7: {  	s30 =	sld [smem:$0x0];
	_ =	sdelay $0x2  }
0xb8: {  	s31 =	sshll.u32 s1, $0xD;
	s1 =	sshrl.u32 s1, $0x2  }
0xb9: {  	s3 =	sand.u32 $0x4000, s31;
	s1 =	sadd.s32 s1, s30  }
0xba: {  	s0 =	sor.u32 s3, s0;
	s1 =	sshll.u32 s1, $0x11  }
0xbb: {  	s0 =	sor.u32 s1, s0  }
0xbc: {  	s0 =	sadd.s32 $0x8F2B, s0  }
0xbd: {  	[sflag:s0] =	ssyncadd.remote.s32 $0x1  }
0xbe: {  	_ =	sfence.sel $0xFFFF  }
0xbf: {  	[dreg:$0x0] =	wrdreg $0xFFFFFFFF;
	(pc) =	sbr.abs _section_cstart, $3  }
0xc0: {  	[dreg:$0x1] =	wrdreg $0xFFFFFFFF  }
0xc1: {  	_ =	task.clear_ibuf [dreg:s6], $0x2FFFF;
	_ =	strace $0x9FFFFFFF  }
0xc2: {  	(tm) =	ssettm $0x7FFFFFFF  }
0xc3: {  	_ =	shalt  }
tec
execute0_lowered:
.L_overlay_start_1:
0x0: {  	(tag) =	ssettag $0x1  }
0x1: {  	s0 =	rddreg [dreg:$0x0];
	s7 =	stileid.u32  }
0x2: {  	s2 =	rddreg [dreg:$0x1];
	s4 =	simm.s32 $0x0;
	s1 =	smul.u32 $0x3100, s7  }
0x3: {  	[smem:$0x7FF] =	sst s4  }
0x4: {  	s20 =	simm.s32 $0x18880;
	[smem:$0x7E7] =	sst s1  }
0x5: {  	s21 =	simm.s32 $0x18900;
	_ =	strace $0x8000004A;
	[dreg:$0x5] =	wrdreg s20  }
0x6: {  	s22 =	simm.s32 $0x18980;
	[dreg:$0x6] =	wrdreg s21  }
0x7: {  	s23 =	simm.s32 $0x18A00;
	[dreg:$0x7] =	wrdreg s22  }
0x8: {  	s24 =	simm.s32 $0x18A80;
	[dreg:$0x8] =	wrdreg s23  }
0x9: {  	s25 =	simm.s32 $0x18B00;
	[dreg:$0x9] =	wrdreg s24  }
0xa: {  	s26 =	simm.s32 $0x18B80;
	[dreg:$0xa] =	wrdreg s25  }
0xb: {  	s3 =	simm.s32 $0x19680;
	[dreg:$0xb] =	wrdreg s26  }
0xc: {  	s5 =	simm.s32 $0x19700;
	[dreg:$0xc] =	wrdreg s3  }
0xd: {  	s6 =	simm.s32 $0x19780;
	[dreg:$0xd] =	wrdreg s5  }
0xe: {  	s8 =	simm.s32 $0x18C00;
	[dreg:$0xe] =	wrdreg s6  }
0xf: {  	s9 =	simm.s32 $0x18C80;
	[dreg:$0xf] =	wrdreg s8  }
0x10: {  	s10 =	simm.s32 $0x18D00;
	[dreg:$0x10] =	wrdreg s9  }
0x11: {  	s11 =	simm.s32 $0x18D80;
	[dreg:$0x11] =	wrdreg s10  }
0x12: {  	s12 =	simm.s32 $0x19800;
	[dreg:$0x12] =	wrdreg s11  }
0x13: {  	s13 =	simm.s32 $0x19880;
	[dreg:$0x13] =	wrdreg s12  }
0x14: {  	s14 =	simm.s32 $0x19900;
	[dreg:$0x14] =	wrdreg s13  }
0x15: {  	s15 =	simm.s32 $0x19980;
	[dreg:$0x15] =	wrdreg s14  }
0x16: {  	s16 =	simm.s32 $0x18E00;
	[dreg:$0x16] =	wrdreg s15  }
0x17: {  	s17 =	simm.s32 $0x18E80;
	[dreg:$0x17] =	wrdreg s16  }
0x18: {  	s18 =	simm.s32 $0x18F00;
	s1 =	sadd.s32 s1, s0;
	[dreg:$0x18] =	wrdreg s17  }
0x19: {  	s1 =	sadd.s32 $0x2E00, s1;
	[dreg:$0x19] =	wrdreg s18  }
0x1a: {  	s5 =	sadd.s32 $0x128A00, s0;
	s3 =	sadd.s32 $0x64A00, s0;
	[dreg:$0x3] =	wrdreg s1  }
0x1b: {  	s0 =	sadd.s32 $0x1ECA00, s0;
	[smem:$0x7E8] =	sst s3  }
0x1c: {  	s20 =	simm.s32 $0x18F80;
	[smem:$0x7E9] =	sst s0  }
0x1d: {  	s21 =	simm.s32 $0x19A00;
	[dreg:$0x1a] =	wrdreg s20  }
0x1e: {  	s23 =	simm.s32 $0x19A80;
	[dreg:$0x1b] =	wrdreg s21  }
0x1f: {  	s24 =	simm.s32 $0x19B00;
	[dreg:$0x1c] =	wrdreg s23  }
0x20: {  	s19 =	srdreg.scid;
	s25 =	simm.s32 $0x19B80;
	[dreg:$0x1d] =	wrdreg s24  }
0x21: {  	s28 =	simm.s32 $0x1E400;
	s8 =	simm.s32 $0x19080;
	[dreg:$0x1e] =	wrdreg s25  }
0x22: {  	s29 =	simm.s32 $0x19580;
	s9 =	simm.s32 $0x19100;
	[smem:$0x7EC] =	sst s8  }
0x23: {  	s30 =	simm.s32 $0x1A000;
	s11 =	simm.s32 $0x19180;
	[smem:$0x7ED] =	sst s9  }
0x24: {  	s31 =	simm.s32 $0x1A080;
	s12 =	simm.s32 $0x19C00;
	[smem:$0x7EE] =	sst s11  }
0x25: {  	s26 =	smul.u32 $0x1880, s7;
	s14 =	simm.s32 $0x19C80;
	[smem:$0x7F0] =	sst s12  }
0x26: {  	s7 =	smul.u32 $0x62000, s7;
	s15 =	simm.s32 $0x19D00;
	[smem:$0x7F1] =	sst s14  }
0x27: {  	s16 =	simm.s32 $0x19D80;
	s17 =	simm.s32 $0x19200;
	[smem:$0x7F2] =	sst s15  }
0x28: {  	s18 =	simm.s32 $0x19280;
	s1 =	sand.u32 $0x1, s19;
	[smem:$0x7F3] =	sst s16  }
0x29: {  	s14 =	simm.s32 $0x18800;
	s15 =	simm.s32 $0x19600;
	[smem:$0x7F4] =	sst s17  }
0x2a: {  	s16 =	simm.s32 $0x80;
	[smem:$0x7F5] =	sst s18;
	s19 =	simm.s32 $0x19300  }
0x2b: {  	s17 =	simm.s32 $0x1A400;
	s20 =	simm.s32 $0x19380;
	s18 =	simm.s32 $0x1AC00  }
0x2c: {  	s21 =	simm.s32 $0x19E00;
	s23 =	simm.s32 $0x19F00;
	[smem:$0x7EA] =	sst s26  }
0x2d: {  	s24 =	simm.s32 $0x19F80;
	s25 =	simm.s32 $0x19400;
	[smem:$0x7F6] =	sst s19  }
0x2e: {  	s11 =	simm.s32 $0x1A180;
	s0 =	simm.s32 $0x1A200;
	[smem:$0x7F7] =	sst s20  }
0x2f: {  	s9 =	simm.s32 $0x0;
	s22 =	ssub.s32 $0x2, s1;
	[smem:$0x7F8] =	sst s21  }
0x30: {  	s1 =	sshll.u32 s1, $0x1;
	s10 =	sshrl.u32 s7, $0x2;
	[smem:$0x7FA] =	sst s23  }
0x31: {  	s19 =	simm.s32 $0x1B400;
	s20 =	simm.s32 $0x1BC00;
	[smem:$0x7FB] =	sst s24  }
0x32: {  	s21 =	simm.s32 $0x1;
	s23 =	simm.s32 $0x1CC00;
	[smem:$0x7FC] =	sst s25  }
0x33: {  	s26 =	simm.s32 $0x19480;
	s24 =	simm.s32 $0x1D400;
	s25 =	simm.s32 $0x1DC00  }
0x34: {  	s7 =	simm.s32 $0x1A380;
	s6 =	sshrl.u32 s22, $0x1;
	[smem:$0x7EB] =	sst s1  }
0x35: {  	s10 =	sadd.s32 s10, s2;
	[smem:$0x7FD] =	sst s26;
	s26 =	simm.s32 $0x2  }
0x36: {  	s1 =	simm.s32 $0x1A100;
	s3 =	ssub.s32 s22, s6;
	s6 =	simm.s32 $0x19000  }
0x37: {  	s22 =	simm.s32 $0x19E80;
	[dreg:$0x1f] =	wrdreg s6;
	s13 =	smax.u32 s3, $0x1  }
0x38: {  	[smem:$0x7F9] =	sst s22;
	s22 =	simm.s32 $0x1C400;
	s3 =	simm.s32 $0x1A280  }
0x39: {  	v0 =	vimm.f32 $0.0e+00;
	s6 =	simm.s32 $0x1A300;
	[smem:$0x7EF] =	sst s13;
	s13 =	simm.s32 $0x3  }
.LBB2_1:
0x3a: {  	[smem:$0x7E6] =	sst s9;
	s8 =	simm.s32 $0x0  }
.LBB2_2:
0x3b: {  	p0 =	sne.s32 s8, $0x1FC0  }
.Ltmp0:
0x3c: {  	_ = 	snop;
	(pc) =	sbr.rel @p0 .LBB2_2-.Ltmp0, $3  }
0x3d: {  	_ =	sdelay $0x1  }
0x3e: {  	s9 =	sshra.s32 s8, $0x2  }
0x3f: {  	s8 =	sadd.s32 $0x40, s8;
	[tilespmem:s9+$0x1E400] =	vst v0  }
0x40: {  	s8 =	simm.s32 $0x0;
	p1 =	por $0x1, $0x1  }
.LBB2_4:
0x41: {  	s9 =	sadd.s32 $0x0, s10  }
0x42: {  	[spmem:s9] =	stream.linear.scatter [tilespmem:s28], [sflag:$0x3], $0x800, $0x38;
	[tilespmem:$0x1EC00] =	vst v63  }
0x43: {  	p0 =	por p1, p1;
	s9 =	simm.s32 $0x2000;
	_ =	swait.ge [sflag:s13], $0x800  }
.LBB2_5:
0x44: {  	s12 =	sshra.s32 s9, $0x2;
	[sflag:s13] =	ssyncset.done $0x0;
	p1 =	sne.s32 s9, $0x60000  }
.Ltmp1:
0x45: {  	s12 =	sadd.s32 s12, s10;
	[sflag:s13] =	ssyncadd.s32 $0xFFFFF800;
	(pc) =	sbr.rel @p1 .LBB2_5-.Ltmp1, $3  }
0x46: {  	[spmem:s12] =	stream.linear.scatter [tilespmem:s28], [sflag:$0x3], $0x800, $0x38;
	[tilespmem:$0x1EC00] =	vst v63  }
0x47: {  	s9 =	sadd.s32 $0x2000, s9;
	_ =	sdelay $0x1  }
0x48: {  	_ =	swait.ge [sflag:s13], $0x800  }
0x49: {  	s9 =	sld [smem:$0x7EB];
	_ =	sdelay $0x2  }
0x4a: {  	[sflag:s13] =	ssyncset.done $0x0;
	s8 =	sor.u32 s9, s8  }
0x4b: {  	[sflag:s13] =	ssyncadd.s32 $0xFFFFF800;
	[smem:$0x7E5] =	sst s8  }
0x4c: {  	s28 =	sld [smem:$0x7E8];
	[bflag:$0x0] =	sbarrier.arrive $0xFFFF  }
0x4d: {  	s8 =	smul.u32 $0x31000, s8;
	s12 =	sld [smem:$0x7E7]  }
0x4e: {  	_ = 	snop  }
0x4f: {  	s8 =	sadd.s32 s28, s8  }
0x50: {  	s8 =	sadd.s32 s8, s12  }
0x51: {  	[dreg:$0x4] =	wrdreg s8  }
0x52: {  	s8 =	rddreg [dreg:$0x4]  }
0x53: {  	s8 =	sadd.s32 $0x0, s8  }
0x54: {  	[tilespmem:s14], [sflag:$0x3] =	stream.linear.gather [hbm4b:s8+s4], $0xE00, $0x38;
	[tilespmem:$0x1EC00] =	vst v63  }
0x55: {  	_ =	swait.ge [sflag:s13], $0xE00  }
0x56: {  	s28 =	rddreg [dreg:$0x3];
	[sflag:s13] =	ssyncset.done $0x0  }
0x57: {  	[sflag:s13] =	ssyncadd.s32 $0xFFFFF200;
	s8 =	sadd.s32 $0x0, s28  }
0x58: {  	[tilespmem:s15], [sflag:$0x3] =	stream.linear.gather [hbm4b:s8+s4], $0xE00, $0x38;
	[tilespmem:$0x1EC00] =	vst v63  }
0x59: {  	_ =	swait.ge [sflag:s13], $0xE00  }
0x5a: {  	[sflag:s13] =	ssyncset.done $0x0  }
0x5b: {  	[sflag:s13] =	ssyncadd.s32 $0xFFFFF200  }
0x5c: {  	[tilespmem:s17], [sflag:$0x1] =	stream.indirect.gather [hbm4b:s5+s16], $0x10, s14, s16, $0xb8;
	[tilespmem:$0x1EC00] =	vst v63  }
0x5d: {  	s9 =	rddreg [dreg:$0x5]  }
0x5e: {  	[tilespmem:s18], [sflag:$0x1] =	stream.indirect.gather [hbm4b:s5+s16], $0x10, s9, s16, $0xb8;
	[tilespmem:$0x1EC00] =	vst v63  }
0x5f: {  	s12 =	rddreg [dreg:$0x6]  }
0x60: {  	[tilespmem:s19], [sflag:$0x1] =	stream.indirect.gather [hbm4b:s5+s16], $0x10, s12, s16, $0xb8;
	[tilespmem:$0x1EC00] =	vst v63  }
0x61: {  	s28 =	rddreg [dreg:$0x7]  }
0x62: {  	[tilespmem:s20], [sflag:$0x1] =	stream.indirect.gather [hbm4b:s5+s16], $0x10, s28, s16, $0xb8;
	[tilespmem:$0x1EC00] =	vst v63  }
0x63: {  	_ =	swait.ge [sflag:s21], $0x800  }
0x64: {  	[sflag:s21] =	ssyncset.done $0x0  }
0x65: {  	[sflag:s21] =	ssyncadd.s32 $0xFFFFF800  }
0x66: {  	_ =	swait.ge [sflag:s21], $0x800  }
0x67: {  	[sflag:s21] =	ssyncset.done $0x0  }
0x68: {  	[sflag:s21] =	ssyncadd.s32 $0xFFFFF800  }
0x69: {  	_ =	swait.ge [sflag:s21], $0x800  }
0x6a: {  	[sflag:s21] =	ssyncset.done $0x0  }
0x6b: {  	[sflag:s21] =	ssyncadd.s32 $0xFFFFF800  }
0x6c: {  	_ =	swait.ge [sflag:s21], $0x800  }
0x6d: {  	[sflag:s21] =	ssyncset.done $0x0  }
0x6e: {  	s12 =	rddreg [dreg:$0x8];
	[sflag:s21] =	ssyncadd.s32 $0xFFFFF800  }
0x6f: {  	[tilespmem:s22], [sflag:$0x1] =	stream.indirect.gather [hbm4b:s5+s16], $0x10, s12, s16, $0xb8;
	[tilespmem:$0x1EC00] =	vst v63  }
0x70: {  	s28 =	rddreg [dreg:$0x9]  }
0x71: {  	[tilespmem:s23], [sflag:$0x1] =	stream.indirect.gather [hbm4b:s5+s16], $0x10, s28, s16, $0xb8;
	[tilespmem:$0x1EC00] =	vst v63  }
0x72: {  	s12 =	rddreg [dreg:$0xa]  }
0x73: {  	[tilespmem:s24], [sflag:$0x1] =	stream.indirect.gather [hbm4b:s5+s16], $0x10, s12, s16, $0xb8;
	[tilespmem:$0x1EC00] =	vst v63  }
0x74: {  	s28 =	rddreg [dreg:$0xb]  }
0x75: {  	[tilespmem:s25], [sflag:$0x1] =	stream.indirect.gather [hbm4b:s5+s16], $0x10, s28, s16, $0xb8;
	[tilespmem:$0x1EC00] =	vst v63  }
0x76: {  	_ = 	snop  }
0x77: {  	[spmem:s2] =	stream.indirect.scatter.add.f32 [tilespmem:s17], [sflag:$0x2], $0x10, s15, s16, $0xb8;
	[tilespmem:$0x1EC00] =	vst v63  }
0x78: {  	s9 =	rddreg [dreg:$0xc]  }
0x79: {  	[spmem:s2] =	stream.indirect.scatter.add.f32 [tilespmem:s18], [sflag:$0x2], $0x10, s9, s16, $0xb8;
	[tilespmem:$0x1EC00] =	vst v63  }
0x7a: {  	s12 =	rddreg [dreg:$0xd]  }
0x7b: {  	[spmem:s2] =	stream.indirect.scatter.add.f32 [tilespmem:s19], [sflag:$0x2], $0x10, s12, s16, $0xb8;
	[tilespmem:$0x1EC00] =	vst v63  }
0x7c: {  	s28 =	rddreg [dreg:$0xe]  }
0x7d: {  	[spmem:s2] =	stream.indirect.scatter.add.f32 [tilespmem:s20], [sflag:$0x2], $0x10, s28, s16, $0xb8;
	[tilespmem:$0x1EC00] =	vst v63  }
0x7e: {  	_ =	swait.ge [sflag:s26], $0x800  }
0x7f: {  	[sflag:s26] =	ssyncset.done $0x0  }
0x80: {  	[sflag:s26] =	ssyncadd.s32 $0xFFFFF800  }
0x81: {  	_ =	swait.ge [sflag:s26], $0x800  }
0x82: {  	[sflag:s26] =	ssyncset.done $0x0  }
0x83: {  	[sflag:s26] =	ssyncadd.s32 $0xFFFFF800  }
0x84: {  	_ =	swait.ge [sflag:s26], $0x800  }
0x85: {  	[sflag:s26] =	ssyncset.done $0x0  }
0x86: {  	[sflag:s26] =	ssyncadd.s32 $0xFFFFF800  }
0x87: {  	_ =	swait.ge [sflag:s26], $0x800  }
0x88: {  	[sflag:s26] =	ssyncset.done $0x0  }
0x89: {  	[sflag:s26] =	ssyncadd.s32 $0xFFFFF800  }
0x8a: {  	_ =	swait.ge [sflag:s21], $0x800  }
0x8b: {  	[sflag:s21] =	ssyncset.done $0x0  }
0x8c: {  	[sflag:s21] =	ssyncadd.s32 $0xFFFFF800  }
0x8d: {  	_ =	swait.ge [sflag:s21], $0x800  }
0x8e: {  	[sflag:s21] =	ssyncset.done $0x0  }
0x8f: {  	[sflag:s21] =	ssyncadd.s32 $0xFFFFF800  }
0x90: {  	_ =	swait.ge [sflag:s21], $0x800  }
0x91: {  	[sflag:s21] =	ssyncset.done $0x0  }
0x92: {  	[sflag:s21] =	ssyncadd.s32 $0xFFFFF800  }
0x93: {  	_ =	swait.ge [sflag:s21], $0x800  }
0x94: {  	[sflag:s21] =	ssyncset.done $0x0  }
0x95: {  	s12 =	rddreg [dreg:$0xf];
	[sflag:s21] =	ssyncadd.s32 $0xFFFFF800  }
0x96: {  	[tilespmem:s17], [sflag:$0x1] =	stream.indirect.gather [hbm4b:s5+s16], $0x10, s12, s16, $0xb8;
	[tilespmem:$0x1EC00] =	vst v63  }
0x97: {  	s28 =	rddreg [dreg:$0x10]  }
0x98: {  	[tilespmem:s18], [sflag:$0x1] =	stream.indirect.gather [hbm4b:s5+s16], $0x10, s28, s16, $0xb8;
	[tilespmem:$0x1EC00] =	vst v63  }
0x99: {  	s12 =	rddreg [dreg:$0x11]  }
0x9a: {  	[tilespmem:s19], [sflag:$0x1] =	stream.indirect.gather [hbm4b:s5+s16], $0x10, s12, s16, $0xb8;
	[tilespmem:$0x1EC00] =	vst v63  }
0x9b: {  	s28 =	rddreg [dreg:$0x12]  }
0x9c: {  	[tilespmem:s20], [sflag:$0x1] =	stream.indirect.gather [hbm4b:s5+s16], $0x10, s28, s16, $0xb8;
	[tilespmem:$0x1EC00] =	vst v63  }
0x9d: {  	s12 =	rddreg [dreg:$0x13]  }
0x9e: {  	[spmem:s2] =	stream.indirect.scatter.add.f32 [tilespmem:s22], [sflag:$0x2], $0x10, s12, s16, $0xb8;
	[tilespmem:$0x1EC00] =	vst v63  }
0x9f: {  	s28 =	rddreg [dreg:$0x14]  }
0xa0: {  	[spmem:s2] =	stream.indirect.scatter.add.f32 [tilespmem:s23], [sflag:$0x2], $0x10, s28, s16, $0xb8;
	[tilespmem:$0x1EC00] =	vst v63  }
0xa1: {  	s12 =	rddreg [dreg:$0x15]  }
0xa2: {  	[spmem:s2] =	stream.indirect.scatter.add.f32 [tilespmem:s24], [sflag:$0x2], $0x10, s12, s16, $0xb8;
	[tilespmem:$0x1EC00] =	vst v63  }
0xa3: {  	s28 =	rddreg [dreg:$0x16]  }
0xa4: {  	[spmem:s2] =	stream.indirect.scatter.add.f32 [tilespmem:s25], [sflag:$0x2], $0x10, s28, s16, $0xb8;
	[tilespmem:$0x1EC00] =	vst v63  }
0xa5: {  	_ =	swait.ge [sflag:s26], $0x800  }
0xa6: {  	[sflag:s26] =	ssyncset.done $0x0  }
0xa7: {  	[sflag:s26] =	ssyncadd.s32 $0xFFFFF800  }
0xa8: {  	_ =	swait.ge [sflag:s26], $0x800  }
0xa9: {  	[sflag:s26] =	ssyncset.done $0x0  }
0xaa: {  	[sflag:s26] =	ssyncadd.s32 $0xFFFFF800  }
0xab: {  	_ =	swait.ge [sflag:s26], $0x800  }
0xac: {  	[sflag:s26] =	ssyncset.done $0x0  }
0xad: {  	[sflag:s26] =	ssyncadd.s32 $0xFFFFF800  }
0xae: {  	_ =	swait.ge [sflag:s26], $0x800  }
0xaf: {  	[sflag:s26] =	ssyncset.done $0x0  }
0xb0: {  	[sflag:s26] =	ssyncadd.s32 $0xFFFFF800  }
0xb1: {  	_ =	swait.ge [sflag:s21], $0x800  }
0xb2: {  	[sflag:s21] =	ssyncset.done $0x0  }
0xb3: {  	[sflag:s21] =	ssyncadd.s32 $0xFFFFF800  }
0xb4: {  	_ =	swait.ge [sflag:s21], $0x800  }
0xb5: {  	[sflag:s21] =	ssyncset.done $0x0  }
0xb6: {  	[sflag:s21] =	ssyncadd.s32 $0xFFFFF800  }
0xb7: {  	_ =	swait.ge [sflag:s21], $0x800  }
0xb8: {  	[sflag:s21] =	ssyncset.done $0x0  }
0xb9: {  	[sflag:s21] =	ssyncadd.s32 $0xFFFFF800  }
0xba: {  	_ =	swait.ge [sflag:s21], $0x800  }
0xbb: {  	[sflag:s21] =	ssyncset.done $0x0  }
0xbc: {  	s12 =	rddreg [dreg:$0x17];
	[sflag:s21] =	ssyncadd.s32 $0xFFFFF800  }
0xbd: {  	[tilespmem:s22], [sflag:$0x1] =	stream.indirect.gather [hbm4b:s5+s16], $0x10, s12, s16, $0xb8;
	[tilespmem:$0x1EC00] =	vst v63  }
0xbe: {  	s28 =	rddreg [dreg:$0x18]  }
0xbf: {  	[tilespmem:s23], [sflag:$0x1] =	stream.indirect.gather [hbm4b:s5+s16], $0x10, s28, s16, $0xb8;
	[tilespmem:$0x1EC00] =	vst v63  }
0xc0: {  	s12 =	rddreg [dreg:$0x19]  }
0xc1: {  	[tilespmem:s24], [sflag:$0x1] =	stream.indirect.gather [hbm4b:s5+s16], $0x10, s12, s16, $0xb8;
	[tilespmem:$0x1EC00] =	vst v63  }
0xc2: {  	s28 =	rddreg [dreg:$0x1a]  }
0xc3: {  	[tilespmem:s25], [sflag:$0x1] =	stream.indirect.gather [hbm4b:s5+s16], $0x10, s28, s16, $0xb8;
	[tilespmem:$0x1EC00] =	vst v63  }
0xc4: {  	s12 =	rddreg [dreg:$0x1b]  }
0xc5: {  	[spmem:s2] =	stream.indirect.scatter.add.f32 [tilespmem:s17], [sflag:$0x2], $0x10, s12, s16, $0xb8;
	[tilespmem:$0x1EC00] =	vst v63  }
0xc6: {  	s28 =	rddreg [dreg:$0x1c]  }
0xc7: {  	[spmem:s2] =	stream.indirect.scatter.add.f32 [tilespmem:s18], [sflag:$0x2], $0x10, s28, s16, $0xb8;
	[tilespmem:$0x1EC00] =	vst v63  }
0xc8: {  	s12 =	rddreg [dreg:$0x1d]  }
0xc9: {  	[spmem:s2] =	stream.indirect.scatter.add.f32 [tilespmem:s19], [sflag:$0x2], $0x10, s12, s16, $0xb8;
	[tilespmem:$0x1EC00] =	vst v63  }
0xca: {  	s28 =	rddreg [dreg:$0x1e]  }
0xcb: {  	[spmem:s2] =	stream.indirect.scatter.add.f32 [tilespmem:s20], [sflag:$0x2], $0x10, s28, s16, $0xb8;
	[tilespmem:$0x1EC00] =	vst v63  }
0xcc: {  	_ =	swait.ge [sflag:s26], $0x800  }
0xcd: {  	[sflag:s26] =	ssyncset.done $0x0  }
0xce: {  	[sflag:s26] =	ssyncadd.s32 $0xFFFFF800  }
0xcf: {  	_ =	swait.ge [sflag:s26], $0x800  }
0xd0: {  	[sflag:s26] =	ssyncset.done $0x0  }
0xd1: {  	[sflag:s26] =	ssyncadd.s32 $0xFFFFF800  }
0xd2: {  	_ =	swait.ge [sflag:s26], $0x800  }
0xd3: {  	[sflag:s26] =	ssyncset.done $0x0  }
0xd4: {  	[sflag:s26] =	ssyncadd.s32 $0xFFFFF800  }
0xd5: {  	_ =	swait.ge [sflag:s26], $0x800  }
0xd6: {  	[sflag:s26] =	ssyncset.done $0x0  }
0xd7: {  	[sflag:s26] =	ssyncadd.s32 $0xFFFFF800  }
0xd8: {  	_ =	swait.ge [sflag:s21], $0x800  }
0xd9: {  	[sflag:s21] =	ssyncset.done $0x0  }
0xda: {  	[sflag:s21] =	ssyncadd.s32 $0xFFFFF800  }
0xdb: {  	_ =	swait.ge [sflag:s21], $0x800  }
0xdc: {  	[sflag:s21] =	ssyncset.done $0x0  }
0xdd: {  	[sflag:s21] =	ssyncadd.s32 $0xFFFFF800  }
0xde: {  	_ =	swait.ge [sflag:s21], $0x800  }
0xdf: {  	[sflag:s21] =	ssyncset.done $0x0  }
0xe0: {  	[sflag:s21] =	ssyncadd.s32 $0xFFFFF800  }
0xe1: {  	_ =	swait.ge [sflag:s21], $0x800  }
0xe2: {  	s12 =	rddreg [dreg:$0x1f];
	[sflag:s21] =	ssyncset.done $0x0  }
0xe3: {  	s28 =	sld [smem:$0x7EC];
	[sflag:s21] =	ssyncadd.s32 $0xFFFFF800  }
0xe4: {  	[tilespmem:s17], [sflag:$0x1] =	stream.indirect.gather [hbm4b:s5+s16], $0x10, s12, s16, $0xb8;
	[tilespmem:$0x1EC00] =	vst v63  }
0xe5: {  	s12 =	sld [smem:$0x7ED]  }
0xe6: {  	[tilespmem:s18], [sflag:$0x1] =	stream.indirect.gather [hbm4b:s5+s16], $0x10, s28, s16, $0xb8;
	[tilespmem:$0x1EC00] =	vst v63  }
0xe7: {  	s28 =	sld [smem:$0x7EE]  }
0xe8: {  	[tilespmem:s19], [sflag:$0x1] =	stream.indirect.gather [hbm4b:s5+s16], $0x10, s12, s16, $0xb8;
	[tilespmem:$0x1EC00] =	vst v63  }
0xe9: {  	s12 =	sld [smem:$0x7F0]  }
0xea: {  	[tilespmem:s20], [sflag:$0x1] =	stream.indirect.gather [hbm4b:s5+s16], $0x10, s28, s16, $0xb8;
	[tilespmem:$0x1EC00] =	vst v63  }
0xeb: {  	s28 =	sld [smem:$0x7F1]  }
0xec: {  	[spmem:s2] =	stream.indirect.scatter.add.f32 [tilespmem:s22], [sflag:$0x2], $0x10, s12, s16, $0xb8;
	[tilespmem:$0x1EC00] =	vst v63  }
0xed: {  	s12 =	sld [smem:$0x7F2]  }
0xee: {  	[spmem:s2] =	stream.indirect.scatter.add.f32 [tilespmem:s23], [sflag:$0x2], $0x10, s28, s16, $0xb8;
	[tilespmem:$0x1EC00] =	vst v63  }
0xef: {  	s28 =	sld [smem:$0x7F3]  }
0xf0: {  	[spmem:s2] =	stream.indirect.scatter.add.f32 [tilespmem:s24], [sflag:$0x2], $0x10, s12, s16, $0xb8;
	[tilespmem:$0x1EC00] =	vst v63  }
0xf1: {  	_ = 	snop  }
0xf2: {  	[spmem:s2] =	stream.indirect.scatter.add.f32 [tilespmem:s25], [sflag:$0x2], $0x10, s28, s16, $0xb8;
	[tilespmem:$0x1EC00] =	vst v63  }
0xf3: {  	_ =	swait.ge [sflag:s26], $0x800  }
0xf4: {  	[sflag:s26] =	ssyncset.done $0x0  }
0xf5: {  	[sflag:s26] =	ssyncadd.s32 $0xFFFFF800  }
0xf6: {  	_ =	swait.ge [sflag:s26], $0x800  }
0xf7: {  	[sflag:s26] =	ssyncset.done $0x0  }
0xf8: {  	[sflag:s26] =	ssyncadd.s32 $0xFFFFF800  }
0xf9: {  	_ =	swait.ge [sflag:s26], $0x800  }
0xfa: {  	[sflag:s26] =	ssyncset.done $0x0  }
0xfb: {  	[sflag:s26] =	ssyncadd.s32 $0xFFFFF800  }
0xfc: {  	_ =	swait.ge [sflag:s26], $0x800  }
0xfd: {  	[sflag:s26] =	ssyncset.done $0x0  }
0xfe: {  	[sflag:s26] =	ssyncadd.s32 $0xFFFFF800  }
0xff: {  	_ =	swait.ge [sflag:s21], $0x800  }
0x100: {  	[sflag:s21] =	ssyncset.done $0x0  }
0x101: {  	[sflag:s21] =	ssyncadd.s32 $0xFFFFF800  }
0x102: {  	_ =	swait.ge [sflag:s21], $0x800  }
0x103: {  	[sflag:s21] =	ssyncset.done $0x0  }
0x104: {  	[sflag:s21] =	ssyncadd.s32 $0xFFFFF800  }
0x105: {  	_ =	swait.ge [sflag:s21], $0x800  }
0x106: {  	[sflag:s21] =	ssyncset.done $0x0  }
0x107: {  	[sflag:s21] =	ssyncadd.s32 $0xFFFFF800  }
0x108: {  	_ =	swait.ge [sflag:s21], $0x800  }
0x109: {  	s12 =	sld [smem:$0x7F4]  }
0x10a: {  	[sflag:s21] =	ssyncset.done $0x0  }
0x10b: {  	s28 =	sld [smem:$0x7F5];
	[sflag:s21] =	ssyncadd.s32 $0xFFFFF800  }
0x10c: {  	[tilespmem:s22], [sflag:$0x1] =	stream.indirect.gather [hbm4b:s5+s16], $0x10, s12, s16, $0xb8;
	[tilespmem:$0x1EC00] =	vst v63  }
0x10d: {  	s12 =	sld [smem:$0x7F6]  }
0x10e: {  	[tilespmem:s23], [sflag:$0x1] =	stream.indirect.gather [hbm4b:s5+s16], $0x10, s28, s16, $0xb8;
	[tilespmem:$0x1EC00] =	vst v63  }
0x10f: {  	s28 =	sld [smem:$0x7F7]  }
0x110: {  	[tilespmem:s24], [sflag:$0x1] =	stream.indirect.gather [hbm4b:s5+s16], $0x10, s12, s16, $0xb8;
	[tilespmem:$0x1EC00] =	vst v63  }
0x111: {  	s12 =	sld [smem:$0x7F8]  }
0x112: {  	[tilespmem:s25], [sflag:$0x1] =	stream.indirect.gather [hbm4b:s5+s16], $0x10, s28, s16, $0xb8;
	[tilespmem:$0x1EC00] =	vst v63  }
0x113: {  	s28 =	sld [smem:$0x7F9]  }
0x114: {  	[spmem:s2] =	stream.indirect.scatter.add.f32 [tilespmem:s17], [sflag:$0x2], $0x10, s12, s16, $0xb8;
	[tilespmem:$0x1EC00] =	vst v63  }
0x115: {  	s12 =	sld [smem:$0x7FA]  }
0x116: {  	[spmem:s2] =	stream.indirect.scatter.add.f32 [tilespmem:s18], [sflag:$0x2], $0x10, s28, s16, $0xb8;
	[tilespmem:$0x1EC00] =	vst v63  }
0x117: {  	s28 =	sld [smem:$0x7FB]  }
0x118: {  	[spmem:s2] =	stream.indirect.scatter.add.f32 [tilespmem:s19], [sflag:$0x2], $0x10, s12, s16, $0xb8;
	[tilespmem:$0x1EC00] =	vst v63  }
0x119: {  	_ = 	snop  }
0x11a: {  	[spmem:s2] =	stream.indirect.scatter.add.f32 [tilespmem:s20], [sflag:$0x2], $0x10, s28, s16, $0xb8;
	[tilespmem:$0x1EC00] =	vst v63  }
0x11b: {  	_ =	swait.ge [sflag:s26], $0x800  }
0x11c: {  	[sflag:s26] =	ssyncset.done $0x0  }
0x11d: {  	[sflag:s26] =	ssyncadd.s32 $0xFFFFF800  }
0x11e: {  	_ =	swait.ge [sflag:s26], $0x800  }
0x11f: {  	[sflag:s26] =	ssyncset.done $0x0  }
0x120: {  	[sflag:s26] =	ssyncadd.s32 $0xFFFFF800  }
0x121: {  	_ =	swait.ge [sflag:s26], $0x800  }
0x122: {  	[sflag:s26] =	ssyncset.done $0x0  }
0x123: {  	[sflag:s26] =	ssyncadd.s32 $0xFFFFF800  }
0x124: {  	_ =	swait.ge [sflag:s26], $0x800  }
0x125: {  	[sflag:s26] =	ssyncset.done $0x0  }
0x126: {  	[sflag:s26] =	ssyncadd.s32 $0xFFFFF800  }
0x127: {  	_ =	swait.ge [sflag:s21], $0x800  }
0x128: {  	[sflag:s21] =	ssyncset.done $0x0  }
0x129: {  	[sflag:s21] =	ssyncadd.s32 $0xFFFFF800  }
0x12a: {  	_ =	swait.ge [sflag:s21], $0x800  }
0x12b: {  	[sflag:s21] =	ssyncset.done $0x0  }
0x12c: {  	[sflag:s21] =	ssyncadd.s32 $0xFFFFF800  }
0x12d: {  	_ =	swait.ge [sflag:s21], $0x800  }
0x12e: {  	[sflag:s21] =	ssyncset.done $0x0  }
0x12f: {  	[sflag:s21] =	ssyncadd.s32 $0xFFFFF800  }
0x130: {  	_ =	swait.ge [sflag:s21], $0x800  }
0x131: {  	s9 =	sld [smem:$0x7FC]  }
0x132: {  	[sflag:s21] =	ssyncset.done $0x0  }
0x133: {  	s12 =	sld [smem:$0x7FD];
	[sflag:s21] =	ssyncadd.s32 $0xFFFFF800  }
0x134: {  	[tilespmem:s17], [sflag:$0x1] =	stream.indirect.gather [hbm4b:s5+s16], $0x10, s9, s16, $0xb8;
	[tilespmem:$0x1EC00] =	vst v63  }
0x135: {  	_ = 	snop  }
0x136: {  	[tilespmem:s18], [sflag:$0x1] =	stream.indirect.gather [hbm4b:s5+s16], $0x10, s12, s16, $0xb8;
	[tilespmem:$0x1EC00] =	vst v63  }
0x137: {  	s28 =	simm.s32 $0x19500  }
0x138: {  	[tilespmem:s19], [sflag:$0x1] =	stream.indirect.gather [hbm4b:s5+s16], $0x10, s28, s16, $0xb8;
	[tilespmem:$0x1EC00] =	vst v63  }
0x139: {  	_ = 	snop  }
0x13a: {  	[tilespmem:s20], [sflag:$0x1] =	stream.indirect.gather [hbm4b:s5+s16], $0x10, s29, s16, $0xb8;
	[tilespmem:$0x1EC00] =	vst v63  }
0x13b: {  	_ = 	snop  }
0x13c: {  	[spmem:s2] =	stream.indirect.scatter.add.f32 [tilespmem:s22], [sflag:$0x2], $0x10, s30, s16, $0xb8;
	[tilespmem:$0x1EC00] =	vst v63  }
0x13d: {  	_ = 	snop  }
0x13e: {  	[spmem:s2] =	stream.indirect.scatter.add.f32 [tilespmem:s23], [sflag:$0x2], $0x10, s31, s16, $0xb8;
	[tilespmem:$0x1EC00] =	vst v63  }
0x13f: {  	_ = 	snop  }
0x140: {  	[spmem:s2] =	stream.indirect.scatter.add.f32 [tilespmem:s24], [sflag:$0x2], $0x10, s1, s16, $0xb8;
	[tilespmem:$0x1EC00] =	vst v63  }
0x141: {  	_ = 	snop  }
0x142: {  	[spmem:s2] =	stream.indirect.scatter.add.f32 [tilespmem:s25], [sflag:$0x2], $0x10, s11, s16, $0xb8;
	[tilespmem:$0x1EC00] =	vst v63  }
0x143: {  	_ =	swait.ge [sflag:s26], $0x800  }
0x144: {  	[sflag:s26] =	ssyncset.done $0x0  }
0x145: {  	[sflag:s26] =	ssyncadd.s32 $0xFFFFF800  }
0x146: {  	_ =	swait.ge [sflag:s26], $0x800  }
0x147: {  	[sflag:s26] =	ssyncset.done $0x0  }
0x148: {  	[sflag:s26] =	ssyncadd.s32 $0xFFFFF800  }
0x149: {  	_ =	swait.ge [sflag:s26], $0x800  }
0x14a: {  	[sflag:s26] =	ssyncset.done $0x0  }
0x14b: {  	[sflag:s26] =	ssyncadd.s32 $0xFFFFF800  }
0x14c: {  	_ =	swait.ge [sflag:s26], $0x800  }
0x14d: {  	[sflag:s26] =	ssyncset.done $0x0  }
0x14e: {  	[sflag:s26] =	ssyncadd.s32 $0xFFFFF800  }
0x14f: {  	_ =	swait.ge [sflag:s21], $0x800  }
0x150: {  	[sflag:s21] =	ssyncset.done $0x0  }
0x151: {  	[sflag:s21] =	ssyncadd.s32 $0xFFFFF800  }
0x152: {  	_ =	swait.ge [sflag:s21], $0x800  }
0x153: {  	[sflag:s21] =	ssyncset.done $0x0  }
0x154: {  	[sflag:s21] =	ssyncadd.s32 $0xFFFFF800  }
0x155: {  	_ =	swait.ge [sflag:s21], $0x800  }
0x156: {  	[sflag:s21] =	ssyncset.done $0x0  }
0x157: {  	[sflag:s21] =	ssyncadd.s32 $0xFFFFF800  }
0x158: {  	_ =	swait.ge [sflag:s21], $0x800  }
0x159: {  	[sflag:s21] =	ssyncset.done $0x0  }
0x15a: {  	[sflag:s21] =	ssyncadd.s32 $0xFFFFF800  }
0x15b: {  	[spmem:s2] =	stream.indirect.scatter.add.f32 [tilespmem:s17], [sflag:$0x2], $0x10, s0, s16, $0xb8;
	[tilespmem:$0x1EC00] =	vst v63  }
0x15c: {  	_ = 	snop  }
0x15d: {  	[spmem:s2] =	stream.indirect.scatter.add.f32 [tilespmem:s18], [sflag:$0x2], $0x10, s3, s16, $0xb8;
	[tilespmem:$0x1EC00] =	vst v63  }
0x15e: {  	_ = 	snop  }
0x15f: {  	[spmem:s2] =	stream.indirect.scatter.add.f32 [tilespmem:s19], [sflag:$0x2], $0x10, s6, s16, $0xb8;
	[tilespmem:$0x1EC00] =	vst v63  }
0x160: {  	_ = 	snop  }
0x161: {  	[spmem:s2] =	stream.indirect.scatter.add.f32 [tilespmem:s20], [sflag:$0x2], $0x10, s7, s16, $0xb8;
	[tilespmem:$0x1EC00] =	vst v63  }
0x162: {  	_ =	swait.ge [sflag:s26], $0x800  }
0x163: {  	[sflag:s26] =	ssyncset.done $0x0  }
0x164: {  	[sflag:s26] =	ssyncadd.s32 $0xFFFFF800  }
0x165: {  	_ =	swait.ge [sflag:s26], $0x800  }
0x166: {  	[sflag:s26] =	ssyncset.done $0x0  }
0x167: {  	[sflag:s26] =	ssyncadd.s32 $0xFFFFF800  }
0x168: {  	_ =	swait.ge [sflag:s26], $0x800  }
0x169: {  	[sflag:s26] =	ssyncset.done $0x0  }
0x16a: {  	[sflag:s26] =	ssyncadd.s32 $0xFFFFF800  }
0x16b: {  	s8 =	simm.s32 $0x380;
	_ =	swait.ge [sflag:s26], $0x800  }
0x16c: {  	s9 =	simm.s32 $0x1C0;
	s12 =	rddreg [dreg:$0x4];
	[sflag:s26] =	ssyncset.done $0x0  }
.LBB2_7:
0x16d: {  	[sflag:s26] =	ssyncadd.s32 $0xFFFFF800;
	s12 =	sadd.s32 s9, s12  }
0x16e: {  	[tilespmem:s14], [sflag:$0x3] =	stream.linear.gather [hbm4b:s12+s4], $0xE00, $0x38;
	[tilespmem:$0x1EC00] =	vst v63  }
0x16f: {  	_ =	swait.ge [sflag:s13], $0xE00  }
0x170: {  	s12 =	rddreg [dreg:$0x3];
	[sflag:s13] =	ssyncset.done $0x0  }
0x171: {  	[sflag:s13] =	ssyncadd.s32 $0xFFFFF200;
	s12 =	sadd.s32 s9, s12  }
0x172: {  	[tilespmem:s15], [sflag:$0x3] =	stream.linear.gather [hbm4b:s12+s4], $0xE00, $0x38;
	[tilespmem:$0x1EC00] =	vst v63  }
0x173: {  	_ =	swait.ge [sflag:s13], $0xE00  }
0x174: {  	[sflag:s13] =	ssyncset.done $0x0  }
0x175: {  	[sflag:s13] =	ssyncadd.s32 $0xFFFFF200  }
0x176: {  	[tilespmem:s17], [sflag:$0x1] =	stream.indirect.gather [hbm4b:s5+s16], $0x10, s14, s16, $0xb8;
	[tilespmem:$0x1EC00] =	vst v63  }
0x177: {  	s28 =	smov.u32 s8;
	s12 =	rddreg [dreg:$0x5]  }
0x178: {  	[tilespmem:s18], [sflag:$0x1] =	stream.indirect.gather [hbm4b:s5+s16], $0x10, s12, s16, $0xb8;
	[tilespmem:$0x1EC00] =	vst v63  }
0x179: {  	s9 =	smov.u32 s28;
	s28 =	rddreg [dreg:$0x6]  }
0x17a: {  	[tilespmem:s19], [sflag:$0x1] =	stream.indirect.gather [hbm4b:s5+s16], $0x10, s28, s16, $0xb8;
	[tilespmem:$0x1EC00] =	vst v63  }
0x17b: {  	s12 =	rddreg [dreg:$0x7]  }
0x17c: {  	[tilespmem:s20], [sflag:$0x1] =	stream.indirect.gather [hbm4b:s5+s16], $0x10, s12, s16, $0xb8;
	[tilespmem:$0x1EC00] =	vst v63  }
0x17d: {  	_ =	swait.ge [sflag:s21], $0x800  }
0x17e: {  	[sflag:s21] =	ssyncset.done $0x0  }
0x17f: {  	[sflag:s21] =	ssyncadd.s32 $0xFFFFF800  }
0x180: {  	_ =	swait.ge [sflag:s21], $0x800  }
0x181: {  	[sflag:s21] =	ssyncset.done $0x0  }
0x182: {  	[sflag:s21] =	ssyncadd.s32 $0xFFFFF800  }
0x183: {  	_ =	swait.ge [sflag:s21], $0x800  }
0x184: {  	[sflag:s21] =	ssyncset.done $0x0  }
0x185: {  	[sflag:s21] =	ssyncadd.s32 $0xFFFFF800  }
0x186: {  	_ =	swait.ge [sflag:s21], $0x800  }
0x187: {  	[sflag:s21] =	ssyncset.done $0x0  }
0x188: {  	s12 =	rddreg [dreg:$0x8];
	[sflag:s21] =	ssyncadd.s32 $0xFFFFF800  }
0x189: {  	[tilespmem:s22], [sflag:$0x1] =	stream.indirect.gather [hbm4b:s5+s16], $0x10, s12, s16, $0xb8;
	[tilespmem:$0x1EC00] =	vst v63  }
0x18a: {  	s28 =	rddreg [dreg:$0x9]  }
0x18b: {  	[tilespmem:s23], [sflag:$0x1] =	stream.indirect.gather [hbm4b:s5+s16], $0x10, s28, s16, $0xb8;
	[tilespmem:$0x1EC00] =	vst v63  }
0x18c: {  	s12 =	rddreg [dreg:$0xa]  }
0x18d: {  	[tilespmem:s24], [sflag:$0x1] =	stream.indirect.gather [hbm4b:s5+s16], $0x10, s12, s16, $0xb8;
	[tilespmem:$0x1EC00] =	vst v63  }
0x18e: {  	s28 =	rddreg [dreg:$0xb]  }
0x18f: {  	[tilespmem:s25], [sflag:$0x1] =	stream.indirect.gather [hbm4b:s5+s16], $0x10, s28, s16, $0xb8;
	[tilespmem:$0x1EC00] =	vst v63  }
0x190: {  	_ = 	snop  }
0x191: {  	[spmem:s2] =	stream.indirect.scatter.add.f32 [tilespmem:s17], [sflag:$0x2], $0x10, s15, s16, $0xb8;
	[tilespmem:$0x1EC00] =	vst v63  }
0x192: {  	s12 =	rddreg [dreg:$0xc]  }
0x193: {  	[spmem:s2] =	stream.indirect.scatter.add.f32 [tilespmem:s18], [sflag:$0x2], $0x10, s12, s16, $0xb8;
	[tilespmem:$0x1EC00] =	vst v63  }
0x194: {  	s28 =	rddreg [dreg:$0xd]  }
0x195: {  	[spmem:s2] =	stream.indirect.scatter.add.f32 [tilespmem:s19], [sflag:$0x2], $0x10, s28, s16, $0xb8;
	[tilespmem:$0x1EC00] =	vst v63  }
0x196: {  	s12 =	rddreg [dreg:$0xe]  }
0x197: {  	[spmem:s2] =	stream.indirect.scatter.add.f32 [tilespmem:s20], [sflag:$0x2], $0x10, s12, s16, $0xb8;
	[tilespmem:$0x1EC00] =	vst v63  }
0x198: {  	_ =	swait.ge [sflag:s26], $0x800  }
0x199: {  	[sflag:s26] =	ssyncset.done $0x0  }
0x19a: {  	[sflag:s26] =	ssyncadd.s32 $0xFFFFF800  }
0x19b: {  	_ =	swait.ge [sflag:s26], $0x800  }
0x19c: {  	[sflag:s26] =	ssyncset.done $0x0  }
0x19d: {  	[sflag:s26] =	ssyncadd.s32 $0xFFFFF800  }
0x19e: {  	_ =	swait.ge [sflag:s26], $0x800  }
0x19f: {  	[sflag:s26] =	ssyncset.done $0x0  }
0x1a0: {  	[sflag:s26] =	ssyncadd.s32 $0xFFFFF800  }
0x1a1: {  	_ =	swait.ge [sflag:s26], $0x800  }
0x1a2: {  	[sflag:s26] =	ssyncset.done $0x0  }
0x1a3: {  	[sflag:s26] =	ssyncadd.s32 $0xFFFFF800  }
0x1a4: {  	_ =	swait.ge [sflag:s21], $0x800  }
0x1a5: {  	[sflag:s21] =	ssyncset.done $0x0  }
0x1a6: {  	[sflag:s21] =	ssyncadd.s32 $0xFFFFF800  }
0x1a7: {  	_ =	swait.ge [sflag:s21], $0x800  }
0x1a8: {  	[sflag:s21] =	ssyncset.done $0x0  }
0x1a9: {  	[sflag:s21] =	ssyncadd.s32 $0xFFFFF800  }
0x1aa: {  	_ =	swait.ge [sflag:s21], $0x800  }
0x1ab: {  	[sflag:s21] =	ssyncset.done $0x0  }
0x1ac: {  	[sflag:s21] =	ssyncadd.s32 $0xFFFFF800  }
0x1ad: {  	_ =	swait.ge [sflag:s21], $0x800  }
0x1ae: {  	[sflag:s21] =	ssyncset.done $0x0  }
0x1af: {  	s12 =	rddreg [dreg:$0xf];
	[sflag:s21] =	ssyncadd.s32 $0xFFFFF800  }
0x1b0: {  	[tilespmem:s17], [sflag:$0x1] =	stream.indirect.gather [hbm4b:s5+s16], $0x10, s12, s16, $0xb8;
	[tilespmem:$0x1EC00] =	vst v63  }
0x1b1: {  	s28 =	rddreg [dreg:$0x10]  }
0x1b2: {  	[tilespmem:s18], [sflag:$0x1] =	stream.indirect.gather [hbm4b:s5+s16], $0x10, s28, s16, $0xb8;
	[tilespmem:$0x1EC00] =	vst v63  }
0x1b3: {  	s12 =	rddreg [dreg:$0x11]  }
0x1b4: {  	[tilespmem:s19], [sflag:$0x1] =	stream.indirect.gather [hbm4b:s5+s16], $0x10, s12, s16, $0xb8;
	[tilespmem:$0x1EC00] =	vst v63  }
0x1b5: {  	s28 =	rddreg [dreg:$0x12]  }
0x1b6: {  	[tilespmem:s20], [sflag:$0x1] =	stream.indirect.gather [hbm4b:s5+s16], $0x10, s28, s16, $0xb8;
	[tilespmem:$0x1EC00] =	vst v63  }
0x1b7: {  	s12 =	rddreg [dreg:$0x13]  }
0x1b8: {  	[spmem:s2] =	stream.indirect.scatter.add.f32 [tilespmem:s22], [sflag:$0x2], $0x10, s12, s16, $0xb8;
	[tilespmem:$0x1EC00] =	vst v63  }
0x1b9: {  	s28 =	rddreg [dreg:$0x14]  }
0x1ba: {  	[spmem:s2] =	stream.indirect.scatter.add.f32 [tilespmem:s23], [sflag:$0x2], $0x10, s28, s16, $0xb8;
	[tilespmem:$0x1EC00] =	vst v63  }
0x1bb: {  	s12 =	rddreg [dreg:$0x15]  }
0x1bc: {  	[spmem:s2] =	stream.indirect.scatter.add.f32 [tilespmem:s24], [sflag:$0x2], $0x10, s12, s16, $0xb8;
	[tilespmem:$0x1EC00] =	vst v63  }
0x1bd: {  	s28 =	rddreg [dreg:$0x16]  }
0x1be: {  	[spmem:s2] =	stream.indirect.scatter.add.f32 [tilespmem:s25], [sflag:$0x2], $0x10, s28, s16, $0xb8;
	[tilespmem:$0x1EC00] =	vst v63  }
0x1bf: {  	_ =	swait.ge [sflag:s26], $0x800  }
0x1c0: {  	[sflag:s26] =	ssyncset.done $0x0  }
0x1c1: {  	[sflag:s26] =	ssyncadd.s32 $0xFFFFF800  }
0x1c2: {  	_ =	swait.ge [sflag:s26], $0x800  }
0x1c3: {  	[sflag:s26] =	ssyncset.done $0x0  }
0x1c4: {  	[sflag:s26] =	ssyncadd.s32 $0xFFFFF800  }
0x1c5: {  	_ =	swait.ge [sflag:s26], $0x800  }
0x1c6: {  	[sflag:s26] =	ssyncset.done $0x0  }
0x1c7: {  	[sflag:s26] =	ssyncadd.s32 $0xFFFFF800  }
0x1c8: {  	_ =	swait.ge [sflag:s26], $0x800  }
0x1c9: {  	[sflag:s26] =	ssyncset.done $0x0  }
0x1ca: {  	[sflag:s26] =	ssyncadd.s32 $0xFFFFF800  }
0x1cb: {  	_ =	swait.ge [sflag:s21], $0x800  }
0x1cc: {  	[sflag:s21] =	ssyncset.done $0x0  }
0x1cd: {  	[sflag:s21] =	ssyncadd.s32 $0xFFFFF800  }
0x1ce: {  	_ =	swait.ge [sflag:s21], $0x800  }
0x1cf: {  	[sflag:s21] =	ssyncset.done $0x0  }
0x1d0: {  	[sflag:s21] =	ssyncadd.s32 $0xFFFFF800  }
0x1d1: {  	_ =	swait.ge [sflag:s21], $0x800  }
0x1d2: {  	[sflag:s21] =	ssyncset.done $0x0  }
0x1d3: {  	[sflag:s21] =	ssyncadd.s32 $0xFFFFF800  }
0x1d4: {  	_ =	swait.ge [sflag:s21], $0x800  }
0x1d5: {  	[sflag:s21] =	ssyncset.done $0x0  }
0x1d6: {  	s12 =	rddreg [dreg:$0x17];
	[sflag:s21] =	ssyncadd.s32 $0xFFFFF800  }
0x1d7: {  	[tilespmem:s22], [sflag:$0x1] =	stream.indirect.gather [hbm4b:s5+s16], $0x10, s12, s16, $0xb8;
	[tilespmem:$0x1EC00] =	vst v63  }
0x1d8: {  	s28 =	rddreg [dreg:$0x18]  }
0x1d9: {  	[tilespmem:s23], [sflag:$0x1] =	stream.indirect.gather [hbm4b:s5+s16], $0x10, s28, s16, $0xb8;
	[tilespmem:$0x1EC00] =	vst v63  }
0x1da: {  	s12 =	rddreg [dreg:$0x19]  }
0x1db: {  	[tilespmem:s24], [sflag:$0x1] =	stream.indirect.gather [hbm4b:s5+s16], $0x10, s12, s16, $0xb8;
	[tilespmem:$0x1EC00] =	vst v63  }
0x1dc: {  	s28 =	rddreg [dreg:$0x1a]  }
0x1dd: {  	[tilespmem:s25], [sflag:$0x1] =	stream.indirect.gather [hbm4b:s5+s16], $0x10, s28, s16, $0xb8;
	[tilespmem:$0x1EC00] =	vst v63  }
0x1de: {  	s12 =	rddreg [dreg:$0x1b]  }
0x1df: {  	[spmem:s2] =	stream.indirect.scatter.add.f32 [tilespmem:s17], [sflag:$0x2], $0x10, s12, s16, $0xb8;
	[tilespmem:$0x1EC00] =	vst v63  }
0x1e0: {  	s28 =	rddreg [dreg:$0x1c]  }
0x1e1: {  	[spmem:s2] =	stream.indirect.scatter.add.f32 [tilespmem:s18], [sflag:$0x2], $0x10, s28, s16, $0xb8;
	[tilespmem:$0x1EC00] =	vst v63  }
0x1e2: {  	s12 =	rddreg [dreg:$0x1d]  }
0x1e3: {  	[spmem:s2] =	stream.indirect.scatter.add.f32 [tilespmem:s19], [sflag:$0x2], $0x10, s12, s16, $0xb8;
	[tilespmem:$0x1EC00] =	vst v63  }
0x1e4: {  	s28 =	rddreg [dreg:$0x1e]  }
0x1e5: {  	[spmem:s2] =	stream.indirect.scatter.add.f32 [tilespmem:s20], [sflag:$0x2], $0x10, s28, s16, $0xb8;
	[tilespmem:$0x1EC00] =	vst v63  }
0x1e6: {  	_ =	swait.ge [sflag:s26], $0x800  }
0x1e7: {  	[sflag:s26] =	ssyncset.done $0x0  }
0x1e8: {  	[sflag:s26] =	ssyncadd.s32 $0xFFFFF800  }
0x1e9: {  	_ =	swait.ge [sflag:s26], $0x800  }
0x1ea: {  	[sflag:s26] =	ssyncset.done $0x0  }
0x1eb: {  	[sflag:s26] =	ssyncadd.s32 $0xFFFFF800  }
0x1ec: {  	_ =	swait.ge [sflag:s26], $0x800  }
0x1ed: {  	[sflag:s26] =	ssyncset.done $0x0  }
0x1ee: {  	[sflag:s26] =	ssyncadd.s32 $0xFFFFF800  }
0x1ef: {  	_ =	swait.ge [sflag:s26], $0x800  }
0x1f0: {  	[sflag:s26] =	ssyncset.done $0x0  }
0x1f1: {  	[sflag:s26] =	ssyncadd.s32 $0xFFFFF800  }
0x1f2: {  	_ =	swait.ge [sflag:s21], $0x800  }
0x1f3: {  	[sflag:s21] =	ssyncset.done $0x0  }
0x1f4: {  	[sflag:s21] =	ssyncadd.s32 $0xFFFFF800  }
0x1f5: {  	_ =	swait.ge [sflag:s21], $0x800  }
0x1f6: {  	[sflag:s21] =	ssyncset.done $0x0  }
0x1f7: {  	[sflag:s21] =	ssyncadd.s32 $0xFFFFF800  }
0x1f8: {  	_ =	swait.ge [sflag:s21], $0x800  }
0x1f9: {  	[sflag:s21] =	ssyncset.done $0x0  }
0x1fa: {  	[sflag:s21] =	ssyncadd.s32 $0xFFFFF800  }
0x1fb: {  	_ =	swait.ge [sflag:s21], $0x800  }
0x1fc: {  	s12 =	rddreg [dreg:$0x1f];
	[sflag:s21] =	ssyncset.done $0x0  }
0x1fd: {  	s28 =	sld [smem:$0x7EC];
	[sflag:s21] =	ssyncadd.s32 $0xFFFFF800  }
0x1fe: {  	[tilespmem:s17], [sflag:$0x1] =	stream.indirect.gather [hbm4b:s5+s16], $0x10, s12, s16, $0xb8;
	[tilespmem:$0x1EC00] =	vst v63  }
0x1ff: {  	s12 =	sld [smem:$0x7ED]  }
0x200: {  	[tilespmem:s18], [sflag:$0x1] =	stream.indirect.gather [hbm4b:s5+s16], $0x10, s28, s16, $0xb8;
	[tilespmem:$0x1EC00] =	vst v63  }
0x201: {  	s28 =	sld [smem:$0x7EE]  }
0x202: {  	[tilespmem:s19], [sflag:$0x1] =	stream.indirect.gather [hbm4b:s5+s16], $0x10, s12, s16, $0xb8;
	[tilespmem:$0x1EC00] =	vst v63  }
0x203: {  	s12 =	sld [smem:$0x7F0]  }
0x204: {  	[tilespmem:s20], [sflag:$0x1] =	stream.indirect.gather [hbm4b:s5+s16], $0x10, s28, s16, $0xb8;
	[tilespmem:$0x1EC00] =	vst v63  }
0x205: {  	s28 =	sld [smem:$0x7F1]  }
0x206: {  	[spmem:s2] =	stream.indirect.scatter.add.f32 [tilespmem:s22], [sflag:$0x2], $0x10, s12, s16, $0xb8;
	[tilespmem:$0x1EC00] =	vst v63  }
0x207: {  	s12 =	sld [smem:$0x7F2]  }
0x208: {  	[spmem:s2] =	stream.indirect.scatter.add.f32 [tilespmem:s23], [sflag:$0x2], $0x10, s28, s16, $0xb8;
	[tilespmem:$0x1EC00] =	vst v63  }
0x209: {  	s28 =	sld [smem:$0x7F3]  }
0x20a: {  	[spmem:s2] =	stream.indirect.scatter.add.f32 [tilespmem:s24], [sflag:$0x2], $0x10, s12, s16, $0xb8;
	[tilespmem:$0x1EC00] =	vst v63  }
0x20b: {  	_ = 	snop  }
0x20c: {  	[spmem:s2] =	stream.indirect.scatter.add.f32 [tilespmem:s25], [sflag:$0x2], $0x10, s28, s16, $0xb8;
	[tilespmem:$0x1EC00] =	vst v63  }
0x20d: {  	_ =	swait.ge [sflag:s26], $0x800  }
0x20e: {  	[sflag:s26] =	ssyncset.done $0x0  }
0x20f: {  	[sflag:s26] =	ssyncadd.s32 $0xFFFFF800  }
0x210: {  	_ =	swait.ge [sflag:s26], $0x800  }
0x211: {  	[sflag:s26] =	ssyncset.done $0x0  }
0x212: {  	[sflag:s26] =	ssyncadd.s32 $0xFFFFF800  }
0x213: {  	_ =	swait.ge [sflag:s26], $0x800  }
0x214: {  	[sflag:s26] =	ssyncset.done $0x0  }
0x215: {  	[sflag:s26] =	ssyncadd.s32 $0xFFFFF800  }
0x216: {  	_ =	swait.ge [sflag:s26], $0x800  }
0x217: {  	[sflag:s26] =	ssyncset.done $0x0  }
0x218: {  	[sflag:s26] =	ssyncadd.s32 $0xFFFFF800  }
0x219: {  	_ =	swait.ge [sflag:s21], $0x800  }
0x21a: {  	[sflag:s21] =	ssyncset.done $0x0  }
0x21b: {  	[sflag:s21] =	ssyncadd.s32 $0xFFFFF800  }
0x21c: {  	_ =	swait.ge [sflag:s21], $0x800  }
0x21d: {  	[sflag:s21] =	ssyncset.done $0x0  }
0x21e: {  	[sflag:s21] =	ssyncadd.s32 $0xFFFFF800  }
0x21f: {  	_ =	swait.ge [sflag:s21], $0x800  }
0x220: {  	[sflag:s21] =	ssyncset.done $0x0  }
0x221: {  	[sflag:s21] =	ssyncadd.s32 $0xFFFFF800  }
0x222: {  	_ =	swait.ge [sflag:s21], $0x800  }
0x223: {  	s12 =	sld [smem:$0x7F4]  }
0x224: {  	[sflag:s21] =	ssyncset.done $0x0  }
0x225: {  	s28 =	sld [smem:$0x7F5];
	[sflag:s21] =	ssyncadd.s32 $0xFFFFF800  }
0x226: {  	[tilespmem:s22], [sflag:$0x1] =	stream.indirect.gather [hbm4b:s5+s16], $0x10, s12, s16, $0xb8;
	[tilespmem:$0x1EC00] =	vst v63  }
0x227: {  	s12 =	sld [smem:$0x7F6]  }
0x228: {  	[tilespmem:s23], [sflag:$0x1] =	stream.indirect.gather [hbm4b:s5+s16], $0x10, s28, s16, $0xb8;
	[tilespmem:$0x1EC00] =	vst v63  }
0x229: {  	s28 =	sld [smem:$0x7F7]  }
0x22a: {  	[tilespmem:s24], [sflag:$0x1] =	stream.indirect.gather [hbm4b:s5+s16], $0x10, s12, s16, $0xb8;
	[tilespmem:$0x1EC00] =	vst v63  }
0x22b: {  	s12 =	sld [smem:$0x7F8]  }
0x22c: {  	[tilespmem:s25], [sflag:$0x1] =	stream.indirect.gather [hbm4b:s5+s16], $0x10, s28, s16, $0xb8;
	[tilespmem:$0x1EC00] =	vst v63  }
0x22d: {  	s28 =	sld [smem:$0x7F9]  }
0x22e: {  	[spmem:s2] =	stream.indirect.scatter.add.f32 [tilespmem:s17], [sflag:$0x2], $0x10, s12, s16, $0xb8;
	[tilespmem:$0x1EC00] =	vst v63  }
0x22f: {  	s12 =	sld [smem:$0x7FA]  }
0x230: {  	[spmem:s2] =	stream.indirect.scatter.add.f32 [tilespmem:s18], [sflag:$0x2], $0x10, s28, s16, $0xb8;
	[tilespmem:$0x1EC00] =	vst v63  }
0x231: {  	s28 =	sld [smem:$0x7FB]  }
0x232: {  	[spmem:s2] =	stream.indirect.scatter.add.f32 [tilespmem:s19], [sflag:$0x2], $0x10, s12, s16, $0xb8;
	[tilespmem:$0x1EC00] =	vst v63  }
0x233: {  	_ = 	snop  }
0x234: {  	[spmem:s2] =	stream.indirect.scatter.add.f32 [tilespmem:s20], [sflag:$0x2], $0x10, s28, s16, $0xb8;
	[tilespmem:$0x1EC00] =	vst v63  }
0x235: {  	_ =	swait.ge [sflag:s26], $0x800  }
0x236: {  	[sflag:s26] =	ssyncset.done $0x0  }
0x237: {  	[sflag:s26] =	ssyncadd.s32 $0xFFFFF800  }
0x238: {  	_ =	swait.ge [sflag:s26], $0x800  }
0x239: {  	[sflag:s26] =	ssyncset.done $0x0  }
0x23a: {  	[sflag:s26] =	ssyncadd.s32 $0xFFFFF800  }
0x23b: {  	_ =	swait.ge [sflag:s26], $0x800  }
0x23c: {  	[sflag:s26] =	ssyncset.done $0x0  }
0x23d: {  	[sflag:s26] =	ssyncadd.s32 $0xFFFFF800  }
0x23e: {  	_ =	swait.ge [sflag:s26], $0x800  }
0x23f: {  	[sflag:s26] =	ssyncset.done $0x0  }
0x240: {  	[sflag:s26] =	ssyncadd.s32 $0xFFFFF800  }
0x241: {  	_ =	swait.ge [sflag:s21], $0x800  }
0x242: {  	[sflag:s21] =	ssyncset.done $0x0  }
0x243: {  	[sflag:s21] =	ssyncadd.s32 $0xFFFFF800  }
0x244: {  	_ =	swait.ge [sflag:s21], $0x800  }
0x245: {  	[sflag:s21] =	ssyncset.done $0x0  }
0x246: {  	[sflag:s21] =	ssyncadd.s32 $0xFFFFF800  }
0x247: {  	_ =	swait.ge [sflag:s21], $0x800  }
0x248: {  	[sflag:s21] =	ssyncset.done $0x0  }
0x249: {  	[sflag:s21] =	ssyncadd.s32 $0xFFFFF800  }
0x24a: {  	_ =	swait.ge [sflag:s21], $0x800  }
0x24b: {  	s12 =	sld [smem:$0x7FC]  }
0x24c: {  	[sflag:s21] =	ssyncset.done $0x0  }
0x24d: {  	s28 =	sld [smem:$0x7FD];
	[sflag:s21] =	ssyncadd.s32 $0xFFFFF800  }
0x24e: {  	[tilespmem:s17], [sflag:$0x1] =	stream.indirect.gather [hbm4b:s5+s16], $0x10, s12, s16, $0xb8;
	[tilespmem:$0x1EC00] =	vst v63  }
0x24f: {  	_ = 	snop  }
0x250: {  	[tilespmem:s18], [sflag:$0x1] =	stream.indirect.gather [hbm4b:s5+s16], $0x10, s28, s16, $0xb8;
	[tilespmem:$0x1EC00] =	vst v63  }
0x251: {  	s28 =	simm.s32 $0x19500  }
0x252: {  	[tilespmem:s19], [sflag:$0x1] =	stream.indirect.gather [hbm4b:s5+s16], $0x10, s28, s16, $0xb8;
	[tilespmem:$0x1EC00] =	vst v63  }
0x253: {  	_ = 	snop  }
0x254: {  	[tilespmem:s20], [sflag:$0x1] =	stream.indirect.gather [hbm4b:s5+s16], $0x10, s29, s16, $0xb8;
	[tilespmem:$0x1EC00] =	vst v63  }
0x255: {  	_ = 	snop  }
0x256: {  	[spmem:s2] =	stream.indirect.scatter.add.f32 [tilespmem:s22], [sflag:$0x2], $0x10, s30, s16, $0xb8;
	[tilespmem:$0x1EC00] =	vst v63  }
0x257: {  	_ = 	snop  }
0x258: {  	[spmem:s2] =	stream.indirect.scatter.add.f32 [tilespmem:s23], [sflag:$0x2], $0x10, s31, s16, $0xb8;
	[tilespmem:$0x1EC00] =	vst v63  }
0x259: {  	_ = 	snop  }
0x25a: {  	[spmem:s2] =	stream.indirect.scatter.add.f32 [tilespmem:s24], [sflag:$0x2], $0x10, s1, s16, $0xb8;
	[tilespmem:$0x1EC00] =	vst v63  }
0x25b: {  	_ = 	snop  }
0x25c: {  	[spmem:s2] =	stream.indirect.scatter.add.f32 [tilespmem:s25], [sflag:$0x2], $0x10, s11, s16, $0xb8;
	[tilespmem:$0x1EC00] =	vst v63  }
0x25d: {  	_ =	swait.ge [sflag:s26], $0x800  }
0x25e: {  	[sflag:s26] =	ssyncset.done $0x0  }
0x25f: {  	[sflag:s26] =	ssyncadd.s32 $0xFFFFF800  }
0x260: {  	_ =	swait.ge [sflag:s26], $0x800  }
0x261: {  	[sflag:s26] =	ssyncset.done $0x0  }
0x262: {  	[sflag:s26] =	ssyncadd.s32 $0xFFFFF800  }
0x263: {  	_ =	swait.ge [sflag:s26], $0x800  }
0x264: {  	[sflag:s26] =	ssyncset.done $0x0  }
0x265: {  	[sflag:s26] =	ssyncadd.s32 $0xFFFFF800  }
0x266: {  	_ =	swait.ge [sflag:s26], $0x800  }
0x267: {  	[sflag:s26] =	ssyncset.done $0x0  }
0x268: {  	[sflag:s26] =	ssyncadd.s32 $0xFFFFF800  }
0x269: {  	_ =	swait.ge [sflag:s21], $0x800  }
0x26a: {  	[sflag:s21] =	ssyncset.done $0x0  }
0x26b: {  	[sflag:s21] =	ssyncadd.s32 $0xFFFFF800  }
0x26c: {  	_ =	swait.ge [sflag:s21], $0x800  }
0x26d: {  	[sflag:s21] =	ssyncset.done $0x0  }
0x26e: {  	[sflag:s21] =	ssyncadd.s32 $0xFFFFF800  }
0x26f: {  	_ =	swait.ge [sflag:s21], $0x800  }
0x270: {  	[sflag:s21] =	ssyncset.done $0x0  }
0x271: {  	[sflag:s21] =	ssyncadd.s32 $0xFFFFF800  }
0x272: {  	_ =	swait.ge [sflag:s21], $0x800  }
0x273: {  	[sflag:s21] =	ssyncset.done $0x0  }
0x274: {  	[sflag:s21] =	ssyncadd.s32 $0xFFFFF800  }
0x275: {  	[spmem:s2] =	stream.indirect.scatter.add.f32 [tilespmem:s17], [sflag:$0x2], $0x10, s0, s16, $0xb8;
	[tilespmem:$0x1EC00] =	vst v63  }
0x276: {  	_ = 	snop  }
0x277: {  	[spmem:s2] =	stream.indirect.scatter.add.f32 [tilespmem:s18], [sflag:$0x2], $0x10, s3, s16, $0xb8;
	[tilespmem:$0x1EC00] =	vst v63  }
0x278: {  	_ = 	snop  }
0x279: {  	[spmem:s2] =	stream.indirect.scatter.add.f32 [tilespmem:s19], [sflag:$0x2], $0x10, s6, s16, $0xb8;
	[tilespmem:$0x1EC00] =	vst v63  }
0x27a: {  	_ = 	snop  }
0x27b: {  	[spmem:s2] =	stream.indirect.scatter.add.f32 [tilespmem:s20], [sflag:$0x2], $0x10, s7, s16, $0xb8;
	[tilespmem:$0x1EC00] =	vst v63  }
0x27c: {  	_ =	swait.ge [sflag:s26], $0x800  }
0x27d: {  	[sflag:s26] =	ssyncset.done $0x0  }
0x27e: {  	[sflag:s26] =	ssyncadd.s32 $0xFFFFF800  }
0x27f: {  	_ =	swait.ge [sflag:s26], $0x800  }
0x280: {  	[sflag:s26] =	ssyncset.done $0x0  }
0x281: {  	p1 =	sne.s32 s8, $0x2F40;
	[sflag:s26] =	ssyncadd.s32 $0xFFFFF800  }
.Ltmp2:
0x282: {  	_ =	swait.ge [sflag:s26], $0x800;
	(pc) =	sbr.rel @p1 .LBB2_7-.Ltmp2, $4  }
0x283: {  	[sflag:s26] =	ssyncset.done $0x0  }
0x284: {  	[sflag:s26] =	ssyncadd.s32 $0xFFFFF800  }
0x285: {  	_ =	swait.ge [sflag:s26], $0x800  }
0x286: {  	s8 =	sadd.s32 $0x1C0, s8;
	s12 =	rddreg [dreg:$0x4];
	[sflag:s26] =	ssyncset.done $0x0  }
0x287: {  	[sflag:s26] =	ssyncadd.s32 $0xFFFFF800;
	s8 =	sadd.s32 s9, s12  }
0x288: {  	[tilespmem:s14], [sflag:$0x3] =	stream.linear.gather [hbm4b:s8+s4], $0xE00, $0x38;
	[tilespmem:$0x1EC00] =	vst v63  }
0x289: {  	_ =	swait.ge [sflag:s13], $0xE00  }
0x28a: {  	s12 =	rddreg [dreg:$0x3];
	[sflag:s13] =	ssyncset.done $0x0  }
0x28b: {  	[sflag:s13] =	ssyncadd.s32 $0xFFFFF200;
	s8 =	sadd.s32 s9, s12  }
0x28c: {  	[tilespmem:s15], [sflag:$0x3] =	stream.linear.gather [hbm4b:s8+s4], $0xE00, $0x38;
	[tilespmem:$0x1EC00] =	vst v63  }
0x28d: {  	_ =	swait.ge [sflag:s13], $0xE00  }
0x28e: {  	[sflag:s13] =	ssyncset.done $0x0  }
0x28f: {  	[sflag:s13] =	ssyncadd.s32 $0xFFFFF200  }
0x290: {  	[tilespmem:s17], [sflag:$0x1] =	stream.indirect.gather [hbm4b:s5+s16], $0x10, s14, s16, $0xb8;
	[tilespmem:$0x1EC00] =	vst v63  }
0x291: {  	s12 =	rddreg [dreg:$0x5]  }
0x292: {  	[tilespmem:s18], [sflag:$0x1] =	stream.indirect.gather [hbm4b:s5+s16], $0x10, s12, s16, $0xb8;
	[tilespmem:$0x1EC00] =	vst v63  }
0x293: {  	s9 =	rddreg [dreg:$0x6]  }
0x294: {  	[tilespmem:s19], [sflag:$0x1] =	stream.indirect.gather [hbm4b:s5+s16], $0x10, s9, s16, $0xb8;
	[tilespmem:$0x1EC00] =	vst v63  }
0x295: {  	s12 =	rddreg [dreg:$0x7]  }
0x296: {  	[tilespmem:s20], [sflag:$0x1] =	stream.indirect.gather [hbm4b:s5+s16], $0x10, s12, s16, $0xb8;
	[tilespmem:$0x1EC00] =	vst v63  }
0x297: {  	_ =	swait.ge [sflag:s21], $0x800  }
0x298: {  	[sflag:s21] =	ssyncset.done $0x0  }
0x299: {  	[sflag:s21] =	ssyncadd.s32 $0xFFFFF800  }
0x29a: {  	_ =	swait.ge [sflag:s21], $0x800  }
0x29b: {  	[sflag:s21] =	ssyncset.done $0x0  }
0x29c: {  	[sflag:s21] =	ssyncadd.s32 $0xFFFFF800  }
0x29d: {  	_ =	swait.ge [sflag:s21], $0x800  }
0x29e: {  	[sflag:s21] =	ssyncset.done $0x0  }
0x29f: {  	[sflag:s21] =	ssyncadd.s32 $0xFFFFF800  }
0x2a0: {  	_ =	swait.ge [sflag:s21], $0x800  }
0x2a1: {  	[sflag:s21] =	ssyncset.done $0x0  }
0x2a2: {  	s9 =	rddreg [dreg:$0x8];
	[sflag:s21] =	ssyncadd.s32 $0xFFFFF800  }
0x2a3: {  	[tilespmem:s22], [sflag:$0x1] =	stream.indirect.gather [hbm4b:s5+s16], $0x10, s9, s16, $0xb8;
	[tilespmem:$0x1EC00] =	vst v63  }
0x2a4: {  	s12 =	rddreg [dreg:$0x9]  }
0x2a5: {  	[tilespmem:s23], [sflag:$0x1] =	stream.indirect.gather [hbm4b:s5+s16], $0x10, s12, s16, $0xb8;
	[tilespmem:$0x1EC00] =	vst v63  }
0x2a6: {  	s8 =	rddreg [dreg:$0xa]  }
0x2a7: {  	[tilespmem:s24], [sflag:$0x1] =	stream.indirect.gather [hbm4b:s5+s16], $0x10, s8, s16, $0xb8;
	[tilespmem:$0x1EC00] =	vst v63  }
0x2a8: {  	s12 =	rddreg [dreg:$0xb]  }
0x2a9: {  	[tilespmem:s25], [sflag:$0x1] =	stream.indirect.gather [hbm4b:s5+s16], $0x10, s12, s16, $0xb8;
	[tilespmem:$0x1EC00] =	vst v63  }
0x2aa: {  	_ = 	snop  }
0x2ab: {  	[spmem:s2] =	stream.indirect.scatter.add.f32 [tilespmem:s17], [sflag:$0x2], $0x10, s15, s16, $0xb8;
	[tilespmem:$0x1EC00] =	vst v63  }
0x2ac: {  	s12 =	rddreg [dreg:$0xc]  }
0x2ad: {  	[spmem:s2] =	stream.indirect.scatter.add.f32 [tilespmem:s18], [sflag:$0x2], $0x10, s12, s16, $0xb8;
	[tilespmem:$0x1EC00] =	vst v63  }
0x2ae: {  	s9 =	rddreg [dreg:$0xd]  }
0x2af: {  	[spmem:s2] =	stream.indirect.scatter.add.f32 [tilespmem:s19], [sflag:$0x2], $0x10, s9, s16, $0xb8;
	[tilespmem:$0x1EC00] =	vst v63  }
0x2b0: {  	s12 =	rddreg [dreg:$0xe]  }
0x2b1: {  	[spmem:s2] =	stream.indirect.scatter.add.f32 [tilespmem:s20], [sflag:$0x2], $0x10, s12, s16, $0xb8;
	[tilespmem:$0x1EC00] =	vst v63  }
0x2b2: {  	_ =	swait.ge [sflag:s26], $0x800  }
0x2b3: {  	[sflag:s26] =	ssyncset.done $0x0  }
0x2b4: {  	[sflag:s26] =	ssyncadd.s32 $0xFFFFF800  }
0x2b5: {  	_ =	swait.ge [sflag:s26], $0x800  }
0x2b6: {  	[sflag:s26] =	ssyncset.done $0x0  }
0x2b7: {  	[sflag:s26] =	ssyncadd.s32 $0xFFFFF800  }
0x2b8: {  	_ =	swait.ge [sflag:s26], $0x800  }
0x2b9: {  	[sflag:s26] =	ssyncset.done $0x0  }
0x2ba: {  	[sflag:s26] =	ssyncadd.s32 $0xFFFFF800  }
0x2bb: {  	_ =	swait.ge [sflag:s26], $0x800  }
0x2bc: {  	[sflag:s26] =	ssyncset.done $0x0  }
0x2bd: {  	[sflag:s26] =	ssyncadd.s32 $0xFFFFF800  }
0x2be: {  	_ =	swait.ge [sflag:s21], $0x800  }
0x2bf: {  	[sflag:s21] =	ssyncset.done $0x0  }
0x2c0: {  	[sflag:s21] =	ssyncadd.s32 $0xFFFFF800  }
0x2c1: {  	_ =	swait.ge [sflag:s21], $0x800  }
0x2c2: {  	[sflag:s21] =	ssyncset.done $0x0  }
0x2c3: {  	[sflag:s21] =	ssyncadd.s32 $0xFFFFF800  }
0x2c4: {  	_ =	swait.ge [sflag:s21], $0x800  }
0x2c5: {  	[sflag:s21] =	ssyncset.done $0x0  }
0x2c6: {  	[sflag:s21] =	ssyncadd.s32 $0xFFFFF800  }
0x2c7: {  	_ =	swait.ge [sflag:s21], $0x800  }
0x2c8: {  	[sflag:s21] =	ssyncset.done $0x0  }
0x2c9: {  	s9 =	rddreg [dreg:$0xf];
	[sflag:s21] =	ssyncadd.s32 $0xFFFFF800  }
0x2ca: {  	[tilespmem:s17], [sflag:$0x1] =	stream.indirect.gather [hbm4b:s5+s16], $0x10, s9, s16, $0xb8;
	[tilespmem:$0x1EC00] =	vst v63  }
0x2cb: {  	s12 =	rddreg [dreg:$0x10]  }
0x2cc: {  	[tilespmem:s18], [sflag:$0x1] =	stream.indirect.gather [hbm4b:s5+s16], $0x10, s12, s16, $0xb8;
	[tilespmem:$0x1EC00] =	vst v63  }
0x2cd: {  	s8 =	rddreg [dreg:$0x11]  }
0x2ce: {  	[tilespmem:s19], [sflag:$0x1] =	stream.indirect.gather [hbm4b:s5+s16], $0x10, s8, s16, $0xb8;
	[tilespmem:$0x1EC00] =	vst v63  }
0x2cf: {  	s12 =	rddreg [dreg:$0x12]  }
0x2d0: {  	[tilespmem:s20], [sflag:$0x1] =	stream.indirect.gather [hbm4b:s5+s16], $0x10, s12, s16, $0xb8;
	[tilespmem:$0x1EC00] =	vst v63  }
0x2d1: {  	s8 =	rddreg [dreg:$0x13]  }
0x2d2: {  	[spmem:s2] =	stream.indirect.scatter.add.f32 [tilespmem:s22], [sflag:$0x2], $0x10, s8, s16, $0xb8;
	[tilespmem:$0x1EC00] =	vst v63  }
0x2d3: {  	s12 =	rddreg [dreg:$0x14]  }
0x2d4: {  	[spmem:s2] =	stream.indirect.scatter.add.f32 [tilespmem:s23], [sflag:$0x2], $0x10, s12, s16, $0xb8;
	[tilespmem:$0x1EC00] =	vst v63  }
0x2d5: {  	s8 =	rddreg [dreg:$0x15]  }
0x2d6: {  	[spmem:s2] =	stream.indirect.scatter.add.f32 [tilespmem:s24], [sflag:$0x2], $0x10, s8, s16, $0xb8;
	[tilespmem:$0x1EC00] =	vst v63  }
0x2d7: {  	s12 =	rddreg [dreg:$0x16]  }
0x2d8: {  	[spmem:s2] =	stream.indirect.scatter.add.f32 [tilespmem:s25], [sflag:$0x2], $0x10, s12, s16, $0xb8;
	[tilespmem:$0x1EC00] =	vst v63  }
0x2d9: {  	_ =	swait.ge [sflag:s26], $0x800  }
0x2da: {  	[sflag:s26] =	ssyncset.done $0x0  }
0x2db: {  	[sflag:s26] =	ssyncadd.s32 $0xFFFFF800  }
0x2dc: {  	_ =	swait.ge [sflag:s26], $0x800  }
0x2dd: {  	[sflag:s26] =	ssyncset.done $0x0  }
0x2de: {  	[sflag:s26] =	ssyncadd.s32 $0xFFFFF800  }
0x2df: {  	_ =	swait.ge [sflag:s26], $0x800  }
0x2e0: {  	[sflag:s26] =	ssyncset.done $0x0  }
0x2e1: {  	[sflag:s26] =	ssyncadd.s32 $0xFFFFF800  }
0x2e2: {  	_ =	swait.ge [sflag:s26], $0x800  }
0x2e3: {  	[sflag:s26] =	ssyncset.done $0x0  }
0x2e4: {  	[sflag:s26] =	ssyncadd.s32 $0xFFFFF800  }
0x2e5: {  	_ =	swait.ge [sflag:s21], $0x800  }
0x2e6: {  	[sflag:s21] =	ssyncset.done $0x0  }
0x2e7: {  	[sflag:s21] =	ssyncadd.s32 $0xFFFFF800  }
0x2e8: {  	_ =	swait.ge [sflag:s21], $0x800  }
0x2e9: {  	[sflag:s21] =	ssyncset.done $0x0  }
0x2ea: {  	[sflag:s21] =	ssyncadd.s32 $0xFFFFF800  }
0x2eb: {  	_ =	swait.ge [sflag:s21], $0x800  }
0x2ec: {  	[sflag:s21] =	ssyncset.done $0x0  }
0x2ed: {  	[sflag:s21] =	ssyncadd.s32 $0xFFFFF800  }
0x2ee: {  	_ =	swait.ge [sflag:s21], $0x800  }
0x2ef: {  	[sflag:s21] =	ssyncset.done $0x0  }
0x2f0: {  	s9 =	rddreg [dreg:$0x17];
	[sflag:s21] =	ssyncadd.s32 $0xFFFFF800  }
0x2f1: {  	[tilespmem:s22], [sflag:$0x1] =	stream.indirect.gather [hbm4b:s5+s16], $0x10, s9, s16, $0xb8;
	[tilespmem:$0x1EC00] =	vst v63  }
0x2f2: {  	s12 =	rddreg [dreg:$0x18]  }
0x2f3: {  	[tilespmem:s23], [sflag:$0x1] =	stream.indirect.gather [hbm4b:s5+s16], $0x10, s12, s16, $0xb8;
	[tilespmem:$0x1EC00] =	vst v63  }
0x2f4: {  	s8 =	rddreg [dreg:$0x19]  }
0x2f5: {  	[tilespmem:s24], [sflag:$0x1] =	stream.indirect.gather [hbm4b:s5+s16], $0x10, s8, s16, $0xb8;
	[tilespmem:$0x1EC00] =	vst v63  }
0x2f6: {  	s12 =	rddreg [dreg:$0x1a]  }
0x2f7: {  	[tilespmem:s25], [sflag:$0x1] =	stream.indirect.gather [hbm4b:s5+s16], $0x10, s12, s16, $0xb8;
	[tilespmem:$0x1EC00] =	vst v63  }
0x2f8: {  	s8 =	rddreg [dreg:$0x1b]  }
0x2f9: {  	[spmem:s2] =	stream.indirect.scatter.add.f32 [tilespmem:s17], [sflag:$0x2], $0x10, s8, s16, $0xb8;
	[tilespmem:$0x1EC00] =	vst v63  }
0x2fa: {  	s12 =	rddreg [dreg:$0x1c]  }
0x2fb: {  	[spmem:s2] =	stream.indirect.scatter.add.f32 [tilespmem:s18], [sflag:$0x2], $0x10, s12, s16, $0xb8;
	[tilespmem:$0x1EC00] =	vst v63  }
0x2fc: {  	s8 =	rddreg [dreg:$0x1d]  }
0x2fd: {  	[spmem:s2] =	stream.indirect.scatter.add.f32 [tilespmem:s19], [sflag:$0x2], $0x10, s8, s16, $0xb8;
	[tilespmem:$0x1EC00] =	vst v63  }
0x2fe: {  	s12 =	rddreg [dreg:$0x1e]  }
0x2ff: {  	[spmem:s2] =	stream.indirect.scatter.add.f32 [tilespmem:s20], [sflag:$0x2], $0x10, s12, s16, $0xb8;
	[tilespmem:$0x1EC00] =	vst v63  }
0x300: {  	_ =	swait.ge [sflag:s26], $0x800  }
0x301: {  	[sflag:s26] =	ssyncset.done $0x0  }
0x302: {  	[sflag:s26] =	ssyncadd.s32 $0xFFFFF800  }
0x303: {  	_ =	swait.ge [sflag:s26], $0x800  }
0x304: {  	[sflag:s26] =	ssyncset.done $0x0  }
0x305: {  	[sflag:s26] =	ssyncadd.s32 $0xFFFFF800  }
0x306: {  	_ =	swait.ge [sflag:s26], $0x800  }
0x307: {  	[sflag:s26] =	ssyncset.done $0x0  }
0x308: {  	[sflag:s26] =	ssyncadd.s32 $0xFFFFF800  }
0x309: {  	_ =	swait.ge [sflag:s26], $0x800  }
0x30a: {  	[sflag:s26] =	ssyncset.done $0x0  }
0x30b: {  	[sflag:s26] =	ssyncadd.s32 $0xFFFFF800  }
0x30c: {  	_ =	swait.ge [sflag:s21], $0x800  }
0x30d: {  	[sflag:s21] =	ssyncset.done $0x0  }
0x30e: {  	[sflag:s21] =	ssyncadd.s32 $0xFFFFF800  }
0x30f: {  	_ =	swait.ge [sflag:s21], $0x800  }
0x310: {  	[sflag:s21] =	ssyncset.done $0x0  }
0x311: {  	[sflag:s21] =	ssyncadd.s32 $0xFFFFF800  }
0x312: {  	_ =	swait.ge [sflag:s21], $0x800  }
0x313: {  	[sflag:s21] =	ssyncset.done $0x0  }
0x314: {  	[sflag:s21] =	ssyncadd.s32 $0xFFFFF800  }
0x315: {  	_ =	swait.ge [sflag:s21], $0x800  }
0x316: {  	s9 =	rddreg [dreg:$0x1f];
	[sflag:s21] =	ssyncset.done $0x0  }
0x317: {  	s12 =	sld [smem:$0x7EC];
	[sflag:s21] =	ssyncadd.s32 $0xFFFFF800  }
0x318: {  	[tilespmem:s17], [sflag:$0x1] =	stream.indirect.gather [hbm4b:s5+s16], $0x10, s9, s16, $0xb8;
	[tilespmem:$0x1EC00] =	vst v63  }
0x319: {  	s8 =	sld [smem:$0x7ED]  }
0x31a: {  	[tilespmem:s18], [sflag:$0x1] =	stream.indirect.gather [hbm4b:s5+s16], $0x10, s12, s16, $0xb8;
	[tilespmem:$0x1EC00] =	vst v63  }
0x31b: {  	s12 =	sld [smem:$0x7EE]  }
0x31c: {  	[tilespmem:s19], [sflag:$0x1] =	stream.indirect.gather [hbm4b:s5+s16], $0x10, s8, s16, $0xb8;
	[tilespmem:$0x1EC00] =	vst v63  }
0x31d: {  	s8 =	sld [smem:$0x7F0]  }
0x31e: {  	[tilespmem:s20], [sflag:$0x1] =	stream.indirect.gather [hbm4b:s5+s16], $0x10, s12, s16, $0xb8;
	[tilespmem:$0x1EC00] =	vst v63  }
0x31f: {  	s12 =	sld [smem:$0x7F1]  }
0x320: {  	[spmem:s2] =	stream.indirect.scatter.add.f32 [tilespmem:s22], [sflag:$0x2], $0x10, s8, s16, $0xb8;
	[tilespmem:$0x1EC00] =	vst v63  }
0x321: {  	s8 =	sld [smem:$0x7F2]  }
0x322: {  	[spmem:s2] =	stream.indirect.scatter.add.f32 [tilespmem:s23], [sflag:$0x2], $0x10, s12, s16, $0xb8;
	[tilespmem:$0x1EC00] =	vst v63  }
0x323: {  	s12 =	sld [smem:$0x7F3]  }
0x324: {  	[spmem:s2] =	stream.indirect.scatter.add.f32 [tilespmem:s24], [sflag:$0x2], $0x10, s8, s16, $0xb8;
	[tilespmem:$0x1EC00] =	vst v63  }
0x325: {  	_ = 	snop  }
0x326: {  	[spmem:s2] =	stream.indirect.scatter.add.f32 [tilespmem:s25], [sflag:$0x2], $0x10, s12, s16, $0xb8;
	[tilespmem:$0x1EC00] =	vst v63  }
0x327: {  	_ =	swait.ge [sflag:s26], $0x800  }
0x328: {  	[sflag:s26] =	ssyncset.done $0x0  }
0x329: {  	[sflag:s26] =	ssyncadd.s32 $0xFFFFF800  }
0x32a: {  	_ =	swait.ge [sflag:s26], $0x800  }
0x32b: {  	[sflag:s26] =	ssyncset.done $0x0  }
0x32c: {  	[sflag:s26] =	ssyncadd.s32 $0xFFFFF800  }
0x32d: {  	_ =	swait.ge [sflag:s26], $0x800  }
0x32e: {  	[sflag:s26] =	ssyncset.done $0x0  }
0x32f: {  	[sflag:s26] =	ssyncadd.s32 $0xFFFFF800  }
0x330: {  	_ =	swait.ge [sflag:s26], $0x800  }
0x331: {  	[sflag:s26] =	ssyncset.done $0x0  }
0x332: {  	[sflag:s26] =	ssyncadd.s32 $0xFFFFF800  }
0x333: {  	_ =	swait.ge [sflag:s21], $0x800  }
0x334: {  	[sflag:s21] =	ssyncset.done $0x0  }
0x335: {  	[sflag:s21] =	ssyncadd.s32 $0xFFFFF800  }
0x336: {  	_ =	swait.ge [sflag:s21], $0x800  }
0x337: {  	[sflag:s21] =	ssyncset.done $0x0  }
0x338: {  	[sflag:s21] =	ssyncadd.s32 $0xFFFFF800  }
0x339: {  	_ =	swait.ge [sflag:s21], $0x800  }
0x33a: {  	[sflag:s21] =	ssyncset.done $0x0  }
0x33b: {  	[sflag:s21] =	ssyncadd.s32 $0xFFFFF800  }
0x33c: {  	_ =	swait.ge [sflag:s21], $0x800  }
0x33d: {  	s9 =	sld [smem:$0x7F4]  }
0x33e: {  	[sflag:s21] =	ssyncset.done $0x0  }
0x33f: {  	s12 =	sld [smem:$0x7F5];
	[sflag:s21] =	ssyncadd.s32 $0xFFFFF800  }
0x340: {  	[tilespmem:s22], [sflag:$0x1] =	stream.indirect.gather [hbm4b:s5+s16], $0x10, s9, s16, $0xb8;
	[tilespmem:$0x1EC00] =	vst v63  }
0x341: {  	s8 =	sld [smem:$0x7F6]  }
0x342: {  	[tilespmem:s23], [sflag:$0x1] =	stream.indirect.gather [hbm4b:s5+s16], $0x10, s12, s16, $0xb8;
	[tilespmem:$0x1EC00] =	vst v63  }
0x343: {  	s12 =	sld [smem:$0x7F7]  }
0x344: {  	[tilespmem:s24], [sflag:$0x1] =	stream.indirect.gather [hbm4b:s5+s16], $0x10, s8, s16, $0xb8;
	[tilespmem:$0x1EC00] =	vst v63  }
0x345: {  	s8 =	sld [smem:$0x7F8]  }
0x346: {  	[tilespmem:s25], [sflag:$0x1] =	stream.indirect.gather [hbm4b:s5+s16], $0x10, s12, s16, $0xb8;
	[tilespmem:$0x1EC00] =	vst v63  }
0x347: {  	s12 =	sld [smem:$0x7F9]  }
0x348: {  	[spmem:s2] =	stream.indirect.scatter.add.f32 [tilespmem:s17], [sflag:$0x2], $0x10, s8, s16, $0xb8;
	[tilespmem:$0x1EC00] =	vst v63  }
0x349: {  	s8 =	sld [smem:$0x7FA]  }
0x34a: {  	[spmem:s2] =	stream.indirect.scatter.add.f32 [tilespmem:s18], [sflag:$0x2], $0x10, s12, s16, $0xb8;
	[tilespmem:$0x1EC00] =	vst v63  }
0x34b: {  	s12 =	sld [smem:$0x7FB]  }
0x34c: {  	[spmem:s2] =	stream.indirect.scatter.add.f32 [tilespmem:s19], [sflag:$0x2], $0x10, s8, s16, $0xb8;
	[tilespmem:$0x1EC00] =	vst v63  }
0x34d: {  	_ = 	snop  }
0x34e: {  	[spmem:s2] =	stream.indirect.scatter.add.f32 [tilespmem:s20], [sflag:$0x2], $0x10, s12, s16, $0xb8;
	[tilespmem:$0x1EC00] =	vst v63  }
0x34f: {  	_ =	swait.ge [sflag:s26], $0x800  }
0x350: {  	[sflag:s26] =	ssyncset.done $0x0  }
0x351: {  	[sflag:s26] =	ssyncadd.s32 $0xFFFFF800  }
0x352: {  	_ =	swait.ge [sflag:s26], $0x800  }
0x353: {  	[sflag:s26] =	ssyncset.done $0x0  }
0x354: {  	[sflag:s26] =	ssyncadd.s32 $0xFFFFF800  }
0x355: {  	_ =	swait.ge [sflag:s26], $0x800  }
0x356: {  	[sflag:s26] =	ssyncset.done $0x0  }
0x357: {  	[sflag:s26] =	ssyncadd.s32 $0xFFFFF800  }
0x358: {  	_ =	swait.ge [sflag:s26], $0x800  }
0x359: {  	[sflag:s26] =	ssyncset.done $0x0  }
0x35a: {  	[sflag:s26] =	ssyncadd.s32 $0xFFFFF800  }
0x35b: {  	_ =	swait.ge [sflag:s21], $0x800  }
0x35c: {  	[sflag:s21] =	ssyncset.done $0x0  }
0x35d: {  	[sflag:s21] =	ssyncadd.s32 $0xFFFFF800  }
0x35e: {  	_ =	swait.ge [sflag:s21], $0x800  }
0x35f: {  	[sflag:s21] =	ssyncset.done $0x0  }
0x360: {  	[sflag:s21] =	ssyncadd.s32 $0xFFFFF800  }
0x361: {  	_ =	swait.ge [sflag:s21], $0x800  }
0x362: {  	[sflag:s21] =	ssyncset.done $0x0  }
0x363: {  	[sflag:s21] =	ssyncadd.s32 $0xFFFFF800  }
0x364: {  	_ =	swait.ge [sflag:s21], $0x800  }
0x365: {  	s9 =	sld [smem:$0x7FC]  }
0x366: {  	[sflag:s21] =	ssyncset.done $0x0  }
0x367: {  	s12 =	sld [smem:$0x7FD];
	[sflag:s21] =	ssyncadd.s32 $0xFFFFF800  }
0x368: {  	[tilespmem:s17], [sflag:$0x1] =	stream.indirect.gather [hbm4b:s5+s16], $0x10, s9, s16, $0xb8;
	[tilespmem:$0x1EC00] =	vst v63  }
0x369: {  	_ = 	snop  }
0x36a: {  	[tilespmem:s18], [sflag:$0x1] =	stream.indirect.gather [hbm4b:s5+s16], $0x10, s12, s16, $0xb8;
	[tilespmem:$0x1EC00] =	vst v63  }
0x36b: {  	_ = 	snop  }
0x36c: {  	[tilespmem:s19], [sflag:$0x1] =	stream.indirect.gather [hbm4b:s5+s16], $0x10, s28, s16, $0xb8;
	[tilespmem:$0x1EC00] =	vst v63  }
0x36d: {  	_ = 	snop  }
0x36e: {  	[tilespmem:s20], [sflag:$0x1] =	stream.indirect.gather [hbm4b:s5+s16], $0x10, s29, s16, $0xb8;
	[tilespmem:$0x1EC00] =	vst v63  }
0x36f: {  	_ = 	snop  }
0x370: {  	[spmem:s2] =	stream.indirect.scatter.add.f32 [tilespmem:s22], [sflag:$0x2], $0x10, s30, s16, $0xb8;
	[tilespmem:$0x1EC00] =	vst v63  }
0x371: {  	_ = 	snop  }
0x372: {  	[spmem:s2] =	stream.indirect.scatter.add.f32 [tilespmem:s23], [sflag:$0x2], $0x10, s31, s16, $0xb8;
	[tilespmem:$0x1EC00] =	vst v63  }
0x373: {  	_ = 	snop  }
0x374: {  	[spmem:s2] =	stream.indirect.scatter.add.f32 [tilespmem:s24], [sflag:$0x2], $0x10, s1, s16, $0xb8;
	[tilespmem:$0x1EC00] =	vst v63  }
0x375: {  	_ = 	snop  }
0x376: {  	[spmem:s2] =	stream.indirect.scatter.add.f32 [tilespmem:s25], [sflag:$0x2], $0x10, s11, s16, $0xb8;
	[tilespmem:$0x1EC00] =	vst v63  }
0x377: {  	_ =	swait.ge [sflag:s26], $0x800  }
0x378: {  	[sflag:s26] =	ssyncset.done $0x0  }
0x379: {  	[sflag:s26] =	ssyncadd.s32 $0xFFFFF800  }
0x37a: {  	_ =	swait.ge [sflag:s26], $0x800  }
0x37b: {  	[sflag:s26] =	ssyncset.done $0x0  }
0x37c: {  	[sflag:s26] =	ssyncadd.s32 $0xFFFFF800  }
0x37d: {  	_ =	swait.ge [sflag:s26], $0x800  }
0x37e: {  	[sflag:s26] =	ssyncset.done $0x0  }
0x37f: {  	[sflag:s26] =	ssyncadd.s32 $0xFFFFF800  }
0x380: {  	_ =	swait.ge [sflag:s26], $0x800  }
0x381: {  	[sflag:s26] =	ssyncset.done $0x0  }
0x382: {  	[sflag:s26] =	ssyncadd.s32 $0xFFFFF800  }
0x383: {  	_ =	swait.ge [sflag:s21], $0x800  }
0x384: {  	[sflag:s21] =	ssyncset.done $0x0  }
0x385: {  	[sflag:s21] =	ssyncadd.s32 $0xFFFFF800  }
0x386: {  	_ =	swait.ge [sflag:s21], $0x800  }
0x387: {  	[sflag:s21] =	ssyncset.done $0x0  }
0x388: {  	[sflag:s21] =	ssyncadd.s32 $0xFFFFF800  }
0x389: {  	_ =	swait.ge [sflag:s21], $0x800  }
0x38a: {  	[sflag:s21] =	ssyncset.done $0x0  }
0x38b: {  	[sflag:s21] =	ssyncadd.s32 $0xFFFFF800  }
0x38c: {  	_ =	swait.ge [sflag:s21], $0x800  }
0x38d: {  	[sflag:s21] =	ssyncset.done $0x0  }
0x38e: {  	[sflag:s21] =	ssyncadd.s32 $0xFFFFF800  }
0x38f: {  	[spmem:s2] =	stream.indirect.scatter.add.f32 [tilespmem:s17], [sflag:$0x2], $0x10, s0, s16, $0xb8;
	[tilespmem:$0x1EC00] =	vst v63  }
0x390: {  	_ = 	snop  }
0x391: {  	[spmem:s2] =	stream.indirect.scatter.add.f32 [tilespmem:s18], [sflag:$0x2], $0x10, s3, s16, $0xb8;
	[tilespmem:$0x1EC00] =	vst v63  }
0x392: {  	_ = 	snop  }
0x393: {  	[spmem:s2] =	stream.indirect.scatter.add.f32 [tilespmem:s19], [sflag:$0x2], $0x10, s6, s16, $0xb8;
	[tilespmem:$0x1EC00] =	vst v63  }
0x394: {  	_ = 	snop  }
0x395: {  	[spmem:s2] =	stream.indirect.scatter.add.f32 [tilespmem:s20], [sflag:$0x2], $0x10, s7, s16, $0xb8;
	[tilespmem:$0x1EC00] =	vst v63  }
0x396: {  	_ =	swait.ge [sflag:s26], $0x800  }
0x397: {  	[sflag:s26] =	ssyncset.done $0x0  }
0x398: {  	[sflag:s26] =	ssyncadd.s32 $0xFFFFF800  }
0x399: {  	_ =	swait.ge [sflag:s26], $0x800  }
0x39a: {  	[sflag:s26] =	ssyncset.done $0x0  }
0x39b: {  	[sflag:s26] =	ssyncadd.s32 $0xFFFFF800  }
0x39c: {  	_ =	swait.ge [sflag:s26], $0x800  }
0x39d: {  	[sflag:s26] =	ssyncset.done $0x0  }
0x39e: {  	[sflag:s26] =	ssyncadd.s32 $0xFFFFF800  }
0x39f: {  	_ =	swait.ge [sflag:s26], $0x800  }
0x3a0: {  	s9 =	sld [smem:$0x7E5];
	_ =	sdelay $0x1  }
0x3a1: {  	s12 =	sld [smem:$0x7EA]  }
0x3a2: {  	[sflag:s26] =	ssyncset.done $0x0;
	s8 =	smul.u32 $0x18800, s9  }
0x3a3: {  	[sflag:s26] =	ssyncadd.s32 $0xFFFFF800  }
0x3a4: {  	[bflag:$0x0] =	sbarrier.arrive $0xFFFF;
	s8 =	sadd.s32 s12, s8;
	s12 =	stileid.u32  }
0x3a5: {  	s9 =	sshll.u32 s12, $0x6;
	s12 =	sld [smem:$0x7E9];
	_ =	sdelay $0x1  }
0x3a6: {  	s8 =	sshll.u32 s8, $0x1  }
0x3a7: {  	s9 =	sor.u32 $0x1C03, s9;
	s8 =	sadd.s32 s12, s8;
	s12 =	sshrl.u32 s10, $0x3  }
0x3a8: {  	[hbm:s8], [sflag:s9] =	dma.local [spmem:s12], $0x3100  }
.Ltmp3:
0x3a9: {  	_ =	swait.ge [sflag:s13], $0x3100;
	(pc) =	sbr.rel @p0 .LBB2_4-.Ltmp3, $4  }
0x3aa: {  	[sflag:s13] =	ssyncset.done $0x0  }
0x3ab: {  	[sflag:s13] =	ssyncadd.s32 $0xFFFFCF00  }
0x3ac: {  	[bflag:$0x0] =	sbarrier.arrive $0xFFFF  }
0x3ad: {  	p1 =	por $0x0, $0x0;
	s28 =	simm.s32 $0x1E400;
	s8 =	simm.s32 $0x1  }
0x3ae: {  	s9 =	sld [smem:$0x7E6]  }
0x3af: {  	s8 =	sld [smem:$0x7EF];
	_ =	sdelay $0x1  }
0x3b0: {  	s9 =	sadd.s32 $0x1, s9  }
0x3b1: {  	p0 =	sne.s32 s9, s8  }
.Ltmp4:
0x3b2: {  	_ = 	snop;
	(pc) =	sbr.rel @p0 .LBB2_1-.Ltmp4, $1  }
0x3b3: {  	_ =	sdelay $0x3  }
0x3b4: {  	_ =	sfence.sel $0x180000  }
0x3b5: {  	[bflag:$0x0] =	sbarrier.arrive $0xFFFF  }
0x3b6: {  	_ =	strace $0x9000004A  }
0x3b7: {  	s0 =	stileid.u32;
	[bflag:$0x2] =	sbarrier.arrive $0xFFFF  }
0x3b8: {  	p0 =	sne.s32 s0, $0x0;
	s0 =	rddreg [dreg:$0x2]  }
0x3b9: {  	s0 =	sadd.s32 @!p0 $0x100000, s0  }
0x3ba: {  	[sflag:s0] =	ssyncadd.tile.s32 @!p0 $0x1;
	_ =	shalt  }
.Lfunc_end2:
_tile_overlayer_lowered:
.L_overlay_start_2:
0x3bb: {  	(tag) =	ssettag $0x2  }
0x3bc: {  	s0 =	rddreg [dreg:$0x0];
	s2 =	stileid.u32  }
0x3bd: {  	s1 =	rddreg [dreg:$0x1];
	p0 =	sne.s32 s2, $0x0  }
0x3be: {  	s3 =	rddreg [dreg:$0x2];
	[bflag:$0x3] =	sbarrier.arrive $0xFFFF;
	s2 =	simm.s32 @!p0 $0x1C03  }
0x3bf: {  	[timem:s3], [sflag:s2] =	dma.local @!p0 [hbm:s0], s1  }
0x3c0: {  	s0 =	simm.s32 @!p0 $0x3  }
0x3c1: {  	_ =	swait.ge @!p0 [sflag:s0], s1  }
0x3c2: {  	s1 =	ssub.s32 @!p0 $0x0, s1;
	[sflag:s0] =	ssyncset.done @!p0 $0x0  }
0x3c3: {  	[sflag:s0] =	ssyncadd.s32 @!p0 s1  }
0x3c4: {  	[bflag:$0x3] =	sbarrier.arrive $0xFFFF  }
0x3c5: {  	_ =	shalt  }

// kernel: kernel.7.cloned.1.call-start
scs
__scs_entry_jumppad:
0x0: {  	(pc) =	sbr.rel $0x88, $3  }
0x1: {  	(tag) =	ssettag $0x0;
	lr =	simm.s32 $0x1  }
0x2: {  	[smem:$0x3F95] =	sst lr;
	_ =	strace $0xD0000000  }
0x3: {  	_ = 	snop  }
0x4: {  	_ = 	snop  }
0x5: {  	_ = 	snop  }
0x6: {  	_ = 	snop  }
0x7: {  	_ = 	snop  }
__scs_overlays_trampoline_lowered:
0x8: {  	[smem:$0x3FA4] =	sst s0  }
0x9: {  	[smem:$0x3FA5] =	sst s1  }
0xa: {  	[smem:$0x3FA6] =	sst s2  }
0xb: {  	[smem:$0x3FA7] =	sst s3  }
0xc: {  	[smem:$0x3FA8] =	sst s4  }
0xd: {  	[smem:$0x3FA9] =	sst s5  }
0xe: {  	[smem:$0x3FAA] =	sst s6  }
0xf: {  	[smem:$0x3FAB] =	sst s7  }
0x10: {  	[smem:$0x3FAC] =	sst s8  }
0x11: {  	[smem:$0x3FAD] =	sst s9;
	s0 =	simm.s32 @!p0 $0x0  }
0x12: {  	s1 =	sld [smem:$0x3F93];
	s0 =	simm.s32 @p0 $0x1  }
0x13: {  	[smem:$0x3FAE] =	sst s0;
	s0 =	simm.s32 @!p1 $0x0  }
0x14: {  	s2 =	sld [smem:$0x3F92];
	s0 =	simm.s32 @p1 $0x1  }
0x15: {  	[smem:$0x3FAF] =	sst s0;
	s0 =	simm.s32 @!p2 $0x0  }
0x16: {  	s3 =	sld [smem:$0x3FDB];
	s0 =	simm.s32 @p2 $0x1  }
0x17: {  	s4 =	simm.s32 $0x1BF5;
	[smem:$0x3FB1] =	sst s0  }
0x18: {  	s0 =	sld [smem:$0x3F94];
	_ =	swait.ge [sflag:s4], $0x0  }
0x19: {  	s7 =	sld [smem:$0x3F95]  }
0x1a: {  	s8 =	sadd.s32 $0xFFFFE003, lr  }
0x1b: {  	s9 =	sadd.s32 $0xFFFFFEF7, lr;
	s5 =	simm.s32 $0xFFFFFFFF;
	p2 =	slt.u32 s8, $0xFFFFF086  }
0x1c: {  	p1 =	slt.u32 s9, $0xF7A;
	s5 =	simm.s32 @!p2 $0x0  }
0x1d: {  	s5 =	simm.s32 @p1 $0x1;
	p0 =	seq.s32 s7, s2  }
0x1e: {  	s7 =	smul.u32 @!p0 $0xF7A, s2;
	p2 =	seq.s32 @!p0 s5, $0x0  }
0x1f: {  	s9 =	smul.u32 $0xF7A, s1;
	s8 =	simm.s32 @!p0 $0x1BF5;
	p2 =	por !p2, p0  }
0x20: {  	[sflag:s8] =	ssyncset.s32 @!p0 $0xFFFFF086;
	s6 =	sadd.s32 @!p0 s3, s7;
	s7 =	simm.s32 @!p0 $0x108  }
0x21: {  	s3 =	sadd.s32 s3, s9;
	s6 =	sadd.s32 @!p0 $0x88, s6;
	s7 =	simm.s32 @p2 $0x1082  }
0x22: {  	[simem:s7], [sflag:s8] =	dma.local @!p0 [hbm:s6], $0xF7A  }
0x23: {  	s9 =	sor.u32 $0xD0000000, s2;
	s6 =	simm.s32 $0x108;
	_ =	swait.ge @!p0 [sflag:s8], $0x0  }
0x24: {  	s3 =	sadd.s32 $0x88, s3;
	s6 =	simm.s32 @!p1 $0x1082;
	[sflag:s4] =	ssyncset.s32 $0xFFFFF086  }
0x25: {  	[simem:s6], [sflag:s4] =	dma.local [hbm:s3], $0xF7A  }
0x26: {  	[smem:$0x3F95] =	sst s1;
	(tag) =	ssettag s2;
	_ =	strace s9  }
0x27: {  	s1 =	sld [smem:$0x3FA5]  }
0x28: {  	s2 =	sld [smem:$0x3FA6]  }
0x29: {  	s4 =	sld [smem:$0x3FA8]  }
0x2a: {  	p0 =	seq.s32 s5, $0x0;
	s5 =	sld [smem:$0x3FA9]  }
0x2b: {  	s6 =	sld [smem:$0x3FAA]  }
0x2c: {  	s7 =	sld [smem:$0x3FAB]  }
0x2d: {  	s3 =	simm.s32 $0x108;
	s8 =	sld [smem:$0x3FAC]  }
0x2e: {  	s3 =	simm.s32 @!p0 $0x1082;
	s9 =	sld [smem:$0x3FAD]  }
0x2f: {  	lr =	sadd.s32 s0, s3;
	s0 =	sld [smem:$0x3FA4]  }
0x30: {  	s3 =	sld [smem:$0x3FA7]  }
0x31: {  	[smem:$0x3FB0] =	sst s10  }
0x32: {  	s10 =	sld [smem:$0x3FAE];
	_ =	sdelay $0x3  }
0x33: {  	p0 =	seq.s32 s10, $0x1;
	s10 =	sld [smem:$0x3FB0];
	_ =	sdelay $0x3  }
0x34: {  	[smem:$0x3FB0] =	sst s10  }
0x35: {  	s10 =	sld [smem:$0x3FAF];
	_ =	sdelay $0x3  }
0x36: {  	p1 =	seq.s32 s10, $0x1;
	s10 =	sld [smem:$0x3FB0];
	_ =	sdelay $0x3  }
0x37: {  	[smem:$0x3FB0] =	sst s10  }
0x38: {  	s10 =	sld [smem:$0x3FB1]  }
0x39: {  	_ = 	snop;
	(pc) =	sbr.ind lr, $3  }
0x3a: {  	_ = 	snop  }
0x3b: {  	_ = 	snop  }
0x3c: {  	p2 =	seq.s32 s10, $0x1;
	s10 =	sld [smem:$0x3FB0]  }
0x3d: {  	_ =	shalt  }
0x3e: {  	_ =	shalt  }
0x3f: {  	_ =	shalt  }
0x40: {  	_ =	shalt  }
0x41: {  	_ =	shalt  }
0x42: {  	_ =	shalt  }
0x43: {  	_ =	shalt  }
0x44: {  	_ =	shalt  }
0x45: {  	_ =	shalt  }
0x46: {  	_ =	shalt  }
0x47: {  	_ =	shalt  }
0x48: {  	_ =	shalt  }
0x49: {  	_ =	shalt  }
0x4a: {  	_ =	shalt  }
0x4b: {  	_ =	shalt  }
0x4c: {  	_ =	shalt  }
0x4d: {  	_ =	shalt  }
0x4e: {  	_ =	shalt  }
0x4f: {  	_ =	shalt  }
0x50: {  	_ =	shalt  }
0x51: {  	_ =	shalt  }
0x52: {  	_ =	shalt  }
0x53: {  	_ =	shalt  }
0x54: {  	_ =	shalt  }
0x55: {  	_ =	shalt  }
0x56: {  	_ =	shalt  }
0x57: {  	_ =	shalt  }
0x58: {  	_ =	shalt  }
0x59: {  	_ =	shalt  }
0x5a: {  	_ =	shalt  }
0x5b: {  	_ =	shalt  }
0x5c: {  	_ =	shalt  }
0x5d: {  	_ =	shalt  }
0x5e: {  	_ =	shalt  }
0x5f: {  	_ =	shalt  }
0x60: {  	_ =	shalt  }
0x61: {  	_ =	shalt  }
0x62: {  	_ =	shalt  }
0x63: {  	_ =	shalt  }
0x64: {  	_ =	shalt  }
0x65: {  	_ =	shalt  }
0x66: {  	_ =	shalt  }
0x67: {  	_ =	shalt  }
0x68: {  	_ =	shalt  }
0x69: {  	_ =	shalt  }
0x6a: {  	_ =	shalt  }
0x6b: {  	_ =	shalt  }
0x6c: {  	_ =	shalt  }
0x6d: {  	_ =	shalt  }
0x6e: {  	_ =	shalt  }
0x6f: {  	_ =	shalt  }
0x70: {  	_ =	shalt  }
0x71: {  	_ =	shalt  }
0x72: {  	_ =	shalt  }
0x73: {  	_ =	shalt  }
0x74: {  	_ =	shalt  }
0x75: {  	_ =	shalt  }
0x76: {  	_ =	shalt  }
0x77: {  	_ =	shalt  }
0x78: {  	_ =	shalt  }
0x79: {  	_ =	shalt  }
0x7a: {  	_ =	shalt  }
0x7b: {  	_ =	shalt  }
0x7c: {  	_ =	shalt  }
0x7d: {  	_ =	shalt  }
0x7e: {  	_ =	shalt  }
0x7f: {  	_ =	shalt  }
0x80: {  	_ =	shalt  }
0x81: {  	_ =	shalt  }
0x82: {  	_ =	shalt  }
0x83: {  	_ =	shalt  }
0x84: {  	_ =	shalt  }
0x85: {  	_ =	shalt  }
0x86: {  	_ =	shalt  }
0x87: {  	_ =	shalt  }
.Lfunc_end0:
.L_simem_size_0:
called_computation_lowered:
.L_overlay_start_0:
0x88: {  	s2 =	sld [smem:$0x3FD9]  }
0x89: {  	s3 =	sld [smem:$0x3FFE];
	_ =	sdelay $0x1  }
0x8a: {  	s1 =	srdreg.scid  }
0x8b: {  	s0 =	sand.u32 $0x1, s1  }
0x8c: {  	s16 =	sshll.u32 s0, $0xA;
	s2 =	sadd.s32 s3, s2  }
0x8d: {  	s2 =	sadd.s32 s2, s16  }
0x8e: {  	[smem:$0x3FBC] =	sst s2  }
0x8f: {  	_ = 	snop  }
0x90: {  	(tm) =	ssettm $0x1  }
0x91: {  	s17 =	sld [smem:$0x3FFB];
	_ =	sdelay $0x3  }
0x92: {  	_ =	strace s17  }
0x93: {  	s2 =	sld [smem:$0x3FFC];
	_ =	sdelay $0x3  }
0x94: {  	_ =	strace s2  }
0x95: {  	s2 =	sld [smem:$0x3FFD];
	_ =	sdelay $0x3  }
0x96: {  	_ =	strace s2  }
0x97: {  	_ =	strace $0x8FFFFFFF  }
0x98: {  	s18 =	sld [smem:$0x3FDB];
	_ =	sdelay $0x1  }
0x99: {  	s19 =	simm.s32 $_scs_section_size  }
0x9a: {  	s4 =	simm.s32 $_size__tile_overlayer_lowered;
	s5 =	simm.s32 $_tile_overlayer_lowered  }
0x9b: {  	s22 =	simm.s32 $0x1BFF;
	s21 =	sshll.u32 s5, $0x1;
	s2 =	sadd.s32 s19, s18  }
0x9c: {  	s6 =	simm.s32 $0x0;
	s20 =	sshll.u32 s4, $0x1;
	s4 =	sadd.s32 s21, s2  }
0x9d: {  	[timem:s6], [sflag:s22] =	dma.local [hbm:s4], s20  }
0x9e: {  	_ =	swait.ge [sflag:s22], s20  }
0x9f: {  	s3 =	ssub.s32 $0x0, s20;
	[sflag:s22] =	ssyncset.done $0x0  }
0xa0: {  	[sflag:s22] =	ssyncadd.s32 s3;
	_ =	sdelay $0x1  }
0xa1: {  	s23 =	simm.s32 $0x1B8B  }
0xa2: {  	_ =	swait.ge [sflag:s23], $0x1  }
0xa3: {  	[sflag:s23] =	ssyncset.done $0x0  }
0xa4: {  	s25 =	simm.s32 $0x1B8E;
	s24 =	sld [smem:$0x3FFE];
	[sflag:s23] =	ssyncadd.s32 $0xFFFFFFFF  }
0xa5: {  	s26 =	simm.s32 $execute0_lowered;
	[smem:$0x3FD2] =	sst s25  }
0xa6: {  	s4 =	sshll.u32 s26, $0x1;
	_ =	strace $0x80000046;
	[dreg:$0x1] =	wrdreg $0xFFFFFFFF  }
0xa7: {  	s28 =	simm.s32 $_size_execute0_lowered;
	s2 =	sadd.s32 s2, s4;
	[dreg:$0x0] =	wrdreg $0x0  }
0xa8: {  	s4 =	sshll.u32 s28, $0x1;
	[dreg:$0x2] =	wrdreg s2  }
0xa9: {  	[dreg:$0x3] =	wrdreg s4  }
0xaa: {  	[dreg:$0x4] =	wrdreg $0xC0  }
0xab: {  	_ =	task [dreg:s6], $0x5FFFF  }
0xac: {  	[dreg:$0x1] =	wrdreg $0xFFFFFFFF  }
0xad: {  	[dreg:$0x0] =	wrdreg $0x60  }
0xae: {  	[dreg:$0x2] =	wrdreg s24  }
0xaf: {  	[dreg:$0x3] =	wrdreg $0x0  }
0xb0: {  	[dreg:$0x4] =	wrdreg $0x9  }
0xb1: {  	_ =	task.clear_ibuf [dreg:s6], $0x5FFFF;
	_ =	strace $0x90000046  }
0xb2: {  	s29 =	simm.s32 $0x9;
	_ =	strace $0x80000048  }
0xb3: {  	_ =	swait.ge [sflag:s29], $0x1  }
0xb4: {  	[sflag:s29] =	ssyncadd.s32 $0xFFFFFFFF  }
0xb5: {  	_ =	strace $0x90000048  }
0xb6: {  	_ =	sfence  }
0xb7: {  	s30 =	sld [smem:$0x0];
	_ =	sdelay $0x2  }
0xb8: {  	s31 =	sshll.u32 s1, $0xD;
	s1 =	sshrl.u32 s1, $0x2  }
0xb9: {  	s3 =	sand.u32 $0x4000, s31;
	s1 =	sadd.s32 s1, s30  }
0xba: {  	s0 =	sor.u32 s3, s0;
	s1 =	sshll.u32 s1, $0x11  }
0xbb: {  	s0 =	sor.u32 s1, s0  }
0xbc: {  	s0 =	sadd.s32 $0x8F2B, s0  }
0xbd: {  	[sflag:s0] =	ssyncadd.remote.s32 $0x1  }
0xbe: {  	_ =	sfence.sel $0xFFFF  }
0xbf: {  	[dreg:$0x0] =	wrdreg $0xFFFFFFFF;
	(pc) =	sbr.abs _section_cstart, $3  }
0xc0: {  	[dreg:$0x1] =	wrdreg $0xFFFFFFFF  }
0xc1: {  	_ =	task.clear_ibuf [dreg:s6], $0x2FFFF;
	_ =	strace $0x9FFFFFFF  }
0xc2: {  	(tm) =	ssettm $0x7FFFFFFF  }
0xc3: {  	_ =	shalt  }
tec
execute0_lowered:
.L_overlay_start_1:
0x0: {  	(tag) =	ssettag $0x1  }
0x1: {  	s1 =	rddreg [dreg:$0x0]  }
0x2: {  	s2 =	rddreg [dreg:$0x1];
	s3 =	simm.s32 $0x0  }
0x3: {  	s21 =	simm.s32 $0x18880;
	[smem:$0x7FF] =	sst s3  }
0x4: {  	s22 =	simm.s32 $0x18900;
	_ =	strace $0x80000047;
	[dreg:$0x5] =	wrdreg s21  }
0x5: {  	s23 =	simm.s32 $0x18980;
	[dreg:$0x6] =	wrdreg s22  }
0x6: {  	s24 =	simm.s32 $0x18A00;
	[dreg:$0x7] =	wrdreg s23  }
0x7: {  	s25 =	simm.s32 $0x18A80;
	[dreg:$0x8] =	wrdreg s24  }
0x8: {  	s26 =	simm.s32 $0x18B00;
	[dreg:$0x9] =	wrdreg s25  }
0x9: {  	s7 =	simm.s32 $0x19680;
	[dreg:$0xa] =	wrdreg s26  }
0xa: {  	s9 =	simm.s32 $0x19700;
	[dreg:$0xc] =	wrdreg s7  }
0xb: {  	s10 =	simm.s32 $0x19780;
	[dreg:$0xd] =	wrdreg s9  }
0xc: {  	s11 =	simm.s32 $0x18C00;
	[dreg:$0xe] =	wrdreg s10  }
0xd: {  	s12 =	simm.s32 $0x18C80;
	[dreg:$0xf] =	wrdreg s11  }
0xe: {  	s13 =	simm.s32 $0x18D00;
	[dreg:$0x10] =	wrdreg s12  }
0xf: {  	s14 =	simm.s32 $0x18D80;
	[dreg:$0x11] =	wrdreg s13  }
0x10: {  	s8 =	stileid.u32;
	s15 =	simm.s32 $0x19800;
	[dreg:$0x12] =	wrdreg s14  }
0x11: {  	s0 =	srdreg.scid;
	s16 =	simm.s32 $0x19880;
	[dreg:$0x13] =	wrdreg s15  }
0x12: {  	s17 =	simm.s32 $0x19900;
	s19 =	simm.s32 $0x18E00;
	[dreg:$0x14] =	wrdreg s16  }
0x13: {  	s20 =	simm.s32 $0x18E80;
	s28 =	simm.s32 $0x1A100;
	[dreg:$0x15] =	wrdreg s17  }
0x14: {  	s29 =	simm.s32 $0x1A180;
	s30 =	simm.s32 $0x1A200;
	[dreg:$0x17] =	wrdreg s19  }
0x15: {  	s31 =	simm.s32 $0x1A280;
	s7 =	simm.s32 $0x19980;
	[dreg:$0x18] =	wrdreg s20  }
0x16: {  	s5 =	smul.u32 $0x3100, s8;
	s21 =	simm.s32 $0x18F00;
	[dreg:$0x16] =	wrdreg s7  }
0x17: {  	s0 =	sand.u32 $0x1, s0;
	s22 =	simm.s32 $0x18F80;
	[dreg:$0x19] =	wrdreg s21  }
0x18: {  	s4 =	smul.u32 $0x1880, s0;
	s24 =	simm.s32 $0x19A00;
	[dreg:$0x1a] =	wrdreg s22  }
0x19: {  	s18 =	smul.u32 $0x31000, s0;
	s26 =	simm.s32 $0x19A80;
	[dreg:$0x1b] =	wrdreg s24  }
0x1a: {  	s25 =	smul.u32 $0x62000, s8;
	s8 =	simm.s32 $0x19B80;
	[dreg:$0x1c] =	wrdreg s26  }
0x1b: {  	s0 =	ssub.s32 $0x2, s0;
	s9 =	simm.s32 $0x19000;
	[dreg:$0x1e] =	wrdreg s8  }
0x1c: {  	s10 =	simm.s32 $0x19080;
	s11 =	simm.s32 $0x19100;
	[dreg:$0x1f] =	wrdreg s9  }
0x1d: {  	s12 =	simm.s32 $0x19180;
	s13 =	simm.s32 $0x19C00;
	[smem:$0x7ED] =	sst s10  }
0x1e: {  	s14 =	simm.s32 $0x19C80;
	s15 =	simm.s32 $0x19D00;
	[smem:$0x7EE] =	sst s11  }
0x1f: {  	s16 =	simm.s32 $0x19D80;
	s17 =	simm.s32 $0x19200;
	[smem:$0x7EF] =	sst s12  }
0x20: {  	s19 =	simm.s32 $0x19300;
	s20 =	simm.s32 $0x19380;
	[smem:$0x7F0] =	sst s13  }
0x21: {  	s6 =	sadd.s32 s5, s1;
	s23 =	sshrl.u32 s0, $0x1;
	[smem:$0x7F1] =	sst s14  }
0x22: {  	s8 =	simm.s32 $0x1E400;
	s9 =	simm.s32 $0x3;
	[smem:$0x7F2] =	sst s15  }
0x23: {  	s10 =	simm.s32 $0x18800;
	s11 =	simm.s32 $0x19600;
	[smem:$0x7F3] =	sst s16  }
0x24: {  	s12 =	simm.s32 $0x80;
	s13 =	simm.s32 $0x1A400;
	[smem:$0x7F4] =	sst s17  }
0x25: {  	s14 =	simm.s32 $0x1AC00;
	s15 =	simm.s32 $0x1B400;
	[smem:$0x7F6] =	sst s19  }
0x26: {  	s16 =	simm.s32 $0x1BC00;
	s17 =	simm.s32 $0x1;
	[smem:$0x7F7] =	sst s20  }
0x27: {  	s21 =	simm.s32 $0x19E00;
	s22 =	simm.s32 $0x19E80;
	s19 =	simm.s32 $0x1CC00  }
0x28: {  	s20 =	simm.s32 $0x1D400;
	s24 =	simm.s32 $0x19F80;
	s26 =	simm.s32 $0x19480  }
0x29: {  	s4 =	sadd.s32 s4, s6;
	s5 =	sadd.s32 s5, s18;
	[smem:$0x7F8] =	sst s21  }
0x2a: {  	s0 =	ssub.s32 s0, s23;
	s7 =	sshrl.u32 s25, $0x2;
	[smem:$0x7F9] =	sst s22  }
0x2b: {  	s18 =	simm.s32 $0x19280;
	s23 =	simm.s32 $0x19F00;
	[smem:$0x7FB] =	sst s24  }
0x2c: {  	s21 =	simm.s32 $0x1DC00;
	s25 =	simm.s32 $0x19400;
	[smem:$0x7FD] =	sst s26  }
0x2d: {  	s22 =	simm.s32 $0x2;
	s24 =	simm.s32 $0x19580;
	[smem:$0x7F5] =	sst s18  }
0x2e: {  	s26 =	simm.s32 $0x1A080;
	s6 =	sadd.s32 $0x2E00, s4;
	[smem:$0x7FA] =	sst s23  }
0x2f: {  	s4 =	sadd.s32 $0x128A00, s4;
	s0 =	smax.u32 s0, $0x1;
	[smem:$0x7FC] =	sst s25  }
0x30: {  	s18 =	simm.s32 $0x1C400;
	s23 =	simm.s32 $0x19500;
	[dreg:$0x3] =	wrdreg s6  }
0x31: {  	s25 =	simm.s32 $0x1A000;
	[dreg:$0x4] =	wrdreg s4;
	s6 =	simm.s32 $0x18B80  }
0x32: {  	s4 =	sadd.s32 $0x2E1A00, s1;
	s1 =	sadd.s32 s5, s1;
	[smem:$0x7EC] =	sst s0  }
0x33: {  	s5 =	sadd.s32 s7, s2;
	[dreg:$0xb] =	wrdreg s6;
	s6 =	simm.s32 $0x19B00  }
0x34: {  	s0 =	simm.s32 $0x1A380;
	s1 =	sadd.s32 $0x312A00, s1;
	[dreg:$0x1d] =	wrdreg s6  }
0x35: {  	v0 =	vimm.f32 $0.0e+00;
	s7 =	simm.s32 $0x0;
	[smem:$0x7EB] =	sst s1;
	s1 =	simm.s32 $0x1A300  }
.LBB2_1:
0x36: {  	[smem:$0x7EA] =	sst s7;
	s6 =	simm.s32 $0x0  }
.LBB2_2:
0x37: {  	p0 =	sne.s32 s6, $0x1FC0  }
.Ltmp0:
0x38: {  	_ = 	snop;
	(pc) =	sbr.rel @p0 .LBB2_2-.Ltmp0, $3  }
0x39: {  	_ =	sdelay $0x1  }
0x3a: {  	s7 =	sshra.s32 s6, $0x2  }
0x3b: {  	s6 =	sadd.s32 $0x40, s6;
	[tilespmem:s7+$0x1E400] =	vst v0  }
0x3c: {  	s6 =	sadd.s32 $0x0, s5  }
0x3d: {  	[spmem:s6] =	stream.linear.scatter [tilespmem:s8], [sflag:$0x3], $0x800, $0x38;
	[tilespmem:$0x1EC00] =	vst v63  }
0x3e: {  	s6 =	simm.s32 $0x2000;
	_ =	swait.ge [sflag:s9], $0x800  }
.LBB2_4:
0x3f: {  	s7 =	sshra.s32 s6, $0x2;
	[sflag:s9] =	ssyncset.done $0x0;
	p0 =	sne.s32 s6, $0x60000  }
.Ltmp1:
0x40: {  	s7 =	sadd.s32 s7, s5;
	[sflag:s9] =	ssyncadd.s32 $0xFFFFF800;
	(pc) =	sbr.rel @p0 .LBB2_4-.Ltmp1, $3  }
0x41: {  	[spmem:s7] =	stream.linear.scatter [tilespmem:s8], [sflag:$0x3], $0x800, $0x38;
	[tilespmem:$0x1EC00] =	vst v63  }
0x42: {  	s6 =	sadd.s32 $0x2000, s6;
	_ =	sdelay $0x1  }
0x43: {  	_ =	swait.ge [sflag:s9], $0x800  }
0x44: {  	[sflag:s9] =	ssyncset.done $0x0  }
0x45: {  	[sflag:s9] =	ssyncadd.s32 $0xFFFFF800  }
0x46: {  	[bflag:$0x0] =	sbarrier.arrive $0xFFFF  }
0x47: {  	s6 =	rddreg [dreg:$0x4]  }
0x48: {  	s6 =	sadd.s32 $0x0, s6  }
0x49: {  	[tilespmem:s10], [sflag:$0x3] =	stream.linear.gather [hbm4b:s6+s3], $0xE00, $0x38;
	[tilespmem:$0x1EC00] =	vst v63  }
0x4a: {  	_ =	swait.ge [sflag:s9], $0xE00  }
0x4b: {  	s7 =	rddreg [dreg:$0x3];
	[sflag:s9] =	ssyncset.done $0x0  }
0x4c: {  	[sflag:s9] =	ssyncadd.s32 $0xFFFFF200;
	s6 =	sadd.s32 $0x0, s7  }
0x4d: {  	[tilespmem:s11], [sflag:$0x3] =	stream.linear.gather [hbm4b:s6+s3], $0xE00, $0x38;
	[tilespmem:$0x1EC00] =	vst v63  }
0x4e: {  	_ =	swait.ge [sflag:s9], $0xE00  }
0x4f: {  	[sflag:s9] =	ssyncset.done $0x0  }
0x50: {  	[sflag:s9] =	ssyncadd.s32 $0xFFFFF200  }
0x51: {  	[tilespmem:s13], [sflag:$0x1] =	stream.indirect.gather [hbm4b:s4+s12], $0x10, s10, s12, $0xb8;
	[tilespmem:$0x1EC00] =	vst v63  }
0x52: {  	s8 =	rddreg [dreg:$0x5]  }
0x53: {  	[tilespmem:s14], [sflag:$0x1] =	stream.indirect.gather [hbm4b:s4+s12], $0x10, s8, s12, $0xb8;
	[tilespmem:$0x1EC00] =	vst v63  }
0x54: {  	s7 =	rddreg [dreg:$0x6]  }
0x55: {  	[tilespmem:s15], [sflag:$0x1] =	stream.indirect.gather [hbm4b:s4+s12], $0x10, s7, s12, $0xb8;
	[tilespmem:$0x1EC00] =	vst v63  }
0x56: {  	s8 =	rddreg [dreg:$0x7]  }
0x57: {  	[tilespmem:s16], [sflag:$0x1] =	stream.indirect.gather [hbm4b:s4+s12], $0x10, s8, s12, $0xb8;
	[tilespmem:$0x1EC00] =	vst v63  }
0x58: {  	_ =	swait.ge [sflag:s17], $0x800  }
0x59: {  	[sflag:s17] =	ssyncset.done $0x0  }
0x5a: {  	[sflag:s17] =	ssyncadd.s32 $0xFFFFF800  }
0x5b: {  	_ =	swait.ge [sflag:s17], $0x800  }
0x5c: {  	[sflag:s17] =	ssyncset.done $0x0  }
0x5d: {  	[sflag:s17] =	ssyncadd.s32 $0xFFFFF800  }
0x5e: {  	_ =	swait.ge [sflag:s17], $0x800  }
0x5f: {  	[sflag:s17] =	ssyncset.done $0x0  }
0x60: {  	[sflag:s17] =	ssyncadd.s32 $0xFFFFF800  }
0x61: {  	_ =	swait.ge [sflag:s17], $0x800  }
0x62: {  	[sflag:s17] =	ssyncset.done $0x0  }
0x63: {  	s7 =	rddreg [dreg:$0x8];
	[sflag:s17] =	ssyncadd.s32 $0xFFFFF800  }
0x64: {  	[tilespmem:s18], [sflag:$0x1] =	stream.indirect.gather [hbm4b:s4+s12], $0x10, s7, s12, $0xb8;
	[tilespmem:$0x1EC00] =	vst v63  }
0x65: {  	s8 =	rddreg [dreg:$0x9]  }
0x66: {  	[tilespmem:s19], [sflag:$0x1] =	stream.indirect.gather [hbm4b:s4+s12], $0x10, s8, s12, $0xb8;
	[tilespmem:$0x1EC00] =	vst v63  }
0x67: {  	s6 =	rddreg [dreg:$0xa]  }
0x68: {  	[tilespmem:s20], [sflag:$0x1] =	stream.indirect.gather [hbm4b:s4+s12], $0x10, s6, s12, $0xb8;
	[tilespmem:$0x1EC00] =	vst v63  }
0x69: {  	s8 =	rddreg [dreg:$0xb]  }
0x6a: {  	[tilespmem:s21], [sflag:$0x1] =	stream.indirect.gather [hbm4b:s4+s12], $0x10, s8, s12, $0xb8;
	[tilespmem:$0x1EC00] =	vst v63  }
0x6b: {  	_ = 	snop  }
0x6c: {  	[spmem:s2] =	stream.indirect.scatter.add.f32 [tilespmem:s13], [sflag:$0x2], $0x10, s11, s12, $0xb8;
	[tilespmem:$0x1EC00] =	vst v63  }
0x6d: {  	s8 =	rddreg [dreg:$0xc]  }
0x6e: {  	[spmem:s2] =	stream.indirect.scatter.add.f32 [tilespmem:s14], [sflag:$0x2], $0x10, s8, s12, $0xb8;
	[tilespmem:$0x1EC00] =	vst v63  }
0x6f: {  	s7 =	rddreg [dreg:$0xd]  }
0x70: {  	[spmem:s2] =	stream.indirect.scatter.add.f32 [tilespmem:s15], [sflag:$0x2], $0x10, s7, s12, $0xb8;
	[tilespmem:$0x1EC00] =	vst v63  }
0x71: {  	s8 =	rddreg [dreg:$0xe]  }
0x72: {  	[spmem:s2] =	stream.indirect.scatter.add.f32 [tilespmem:s16], [sflag:$0x2], $0x10, s8, s12, $0xb8;
	[tilespmem:$0x1EC00] =	vst v63  }
0x73: {  	_ =	swait.ge [sflag:s22], $0x800  }
0x74: {  	[sflag:s22] =	ssyncset.done $0x0  }
0x75: {  	[sflag:s22] =	ssyncadd.s32 $0xFFFFF800  }
0x76: {  	_ =	swait.ge [sflag:s22], $0x800  }
0x77: {  	[sflag:s22] =	ssyncset.done $0x0  }
0x78: {  	[sflag:s22] =	ssyncadd.s32 $0xFFFFF800  }
0x79: {  	_ =	swait.ge [sflag:s22], $0x800  }
0x7a: {  	[sflag:s22] =	ssyncset.done $0x0  }
0x7b: {  	[sflag:s22] =	ssyncadd.s32 $0xFFFFF800  }
0x7c: {  	_ =	swait.ge [sflag:s22], $0x800  }
0x7d: {  	[sflag:s22] =	ssyncset.done $0x0  }
0x7e: {  	[sflag:s22] =	ssyncadd.s32 $0xFFFFF800  }
0x7f: {  	_ =	swait.ge [sflag:s17], $0x800  }
0x80: {  	[sflag:s17] =	ssyncset.done $0x0  }
0x81: {  	[sflag:s17] =	ssyncadd.s32 $0xFFFFF800  }
0x82: {  	_ =	swait.ge [sflag:s17], $0x800  }
0x83: {  	[sflag:s17] =	ssyncset.done $0x0  }
0x84: {  	[sflag:s17] =	ssyncadd.s32 $0xFFFFF800  }
0x85: {  	_ =	swait.ge [sflag:s17], $0x800  }
0x86: {  	[sflag:s17] =	ssyncset.done $0x0  }
0x87: {  	[sflag:s17] =	ssyncadd.s32 $0xFFFFF800  }
0x88: {  	_ =	swait.ge [sflag:s17], $0x800  }
0x89: {  	[sflag:s17] =	ssyncset.done $0x0  }
0x8a: {  	s7 =	rddreg [dreg:$0xf];
	[sflag:s17] =	ssyncadd.s32 $0xFFFFF800  }
0x8b: {  	[tilespmem:s13], [sflag:$0x1] =	stream.indirect.gather [hbm4b:s4+s12], $0x10, s7, s12, $0xb8;
	[tilespmem:$0x1EC00] =	vst v63  }
0x8c: {  	s8 =	rddreg [dreg:$0x10]  }
0x8d: {  	[tilespmem:s14], [sflag:$0x1] =	stream.indirect.gather [hbm4b:s4+s12], $0x10, s8, s12, $0xb8;
	[tilespmem:$0x1EC00] =	vst v63  }
0x8e: {  	s6 =	rddreg [dreg:$0x11]  }
0x8f: {  	[tilespmem:s15], [sflag:$0x1] =	stream.indirect.gather [hbm4b:s4+s12], $0x10, s6, s12, $0xb8;
	[tilespmem:$0x1EC00] =	vst v63  }
0x90: {  	s8 =	rddreg [dreg:$0x12]  }
0x91: {  	[tilespmem:s16], [sflag:$0x1] =	stream.indirect.gather [hbm4b:s4+s12], $0x10, s8, s12, $0xb8;
	[tilespmem:$0x1EC00] =	vst v63  }
0x92: {  	s6 =	rddreg [dreg:$0x13]  }
0x93: {  	[spmem:s2] =	stream.indirect.scatter.add.f32 [tilespmem:s18], [sflag:$0x2], $0x10, s6, s12, $0xb8;
	[tilespmem:$0x1EC00] =	vst v63  }
0x94: {  	s8 =	rddreg [dreg:$0x14]  }
0x95: {  	[spmem:s2] =	stream.indirect.scatter.add.f32 [tilespmem:s19], [sflag:$0x2], $0x10, s8, s12, $0xb8;
	[tilespmem:$0x1EC00] =	vst v63  }
0x96: {  	s6 =	rddreg [dreg:$0x15]  }
0x97: {  	[spmem:s2] =	stream.indirect.scatter.add.f32 [tilespmem:s20], [sflag:$0x2], $0x10, s6, s12, $0xb8;
	[tilespmem:$0x1EC00] =	vst v63  }
0x98: {  	s8 =	rddreg [dreg:$0x16]  }
0x99: {  	[spmem:s2] =	stream.indirect.scatter.add.f32 [tilespmem:s21], [sflag:$0x2], $0x10, s8, s12, $0xb8;
	[tilespmem:$0x1EC00] =	vst v63  }
0x9a: {  	_ =	swait.ge [sflag:s22], $0x800  }
0x9b: {  	[sflag:s22] =	ssyncset.done $0x0  }
0x9c: {  	[sflag:s22] =	ssyncadd.s32 $0xFFFFF800  }
0x9d: {  	_ =	swait.ge [sflag:s22], $0x800  }
0x9e: {  	[sflag:s22] =	ssyncset.done $0x0  }
0x9f: {  	[sflag:s22] =	ssyncadd.s32 $0xFFFFF800  }
0xa0: {  	_ =	swait.ge [sflag:s22], $0x800  }
0xa1: {  	[sflag:s22] =	ssyncset.done $0x0  }
0xa2: {  	[sflag:s22] =	ssyncadd.s32 $0xFFFFF800  }
0xa3: {  	_ =	swait.ge [sflag:s22], $0x800  }
0xa4: {  	[sflag:s22] =	ssyncset.done $0x0  }
0xa5: {  	[sflag:s22] =	ssyncadd.s32 $0xFFFFF800  }
0xa6: {  	_ =	swait.ge [sflag:s17], $0x800  }
0xa7: {  	[sflag:s17] =	ssyncset.done $0x0  }
0xa8: {  	[sflag:s17] =	ssyncadd.s32 $0xFFFFF800  }
0xa9: {  	_ =	swait.ge [sflag:s17], $0x800  }
0xaa: {  	[sflag:s17] =	ssyncset.done $0x0  }
0xab: {  	[sflag:s17] =	ssyncadd.s32 $0xFFFFF800  }
0xac: {  	_ =	swait.ge [sflag:s17], $0x800  }
0xad: {  	[sflag:s17] =	ssyncset.done $0x0  }
0xae: {  	[sflag:s17] =	ssyncadd.s32 $0xFFFFF800  }
0xaf: {  	_ =	swait.ge [sflag:s17], $0x800  }
0xb0: {  	[sflag:s17] =	ssyncset.done $0x0  }
0xb1: {  	s7 =	rddreg [dreg:$0x17];
	[sflag:s17] =	ssyncadd.s32 $0xFFFFF800  }
0xb2: {  	[tilespmem:s18], [sflag:$0x1] =	stream.indirect.gather [hbm4b:s4+s12], $0x10, s7, s12, $0xb8;
	[tilespmem:$0x1EC00] =	vst v63  }
0xb3: {  	s8 =	rddreg [dreg:$0x18]  }
0xb4: {  	[tilespmem:s19], [sflag:$0x1] =	stream.indirect.gather [hbm4b:s4+s12], $0x10, s8, s12, $0xb8;
	[tilespmem:$0x1EC00] =	vst v63  }
0xb5: {  	s6 =	rddreg [dreg:$0x19]  }
0xb6: {  	[tilespmem:s20], [sflag:$0x1] =	stream.indirect.gather [hbm4b:s4+s12], $0x10, s6, s12, $0xb8;
	[tilespmem:$0x1EC00] =	vst v63  }
0xb7: {  	s8 =	rddreg [dreg:$0x1a]  }
0xb8: {  	[tilespmem:s21], [sflag:$0x1] =	stream.indirect.gather [hbm4b:s4+s12], $0x10, s8, s12, $0xb8;
	[tilespmem:$0x1EC00] =	vst v63  }
0xb9: {  	s6 =	rddreg [dreg:$0x1b]  }
0xba: {  	[spmem:s2] =	stream.indirect.scatter.add.f32 [tilespmem:s13], [sflag:$0x2], $0x10, s6, s12, $0xb8;
	[tilespmem:$0x1EC00] =	vst v63  }
0xbb: {  	s8 =	rddreg [dreg:$0x1c]  }
0xbc: {  	[spmem:s2] =	stream.indirect.scatter.add.f32 [tilespmem:s14], [sflag:$0x2], $0x10, s8, s12, $0xb8;
	[tilespmem:$0x1EC00] =	vst v63  }
0xbd: {  	s6 =	rddreg [dreg:$0x1d]  }
0xbe: {  	[spmem:s2] =	stream.indirect.scatter.add.f32 [tilespmem:s15], [sflag:$0x2], $0x10, s6, s12, $0xb8;
	[tilespmem:$0x1EC00] =	vst v63  }
0xbf: {  	s8 =	rddreg [dreg:$0x1e]  }
0xc0: {  	[spmem:s2] =	stream.indirect.scatter.add.f32 [tilespmem:s16], [sflag:$0x2], $0x10, s8, s12, $0xb8;
	[tilespmem:$0x1EC00] =	vst v63  }
0xc1: {  	_ =	swait.ge [sflag:s22], $0x800  }
0xc2: {  	[sflag:s22] =	ssyncset.done $0x0  }
0xc3: {  	[sflag:s22] =	ssyncadd.s32 $0xFFFFF800  }
0xc4: {  	_ =	swait.ge [sflag:s22], $0x800  }
0xc5: {  	[sflag:s22] =	ssyncset.done $0x0  }
0xc6: {  	[sflag:s22] =	ssyncadd.s32 $0xFFFFF800  }
0xc7: {  	_ =	swait.ge [sflag:s22], $0x800  }
0xc8: {  	[sflag:s22] =	ssyncset.done $0x0  }
0xc9: {  	[sflag:s22] =	ssyncadd.s32 $0xFFFFF800  }
0xca: {  	_ =	swait.ge [sflag:s22], $0x800  }
0xcb: {  	[sflag:s22] =	ssyncset.done $0x0  }
0xcc: {  	[sflag:s22] =	ssyncadd.s32 $0xFFFFF800  }
0xcd: {  	_ =	swait.ge [sflag:s17], $0x800  }
0xce: {  	[sflag:s17] =	ssyncset.done $0x0  }
0xcf: {  	[sflag:s17] =	ssyncadd.s32 $0xFFFFF800  }
0xd0: {  	_ =	swait.ge [sflag:s17], $0x800  }
0xd1: {  	[sflag:s17] =	ssyncset.done $0x0  }
0xd2: {  	[sflag:s17] =	ssyncadd.s32 $0xFFFFF800  }
0xd3: {  	_ =	swait.ge [sflag:s17], $0x800  }
0xd4: {  	[sflag:s17] =	ssyncset.done $0x0  }
0xd5: {  	[sflag:s17] =	ssyncadd.s32 $0xFFFFF800  }
0xd6: {  	_ =	swait.ge [sflag:s17], $0x800  }
0xd7: {  	s7 =	rddreg [dreg:$0x1f];
	[sflag:s17] =	ssyncset.done $0x0  }
0xd8: {  	s8 =	sld [smem:$0x7ED];
	[sflag:s17] =	ssyncadd.s32 $0xFFFFF800  }
0xd9: {  	[tilespmem:s13], [sflag:$0x1] =	stream.indirect.gather [hbm4b:s4+s12], $0x10, s7, s12, $0xb8;
	[tilespmem:$0x1EC00] =	vst v63  }
0xda: {  	s6 =	sld [smem:$0x7EE]  }
0xdb: {  	[tilespmem:s14], [sflag:$0x1] =	stream.indirect.gather [hbm4b:s4+s12], $0x10, s8, s12, $0xb8;
	[tilespmem:$0x1EC00] =	vst v63  }
0xdc: {  	s8 =	sld [smem:$0x7EF]  }
0xdd: {  	[tilespmem:s15], [sflag:$0x1] =	stream.indirect.gather [hbm4b:s4+s12], $0x10, s6, s12, $0xb8;
	[tilespmem:$0x1EC00] =	vst v63  }
0xde: {  	s6 =	sld [smem:$0x7F0]  }
0xdf: {  	[tilespmem:s16], [sflag:$0x1] =	stream.indirect.gather [hbm4b:s4+s12], $0x10, s8, s12, $0xb8;
	[tilespmem:$0x1EC00] =	vst v63  }
0xe0: {  	s8 =	sld [smem:$0x7F1]  }
0xe1: {  	[spmem:s2] =	stream.indirect.scatter.add.f32 [tilespmem:s18], [sflag:$0x2], $0x10, s6, s12, $0xb8;
	[tilespmem:$0x1EC00] =	vst v63  }
0xe2: {  	s6 =	sld [smem:$0x7F2]  }
0xe3: {  	[spmem:s2] =	stream.indirect.scatter.add.f32 [tilespmem:s19], [sflag:$0x2], $0x10, s8, s12, $0xb8;
	[tilespmem:$0x1EC00] =	vst v63  }
0xe4: {  	s8 =	sld [smem:$0x7F3]  }
0xe5: {  	[spmem:s2] =	stream.indirect.scatter.add.f32 [tilespmem:s20], [sflag:$0x2], $0x10, s6, s12, $0xb8;
	[tilespmem:$0x1EC00] =	vst v63  }
0xe6: {  	_ = 	snop  }
0xe7: {  	[spmem:s2] =	stream.indirect.scatter.add.f32 [tilespmem:s21], [sflag:$0x2], $0x10, s8, s12, $0xb8;
	[tilespmem:$0x1EC00] =	vst v63  }
0xe8: {  	_ =	swait.ge [sflag:s22], $0x800  }
0xe9: {  	[sflag:s22] =	ssyncset.done $0x0  }
0xea: {  	[sflag:s22] =	ssyncadd.s32 $0xFFFFF800  }
0xeb: {  	_ =	swait.ge [sflag:s22], $0x800  }
0xec: {  	[sflag:s22] =	ssyncset.done $0x0  }
0xed: {  	[sflag:s22] =	ssyncadd.s32 $0xFFFFF800  }
0xee: {  	_ =	swait.ge [sflag:s22], $0x800  }
0xef: {  	[sflag:s22] =	ssyncset.done $0x0  }
0xf0: {  	[sflag:s22] =	ssyncadd.s32 $0xFFFFF800  }
0xf1: {  	_ =	swait.ge [sflag:s22], $0x800  }
0xf2: {  	[sflag:s22] =	ssyncset.done $0x0  }
0xf3: {  	[sflag:s22] =	ssyncadd.s32 $0xFFFFF800  }
0xf4: {  	_ =	swait.ge [sflag:s17], $0x800  }
0xf5: {  	[sflag:s17] =	ssyncset.done $0x0  }
0xf6: {  	[sflag:s17] =	ssyncadd.s32 $0xFFFFF800  }
0xf7: {  	_ =	swait.ge [sflag:s17], $0x800  }
0xf8: {  	[sflag:s17] =	ssyncset.done $0x0  }
0xf9: {  	[sflag:s17] =	ssyncadd.s32 $0xFFFFF800  }
0xfa: {  	_ =	swait.ge [sflag:s17], $0x800  }
0xfb: {  	[sflag:s17] =	ssyncset.done $0x0  }
0xfc: {  	[sflag:s17] =	ssyncadd.s32 $0xFFFFF800  }
0xfd: {  	_ =	swait.ge [sflag:s17], $0x800  }
0xfe: {  	s7 =	sld [smem:$0x7F4]  }
0xff: {  	[sflag:s17] =	ssyncset.done $0x0  }
0x100: {  	s8 =	sld [smem:$0x7F5];
	[sflag:s17] =	ssyncadd.s32 $0xFFFFF800  }
0x101: {  	[tilespmem:s18], [sflag:$0x1] =	stream.indirect.gather [hbm4b:s4+s12], $0x10, s7, s12, $0xb8;
	[tilespmem:$0x1EC00] =	vst v63  }
0x102: {  	s6 =	sld [smem:$0x7F6]  }
0x103: {  	[tilespmem:s19], [sflag:$0x1] =	stream.indirect.gather [hbm4b:s4+s12], $0x10, s8, s12, $0xb8;
	[tilespmem:$0x1EC00] =	vst v63  }
0x104: {  	s8 =	sld [smem:$0x7F7]  }
0x105: {  	[tilespmem:s20], [sflag:$0x1] =	stream.indirect.gather [hbm4b:s4+s12], $0x10, s6, s12, $0xb8;
	[tilespmem:$0x1EC00] =	vst v63  }
0x106: {  	s6 =	sld [smem:$0x7F8]  }
0x107: {  	[tilespmem:s21], [sflag:$0x1] =	stream.indirect.gather [hbm4b:s4+s12], $0x10, s8, s12, $0xb8;
	[tilespmem:$0x1EC00] =	vst v63  }
0x108: {  	s8 =	sld [smem:$0x7F9]  }
0x109: {  	[spmem:s2] =	stream.indirect.scatter.add.f32 [tilespmem:s13], [sflag:$0x2], $0x10, s6, s12, $0xb8;
	[tilespmem:$0x1EC00] =	vst v63  }
0x10a: {  	s6 =	sld [smem:$0x7FA]  }
0x10b: {  	[spmem:s2] =	stream.indirect.scatter.add.f32 [tilespmem:s14], [sflag:$0x2], $0x10, s8, s12, $0xb8;
	[tilespmem:$0x1EC00] =	vst v63  }
0x10c: {  	s8 =	sld [smem:$0x7FB]  }
0x10d: {  	[spmem:s2] =	stream.indirect.scatter.add.f32 [tilespmem:s15], [sflag:$0x2], $0x10, s6, s12, $0xb8;
	[tilespmem:$0x1EC00] =	vst v63  }
0x10e: {  	_ = 	snop  }
0x10f: {  	[spmem:s2] =	stream.indirect.scatter.add.f32 [tilespmem:s16], [sflag:$0x2], $0x10, s8, s12, $0xb8;
	[tilespmem:$0x1EC00] =	vst v63  }
0x110: {  	_ =	swait.ge [sflag:s22], $0x800  }
0x111: {  	[sflag:s22] =	ssyncset.done $0x0  }
0x112: {  	[sflag:s22] =	ssyncadd.s32 $0xFFFFF800  }
0x113: {  	_ =	swait.ge [sflag:s22], $0x800  }
0x114: {  	[sflag:s22] =	ssyncset.done $0x0  }
0x115: {  	[sflag:s22] =	ssyncadd.s32 $0xFFFFF800  }
0x116: {  	_ =	swait.ge [sflag:s22], $0x800  }
0x117: {  	[sflag:s22] =	ssyncset.done $0x0  }
0x118: {  	[sflag:s22] =	ssyncadd.s32 $0xFFFFF800  }
0x119: {  	_ =	swait.ge [sflag:s22], $0x800  }
0x11a: {  	[sflag:s22] =	ssyncset.done $0x0  }
0x11b: {  	[sflag:s22] =	ssyncadd.s32 $0xFFFFF800  }
0x11c: {  	_ =	swait.ge [sflag:s17], $0x800  }
0x11d: {  	[sflag:s17] =	ssyncset.done $0x0  }
0x11e: {  	[sflag:s17] =	ssyncadd.s32 $0xFFFFF800  }
0x11f: {  	_ =	swait.ge [sflag:s17], $0x800  }
0x120: {  	[sflag:s17] =	ssyncset.done $0x0  }
0x121: {  	[sflag:s17] =	ssyncadd.s32 $0xFFFFF800  }
0x122: {  	_ =	swait.ge [sflag:s17], $0x800  }
0x123: {  	[sflag:s17] =	ssyncset.done $0x0  }
0x124: {  	[sflag:s17] =	ssyncadd.s32 $0xFFFFF800  }
0x125: {  	_ =	swait.ge [sflag:s17], $0x800  }
0x126: {  	s7 =	sld [smem:$0x7FC]  }
0x127: {  	[sflag:s17] =	ssyncset.done $0x0  }
0x128: {  	s8 =	sld [smem:$0x7FD];
	[sflag:s17] =	ssyncadd.s32 $0xFFFFF800  }
0x129: {  	[tilespmem:s13], [sflag:$0x1] =	stream.indirect.gather [hbm4b:s4+s12], $0x10, s7, s12, $0xb8;
	[tilespmem:$0x1EC00] =	vst v63  }
0x12a: {  	_ = 	snop  }
0x12b: {  	[tilespmem:s14], [sflag:$0x1] =	stream.indirect.gather [hbm4b:s4+s12], $0x10, s8, s12, $0xb8;
	[tilespmem:$0x1EC00] =	vst v63  }
0x12c: {  	_ = 	snop  }
0x12d: {  	[tilespmem:s15], [sflag:$0x1] =	stream.indirect.gather [hbm4b:s4+s12], $0x10, s23, s12, $0xb8;
	[tilespmem:$0x1EC00] =	vst v63  }
0x12e: {  	_ = 	snop  }
0x12f: {  	[tilespmem:s16], [sflag:$0x1] =	stream.indirect.gather [hbm4b:s4+s12], $0x10, s24, s12, $0xb8;
	[tilespmem:$0x1EC00] =	vst v63  }
0x130: {  	_ = 	snop  }
0x131: {  	[spmem:s2] =	stream.indirect.scatter.add.f32 [tilespmem:s18], [sflag:$0x2], $0x10, s25, s12, $0xb8;
	[tilespmem:$0x1EC00] =	vst v63  }
0x132: {  	_ = 	snop  }
0x133: {  	[spmem:s2] =	stream.indirect.scatter.add.f32 [tilespmem:s19], [sflag:$0x2], $0x10, s26, s12, $0xb8;
	[tilespmem:$0x1EC00] =	vst v63  }
0x134: {  	_ = 	snop  }
0x135: {  	[spmem:s2] =	stream.indirect.scatter.add.f32 [tilespmem:s20], [sflag:$0x2], $0x10, s28, s12, $0xb8;
	[tilespmem:$0x1EC00] =	vst v63  }
0x136: {  	_ = 	snop  }
0x137: {  	[spmem:s2] =	stream.indirect.scatter.add.f32 [tilespmem:s21], [sflag:$0x2], $0x10, s29, s12, $0xb8;
	[tilespmem:$0x1EC00] =	vst v63  }
0x138: {  	_ =	swait.ge [sflag:s22], $0x800  }
0x139: {  	[sflag:s22] =	ssyncset.done $0x0  }
0x13a: {  	[sflag:s22] =	ssyncadd.s32 $0xFFFFF800  }
0x13b: {  	_ =	swait.ge [sflag:s22], $0x800  }
0x13c: {  	[sflag:s22] =	ssyncset.done $0x0  }
0x13d: {  	[sflag:s22] =	ssyncadd.s32 $0xFFFFF800  }
0x13e: {  	_ =	swait.ge [sflag:s22], $0x800  }
0x13f: {  	[sflag:s22] =	ssyncset.done $0x0  }
0x140: {  	[sflag:s22] =	ssyncadd.s32 $0xFFFFF800  }
0x141: {  	_ =	swait.ge [sflag:s22], $0x800  }
0x142: {  	[sflag:s22] =	ssyncset.done $0x0  }
0x143: {  	[sflag:s22] =	ssyncadd.s32 $0xFFFFF800  }
0x144: {  	_ =	swait.ge [sflag:s17], $0x800  }
0x145: {  	[sflag:s17] =	ssyncset.done $0x0  }
0x146: {  	[sflag:s17] =	ssyncadd.s32 $0xFFFFF800  }
0x147: {  	_ =	swait.ge [sflag:s17], $0x800  }
0x148: {  	[sflag:s17] =	ssyncset.done $0x0  }
0x149: {  	[sflag:s17] =	ssyncadd.s32 $0xFFFFF800  }
0x14a: {  	_ =	swait.ge [sflag:s17], $0x800  }
0x14b: {  	[sflag:s17] =	ssyncset.done $0x0  }
0x14c: {  	[sflag:s17] =	ssyncadd.s32 $0xFFFFF800  }
0x14d: {  	_ =	swait.ge [sflag:s17], $0x800  }
0x14e: {  	[sflag:s17] =	ssyncset.done $0x0  }
0x14f: {  	[sflag:s17] =	ssyncadd.s32 $0xFFFFF800  }
0x150: {  	[spmem:s2] =	stream.indirect.scatter.add.f32 [tilespmem:s13], [sflag:$0x2], $0x10, s30, s12, $0xb8;
	[tilespmem:$0x1EC00] =	vst v63  }
0x151: {  	_ = 	snop  }
0x152: {  	[spmem:s2] =	stream.indirect.scatter.add.f32 [tilespmem:s14], [sflag:$0x2], $0x10, s31, s12, $0xb8;
	[tilespmem:$0x1EC00] =	vst v63  }
0x153: {  	_ = 	snop  }
0x154: {  	[spmem:s2] =	stream.indirect.scatter.add.f32 [tilespmem:s15], [sflag:$0x2], $0x10, s1, s12, $0xb8;
	[tilespmem:$0x1EC00] =	vst v63  }
0x155: {  	_ = 	snop  }
0x156: {  	[spmem:s2] =	stream.indirect.scatter.add.f32 [tilespmem:s16], [sflag:$0x2], $0x10, s0, s12, $0xb8;
	[tilespmem:$0x1EC00] =	vst v63  }
0x157: {  	_ =	swait.ge [sflag:s22], $0x800  }
0x158: {  	[sflag:s22] =	ssyncset.done $0x0  }
0x159: {  	[sflag:s22] =	ssyncadd.s32 $0xFFFFF800  }
0x15a: {  	_ =	swait.ge [sflag:s22], $0x800  }
0x15b: {  	[sflag:s22] =	ssyncset.done $0x0  }
0x15c: {  	[sflag:s22] =	ssyncadd.s32 $0xFFFFF800  }
0x15d: {  	_ =	swait.ge [sflag:s22], $0x800  }
0x15e: {  	[sflag:s22] =	ssyncset.done $0x0  }
0x15f: {  	[sflag:s22] =	ssyncadd.s32 $0xFFFFF800  }
0x160: {  	s6 =	simm.s32 $0x380;
	_ =	swait.ge [sflag:s22], $0x800  }
0x161: {  	s7 =	simm.s32 $0x1C0;
	s8 =	rddreg [dreg:$0x4];
	[sflag:s22] =	ssyncset.done $0x0  }
.LBB2_6:
0x162: {  	[sflag:s22] =	ssyncadd.s32 $0xFFFFF800;
	s8 =	sadd.s32 s7, s8  }
0x163: {  	[tilespmem:s10], [sflag:$0x3] =	stream.linear.gather [hbm4b:s8+s3], $0xE00, $0x38;
	[tilespmem:$0x1EC00] =	vst v63  }
0x164: {  	_ =	swait.ge [sflag:s9], $0xE00  }
0x165: {  	s8 =	rddreg [dreg:$0x3];
	[sflag:s9] =	ssyncset.done $0x0  }
0x166: {  	[sflag:s9] =	ssyncadd.s32 $0xFFFFF200;
	s8 =	sadd.s32 s7, s8  }
0x167: {  	[tilespmem:s11], [sflag:$0x3] =	stream.linear.gather [hbm4b:s8+s3], $0xE00, $0x38;
	[tilespmem:$0x1EC00] =	vst v63  }
0x168: {  	_ =	swait.ge [sflag:s9], $0xE00  }
0x169: {  	[sflag:s9] =	ssyncset.done $0x0  }
0x16a: {  	[sflag:s9] =	ssyncadd.s32 $0xFFFFF200  }
0x16b: {  	[tilespmem:s13], [sflag:$0x1] =	stream.indirect.gather [hbm4b:s4+s12], $0x10, s10, s12, $0xb8;
	[tilespmem:$0x1EC00] =	vst v63  }
0x16c: {  	s23 =	smov.u32 s6;
	s8 =	rddreg [dreg:$0x5]  }
0x16d: {  	[tilespmem:s14], [sflag:$0x1] =	stream.indirect.gather [hbm4b:s4+s12], $0x10, s8, s12, $0xb8;
	[tilespmem:$0x1EC00] =	vst v63  }
0x16e: {  	s7 =	smov.u32 s23;
	s23 =	rddreg [dreg:$0x6]  }
0x16f: {  	[tilespmem:s15], [sflag:$0x1] =	stream.indirect.gather [hbm4b:s4+s12], $0x10, s23, s12, $0xb8;
	[tilespmem:$0x1EC00] =	vst v63  }
0x170: {  	s8 =	rddreg [dreg:$0x7]  }
0x171: {  	[tilespmem:s16], [sflag:$0x1] =	stream.indirect.gather [hbm4b:s4+s12], $0x10, s8, s12, $0xb8;
	[tilespmem:$0x1EC00] =	vst v63  }
0x172: {  	_ =	swait.ge [sflag:s17], $0x800  }
0x173: {  	[sflag:s17] =	ssyncset.done $0x0  }
0x174: {  	[sflag:s17] =	ssyncadd.s32 $0xFFFFF800  }
0x175: {  	_ =	swait.ge [sflag:s17], $0x800  }
0x176: {  	[sflag:s17] =	ssyncset.done $0x0  }
0x177: {  	[sflag:s17] =	ssyncadd.s32 $0xFFFFF800  }
0x178: {  	_ =	swait.ge [sflag:s17], $0x800  }
0x179: {  	[sflag:s17] =	ssyncset.done $0x0  }
0x17a: {  	[sflag:s17] =	ssyncadd.s32 $0xFFFFF800  }
0x17b: {  	_ =	swait.ge [sflag:s17], $0x800  }
0x17c: {  	[sflag:s17] =	ssyncset.done $0x0  }
0x17d: {  	s8 =	rddreg [dreg:$0x8];
	[sflag:s17] =	ssyncadd.s32 $0xFFFFF800  }
0x17e: {  	[tilespmem:s18], [sflag:$0x1] =	stream.indirect.gather [hbm4b:s4+s12], $0x10, s8, s12, $0xb8;
	[tilespmem:$0x1EC00] =	vst v63  }
0x17f: {  	s23 =	rddreg [dreg:$0x9]  }
0x180: {  	[tilespmem:s19], [sflag:$0x1] =	stream.indirect.gather [hbm4b:s4+s12], $0x10, s23, s12, $0xb8;
	[tilespmem:$0x1EC00] =	vst v63  }
0x181: {  	s8 =	rddreg [dreg:$0xa]  }
0x182: {  	[tilespmem:s20], [sflag:$0x1] =	stream.indirect.gather [hbm4b:s4+s12], $0x10, s8, s12, $0xb8;
	[tilespmem:$0x1EC00] =	vst v63  }
0x183: {  	s23 =	rddreg [dreg:$0xb]  }
0x184: {  	[tilespmem:s21], [sflag:$0x1] =	stream.indirect.gather [hbm4b:s4+s12], $0x10, s23, s12, $0xb8;
	[tilespmem:$0x1EC00] =	vst v63  }
0x185: {  	_ = 	snop  }
0x186: {  	[spmem:s2] =	stream.indirect.scatter.add.f32 [tilespmem:s13], [sflag:$0x2], $0x10, s11, s12, $0xb8;
	[tilespmem:$0x1EC00] =	vst v63  }
0x187: {  	s8 =	rddreg [dreg:$0xc]  }
0x188: {  	[spmem:s2] =	stream.indirect.scatter.add.f32 [tilespmem:s14], [sflag:$0x2], $0x10, s8, s12, $0xb8;
	[tilespmem:$0x1EC00] =	vst v63  }
0x189: {  	s23 =	rddreg [dreg:$0xd]  }
0x18a: {  	[spmem:s2] =	stream.indirect.scatter.add.f32 [tilespmem:s15], [sflag:$0x2], $0x10, s23, s12, $0xb8;
	[tilespmem:$0x1EC00] =	vst v63  }
0x18b: {  	s8 =	rddreg [dreg:$0xe]  }
0x18c: {  	[spmem:s2] =	stream.indirect.scatter.add.f32 [tilespmem:s16], [sflag:$0x2], $0x10, s8, s12, $0xb8;
	[tilespmem:$0x1EC00] =	vst v63  }
0x18d: {  	_ =	swait.ge [sflag:s22], $0x800  }
0x18e: {  	[sflag:s22] =	ssyncset.done $0x0  }
0x18f: {  	[sflag:s22] =	ssyncadd.s32 $0xFFFFF800  }
0x190: {  	_ =	swait.ge [sflag:s22], $0x800  }
0x191: {  	[sflag:s22] =	ssyncset.done $0x0  }
0x192: {  	[sflag:s22] =	ssyncadd.s32 $0xFFFFF800  }
0x193: {  	_ =	swait.ge [sflag:s22], $0x800  }
0x194: {  	[sflag:s22] =	ssyncset.done $0x0  }
0x195: {  	[sflag:s22] =	ssyncadd.s32 $0xFFFFF800  }
0x196: {  	_ =	swait.ge [sflag:s22], $0x800  }
0x197: {  	[sflag:s22] =	ssyncset.done $0x0  }
0x198: {  	[sflag:s22] =	ssyncadd.s32 $0xFFFFF800  }
0x199: {  	_ =	swait.ge [sflag:s17], $0x800  }
0x19a: {  	[sflag:s17] =	ssyncset.done $0x0  }
0x19b: {  	[sflag:s17] =	ssyncadd.s32 $0xFFFFF800  }
0x19c: {  	_ =	swait.ge [sflag:s17], $0x800  }
0x19d: {  	[sflag:s17] =	ssyncset.done $0x0  }
0x19e: {  	[sflag:s17] =	ssyncadd.s32 $0xFFFFF800  }
0x19f: {  	_ =	swait.ge [sflag:s17], $0x800  }
0x1a0: {  	[sflag:s17] =	ssyncset.done $0x0  }
0x1a1: {  	[sflag:s17] =	ssyncadd.s32 $0xFFFFF800  }
0x1a2: {  	_ =	swait.ge [sflag:s17], $0x800  }
0x1a3: {  	[sflag:s17] =	ssyncset.done $0x0  }
0x1a4: {  	s8 =	rddreg [dreg:$0xf];
	[sflag:s17] =	ssyncadd.s32 $0xFFFFF800  }
0x1a5: {  	[tilespmem:s13], [sflag:$0x1] =	stream.indirect.gather [hbm4b:s4+s12], $0x10, s8, s12, $0xb8;
	[tilespmem:$0x1EC00] =	vst v63  }
0x1a6: {  	s23 =	rddreg [dreg:$0x10]  }
0x1a7: {  	[tilespmem:s14], [sflag:$0x1] =	stream.indirect.gather [hbm4b:s4+s12], $0x10, s23, s12, $0xb8;
	[tilespmem:$0x1EC00] =	vst v63  }
0x1a8: {  	s8 =	rddreg [dreg:$0x11]  }
0x1a9: {  	[tilespmem:s15], [sflag:$0x1] =	stream.indirect.gather [hbm4b:s4+s12], $0x10, s8, s12, $0xb8;
	[tilespmem:$0x1EC00] =	vst v63  }
0x1aa: {  	s23 =	rddreg [dreg:$0x12]  }
0x1ab: {  	[tilespmem:s16], [sflag:$0x1] =	stream.indirect.gather [hbm4b:s4+s12], $0x10, s23, s12, $0xb8;
	[tilespmem:$0x1EC00] =	vst v63  }
0x1ac: {  	s8 =	rddreg [dreg:$0x13]  }
0x1ad: {  	[spmem:s2] =	stream.indirect.scatter.add.f32 [tilespmem:s18], [sflag:$0x2], $0x10, s8, s12, $0xb8;
	[tilespmem:$0x1EC00] =	vst v63  }
0x1ae: {  	s23 =	rddreg [dreg:$0x14]  }
0x1af: {  	[spmem:s2] =	stream.indirect.scatter.add.f32 [tilespmem:s19], [sflag:$0x2], $0x10, s23, s12, $0xb8;
	[tilespmem:$0x1EC00] =	vst v63  }
0x1b0: {  	s8 =	rddreg [dreg:$0x15]  }
0x1b1: {  	[spmem:s2] =	stream.indirect.scatter.add.f32 [tilespmem:s20], [sflag:$0x2], $0x10, s8, s12, $0xb8;
	[tilespmem:$0x1EC00] =	vst v63  }
0x1b2: {  	s23 =	rddreg [dreg:$0x16]  }
0x1b3: {  	[spmem:s2] =	stream.indirect.scatter.add.f32 [tilespmem:s21], [sflag:$0x2], $0x10, s23, s12, $0xb8;
	[tilespmem:$0x1EC00] =	vst v63  }
0x1b4: {  	_ =	swait.ge [sflag:s22], $0x800  }
0x1b5: {  	[sflag:s22] =	ssyncset.done $0x0  }
0x1b6: {  	[sflag:s22] =	ssyncadd.s32 $0xFFFFF800  }
0x1b7: {  	_ =	swait.ge [sflag:s22], $0x800  }
0x1b8: {  	[sflag:s22] =	ssyncset.done $0x0  }
0x1b9: {  	[sflag:s22] =	ssyncadd.s32 $0xFFFFF800  }
0x1ba: {  	_ =	swait.ge [sflag:s22], $0x800  }
0x1bb: {  	[sflag:s22] =	ssyncset.done $0x0  }
0x1bc: {  	[sflag:s22] =	ssyncadd.s32 $0xFFFFF800  }
0x1bd: {  	_ =	swait.ge [sflag:s22], $0x800  }
0x1be: {  	[sflag:s22] =	ssyncset.done $0x0  }
0x1bf: {  	[sflag:s22] =	ssyncadd.s32 $0xFFFFF800  }
0x1c0: {  	_ =	swait.ge [sflag:s17], $0x800  }
0x1c1: {  	[sflag:s17] =	ssyncset.done $0x0  }
0x1c2: {  	[sflag:s17] =	ssyncadd.s32 $0xFFFFF800  }
0x1c3: {  	_ =	swait.ge [sflag:s17], $0x800  }
0x1c4: {  	[sflag:s17] =	ssyncset.done $0x0  }
0x1c5: {  	[sflag:s17] =	ssyncadd.s32 $0xFFFFF800  }
0x1c6: {  	_ =	swait.ge [sflag:s17], $0x800  }
0x1c7: {  	[sflag:s17] =	ssyncset.done $0x0  }
0x1c8: {  	[sflag:s17] =	ssyncadd.s32 $0xFFFFF800  }
0x1c9: {  	_ =	swait.ge [sflag:s17], $0x800  }
0x1ca: {  	[sflag:s17] =	ssyncset.done $0x0  }
0x1cb: {  	s8 =	rddreg [dreg:$0x17];
	[sflag:s17] =	ssyncadd.s32 $0xFFFFF800  }
0x1cc: {  	[tilespmem:s18], [sflag:$0x1] =	stream.indirect.gather [hbm4b:s4+s12], $0x10, s8, s12, $0xb8;
	[tilespmem:$0x1EC00] =	vst v63  }
0x1cd: {  	s23 =	rddreg [dreg:$0x18]  }
0x1ce: {  	[tilespmem:s19], [sflag:$0x1] =	stream.indirect.gather [hbm4b:s4+s12], $0x10, s23, s12, $0xb8;
	[tilespmem:$0x1EC00] =	vst v63  }
0x1cf: {  	s8 =	rddreg [dreg:$0x19]  }
0x1d0: {  	[tilespmem:s20], [sflag:$0x1] =	stream.indirect.gather [hbm4b:s4+s12], $0x10, s8, s12, $0xb8;
	[tilespmem:$0x1EC00] =	vst v63  }
0x1d1: {  	s23 =	rddreg [dreg:$0x1a]  }
0x1d2: {  	[tilespmem:s21], [sflag:$0x1] =	stream.indirect.gather [hbm4b:s4+s12], $0x10, s23, s12, $0xb8;
	[tilespmem:$0x1EC00] =	vst v63  }
0x1d3: {  	s8 =	rddreg [dreg:$0x1b]  }
0x1d4: {  	[spmem:s2] =	stream.indirect.scatter.add.f32 [tilespmem:s13], [sflag:$0x2], $0x10, s8, s12, $0xb8;
	[tilespmem:$0x1EC00] =	vst v63  }
0x1d5: {  	s23 =	rddreg [dreg:$0x1c]  }
0x1d6: {  	[spmem:s2] =	stream.indirect.scatter.add.f32 [tilespmem:s14], [sflag:$0x2], $0x10, s23, s12, $0xb8;
	[tilespmem:$0x1EC00] =	vst v63  }
0x1d7: {  	s8 =	rddreg [dreg:$0x1d]  }
0x1d8: {  	[spmem:s2] =	stream.indirect.scatter.add.f32 [tilespmem:s15], [sflag:$0x2], $0x10, s8, s12, $0xb8;
	[tilespmem:$0x1EC00] =	vst v63  }
0x1d9: {  	s23 =	rddreg [dreg:$0x1e]  }
0x1da: {  	[spmem:s2] =	stream.indirect.scatter.add.f32 [tilespmem:s16], [sflag:$0x2], $0x10, s23, s12, $0xb8;
	[tilespmem:$0x1EC00] =	vst v63  }
0x1db: {  	_ =	swait.ge [sflag:s22], $0x800  }
0x1dc: {  	[sflag:s22] =	ssyncset.done $0x0  }
0x1dd: {  	[sflag:s22] =	ssyncadd.s32 $0xFFFFF800  }
0x1de: {  	_ =	swait.ge [sflag:s22], $0x800  }
0x1df: {  	[sflag:s22] =	ssyncset.done $0x0  }
0x1e0: {  	[sflag:s22] =	ssyncadd.s32 $0xFFFFF800  }
0x1e1: {  	_ =	swait.ge [sflag:s22], $0x800  }
0x1e2: {  	[sflag:s22] =	ssyncset.done $0x0  }
0x1e3: {  	[sflag:s22] =	ssyncadd.s32 $0xFFFFF800  }
0x1e4: {  	_ =	swait.ge [sflag:s22], $0x800  }
0x1e5: {  	[sflag:s22] =	ssyncset.done $0x0  }
0x1e6: {  	[sflag:s22] =	ssyncadd.s32 $0xFFFFF800  }
0x1e7: {  	_ =	swait.ge [sflag:s17], $0x800  }
0x1e8: {  	[sflag:s17] =	ssyncset.done $0x0  }
0x1e9: {  	[sflag:s17] =	ssyncadd.s32 $0xFFFFF800  }
0x1ea: {  	_ =	swait.ge [sflag:s17], $0x800  }
0x1eb: {  	[sflag:s17] =	ssyncset.done $0x0  }
0x1ec: {  	[sflag:s17] =	ssyncadd.s32 $0xFFFFF800  }
0x1ed: {  	_ =	swait.ge [sflag:s17], $0x800  }
0x1ee: {  	[sflag:s17] =	ssyncset.done $0x0  }
0x1ef: {  	[sflag:s17] =	ssyncadd.s32 $0xFFFFF800  }
0x1f0: {  	_ =	swait.ge [sflag:s17], $0x800  }
0x1f1: {  	s8 =	rddreg [dreg:$0x1f];
	[sflag:s17] =	ssyncset.done $0x0  }
0x1f2: {  	s23 =	sld [smem:$0x7ED];
	[sflag:s17] =	ssyncadd.s32 $0xFFFFF800  }
0x1f3: {  	[tilespmem:s13], [sflag:$0x1] =	stream.indirect.gather [hbm4b:s4+s12], $0x10, s8, s12, $0xb8;
	[tilespmem:$0x1EC00] =	vst v63  }
0x1f4: {  	s8 =	sld [smem:$0x7EE]  }
0x1f5: {  	[tilespmem:s14], [sflag:$0x1] =	stream.indirect.gather [hbm4b:s4+s12], $0x10, s23, s12, $0xb8;
	[tilespmem:$0x1EC00] =	vst v63  }
0x1f6: {  	s23 =	sld [smem:$0x7EF]  }
0x1f7: {  	[tilespmem:s15], [sflag:$0x1] =	stream.indirect.gather [hbm4b:s4+s12], $0x10, s8, s12, $0xb8;
	[tilespmem:$0x1EC00] =	vst v63  }
0x1f8: {  	s8 =	sld [smem:$0x7F0]  }
0x1f9: {  	[tilespmem:s16], [sflag:$0x1] =	stream.indirect.gather [hbm4b:s4+s12], $0x10, s23, s12, $0xb8;
	[tilespmem:$0x1EC00] =	vst v63  }
0x1fa: {  	s23 =	sld [smem:$0x7F1]  }
0x1fb: {  	[spmem:s2] =	stream.indirect.scatter.add.f32 [tilespmem:s18], [sflag:$0x2], $0x10, s8, s12, $0xb8;
	[tilespmem:$0x1EC00] =	vst v63  }
0x1fc: {  	s8 =	sld [smem:$0x7F2]  }
0x1fd: {  	[spmem:s2] =	stream.indirect.scatter.add.f32 [tilespmem:s19], [sflag:$0x2], $0x10, s23, s12, $0xb8;
	[tilespmem:$0x1EC00] =	vst v63  }
0x1fe: {  	s23 =	sld [smem:$0x7F3]  }
0x1ff: {  	[spmem:s2] =	stream.indirect.scatter.add.f32 [tilespmem:s20], [sflag:$0x2], $0x10, s8, s12, $0xb8;
	[tilespmem:$0x1EC00] =	vst v63  }
0x200: {  	_ = 	snop  }
0x201: {  	[spmem:s2] =	stream.indirect.scatter.add.f32 [tilespmem:s21], [sflag:$0x2], $0x10, s23, s12, $0xb8;
	[tilespmem:$0x1EC00] =	vst v63  }
0x202: {  	_ =	swait.ge [sflag:s22], $0x800  }
0x203: {  	[sflag:s22] =	ssyncset.done $0x0  }
0x204: {  	[sflag:s22] =	ssyncadd.s32 $0xFFFFF800  }
0x205: {  	_ =	swait.ge [sflag:s22], $0x800  }
0x206: {  	[sflag:s22] =	ssyncset.done $0x0  }
0x207: {  	[sflag:s22] =	ssyncadd.s32 $0xFFFFF800  }
0x208: {  	_ =	swait.ge [sflag:s22], $0x800  }
0x209: {  	[sflag:s22] =	ssyncset.done $0x0  }
0x20a: {  	[sflag:s22] =	ssyncadd.s32 $0xFFFFF800  }
0x20b: {  	_ =	swait.ge [sflag:s22], $0x800  }
0x20c: {  	[sflag:s22] =	ssyncset.done $0x0  }
0x20d: {  	[sflag:s22] =	ssyncadd.s32 $0xFFFFF800  }
0x20e: {  	_ =	swait.ge [sflag:s17], $0x800  }
0x20f: {  	[sflag:s17] =	ssyncset.done $0x0  }
0x210: {  	[sflag:s17] =	ssyncadd.s32 $0xFFFFF800  }
0x211: {  	_ =	swait.ge [sflag:s17], $0x800  }
0x212: {  	[sflag:s17] =	ssyncset.done $0x0  }
0x213: {  	[sflag:s17] =	ssyncadd.s32 $0xFFFFF800  }
0x214: {  	_ =	swait.ge [sflag:s17], $0x800  }
0x215: {  	[sflag:s17] =	ssyncset.done $0x0  }
0x216: {  	[sflag:s17] =	ssyncadd.s32 $0xFFFFF800  }
0x217: {  	_ =	swait.ge [sflag:s17], $0x800  }
0x218: {  	s8 =	sld [smem:$0x7F4]  }
0x219: {  	[sflag:s17] =	ssyncset.done $0x0  }
0x21a: {  	s23 =	sld [smem:$0x7F5];
	[sflag:s17] =	ssyncadd.s32 $0xFFFFF800  }
0x21b: {  	[tilespmem:s18], [sflag:$0x1] =	stream.indirect.gather [hbm4b:s4+s12], $0x10, s8, s12, $0xb8;
	[tilespmem:$0x1EC00] =	vst v63  }
0x21c: {  	s8 =	sld [smem:$0x7F6]  }
0x21d: {  	[tilespmem:s19], [sflag:$0x1] =	stream.indirect.gather [hbm4b:s4+s12], $0x10, s23, s12, $0xb8;
	[tilespmem:$0x1EC00] =	vst v63  }
0x21e: {  	s23 =	sld [smem:$0x7F7]  }
0x21f: {  	[tilespmem:s20], [sflag:$0x1] =	stream.indirect.gather [hbm4b:s4+s12], $0x10, s8, s12, $0xb8;
	[tilespmem:$0x1EC00] =	vst v63  }
0x220: {  	s8 =	sld [smem:$0x7F8]  }
0x221: {  	[tilespmem:s21], [sflag:$0x1] =	stream.indirect.gather [hbm4b:s4+s12], $0x10, s23, s12, $0xb8;
	[tilespmem:$0x1EC00] =	vst v63  }
0x222: {  	s23 =	sld [smem:$0x7F9]  }
0x223: {  	[spmem:s2] =	stream.indirect.scatter.add.f32 [tilespmem:s13], [sflag:$0x2], $0x10, s8, s12, $0xb8;
	[tilespmem:$0x1EC00] =	vst v63  }
0x224: {  	s8 =	sld [smem:$0x7FA]  }
0x225: {  	[spmem:s2] =	stream.indirect.scatter.add.f32 [tilespmem:s14], [sflag:$0x2], $0x10, s23, s12, $0xb8;
	[tilespmem:$0x1EC00] =	vst v63  }
0x226: {  	s23 =	sld [smem:$0x7FB]  }
0x227: {  	[spmem:s2] =	stream.indirect.scatter.add.f32 [tilespmem:s15], [sflag:$0x2], $0x10, s8, s12, $0xb8;
	[tilespmem:$0x1EC00] =	vst v63  }
0x228: {  	_ = 	snop  }
0x229: {  	[spmem:s2] =	stream.indirect.scatter.add.f32 [tilespmem:s16], [sflag:$0x2], $0x10, s23, s12, $0xb8;
	[tilespmem:$0x1EC00] =	vst v63  }
0x22a: {  	_ =	swait.ge [sflag:s22], $0x800  }
0x22b: {  	[sflag:s22] =	ssyncset.done $0x0  }
0x22c: {  	[sflag:s22] =	ssyncadd.s32 $0xFFFFF800  }
0x22d: {  	_ =	swait.ge [sflag:s22], $0x800  }
0x22e: {  	[sflag:s22] =	ssyncset.done $0x0  }
0x22f: {  	[sflag:s22] =	ssyncadd.s32 $0xFFFFF800  }
0x230: {  	_ =	swait.ge [sflag:s22], $0x800  }
0x231: {  	[sflag:s22] =	ssyncset.done $0x0  }
0x232: {  	[sflag:s22] =	ssyncadd.s32 $0xFFFFF800  }
0x233: {  	_ =	swait.ge [sflag:s22], $0x800  }
0x234: {  	[sflag:s22] =	ssyncset.done $0x0  }
0x235: {  	[sflag:s22] =	ssyncadd.s32 $0xFFFFF800  }
0x236: {  	_ =	swait.ge [sflag:s17], $0x800  }
0x237: {  	[sflag:s17] =	ssyncset.done $0x0  }
0x238: {  	[sflag:s17] =	ssyncadd.s32 $0xFFFFF800  }
0x239: {  	_ =	swait.ge [sflag:s17], $0x800  }
0x23a: {  	[sflag:s17] =	ssyncset.done $0x0  }
0x23b: {  	[sflag:s17] =	ssyncadd.s32 $0xFFFFF800  }
0x23c: {  	_ =	swait.ge [sflag:s17], $0x800  }
0x23d: {  	[sflag:s17] =	ssyncset.done $0x0  }
0x23e: {  	[sflag:s17] =	ssyncadd.s32 $0xFFFFF800  }
0x23f: {  	_ =	swait.ge [sflag:s17], $0x800  }
0x240: {  	s8 =	sld [smem:$0x7FC]  }
0x241: {  	[sflag:s17] =	ssyncset.done $0x0  }
0x242: {  	s23 =	sld [smem:$0x7FD];
	[sflag:s17] =	ssyncadd.s32 $0xFFFFF800  }
0x243: {  	[tilespmem:s13], [sflag:$0x1] =	stream.indirect.gather [hbm4b:s4+s12], $0x10, s8, s12, $0xb8;
	[tilespmem:$0x1EC00] =	vst v63  }
0x244: {  	_ = 	snop  }
0x245: {  	[tilespmem:s14], [sflag:$0x1] =	stream.indirect.gather [hbm4b:s4+s12], $0x10, s23, s12, $0xb8;
	[tilespmem:$0x1EC00] =	vst v63  }
0x246: {  	s23 =	simm.s32 $0x19500  }
0x247: {  	[tilespmem:s15], [sflag:$0x1] =	stream.indirect.gather [hbm4b:s4+s12], $0x10, s23, s12, $0xb8;
	[tilespmem:$0x1EC00] =	vst v63  }
0x248: {  	_ = 	snop  }
0x249: {  	[tilespmem:s16], [sflag:$0x1] =	stream.indirect.gather [hbm4b:s4+s12], $0x10, s24, s12, $0xb8;
	[tilespmem:$0x1EC00] =	vst v63  }
0x24a: {  	_ = 	snop  }
0x24b: {  	[spmem:s2] =	stream.indirect.scatter.add.f32 [tilespmem:s18], [sflag:$0x2], $0x10, s25, s12, $0xb8;
	[tilespmem:$0x1EC00] =	vst v63  }
0x24c: {  	_ = 	snop  }
0x24d: {  	[spmem:s2] =	stream.indirect.scatter.add.f32 [tilespmem:s19], [sflag:$0x2], $0x10, s26, s12, $0xb8;
	[tilespmem:$0x1EC00] =	vst v63  }
0x24e: {  	_ = 	snop  }
0x24f: {  	[spmem:s2] =	stream.indirect.scatter.add.f32 [tilespmem:s20], [sflag:$0x2], $0x10, s28, s12, $0xb8;
	[tilespmem:$0x1EC00] =	vst v63  }
0x250: {  	_ = 	snop  }
0x251: {  	[spmem:s2] =	stream.indirect.scatter.add.f32 [tilespmem:s21], [sflag:$0x2], $0x10, s29, s12, $0xb8;
	[tilespmem:$0x1EC00] =	vst v63  }
0x252: {  	_ =	swait.ge [sflag:s22], $0x800  }
0x253: {  	[sflag:s22] =	ssyncset.done $0x0  }
0x254: {  	[sflag:s22] =	ssyncadd.s32 $0xFFFFF800  }
0x255: {  	_ =	swait.ge [sflag:s22], $0x800  }
0x256: {  	[sflag:s22] =	ssyncset.done $0x0  }
0x257: {  	[sflag:s22] =	ssyncadd.s32 $0xFFFFF800  }
0x258: {  	_ =	swait.ge [sflag:s22], $0x800  }
0x259: {  	[sflag:s22] =	ssyncset.done $0x0  }
0x25a: {  	[sflag:s22] =	ssyncadd.s32 $0xFFFFF800  }
0x25b: {  	_ =	swait.ge [sflag:s22], $0x800  }
0x25c: {  	[sflag:s22] =	ssyncset.done $0x0  }
0x25d: {  	[sflag:s22] =	ssyncadd.s32 $0xFFFFF800  }
0x25e: {  	_ =	swait.ge [sflag:s17], $0x800  }
0x25f: {  	[sflag:s17] =	ssyncset.done $0x0  }
0x260: {  	[sflag:s17] =	ssyncadd.s32 $0xFFFFF800  }
0x261: {  	_ =	swait.ge [sflag:s17], $0x800  }
0x262: {  	[sflag:s17] =	ssyncset.done $0x0  }
0x263: {  	[sflag:s17] =	ssyncadd.s32 $0xFFFFF800  }
0x264: {  	_ =	swait.ge [sflag:s17], $0x800  }
0x265: {  	[sflag:s17] =	ssyncset.done $0x0  }
0x266: {  	[sflag:s17] =	ssyncadd.s32 $0xFFFFF800  }
0x267: {  	_ =	swait.ge [sflag:s17], $0x800  }
0x268: {  	[sflag:s17] =	ssyncset.done $0x0  }
0x269: {  	[sflag:s17] =	ssyncadd.s32 $0xFFFFF800  }
0x26a: {  	[spmem:s2] =	stream.indirect.scatter.add.f32 [tilespmem:s13], [sflag:$0x2], $0x10, s30, s12, $0xb8;
	[tilespmem:$0x1EC00] =	vst v63  }
0x26b: {  	_ = 	snop  }
0x26c: {  	[spmem:s2] =	stream.indirect.scatter.add.f32 [tilespmem:s14], [sflag:$0x2], $0x10, s31, s12, $0xb8;
	[tilespmem:$0x1EC00] =	vst v63  }
0x26d: {  	_ = 	snop  }
0x26e: {  	[spmem:s2] =	stream.indirect.scatter.add.f32 [tilespmem:s15], [sflag:$0x2], $0x10, s1, s12, $0xb8;
	[tilespmem:$0x1EC00] =	vst v63  }
0x26f: {  	_ = 	snop  }
0x270: {  	[spmem:s2] =	stream.indirect.scatter.add.f32 [tilespmem:s16], [sflag:$0x2], $0x10, s0, s12, $0xb8;
	[tilespmem:$0x1EC00] =	vst v63  }
0x271: {  	_ =	swait.ge [sflag:s22], $0x800  }
0x272: {  	[sflag:s22] =	ssyncset.done $0x0  }
0x273: {  	[sflag:s22] =	ssyncadd.s32 $0xFFFFF800  }
0x274: {  	_ =	swait.ge [sflag:s22], $0x800  }
0x275: {  	[sflag:s22] =	ssyncset.done $0x0  }
0x276: {  	p0 =	sne.s32 s6, $0x16C0;
	[sflag:s22] =	ssyncadd.s32 $0xFFFFF800  }
.Ltmp2:
0x277: {  	_ =	swait.ge [sflag:s22], $0x800;
	(pc) =	sbr.rel @p0 .LBB2_6-.Ltmp2, $4  }
0x278: {  	[sflag:s22] =	ssyncset.done $0x0  }
0x279: {  	[sflag:s22] =	ssyncadd.s32 $0xFFFFF800  }
0x27a: {  	_ =	swait.ge [sflag:s22], $0x800  }
0x27b: {  	s6 =	sadd.s32 $0x1C0, s6;
	s8 =	rddreg [dreg:$0x4];
	[sflag:s22] =	ssyncset.done $0x0  }
0x27c: {  	[sflag:s22] =	ssyncadd.s32 $0xFFFFF800;
	s6 =	sadd.s32 s7, s8  }
0x27d: {  	[tilespmem:s10], [sflag:$0x3] =	stream.linear.gather [hbm4b:s6+s3], $0xE00, $0x38;
	[tilespmem:$0x1EC00] =	vst v63  }
0x27e: {  	_ =	swait.ge [sflag:s9], $0xE00  }
0x27f: {  	s8 =	rddreg [dreg:$0x3];
	[sflag:s9] =	ssyncset.done $0x0  }
0x280: {  	[sflag:s9] =	ssyncadd.s32 $0xFFFFF200;
	s6 =	sadd.s32 s7, s8  }
0x281: {  	[tilespmem:s11], [sflag:$0x3] =	stream.linear.gather [hbm4b:s6+s3], $0xE00, $0x38;
	[tilespmem:$0x1EC00] =	vst v63  }
0x282: {  	_ =	swait.ge [sflag:s9], $0xE00  }
0x283: {  	[sflag:s9] =	ssyncset.done $0x0  }
0x284: {  	[sflag:s9] =	ssyncadd.s32 $0xFFFFF200  }
0x285: {  	[tilespmem:s13], [sflag:$0x1] =	stream.indirect.gather [hbm4b:s4+s12], $0x10, s10, s12, $0xb8;
	[tilespmem:$0x1EC00] =	vst v63  }
0x286: {  	s8 =	rddreg [dreg:$0x5]  }
0x287: {  	[tilespmem:s14], [sflag:$0x1] =	stream.indirect.gather [hbm4b:s4+s12], $0x10, s8, s12, $0xb8;
	[tilespmem:$0x1EC00] =	vst v63  }
0x288: {  	s7 =	rddreg [dreg:$0x6]  }
0x289: {  	[tilespmem:s15], [sflag:$0x1] =	stream.indirect.gather [hbm4b:s4+s12], $0x10, s7, s12, $0xb8;
	[tilespmem:$0x1EC00] =	vst v63  }
0x28a: {  	s8 =	rddreg [dreg:$0x7]  }
0x28b: {  	[tilespmem:s16], [sflag:$0x1] =	stream.indirect.gather [hbm4b:s4+s12], $0x10, s8, s12, $0xb8;
	[tilespmem:$0x1EC00] =	vst v63  }
0x28c: {  	_ =	swait.ge [sflag:s17], $0x800  }
0x28d: {  	[sflag:s17] =	ssyncset.done $0x0  }
0x28e: {  	[sflag:s17] =	ssyncadd.s32 $0xFFFFF800  }
0x28f: {  	_ =	swait.ge [sflag:s17], $0x800  }
0x290: {  	[sflag:s17] =	ssyncset.done $0x0  }
0x291: {  	[sflag:s17] =	ssyncadd.s32 $0xFFFFF800  }
0x292: {  	_ =	swait.ge [sflag:s17], $0x800  }
0x293: {  	[sflag:s17] =	ssyncset.done $0x0  }
0x294: {  	[sflag:s17] =	ssyncadd.s32 $0xFFFFF800  }
0x295: {  	_ =	swait.ge [sflag:s17], $0x800  }
0x296: {  	[sflag:s17] =	ssyncset.done $0x0  }
0x297: {  	s7 =	rddreg [dreg:$0x8];
	[sflag:s17] =	ssyncadd.s32 $0xFFFFF800  }
0x298: {  	[tilespmem:s18], [sflag:$0x1] =	stream.indirect.gather [hbm4b:s4+s12], $0x10, s7, s12, $0xb8;
	[tilespmem:$0x1EC00] =	vst v63  }
0x299: {  	s8 =	rddreg [dreg:$0x9]  }
0x29a: {  	[tilespmem:s19], [sflag:$0x1] =	stream.indirect.gather [hbm4b:s4+s12], $0x10, s8, s12, $0xb8;
	[tilespmem:$0x1EC00] =	vst v63  }
0x29b: {  	s6 =	rddreg [dreg:$0xa]  }
0x29c: {  	[tilespmem:s20], [sflag:$0x1] =	stream.indirect.gather [hbm4b:s4+s12], $0x10, s6, s12, $0xb8;
	[tilespmem:$0x1EC00] =	vst v63  }
0x29d: {  	s8 =	rddreg [dreg:$0xb]  }
0x29e: {  	[tilespmem:s21], [sflag:$0x1] =	stream.indirect.gather [hbm4b:s4+s12], $0x10, s8, s12, $0xb8;
	[tilespmem:$0x1EC00] =	vst v63  }
0x29f: {  	_ = 	snop  }
0x2a0: {  	[spmem:s2] =	stream.indirect.scatter.add.f32 [tilespmem:s13], [sflag:$0x2], $0x10, s11, s12, $0xb8;
	[tilespmem:$0x1EC00] =	vst v63  }
0x2a1: {  	s8 =	rddreg [dreg:$0xc]  }
0x2a2: {  	[spmem:s2] =	stream.indirect.scatter.add.f32 [tilespmem:s14], [sflag:$0x2], $0x10, s8, s12, $0xb8;
	[tilespmem:$0x1EC00] =	vst v63  }
0x2a3: {  	s7 =	rddreg [dreg:$0xd]  }
0x2a4: {  	[spmem:s2] =	stream.indirect.scatter.add.f32 [tilespmem:s15], [sflag:$0x2], $0x10, s7, s12, $0xb8;
	[tilespmem:$0x1EC00] =	vst v63  }
0x2a5: {  	s8 =	rddreg [dreg:$0xe]  }
0x2a6: {  	[spmem:s2] =	stream.indirect.scatter.add.f32 [tilespmem:s16], [sflag:$0x2], $0x10, s8, s12, $0xb8;
	[tilespmem:$0x1EC00] =	vst v63  }
0x2a7: {  	_ =	swait.ge [sflag:s22], $0x800  }
0x2a8: {  	[sflag:s22] =	ssyncset.done $0x0  }
0x2a9: {  	[sflag:s22] =	ssyncadd.s32 $0xFFFFF800  }
0x2aa: {  	_ =	swait.ge [sflag:s22], $0x800  }
0x2ab: {  	[sflag:s22] =	ssyncset.done $0x0  }
0x2ac: {  	[sflag:s22] =	ssyncadd.s32 $0xFFFFF800  }
0x2ad: {  	_ =	swait.ge [sflag:s22], $0x800  }
0x2ae: {  	[sflag:s22] =	ssyncset.done $0x0  }
0x2af: {  	[sflag:s22] =	ssyncadd.s32 $0xFFFFF800  }
0x2b0: {  	_ =	swait.ge [sflag:s22], $0x800  }
0x2b1: {  	[sflag:s22] =	ssyncset.done $0x0  }
0x2b2: {  	[sflag:s22] =	ssyncadd.s32 $0xFFFFF800  }
0x2b3: {  	_ =	swait.ge [sflag:s17], $0x800  }
0x2b4: {  	[sflag:s17] =	ssyncset.done $0x0  }
0x2b5: {  	[sflag:s17] =	ssyncadd.s32 $0xFFFFF800  }
0x2b6: {  	_ =	swait.ge [sflag:s17], $0x800  }
0x2b7: {  	[sflag:s17] =	ssyncset.done $0x0  }
0x2b8: {  	[sflag:s17] =	ssyncadd.s32 $0xFFFFF800  }
0x2b9: {  	_ =	swait.ge [sflag:s17], $0x800  }
0x2ba: {  	[sflag:s17] =	ssyncset.done $0x0  }
0x2bb: {  	[sflag:s17] =	ssyncadd.s32 $0xFFFFF800  }
0x2bc: {  	_ =	swait.ge [sflag:s17], $0x800  }
0x2bd: {  	[sflag:s17] =	ssyncset.done $0x0  }
0x2be: {  	s7 =	rddreg [dreg:$0xf];
	[sflag:s17] =	ssyncadd.s32 $0xFFFFF800  }
0x2bf: {  	[tilespmem:s13], [sflag:$0x1] =	stream.indirect.gather [hbm4b:s4+s12], $0x10, s7, s12, $0xb8;
	[tilespmem:$0x1EC00] =	vst v63  }
0x2c0: {  	s8 =	rddreg [dreg:$0x10]  }
0x2c1: {  	[tilespmem:s14], [sflag:$0x1] =	stream.indirect.gather [hbm4b:s4+s12], $0x10, s8, s12, $0xb8;
	[tilespmem:$0x1EC00] =	vst v63  }
0x2c2: {  	s6 =	rddreg [dreg:$0x11]  }
0x2c3: {  	[tilespmem:s15], [sflag:$0x1] =	stream.indirect.gather [hbm4b:s4+s12], $0x10, s6, s12, $0xb8;
	[tilespmem:$0x1EC00] =	vst v63  }
0x2c4: {  	s8 =	rddreg [dreg:$0x12]  }
0x2c5: {  	[tilespmem:s16], [sflag:$0x1] =	stream.indirect.gather [hbm4b:s4+s12], $0x10, s8, s12, $0xb8;
	[tilespmem:$0x1EC00] =	vst v63  }
0x2c6: {  	s6 =	rddreg [dreg:$0x13]  }
0x2c7: {  	[spmem:s2] =	stream.indirect.scatter.add.f32 [tilespmem:s18], [sflag:$0x2], $0x10, s6, s12, $0xb8;
	[tilespmem:$0x1EC00] =	vst v63  }
0x2c8: {  	s8 =	rddreg [dreg:$0x14]  }
0x2c9: {  	[spmem:s2] =	stream.indirect.scatter.add.f32 [tilespmem:s19], [sflag:$0x2], $0x10, s8, s12, $0xb8;
	[tilespmem:$0x1EC00] =	vst v63  }
0x2ca: {  	s6 =	rddreg [dreg:$0x15]  }
0x2cb: {  	[spmem:s2] =	stream.indirect.scatter.add.f32 [tilespmem:s20], [sflag:$0x2], $0x10, s6, s12, $0xb8;
	[tilespmem:$0x1EC00] =	vst v63  }
0x2cc: {  	s8 =	rddreg [dreg:$0x16]  }
0x2cd: {  	[spmem:s2] =	stream.indirect.scatter.add.f32 [tilespmem:s21], [sflag:$0x2], $0x10, s8, s12, $0xb8;
	[tilespmem:$0x1EC00] =	vst v63  }
0x2ce: {  	_ =	swait.ge [sflag:s22], $0x800  }
0x2cf: {  	[sflag:s22] =	ssyncset.done $0x0  }
0x2d0: {  	[sflag:s22] =	ssyncadd.s32 $0xFFFFF800  }
0x2d1: {  	_ =	swait.ge [sflag:s22], $0x800  }
0x2d2: {  	[sflag:s22] =	ssyncset.done $0x0  }
0x2d3: {  	[sflag:s22] =	ssyncadd.s32 $0xFFFFF800  }
0x2d4: {  	_ =	swait.ge [sflag:s22], $0x800  }
0x2d5: {  	[sflag:s22] =	ssyncset.done $0x0  }
0x2d6: {  	[sflag:s22] =	ssyncadd.s32 $0xFFFFF800  }
0x2d7: {  	_ =	swait.ge [sflag:s22], $0x800  }
0x2d8: {  	[sflag:s22] =	ssyncset.done $0x0  }
0x2d9: {  	[sflag:s22] =	ssyncadd.s32 $0xFFFFF800  }
0x2da: {  	_ =	swait.ge [sflag:s17], $0x800  }
0x2db: {  	[sflag:s17] =	ssyncset.done $0x0  }
0x2dc: {  	[sflag:s17] =	ssyncadd.s32 $0xFFFFF800  }
0x2dd: {  	_ =	swait.ge [sflag:s17], $0x800  }
0x2de: {  	[sflag:s17] =	ssyncset.done $0x0  }
0x2df: {  	[sflag:s17] =	ssyncadd.s32 $0xFFFFF800  }
0x2e0: {  	_ =	swait.ge [sflag:s17], $0x800  }
0x2e1: {  	[sflag:s17] =	ssyncset.done $0x0  }
0x2e2: {  	[sflag:s17] =	ssyncadd.s32 $0xFFFFF800  }
0x2e3: {  	_ =	swait.ge [sflag:s17], $0x800  }
0x2e4: {  	[sflag:s17] =	ssyncset.done $0x0  }
0x2e5: {  	s7 =	rddreg [dreg:$0x17];
	[sflag:s17] =	ssyncadd.s32 $0xFFFFF800  }
0x2e6: {  	[tilespmem:s18], [sflag:$0x1] =	stream.indirect.gather [hbm4b:s4+s12], $0x10, s7, s12, $0xb8;
	[tilespmem:$0x1EC00] =	vst v63  }
0x2e7: {  	s8 =	rddreg [dreg:$0x18]  }
0x2e8: {  	[tilespmem:s19], [sflag:$0x1] =	stream.indirect.gather [hbm4b:s4+s12], $0x10, s8, s12, $0xb8;
	[tilespmem:$0x1EC00] =	vst v63  }
0x2e9: {  	s6 =	rddreg [dreg:$0x19]  }
0x2ea: {  	[tilespmem:s20], [sflag:$0x1] =	stream.indirect.gather [hbm4b:s4+s12], $0x10, s6, s12, $0xb8;
	[tilespmem:$0x1EC00] =	vst v63  }
0x2eb: {  	s8 =	rddreg [dreg:$0x1a]  }
0x2ec: {  	[tilespmem:s21], [sflag:$0x1] =	stream.indirect.gather [hbm4b:s4+s12], $0x10, s8, s12, $0xb8;
	[tilespmem:$0x1EC00] =	vst v63  }
0x2ed: {  	s6 =	rddreg [dreg:$0x1b]  }
0x2ee: {  	[spmem:s2] =	stream.indirect.scatter.add.f32 [tilespmem:s13], [sflag:$0x2], $0x10, s6, s12, $0xb8;
	[tilespmem:$0x1EC00] =	vst v63  }
0x2ef: {  	s8 =	rddreg [dreg:$0x1c]  }
0x2f0: {  	[spmem:s2] =	stream.indirect.scatter.add.f32 [tilespmem:s14], [sflag:$0x2], $0x10, s8, s12, $0xb8;
	[tilespmem:$0x1EC00] =	vst v63  }
0x2f1: {  	s6 =	rddreg [dreg:$0x1d]  }
0x2f2: {  	[spmem:s2] =	stream.indirect.scatter.add.f32 [tilespmem:s15], [sflag:$0x2], $0x10, s6, s12, $0xb8;
	[tilespmem:$0x1EC00] =	vst v63  }
0x2f3: {  	s8 =	rddreg [dreg:$0x1e]  }
0x2f4: {  	[spmem:s2] =	stream.indirect.scatter.add.f32 [tilespmem:s16], [sflag:$0x2], $0x10, s8, s12, $0xb8;
	[tilespmem:$0x1EC00] =	vst v63  }
0x2f5: {  	_ =	swait.ge [sflag:s22], $0x800  }
0x2f6: {  	[sflag:s22] =	ssyncset.done $0x0  }
0x2f7: {  	[sflag:s22] =	ssyncadd.s32 $0xFFFFF800  }
0x2f8: {  	_ =	swait.ge [sflag:s22], $0x800  }
0x2f9: {  	[sflag:s22] =	ssyncset.done $0x0  }
0x2fa: {  	[sflag:s22] =	ssyncadd.s32 $0xFFFFF800  }
0x2fb: {  	_ =	swait.ge [sflag:s22], $0x800  }
0x2fc: {  	[sflag:s22] =	ssyncset.done $0x0  }
0x2fd: {  	[sflag:s22] =	ssyncadd.s32 $0xFFFFF800  }
0x2fe: {  	_ =	swait.ge [sflag:s22], $0x800  }
0x2ff: {  	[sflag:s22] =	ssyncset.done $0x0  }
0x300: {  	[sflag:s22] =	ssyncadd.s32 $0xFFFFF800  }
0x301: {  	_ =	swait.ge [sflag:s17], $0x800  }
0x302: {  	[sflag:s17] =	ssyncset.done $0x0  }
0x303: {  	[sflag:s17] =	ssyncadd.s32 $0xFFFFF800  }
0x304: {  	_ =	swait.ge [sflag:s17], $0x800  }
0x305: {  	[sflag:s17] =	ssyncset.done $0x0  }
0x306: {  	[sflag:s17] =	ssyncadd.s32 $0xFFFFF800  }
0x307: {  	_ =	swait.ge [sflag:s17], $0x800  }
0x308: {  	[sflag:s17] =	ssyncset.done $0x0  }
0x309: {  	[sflag:s17] =	ssyncadd.s32 $0xFFFFF800  }
0x30a: {  	_ =	swait.ge [sflag:s17], $0x800  }
0x30b: {  	s7 =	rddreg [dreg:$0x1f];
	[sflag:s17] =	ssyncset.done $0x0  }
0x30c: {  	s8 =	sld [smem:$0x7ED];
	[sflag:s17] =	ssyncadd.s32 $0xFFFFF800  }
0x30d: {  	[tilespmem:s13], [sflag:$0x1] =	stream.indirect.gather [hbm4b:s4+s12], $0x10, s7, s12, $0xb8;
	[tilespmem:$0x1EC00] =	vst v63  }
0x30e: {  	s6 =	sld [smem:$0x7EE]  }
0x30f: {  	[tilespmem:s14], [sflag:$0x1] =	stream.indirect.gather [hbm4b:s4+s12], $0x10, s8, s12, $0xb8;
	[tilespmem:$0x1EC00] =	vst v63  }
0x310: {  	s8 =	sld [smem:$0x7EF]  }
0x311: {  	[tilespmem:s15], [sflag:$0x1] =	stream.indirect.gather [hbm4b:s4+s12], $0x10, s6, s12, $0xb8;
	[tilespmem:$0x1EC00] =	vst v63  }
0x312: {  	s6 =	sld [smem:$0x7F0]  }
0x313: {  	[tilespmem:s16], [sflag:$0x1] =	stream.indirect.gather [hbm4b:s4+s12], $0x10, s8, s12, $0xb8;
	[tilespmem:$0x1EC00] =	vst v63  }
0x314: {  	s8 =	sld [smem:$0x7F1]  }
0x315: {  	[spmem:s2] =	stream.indirect.scatter.add.f32 [tilespmem:s18], [sflag:$0x2], $0x10, s6, s12, $0xb8;
	[tilespmem:$0x1EC00] =	vst v63  }
0x316: {  	s6 =	sld [smem:$0x7F2]  }
0x317: {  	[spmem:s2] =	stream.indirect.scatter.add.f32 [tilespmem:s19], [sflag:$0x2], $0x10, s8, s12, $0xb8;
	[tilespmem:$0x1EC00] =	vst v63  }
0x318: {  	s8 =	sld [smem:$0x7F3]  }
0x319: {  	[spmem:s2] =	stream.indirect.scatter.add.f32 [tilespmem:s20], [sflag:$0x2], $0x10, s6, s12, $0xb8;
	[tilespmem:$0x1EC00] =	vst v63  }
0x31a: {  	_ = 	snop  }
0x31b: {  	[spmem:s2] =	stream.indirect.scatter.add.f32 [tilespmem:s21], [sflag:$0x2], $0x10, s8, s12, $0xb8;
	[tilespmem:$0x1EC00] =	vst v63  }
0x31c: {  	_ =	swait.ge [sflag:s22], $0x800  }
0x31d: {  	[sflag:s22] =	ssyncset.done $0x0  }
0x31e: {  	[sflag:s22] =	ssyncadd.s32 $0xFFFFF800  }
0x31f: {  	_ =	swait.ge [sflag:s22], $0x800  }
0x320: {  	[sflag:s22] =	ssyncset.done $0x0  }
0x321: {  	[sflag:s22] =	ssyncadd.s32 $0xFFFFF800  }
0x322: {  	_ =	swait.ge [sflag:s22], $0x800  }
0x323: {  	[sflag:s22] =	ssyncset.done $0x0  }
0x324: {  	[sflag:s22] =	ssyncadd.s32 $0xFFFFF800  }
0x325: {  	_ =	swait.ge [sflag:s22], $0x800  }
0x326: {  	[sflag:s22] =	ssyncset.done $0x0  }
0x327: {  	[sflag:s22] =	ssyncadd.s32 $0xFFFFF800  }
0x328: {  	_ =	swait.ge [sflag:s17], $0x800  }
0x329: {  	[sflag:s17] =	ssyncset.done $0x0  }
0x32a: {  	[sflag:s17] =	ssyncadd.s32 $0xFFFFF800  }
0x32b: {  	_ =	swait.ge [sflag:s17], $0x800  }
0x32c: {  	[sflag:s17] =	ssyncset.done $0x0  }
0x32d: {  	[sflag:s17] =	ssyncadd.s32 $0xFFFFF800  }
0x32e: {  	_ =	swait.ge [sflag:s17], $0x800  }
0x32f: {  	[sflag:s17] =	ssyncset.done $0x0  }
0x330: {  	[sflag:s17] =	ssyncadd.s32 $0xFFFFF800  }
0x331: {  	_ =	swait.ge [sflag:s17], $0x800  }
0x332: {  	s7 =	sld [smem:$0x7F4]  }
0x333: {  	[sflag:s17] =	ssyncset.done $0x0  }
0x334: {  	s8 =	sld [smem:$0x7F5];
	[sflag:s17] =	ssyncadd.s32 $0xFFFFF800  }
0x335: {  	[tilespmem:s18], [sflag:$0x1] =	stream.indirect.gather [hbm4b:s4+s12], $0x10, s7, s12, $0xb8;
	[tilespmem:$0x1EC00] =	vst v63  }
0x336: {  	s6 =	sld [smem:$0x7F6]  }
0x337: {  	[tilespmem:s19], [sflag:$0x1] =	stream.indirect.gather [hbm4b:s4+s12], $0x10, s8, s12, $0xb8;
	[tilespmem:$0x1EC00] =	vst v63  }
0x338: {  	s8 =	sld [smem:$0x7F7]  }
0x339: {  	[tilespmem:s20], [sflag:$0x1] =	stream.indirect.gather [hbm4b:s4+s12], $0x10, s6, s12, $0xb8;
	[tilespmem:$0x1EC00] =	vst v63  }
0x33a: {  	s6 =	sld [smem:$0x7F8]  }
0x33b: {  	[tilespmem:s21], [sflag:$0x1] =	stream.indirect.gather [hbm4b:s4+s12], $0x10, s8, s12, $0xb8;
	[tilespmem:$0x1EC00] =	vst v63  }
0x33c: {  	s8 =	sld [smem:$0x7F9]  }
0x33d: {  	[spmem:s2] =	stream.indirect.scatter.add.f32 [tilespmem:s13], [sflag:$0x2], $0x10, s6, s12, $0xb8;
	[tilespmem:$0x1EC00] =	vst v63  }
0x33e: {  	s6 =	sld [smem:$0x7FA]  }
0x33f: {  	[spmem:s2] =	stream.indirect.scatter.add.f32 [tilespmem:s14], [sflag:$0x2], $0x10, s8, s12, $0xb8;
	[tilespmem:$0x1EC00] =	vst v63  }
0x340: {  	s8 =	sld [smem:$0x7FB]  }
0x341: {  	[spmem:s2] =	stream.indirect.scatter.add.f32 [tilespmem:s15], [sflag:$0x2], $0x10, s6, s12, $0xb8;
	[tilespmem:$0x1EC00] =	vst v63  }
0x342: {  	_ = 	snop  }
0x343: {  	[spmem:s2] =	stream.indirect.scatter.add.f32 [tilespmem:s16], [sflag:$0x2], $0x10, s8, s12, $0xb8;
	[tilespmem:$0x1EC00] =	vst v63  }
0x344: {  	_ =	swait.ge [sflag:s22], $0x800  }
0x345: {  	[sflag:s22] =	ssyncset.done $0x0  }
0x346: {  	[sflag:s22] =	ssyncadd.s32 $0xFFFFF800  }
0x347: {  	_ =	swait.ge [sflag:s22], $0x800  }
0x348: {  	[sflag:s22] =	ssyncset.done $0x0  }
0x349: {  	[sflag:s22] =	ssyncadd.s32 $0xFFFFF800  }
0x34a: {  	_ =	swait.ge [sflag:s22], $0x800  }
0x34b: {  	[sflag:s22] =	ssyncset.done $0x0  }
0x34c: {  	[sflag:s22] =	ssyncadd.s32 $0xFFFFF800  }
0x34d: {  	_ =	swait.ge [sflag:s22], $0x800  }
0x34e: {  	[sflag:s22] =	ssyncset.done $0x0  }
0x34f: {  	[sflag:s22] =	ssyncadd.s32 $0xFFFFF800  }
0x350: {  	_ =	swait.ge [sflag:s17], $0x800  }
0x351: {  	[sflag:s17] =	ssyncset.done $0x0  }
0x352: {  	[sflag:s17] =	ssyncadd.s32 $0xFFFFF800  }
0x353: {  	_ =	swait.ge [sflag:s17], $0x800  }
0x354: {  	[sflag:s17] =	ssyncset.done $0x0  }
0x355: {  	[sflag:s17] =	ssyncadd.s32 $0xFFFFF800  }
0x356: {  	_ =	swait.ge [sflag:s17], $0x800  }
0x357: {  	[sflag:s17] =	ssyncset.done $0x0  }
0x358: {  	[sflag:s17] =	ssyncadd.s32 $0xFFFFF800  }
0x359: {  	_ =	swait.ge [sflag:s17], $0x800  }
0x35a: {  	s7 =	sld [smem:$0x7FC]  }
0x35b: {  	[sflag:s17] =	ssyncset.done $0x0  }
0x35c: {  	s8 =	sld [smem:$0x7FD];
	[sflag:s17] =	ssyncadd.s32 $0xFFFFF800  }
0x35d: {  	[tilespmem:s13], [sflag:$0x1] =	stream.indirect.gather [hbm4b:s4+s12], $0x10, s7, s12, $0xb8;
	[tilespmem:$0x1EC00] =	vst v63  }
0x35e: {  	_ = 	snop  }
0x35f: {  	[tilespmem:s14], [sflag:$0x1] =	stream.indirect.gather [hbm4b:s4+s12], $0x10, s8, s12, $0xb8;
	[tilespmem:$0x1EC00] =	vst v63  }
0x360: {  	_ = 	snop  }
0x361: {  	[tilespmem:s15], [sflag:$0x1] =	stream.indirect.gather [hbm4b:s4+s12], $0x10, s23, s12, $0xb8;
	[tilespmem:$0x1EC00] =	vst v63  }
0x362: {  	_ = 	snop  }
0x363: {  	[tilespmem:s16], [sflag:$0x1] =	stream.indirect.gather [hbm4b:s4+s12], $0x10, s24, s12, $0xb8;
	[tilespmem:$0x1EC00] =	vst v63  }
0x364: {  	_ = 	snop  }
0x365: {  	[spmem:s2] =	stream.indirect.scatter.add.f32 [tilespmem:s18], [sflag:$0x2], $0x10, s25, s12, $0xb8;
	[tilespmem:$0x1EC00] =	vst v63  }
0x366: {  	_ = 	snop  }
0x367: {  	[spmem:s2] =	stream.indirect.scatter.add.f32 [tilespmem:s19], [sflag:$0x2], $0x10, s26, s12, $0xb8;
	[tilespmem:$0x1EC00] =	vst v63  }
0x368: {  	_ = 	snop  }
0x369: {  	[spmem:s2] =	stream.indirect.scatter.add.f32 [tilespmem:s20], [sflag:$0x2], $0x10, s28, s12, $0xb8;
	[tilespmem:$0x1EC00] =	vst v63  }
0x36a: {  	_ = 	snop  }
0x36b: {  	[spmem:s2] =	stream.indirect.scatter.add.f32 [tilespmem:s21], [sflag:$0x2], $0x10, s29, s12, $0xb8;
	[tilespmem:$0x1EC00] =	vst v63  }
0x36c: {  	_ =	swait.ge [sflag:s22], $0x800  }
0x36d: {  	[sflag:s22] =	ssyncset.done $0x0  }
0x36e: {  	[sflag:s22] =	ssyncadd.s32 $0xFFFFF800  }
0x36f: {  	_ =	swait.ge [sflag:s22], $0x800  }
0x370: {  	[sflag:s22] =	ssyncset.done $0x0  }
0x371: {  	[sflag:s22] =	ssyncadd.s32 $0xFFFFF800  }
0x372: {  	_ =	swait.ge [sflag:s22], $0x800  }
0x373: {  	[sflag:s22] =	ssyncset.done $0x0  }
0x374: {  	[sflag:s22] =	ssyncadd.s32 $0xFFFFF800  }
0x375: {  	_ =	swait.ge [sflag:s22], $0x800  }
0x376: {  	[sflag:s22] =	ssyncset.done $0x0  }
0x377: {  	[sflag:s22] =	ssyncadd.s32 $0xFFFFF800  }
0x378: {  	_ =	swait.ge [sflag:s17], $0x800  }
0x379: {  	[sflag:s17] =	ssyncset.done $0x0  }
0x37a: {  	[sflag:s17] =	ssyncadd.s32 $0xFFFFF800  }
0x37b: {  	_ =	swait.ge [sflag:s17], $0x800  }
0x37c: {  	[sflag:s17] =	ssyncset.done $0x0  }
0x37d: {  	[sflag:s17] =	ssyncadd.s32 $0xFFFFF800  }
0x37e: {  	_ =	swait.ge [sflag:s17], $0x800  }
0x37f: {  	[sflag:s17] =	ssyncset.done $0x0  }
0x380: {  	[sflag:s17] =	ssyncadd.s32 $0xFFFFF800  }
0x381: {  	_ =	swait.ge [sflag:s17], $0x800  }
0x382: {  	[sflag:s17] =	ssyncset.done $0x0  }
0x383: {  	[sflag:s17] =	ssyncadd.s32 $0xFFFFF800  }
0x384: {  	[spmem:s2] =	stream.indirect.scatter.add.f32 [tilespmem:s13], [sflag:$0x2], $0x10, s30, s12, $0xb8;
	[tilespmem:$0x1EC00] =	vst v63  }
0x385: {  	_ = 	snop  }
0x386: {  	[spmem:s2] =	stream.indirect.scatter.add.f32 [tilespmem:s14], [sflag:$0x2], $0x10, s31, s12, $0xb8;
	[tilespmem:$0x1EC00] =	vst v63  }
0x387: {  	_ = 	snop  }
0x388: {  	[spmem:s2] =	stream.indirect.scatter.add.f32 [tilespmem:s15], [sflag:$0x2], $0x10, s1, s12, $0xb8;
	[tilespmem:$0x1EC00] =	vst v63  }
0x389: {  	_ = 	snop  }
0x38a: {  	[spmem:s2] =	stream.indirect.scatter.add.f32 [tilespmem:s16], [sflag:$0x2], $0x10, s0, s12, $0xb8;
	[tilespmem:$0x1EC00] =	vst v63  }
0x38b: {  	_ =	swait.ge [sflag:s22], $0x800  }
0x38c: {  	[sflag:s22] =	ssyncset.done $0x0  }
0x38d: {  	[sflag:s22] =	ssyncadd.s32 $0xFFFFF800  }
0x38e: {  	_ =	swait.ge [sflag:s22], $0x800  }
0x38f: {  	[sflag:s22] =	ssyncset.done $0x0  }
0x390: {  	[sflag:s22] =	ssyncadd.s32 $0xFFFFF800  }
0x391: {  	_ =	swait.ge [sflag:s22], $0x800  }
0x392: {  	[sflag:s22] =	ssyncset.done $0x0  }
0x393: {  	[sflag:s22] =	ssyncadd.s32 $0xFFFFF800  }
0x394: {  	_ =	swait.ge [sflag:s22], $0x800  }
0x395: {  	[sflag:s22] =	ssyncset.done $0x0  }
0x396: {  	[sflag:s22] =	ssyncadd.s32 $0xFFFFF800  }
0x397: {  	s8 =	stileid.u32;
	[bflag:$0x0] =	sbarrier.arrive $0xFFFF  }
0x398: {  	s6 =	sshll.u32 s8, $0x6;
	s8 =	sld [smem:$0x7EB];
	_ =	sdelay $0x1  }
0x399: {  	s7 =	sshrl.u32 s5, $0x3;
	s6 =	sor.u32 $0x1C03, s6  }
0x39a: {  	[hbm:s8], [sflag:s6] =	dma.local [spmem:s7], $0x3100  }
0x39b: {  	_ =	swait.ge [sflag:s9], $0x3100  }
0x39c: {  	s6 =	sld [smem:$0x7EA]  }
0x39d: {  	s8 =	sld [smem:$0x7EC];
	_ =	sdelay $0x1  }
0x39e: {  	s7 =	sadd.s32 $0x1, s6  }
0x39f: {  	p0 =	sne.s32 s7, s8  }
.Ltmp3:
0x3a0: {  	_ = 	snop;
	(pc) =	sbr.rel @p0 .LBB2_1-.Ltmp3, $3  }
0x3a1: {  	_ =	sdelay $0x1  }
0x3a2: {  	[sflag:s9] =	ssyncset.done $0x0  }
0x3a3: {  	[sflag:s9] =	ssyncadd.s32 $0xFFFFCF00;
	s8 =	simm.s32 $0x1E400  }
0x3a4: {  	_ =	sfence.sel $0x180000  }
0x3a5: {  	[bflag:$0x0] =	sbarrier.arrive $0xFFFF  }
0x3a6: {  	_ =	strace $0x90000047  }
0x3a7: {  	s0 =	stileid.u32;
	[bflag:$0x2] =	sbarrier.arrive $0xFFFF  }
0x3a8: {  	p0 =	sne.s32 s0, $0x0;
	s0 =	rddreg [dreg:$0x2]  }
0x3a9: {  	s0 =	sadd.s32 @!p0 $0x100000, s0  }
0x3aa: {  	[sflag:s0] =	ssyncadd.tile.s32 @!p0 $0x1;
	_ =	shalt  }
.Lfunc_end2:
_tile_overlayer_lowered:
.L_overlay_start_2:
0x3ab: {  	(tag) =	ssettag $0x2  }
0x3ac: {  	s0 =	rddreg [dreg:$0x0];
	s2 =	stileid.u32  }
0x3ad: {  	s1 =	rddreg [dreg:$0x1];
	p0 =	sne.s32 s2, $0x0  }
0x3ae: {  	s3 =	rddreg [dreg:$0x2];
	[bflag:$0x3] =	sbarrier.arrive $0xFFFF;
	s2 =	simm.s32 @!p0 $0x1C03  }
0x3af: {  	[timem:s3], [sflag:s2] =	dma.local @!p0 [hbm:s0], s1  }
0x3b0: {  	s0 =	simm.s32 @!p0 $0x3  }
0x3b1: {  	_ =	swait.ge @!p0 [sflag:s0], s1  }
0x3b2: {  	s1 =	ssub.s32 @!p0 $0x0, s1;
	[sflag:s0] =	ssyncset.done @!p0 $0x0  }
0x3b3: {  	[sflag:s0] =	ssyncadd.s32 @!p0 s1  }
0x3b4: {  	[bflag:$0x3] =	sbarrier.arrive $0xFFFF  }
0x3b5: {  	_ =	shalt  }

</sc_bundles>
